<compile_context>
chip_gen: v7x
topology: tpu7x:2x2x1
jax: 0.10.2.dev20260603
libtpu: 0.0.44.dev20260713+nightly
codegen_flags: <defaults>
</compile_context>

<pallas_src>
import functools

import jax
import jax.numpy as jnp
from jax import lax
from jax.experimental import pallas as pl
from jax.experimental.pallas import tpu as pltpu
from jax.experimental.pallas import tpu_sc as plsc

RBF_MIN = 0.0
RBF_MAX = 30.0
LOG2 = 0.6931471805599453

NC = 2
NS = 16
NW = NC * NS
SUB = 128
CHUNKS = (250, 250)


def _ssp(x):
    return jnp.maximum(x, 0.0) + jnp.log1p(jnp.exp(-jnp.abs(x))) - LOG2


def _edge_filters(d, fnet_W1, fnet_b1):
    EC = d.shape[0]
    L, NRBF, F = fnet_W1.shape
    JB = 5
    BLK = JB * 128
    step = (RBF_MAX - RBF_MIN) / (NRBF - 1)
    coeff = -0.5 / step**2

    def body(d_ref, w1_ref, b1_ref, out_ref):
        offs = (lax.broadcasted_iota(jnp.int32, (NRBF, 1), 0).astype(jnp.float32)
                * step + RBF_MIN)
        for j in range(JB):
            drow = d_ref[0, j:j + 1, :]
            ft = jnp.exp(coeff * (drow - offs) ** 2)
            for l in range(L):
                u = lax.dot_general(ft, w1_ref[l], (((0,), (0,)), ((), ())),
                                    preferred_element_type=jnp.float32)
                out_ref[l, pl.ds(j * 128, 128), :] = _ssp(u + b1_ref[l][None, :])

    return pl.pallas_call(
        body,
        grid=(EC // BLK,),
        in_specs=[
            pl.BlockSpec((1, JB, 128), lambda i: (i, 0, 0)),
            pl.BlockSpec((L, NRBF, F), lambda i: (0, 0, 0)),
            pl.BlockSpec((L, F), lambda i: (0, 0)),
        ],
        out_specs=pl.BlockSpec((L, BLK, F), lambda i: (0, i, 0)),
        out_shape=jax.ShapeDtypeStruct((L, EC, F), jnp.float32),
    )(d.reshape(EC // BLK, JB, 128), fnet_W1, fnet_b1)


def _subcore_rows(s, N):
    RLO = (N // NS) // 8 * 8
    NHI = (N - RLO * NS) // 8
    row0 = jnp.where(s < NHI, s * (RLO + 8), NHI * 8 + s * RLO)
    return row0, RLO, NHI


def _zero_acc(s, z_hbm, acc, N):
    row0, RLO, NHI = _subcore_rows(s, N)

    @pl.when(s < NHI)
    def _():
        pltpu.sync_copy(z_hbm, acc.at[pl.ds(row0, RLO + 8)])

    @pl.when(s >= NHI)
    def _():
        pltpu.sync_copy(z_hbm.at[pl.ds(0, RLO)], acc.at[pl.ds(row0, RLO)])


def _dump_acc(s, acc, dst, N):
    row0, RLO, NHI = _subcore_rows(s, N)

    @pl.when(s < NHI)
    def _():
        pltpu.sync_copy(acc.at[pl.ds(row0, RLO + 8)],
                        dst.at[pl.ds(row0, RLO + 8)])

    @pl.when(s >= NHI)
    def _():
        pltpu.sync_copy(acc.at[pl.ds(row0, RLO)], dst.at[pl.ds(row0, RLO)])


def _sc_segment_sum(wf, idx1, idx_full, zeros, N, with_counts):
    L, EC, F = wf.shape
    mesh = plsc.VectorSubcoreMesh(core_axis_name="c", subcore_axis_name="s")

    out_type = jax.ShapeDtypeStruct((L, NC, N, F), jnp.float32)
    if with_counts:
        out_type = (out_type, jax.ShapeDtypeStruct((NC, N, F), jnp.float32))

    def rounds(nsub):
        t0 = nsub // NW
        rem = nsub - t0 * NW
        gmax = (t0 + (1 if rem else 0) + 1) // 2
        return t0, rem, gmax

    @functools.partial(
        pl.kernel,
        out_type=out_type,
        mesh=mesh,
        scratch_types=[
            pltpu.VMEM((SUB,), jnp.int32),
            pltpu.VMEM((SUB,), jnp.int32),
            pltpu.VMEM((SUB, F), jnp.float32),
            pltpu.VMEM((SUB, F), jnp.float32),
            pltpu.VMEM_SHARED((N, F), jnp.float32),
            pltpu.SemaphoreType.DMA,
            pltpu.SemaphoreType.DMA,
        ],
    )
    def seg(*args):
        if with_counts:
            (wf_hbm, idx_hbm, idxf_hbm, z_hbm, out_hbm, cnt_hbm,
             idxb0, idxb1, rows0, rows1, acc, sem0, sem1) = args
        else:
            (wf_hbm, idx_hbm, z_hbm, out_hbm,
             idxb0, idxb1, rows0, rows1, acc, sem0, sem1) = args
        c = lax.axis_index("c")
        s = lax.axis_index("s")
        w = s * NC + c
        idx_bufs = (idxb0, idxb1)
        row_bufs = (rows0, rows1)
        sems = (sem0, sem1)

        npass = L + (1 if with_counts else 0)
        for p in range(npass):
            is_cnt = p == L
            src_idx = idxf_hbm if is_cnt else idx_hbm
            T0, REM, GMAX = rounds(
                (idx_full if is_cnt else idx1).shape[0] // SUB)
            tw = T0 + jnp.where(w < REM, 1, 0)

            if is_cnt:
                one16 = jnp.full((16,), 1.0, jnp.float32)

                def _fill(i, carry):
                    for j in range(F // 16):
                        rows0[i, pl.ds(j * 16, 16)] = one16
                    return carry

                lax.fori_loop(0, SUB, _fill, 0)

            _zero_acc(s, z_hbm, acc, N)
            plsc.subcore_barrier()

            def start(b, t):
                r = w + NW * t
                pltpu.async_copy(src_idx.at[pl.ds(r * SUB, SUB)], idx_bufs[b],
                                 sems[b])
                if not is_cnt:
                    pltpu.async_copy(wf_hbm.at[p].at[pl.ds(r * SUB, SUB)],
                                     row_bufs[b], sems[b])

            def drain(b):
                pltpu.make_async_copy(src_idx.at[pl.ds(0, SUB)], idx_bufs[b],
                                      sems[b]).wait()
                if not is_cnt:
                    pltpu.make_async_copy(wf_hbm.at[0].at[pl.ds(0, SUB)],
                                          row_bufs[b], sems[b]).wait()

            def scat(b):
                src = rows0 if is_cnt else row_bufs[b]
                pltpu.sync_copy(src, acc.at[idx_bufs[b]], add=True)

            start(0, 0)

            @pl.when(1 < tw)
            def _():
                start(1, 1)

            def gbody(g, carry):
                for b in range(2):
                    t = 2 * g + b

                    @pl.when(t < tw)
                    def _():
                        drain(b)
                        scat(b)

                        @pl.when(t + 2 < tw)
                        def _():
                            start(b, t + 2)
                return carry

            lax.fori_loop(0, GMAX, gbody, 0)
            plsc.subcore_barrier()
            dst = cnt_hbm.at[c] if is_cnt else out_hbm.at[p].at[c]
            _dump_acc(s, acc, dst, N)
            plsc.subcore_barrier()

    if with_counts:
        return seg(wf, idx1, idx_full, zeros)
    return seg(wf, idx1, zeros)


def _node_net(Z2, emb_p, in2f_W, parts_list, cnts, fnet_W2, fnet_b2,
              f2out_W1, f2out_b1, f2out_W2, f2out_b2, out_W1, out_W2, out_b2):
    K = len(parts_list)
    L, NCp, N, F = parts_list[0].shape
    MZ = emb_p.shape[0]
    H = out_W1.shape[1]
    BLK = 1000

    def body(*refs):
        z_ref, emb_ref, in2f_ref = refs[0], refs[1], refs[2]
        parts_refs = refs[3:3 + K]
        (cnt_ref, fw2_ref, fb2_ref, w1_ref, b1_ref, w2_ref, b2_ref,
         ow1_ref, ow2_ref, ob2_ref, out_ref) = refs[3 + K:]
        z = z_ref[...]
        ids = lax.broadcasted_iota(jnp.int32, (1, MZ), 1)
        oh = (z == ids).astype(jnp.float32)
        x = jnp.dot(oh, emb_ref[...], preferred_element_type=jnp.float32)
        cnt = (cnt_ref[0] + cnt_ref[1])[:, 0:1]
        for l in range(L):
            h = jnp.dot(x, in2f_ref[l], preferred_element_type=jnp.float32)
            su = parts_refs[0][l, 0] + parts_refs[0][l, 1]
            for k in range(1, K):
                su = su + parts_refs[k][l, 0] + parts_refs[k][l, 1]
            s = (jnp.dot(su, fw2_ref[l], preferred_element_type=jnp.float32)
                 + cnt * fb2_ref[l][None, :])
            agg = h * s
            t = _ssp(jnp.dot(agg, w1_ref[l], preferred_element_type=jnp.float32)
                     + b1_ref[l][None, :])
            x = x + jnp.dot(t, w2_ref[l], preferred_element_type=jnp.float32) \
                + b2_ref[l][None, :]
        y = _ssp(jnp.dot(x, ow1_ref[...], preferred_element_type=jnp.float32))
        out_ref[...] = (jnp.dot(y, ow2_ref[...], preferred_element_type=jnp.float32)
                        + ob2_ref[0, 0])

    return pl.pallas_call(
        body,
        grid=(Z2.shape[0] // BLK,),
        in_specs=[
            pl.BlockSpec((BLK, 1), lambda i: (i, 0)),
            pl.BlockSpec((MZ, F), lambda i: (0, 0)),
            pl.BlockSpec((L, F, F), lambda i: (0, 0, 0)),
        ] + [
            pl.BlockSpec((L, NCp, BLK, F), lambda i: (0, 0, i, 0))
            for _ in range(K)
        ] + [
            pl.BlockSpec((NCp, BLK, F), lambda i: (0, i, 0)),
            pl.BlockSpec((L, F, F), lambda i: (0, 0, 0)),
            pl.BlockSpec((L, F), lambda i: (0, 0)),
            pl.BlockSpec((L, F, F), lambda i: (0, 0, 0)),
            pl.BlockSpec((L, F), lambda i: (0, 0)),
            pl.BlockSpec((L, F, F), lambda i: (0, 0, 0)),
            pl.BlockSpec((L, F), lambda i: (0, 0)),
            pl.BlockSpec((F, H), lambda i: (0, 0)),
            pl.BlockSpec((H, 1), lambda i: (0, 0)),
            pl.BlockSpec((1, 1), lambda i: (0, 0)),
        ],
        out_specs=pl.BlockSpec((BLK, 1), lambda i: (i, 0)),
        out_shape=jax.ShapeDtypeStruct((Z2.shape[0], 1), jnp.float32),
    )(Z2, emb_p, in2f_W, *parts_list, cnts, fnet_W2, fnet_b2, f2out_W1,
      f2out_b1, f2out_W2, f2out_b2, out_W1, out_W2, out_b2.reshape(1, 1))


def kernel(Z, d, idx_j, emb, in2f_W, fnet_W1, fnet_b1, fnet_W2, fnet_b2,
           f2out_W1, f2out_b1, f2out_W2, f2out_b2, out_W1, out_W2, out_b2):
    N = Z.shape[0]
    E = d.shape[0]
    F = emb.shape[1]

    idx1 = idx_j.astype(jnp.int32)
    zrows = (N // NS) // 8 * 8 + 8
    zeros = jnp.zeros((zrows, F), jnp.float32)

    bounds = [0]
    for ch in CHUNKS:
        bounds.append(bounds[-1] + ch * 640)
    assert bounds[-1] == E
    parts_list = []
    cnts = None
    for k in range(len(CHUNKS)):
        lo, hi = bounds[k], bounds[k + 1]
        wf_k = _edge_filters(d[lo:hi], fnet_W1, fnet_b1)
        res = _sc_segment_sum(wf_k, idx1[lo:hi], idx1, zeros,
                              N, with_counts=(k == 0))
        if k == 0:
            parts_k, cnts = res
        else:
            parts_k = res
        parts_list.append(parts_k)

    emb_p = jnp.zeros((128, F), jnp.float32).at[:emb.shape[0]].set(emb)
    out = _node_net(Z.astype(jnp.int32).reshape(N, 1), emb_p, in2f_W,
                    parts_list, cnts, fnet_W2, fnet_b2, f2out_W1, f2out_b1,
                    f2out_W2, f2out_b2, out_W1, out_W2, out_b2)
    return out.reshape(N)

# --- scband reference (transcript-rebuilt; emitter-appended) ---
"""Pipeline reference for scband-schnet-net-29944511988252 (READ-ONLY COPY).

The authoritative reference and input builder live on the scoring server;
editing this copy changes nothing except your own understanding.
"""

import jax, jax.numpy as jnp
import numpy as np

N = 10000       # atoms
E = 320000      # neighbor pairs (edges)
F = 128         # atom_embedding_dim
N_RBF = 128
L = 3           # n_interactions
MAX_Z = 100
RBF_MIN = 0.0
RBF_MAX = 30.0


def ssp(x):
    # ShiftedSoftPlus: softplus(x) - log(2)
    return jax.nn.softplus(x) - jnp.log(2.0)


def _rbf(d):
    offsets = jnp.linspace(RBF_MIN, RBF_MAX, N_RBF)
    coeff = -0.5 / (offsets[1] - offsets[0]) ** 2
    return jnp.exp(coeff * (d[:, None] - offsets[None, :]) ** 2)


def setup_inputs(seed: int = 0) -> dict:
    key = jax.random.key(seed)
    ks = jax.random.split(key, 16)
    Z = jax.random.randint(ks[0], (N,), 0, MAX_Z)
    d = jax.random.uniform(ks[1], (E,), dtype=jnp.float32) * RBF_MAX
    idx_j = jax.random.randint(ks[2], (E,), 0, N)
    emb = jax.random.normal(ks[3], (MAX_Z, F), dtype=jnp.float32) * 0.02
    emb = emb.at[0].set(0.0)  # padding_idx=0
    in2f_W = jax.random.normal(ks[4], (L, F, F), dtype=jnp.float32) * 0.05
    fnet_W1 = jax.random.normal(ks[5], (L, N_RBF, F), dtype=jnp.float32) * 0.05
    fnet_b1 = jnp.zeros((L, F), dtype=jnp.float32)
    fnet_W2 = jax.random.normal(ks[6], (L, F, F), dtype=jnp.float32) * 0.05
    fnet_b2 = jnp.zeros((L, F), dtype=jnp.float32)
    f2out_W1 = jax.random.normal(ks[7], (L, F, F), dtype=jnp.float32) * 0.05
    f2out_b1 = jnp.zeros((L, F), dtype=jnp.float32)
    f2out_W2 = jax.random.normal(ks[8], (L, F, F), dtype=jnp.float32) * 0.05
    f2out_b2 = jnp.zeros((L, F), dtype=jnp.float32)
    out_W1 = jax.random.normal(ks[9], (F, 32), dtype=jnp.float32) * 0.05
    out_W2 = jax.random.normal(ks[10], (32, 1), dtype=jnp.float32) * 0.05
    out_b2 = jnp.zeros((1,), dtype=jnp.float32)
    return {
        'Z': Z, 'd': d, 'idx_j': idx_j, 'emb': emb,
        'in2f_W': in2f_W,
        'fnet_W1': fnet_W1, 'fnet_b1': fnet_b1, 'fnet_W2': fnet_W2, 'fnet_b2': fnet_b2,
        'f2out_W1': f2out_W1, 'f2out_b1': f2out_b1, 'f2out_W2': f2out_W2, 'f2out_b2': f2out_b2,
        'out_W1': out_W1, 'out_W2': out_W2, 'out_b2': out_b2,
    }


def reference(Z, d, idx_j, emb, in2f_W, fnet_W1, fnet_b1, fnet_W2, fnet_b2,
              f2out_W1, f2out_b1, f2out_W2, f2out_b2, out_W1, out_W2, out_b2):
    # Faithful to original forward: idx_i = inputs['idx_j'] (note: source assigns idx_j to both)
    idx_i = idx_j
    x = emb[Z]                      # embedding lookup [N, F]
    f = _rbf(d)                     # [E, N_RBF], identical across blocks
    for l in range(L):
        # filter network on RBF-expanded distances
        Wf = ssp(f @ fnet_W1[l] + fnet_b1[l]) @ fnet_W2[l] + fnet_b2[l]   # [E, F]
        # cfconv: atom-wise in2f, gather neighbors, modulate, scatter-add
        h = x @ in2f_W[l]           # [N, F]
        m = h[idx_j] * Wf           # gather + elementwise [E, F]
        agg = jax.ops.segment_sum(m, idx_i, num_segments=N)               # [N, F]
        # atom-wise output transform + residual
        v = ssp(agg @ f2out_W1[l] + f2out_b1[l]) @ f2out_W2[l] + f2out_b2[l]
        x = x + v
    atom_out = ssp(x @ out_W1) @ out_W2 + out_b2   # [N, 1]
    return atom_out.sum(axis=1)                    # [N]

if __name__ == "__main__":
    import jax
    _d = setup_inputs()
    print(jax.jit(kernel)(*tuple(_d.values())))

</pallas_src>

<mosaic_0001>
#map = affine_map<(d0, d1) -> (0, 0, 0)>
#map1 = affine_map<(d0, d1) -> (0)>
#map2 = affine_map<(d0, d1) -> (0, 0)>
#map3 = affine_map<(d0, d1) -> (0, 0, 0, 0)>
module attributes {stable_mosaic.version = 14 : i64} {
  func.func @seg(%arg0: i32, %arg1: i32, %arg2: memref<3x160000x128xf32, #tpu.memory_space<hbm>>, %arg3: memref<160000xi32, #tpu.memory_space<hbm>>, %arg4: memref<320000xi32, #tpu.memory_space<hbm>>, %arg5: memref<632x128xf32, #tpu.memory_space<hbm>>, %arg6: memref<3x2x10000x128xf32, #tpu.memory_space<hbm>>, %arg7: memref<2x10000x128xf32, #tpu.memory_space<hbm>>, %arg8: memref<128xi32, #tpu.memory_space<vmem>>, %arg9: memref<128xi32, #tpu.memory_space<vmem>>, %arg10: memref<128x128xf32, #tpu.memory_space<vmem>>, %arg11: memref<128x128xf32, #tpu.memory_space<vmem>>, %arg12: memref<10000x128xf32, #tpu.memory_space<vmem_shared>>, %arg13: memref<!tpu.dma_semaphore, #tpu.memory_space<semaphore_mem>>, %arg14: memref<!tpu.dma_semaphore, #tpu.memory_space<semaphore_mem>>) attributes {dimension_semantics = [#tpu.dimension_semantics<core_parallel>, #tpu.dimension_semantics<subcore_parallel>], iteration_bounds = array<i64: 2, 16>, scalar_prefetch = 0 : i64, scratch_operands = 7 : i64, tpu.core_type = #tpu.core_type<sc_vector_subcore>, window_params = [{transform_indices = #map}, {transform_indices = #map1}, {transform_indices = #map1}, {transform_indices = #map2}, {transform_indices = #map3}, {transform_indices = #map}]} {
    %mul3A = arith.constant 2 : i32
    %mul3A_0 = arith.muli %arg1, %mul3A : i32
    %add3A = arith.addi %mul3A_0, %arg0 : i32
    %lt3A = arith.constant 2 : i32
    %lt3A_1 = arith.cmpi slt, %add3A, %lt3A : i32
    %jit3A = arith.constant 1 : i32
    %jit3A_2 = arith.constant 0 : i32
    %select_n3A = arith.select %lt3A_1, %jit3A, %jit3A_2 : i32
    %add3A_3 = arith.constant 39 : i32
    %add3A_4 = arith.addi %add3A_3, %select_n3A : i32
    %lt3A_5 = arith.constant 2 : i32
    %lt3A_6 = arith.cmpi slt, %arg1, %lt3A_5 : i32
    %mul3A_7 = arith.constant 632 : i32
    %mul3A_8 = arith.muli %arg1, %mul3A_7 : i32
    %mul3A_9 = arith.constant 624 : i32
    %mul3A_10 = arith.muli %arg1, %mul3A_9 : i32
    %add3A_11 = arith.constant 16 : i32
    %add3A_12 = arith.addi %add3A_11, %mul3A_10 : i32
    %select_n3A_13 = arith.select %lt3A_6, %mul3A_8, %add3A_12 : i32
    %lt3A_14 = arith.constant 2 : i32
    %lt3A_15 = arith.cmpi slt, %arg1, %lt3A_14 : i32
    %convert_element_type3A = arith.extui %lt3A_15 : i1 to i32
    %cond3A = arith.constant 0 : i32
    %cond3A_16 = arith.cmpi ne, %convert_element_type3A, %cond3A : i32
    scf.if %cond3A_16 {
      "tpu.region"() ({
        %run_scoped3A = tpu.sem_alloc : memref<!tpu.dma_semaphore, #tpu.memory_space<semaphore_mem>>
        %dma_start3A_309 = arith.constant 0 : i32
        %dma_start3A_310 = tpu.memref_slice %arg12[%select_n3A_13, %dma_start3A_309] : memref<10000x128xf32, #tpu.memory_space<vmem_shared>> -> memref<632x128xf32, #tpu.memory_space<vmem_shared>>
        tpu.enqueue_dma source(%arg5 : memref<632x128xf32, #tpu.memory_space<hbm>>) target(%dma_start3A_310 : memref<632x128xf32, #tpu.memory_space<vmem_shared>>) target_semaphore(%run_scoped3A : memref<!tpu.dma_semaphore, #tpu.memory_space<semaphore_mem>>)
        %dma_wait3A = arith.constant 0 : i32
        %dma_wait3A_311 = tpu.memref_slice %arg12[%select_n3A_13, %dma_wait3A] : memref<10000x128xf32, #tpu.memory_space<vmem_shared>> -> memref<632x128xf32, #tpu.memory_space<vmem_shared>>
        tpu.wait_dma2 semaphore(%run_scoped3A : memref<!tpu.dma_semaphore, #tpu.memory_space<semaphore_mem>>) src(%arg5 : memref<632x128xf32, #tpu.memory_space<hbm>>) dst(%dma_wait3A_311 : memref<632x128xf32, #tpu.memory_space<vmem_shared>>)
        tpu.yield
      }) : () -> ()
    } else {
    }
    %ge3A = arith.constant 2 : i32
    %ge3A_17 = arith.cmpi sge, %arg1, %ge3A : i32
    %convert_element_type3A_18 = arith.extui %ge3A_17 : i1 to i32
    %cond3A_19 = arith.constant 0 : i32
    %cond3A_20 = arith.cmpi ne, %convert_element_type3A_18, %cond3A_19 : i32
    scf.if %cond3A_20 {
      "tpu.region"() ({
        %run_scoped3A = tpu.sem_alloc : memref<!tpu.dma_semaphore, #tpu.memory_space<semaphore_mem>>
        %dma_start3A_309 = arith.constant 0 : i32
        %dma_start3A_310 = tpu.memref_slice %arg12[%select_n3A_13, %dma_start3A_309] : memref<10000x128xf32, #tpu.memory_space<vmem_shared>> -> memref<624x128xf32, #tpu.memory_space<vmem_shared>>
        %dma_start3A_311 = arith.constant 0 : i32
        %dma_start3A_312 = arith.constant 0 : i32
        %dma_start3A_313 = tpu.memref_slice %arg5[%dma_start3A_311, %dma_start3A_312] : memref<632x128xf32, #tpu.memory_space<hbm>> -> memref<624x128xf32, #tpu.memory_space<hbm>>
        tpu.enqueue_dma source(%dma_start3A_313 : memref<624x128xf32, #tpu.memory_space<hbm>>) target(%dma_start3A_310 : memref<624x128xf32, #tpu.memory_space<vmem_shared>>) target_semaphore(%run_scoped3A : memref<!tpu.dma_semaphore, #tpu.memory_space<semaphore_mem>>)
        %dma_wait3A = arith.constant 0 : i32
        %dma_wait3A_314 = tpu.memref_slice %arg12[%select_n3A_13, %dma_wait3A] : memref<10000x128xf32, #tpu.memory_space<vmem_shared>> -> memref<624x128xf32, #tpu.memory_space<vmem_shared>>
        %dma_wait3A_315 = arith.constant 0 : i32
        %dma_wait3A_316 = arith.constant 0 : i32
        %dma_wait3A_317 = tpu.memref_slice %arg5[%dma_wait3A_315, %dma_wait3A_316] : memref<632x128xf32, #tpu.memory_space<hbm>> -> memref<624x128xf32, #tpu.memory_space<hbm>>
        tpu.wait_dma2 semaphore(%run_scoped3A : memref<!tpu.dma_semaphore, #tpu.memory_space<semaphore_mem>>) src(%dma_wait3A_317 : memref<624x128xf32, #tpu.memory_space<hbm>>) dst(%dma_wait3A_314 : memref<624x128xf32, #tpu.memory_space<vmem_shared>>)
        tpu.yield
      }) : () -> ()
    } else {
    }
    %barrier3A = arith.constant 0 : index
    tpu.barrier barrier_id(%barrier3A)
    %add3A_21 = arith.constant 0 : i32
    %add3A_22 = arith.addi %add3A, %add3A_21 : i32
    %mul3A_23 = arith.constant 128 : i32
    %mul3A_24 = arith.muli %add3A_22, %mul3A_23 : i32
    %dma_start3A = tpu.memref_slice %arg3[%mul3A_24] : memref<160000xi32, #tpu.memory_space<hbm>> -> memref<128xi32, #tpu.memory_space<hbm>>
    %dma_start3A_25 = tpu.memref_slice %arg3[%mul3A_24] : memref<160000xi32, #tpu.memory_space<hbm>> -> memref<128xi32, #tpu.memory_space<hbm>>
    tpu.enqueue_dma source(%dma_start3A_25 : memref<128xi32, #tpu.memory_space<hbm>>) target(%arg8 : memref<128xi32, #tpu.memory_space<vmem>>) target_semaphore(%arg13 : memref<!tpu.dma_semaphore, #tpu.memory_space<semaphore_mem>>)
    %mul3A_26 = arith.constant 128 : i32
    %mul3A_27 = arith.muli %add3A_22, %mul3A_26 : i32
    %dma_start3A_28 = arith.constant 0 : i32
    %dma_start3A_29 = arith.constant 0 : i32
    %dma_start3A_30 = arith.constant 0 : i32
    %dma_start3A_31 = tpu.memref_slice %arg2[%dma_start3A_28, %dma_start3A_29, %dma_start3A_30] : memref<3x160000x128xf32, #tpu.memory_space<hbm>> -> memref<1x160000x128xf32, #tpu.memory_space<hbm>>
    %dma_start3A_32 = tpu.memref_squeeze %dma_start3A_31 : memref<1x160000x128xf32, #tpu.memory_space<hbm>> -> memref<160000x128xf32, #tpu.memory_space<hbm>>
    %dma_start3A_33 = arith.constant 0 : i32
    %dma_start3A_34 = tpu.memref_slice %dma_start3A_32[%mul3A_27, %dma_start3A_33] : memref<160000x128xf32, #tpu.memory_space<hbm>> -> memref<128x128xf32, #tpu.memory_space<hbm>>
    %dma_start3A_35 = arith.constant 0 : i32
    %dma_start3A_36 = arith.constant 0 : i32
    %dma_start3A_37 = tpu.memref_slice %arg2[%dma_start3A_28, %dma_start3A_35, %dma_start3A_36] : memref<3x160000x128xf32, #tpu.memory_space<hbm>> -> memref<1x160000x128xf32, #tpu.memory_space<hbm>>
    %dma_start3A_38 = tpu.memref_squeeze %dma_start3A_37 : memref<1x160000x128xf32, #tpu.memory_space<hbm>> -> memref<160000x128xf32, #tpu.memory_space<hbm>>
    %dma_start3A_39 = arith.constant 0 : i32
    %dma_start3A_40 = tpu.memref_slice %dma_start3A_38[%mul3A_27, %dma_start3A_39] : memref<160000x128xf32, #tpu.memory_space<hbm>> -> memref<128x128xf32, #tpu.memory_space<hbm>>
    tpu.enqueue_dma source(%dma_start3A_40 : memref<128x128xf32, #tpu.memory_space<hbm>>) target(%arg10 : memref<128x128xf32, #tpu.memory_space<vmem>>) target_semaphore(%arg13 : memref<!tpu.dma_semaphore, #tpu.memory_space<semaphore_mem>>)
    %gt3A = arith.constant 1 : i32
    %gt3A_41 = arith.cmpi sgt, %add3A_4, %gt3A : i32
    %convert_element_type3A_42 = arith.extui %gt3A_41 : i1 to i32
    %cond3A_43 = arith.constant 0 : i32
    %cond3A_44 = arith.cmpi ne, %convert_element_type3A_42, %cond3A_43 : i32
    scf.if %cond3A_44 {
      %add3A_309 = arith.constant 32 : i32
      %add3A_310 = arith.addi %add3A, %add3A_309 : i32
      %mul3A_311 = arith.constant 128 : i32
      %mul3A_312 = arith.muli %add3A_310, %mul3A_311 : i32
      %dma_start3A_313 = tpu.memref_slice %arg3[%mul3A_312] : memref<160000xi32, #tpu.memory_space<hbm>> -> memref<128xi32, #tpu.memory_space<hbm>>
      %dma_start3A_314 = tpu.memref_slice %arg3[%mul3A_312] : memref<160000xi32, #tpu.memory_space<hbm>> -> memref<128xi32, #tpu.memory_space<hbm>>
      tpu.enqueue_dma source(%dma_start3A_314 : memref<128xi32, #tpu.memory_space<hbm>>) target(%arg9 : memref<128xi32, #tpu.memory_space<vmem>>) target_semaphore(%arg14 : memref<!tpu.dma_semaphore, #tpu.memory_space<semaphore_mem>>)
      %mul3A_315 = arith.constant 128 : i32
      %mul3A_316 = arith.muli %add3A_310, %mul3A_315 : i32
      %dma_start3A_317 = arith.constant 0 : i32
      %dma_start3A_318 = arith.constant 0 : i32
      %dma_start3A_319 = arith.constant 0 : i32
      %dma_start3A_320 = tpu.memref_slice %arg2[%dma_start3A_317, %dma_start3A_318, %dma_start3A_319] : memref<3x160000x128xf32, #tpu.memory_space<hbm>> -> memref<1x160000x128xf32, #tpu.memory_space<hbm>>
      %dma_start3A_321 = tpu.memref_squeeze %dma_start3A_320 : memref<1x160000x128xf32, #tpu.memory_space<hbm>> -> memref<160000x128xf32, #tpu.memory_space<hbm>>
      %dma_start3A_322 = arith.constant 0 : i32
      %dma_start3A_323 = tpu.memref_slice %dma_start3A_321[%mul3A_316, %dma_start3A_322] : memref<160000x128xf32, #tpu.memory_space<hbm>> -> memref<128x128xf32, #tpu.memory_space<hbm>>
      %dma_start3A_324 = arith.constant 0 : i32
      %dma_start3A_325 = arith.constant 0 : i32
      %dma_start3A_326 = tpu.memref_slice %arg2[%dma_start3A_317, %dma_start3A_324, %dma_start3A_325] : memref<3x160000x128xf32, #tpu.memory_space<hbm>> -> memref<1x160000x128xf32, #tpu.memory_space<hbm>>
      %dma_start3A_327 = tpu.memref_squeeze %dma_start3A_326 : memref<1x160000x128xf32, #tpu.memory_space<hbm>> -> memref<160000x128xf32, #tpu.memory_space<hbm>>
      %dma_start3A_328 = arith.constant 0 : i32
      %dma_start3A_329 = tpu.memref_slice %dma_start3A_327[%mul3A_316, %dma_start3A_328] : memref<160000x128xf32, #tpu.memory_space<hbm>> -> memref<128x128xf32, #tpu.memory_space<hbm>>
      tpu.enqueue_dma source(%dma_start3A_329 : memref<128x128xf32, #tpu.memory_space<hbm>>) target(%arg11 : memref<128x128xf32, #tpu.memory_space<vmem>>) target_semaphore(%arg14 : memref<!tpu.dma_semaphore, #tpu.memory_space<semaphore_mem>>)
    } else {
    }
    %scan3A = arith.constant 0 : i32
    %scan3A_45 = arith.constant 0 : i32
    %scan3A_46 = arith.constant 20 : i32
    %scan3A_47 = arith.addi %scan3A_45, %scan3A_46 : i32
    %scan3A_48 = arith.constant 1 : i32
    scf.for %scan3A_309 = %scan3A_45 to %scan3A_47 step %scan3A_48  : i32 {
      %mul3A_310 = arith.constant 2 : i32
      %mul3A_311 = arith.muli %mul3A_310, %scan3A_309 : i32
      %add3A_312 = arith.constant 0 : i32
      %add3A_313 = arith.addi %mul3A_311, %add3A_312 : i32
      %lt3A_314 = arith.cmpi slt, %add3A_313, %add3A_4 : i32
      %convert_element_type3A_315 = arith.extui %lt3A_314 : i1 to i32
      %cond3A_316 = arith.constant 0 : i32
      %cond3A_317 = arith.cmpi ne, %convert_element_type3A_315, %cond3A_316 : i32
      scf.if %cond3A_317 {
        %dma_wait3A = arith.constant 0 : i32
        %dma_wait3A_326 = tpu.memref_slice %arg3[%dma_wait3A] : memref<160000xi32, #tpu.memory_space<hbm>> -> memref<128xi32, #tpu.memory_space<hbm>>
        %dma_wait3A_327 = arith.constant 0 : i32
        %dma_wait3A_328 = tpu.memref_slice %arg3[%dma_wait3A_327] : memref<160000xi32, #tpu.memory_space<hbm>> -> memref<128xi32, #tpu.memory_space<hbm>>
        tpu.wait_dma2 semaphore(%arg13 : memref<!tpu.dma_semaphore, #tpu.memory_space<semaphore_mem>>) src(%dma_wait3A_328 : memref<128xi32, #tpu.memory_space<hbm>>) dst(%arg8 : memref<128xi32, #tpu.memory_space<vmem>>)
        %dma_wait3A_329 = arith.constant 0 : i32
        %dma_wait3A_330 = arith.constant 0 : i32
        %dma_wait3A_331 = arith.constant 0 : i32
        %dma_wait3A_332 = tpu.memref_slice %arg2[%dma_wait3A_329, %dma_wait3A_330, %dma_wait3A_331] : memref<3x160000x128xf32, #tpu.memory_space<hbm>> -> memref<1x160000x128xf32, #tpu.memory_space<hbm>>
        %dma_wait3A_333 = tpu.memref_squeeze %dma_wait3A_332 : memref<1x160000x128xf32, #tpu.memory_space<hbm>> -> memref<160000x128xf32, #tpu.memory_space<hbm>>
        %dma_wait3A_334 = arith.constant 0 : i32
        %dma_wait3A_335 = arith.constant 0 : i32
        %dma_wait3A_336 = tpu.memref_slice %dma_wait3A_333[%dma_wait3A_334, %dma_wait3A_335] : memref<160000x128xf32, #tpu.memory_space<hbm>> -> memref<128x128xf32, #tpu.memory_space<hbm>>
        %dma_wait3A_337 = arith.constant 0 : i32
        %dma_wait3A_338 = arith.constant 0 : i32
        %dma_wait3A_339 = tpu.memref_slice %arg2[%dma_wait3A_329, %dma_wait3A_337, %dma_wait3A_338] : memref<3x160000x128xf32, #tpu.memory_space<hbm>> -> memref<1x160000x128xf32, #tpu.memory_space<hbm>>
        %dma_wait3A_340 = tpu.memref_squeeze %dma_wait3A_339 : memref<1x160000x128xf32, #tpu.memory_space<hbm>> -> memref<160000x128xf32, #tpu.memory_space<hbm>>
        %dma_wait3A_341 = arith.constant 0 : i32
        %dma_wait3A_342 = arith.constant 0 : i32
        %dma_wait3A_343 = tpu.memref_slice %dma_wait3A_340[%dma_wait3A_341, %dma_wait3A_342] : memref<160000x128xf32, #tpu.memory_space<hbm>> -> memref<128x128xf32, #tpu.memory_space<hbm>>
        tpu.wait_dma2 semaphore(%arg13 : memref<!tpu.dma_semaphore, #tpu.memory_space<semaphore_mem>>) src(%dma_wait3A_343 : memref<128x128xf32, #tpu.memory_space<hbm>>) dst(%arg10 : memref<128x128xf32, #tpu.memory_space<vmem>>)
        "tpu.region"() ({
          %run_scoped3A = tpu.sem_alloc : memref<!tpu.dma_semaphore, #tpu.memory_space<semaphore_mem>>
          %dma_start3A_350 = arith.constant 0 : i32
          %dma_start3A_351 = arith.constant 0 : i32
          %dma_start3A_352 = tpu.memref_slice %arg12[%dma_start3A_350, %dma_start3A_351] : memref<10000x128xf32, #tpu.memory_space<vmem_shared>> -> memref<10000x128xf32, #tpu.memory_space<vmem_shared>>
          tpu.enqueue_indirect_dma source(%arg10 : memref<128x128xf32, #tpu.memory_space<vmem>>) target(%dma_start3A_352 : memref<10000x128xf32, #tpu.memory_space<vmem_shared>>) offsets(%arg8 : memref<128xi32, #tpu.memory_space<vmem>>) semaphore(%run_scoped3A : memref<!tpu.dma_semaphore, #tpu.memory_space<semaphore_mem>>) {add = true}
          %dma_wait3A_353 = arith.constant 0 : i32
          %dma_wait3A_354 = arith.constant 0 : i32
          %dma_wait3A_355 = tpu.memref_slice %arg12[%dma_wait3A_353, %dma_wait3A_354] : memref<10000x128xf32, #tpu.memory_space<vmem_shared>> -> memref<10000x128xf32, #tpu.memory_space<vmem_shared>>
          tpu.wait_indirect_dma semaphore(%run_scoped3A : memref<!tpu.dma_semaphore, #tpu.memory_space<semaphore_mem>>) src(%arg10 : memref<128x128xf32, #tpu.memory_space<vmem>>) dst(%dma_wait3A_355 : memref<10000x128xf32, #tpu.memory_space<vmem_shared>>)
          tpu.yield
        }) : () -> ()
        %add3A_344 = arith.constant 2 : i32
        %add3A_345 = arith.addi %add3A_313, %add3A_344 : i32
        %lt3A_346 = arith.cmpi slt, %add3A_345, %add3A_4 : i32
        %convert_element_type3A_347 = arith.extui %lt3A_346 : i1 to i32
        %cond3A_348 = arith.constant 0 : i32
        %cond3A_349 = arith.cmpi ne, %convert_element_type3A_347, %cond3A_348 : i32
        scf.if %cond3A_349 {
          %add3A_350 = arith.constant 2 : i32
          %add3A_351 = arith.addi %add3A_313, %add3A_350 : i32
          %mul3A_352 = arith.constant 32 : i32
          %mul3A_353 = arith.muli %mul3A_352, %add3A_351 : i32
          %add3A_354 = arith.addi %add3A, %mul3A_353 : i32
          %mul3A_355 = arith.constant 128 : i32
          %mul3A_356 = arith.muli %add3A_354, %mul3A_355 : i32
          %dma_start3A_357 = tpu.memref_slice %arg3[%mul3A_356] : memref<160000xi32, #tpu.memory_space<hbm>> -> memref<128xi32, #tpu.memory_space<hbm>>
          %dma_start3A_358 = tpu.memref_slice %arg3[%mul3A_356] : memref<160000xi32, #tpu.memory_space<hbm>> -> memref<128xi32, #tpu.memory_space<hbm>>
          tpu.enqueue_dma source(%dma_start3A_358 : memref<128xi32, #tpu.memory_space<hbm>>) target(%arg8 : memref<128xi32, #tpu.memory_space<vmem>>) target_semaphore(%arg13 : memref<!tpu.dma_semaphore, #tpu.memory_space<semaphore_mem>>)
          %mul3A_359 = arith.constant 128 : i32
          %mul3A_360 = arith.muli %add3A_354, %mul3A_359 : i32
          %dma_start3A_361 = arith.constant 0 : i32
          %dma_start3A_362 = arith.constant 0 : i32
          %dma_start3A_363 = arith.constant 0 : i32
          %dma_start3A_364 = tpu.memref_slice %arg2[%dma_start3A_361, %dma_start3A_362, %dma_start3A_363] : memref<3x160000x128xf32, #tpu.memory_space<hbm>> -> memref<1x160000x128xf32, #tpu.memory_space<hbm>>
          %dma_start3A_365 = tpu.memref_squeeze %dma_start3A_364 : memref<1x160000x128xf32, #tpu.memory_space<hbm>> -> memref<160000x128xf32, #tpu.memory_space<hbm>>
          %dma_start3A_366 = arith.constant 0 : i32
          %dma_start3A_367 = tpu.memref_slice %dma_start3A_365[%mul3A_360, %dma_start3A_366] : memref<160000x128xf32, #tpu.memory_space<hbm>> -> memref<128x128xf32, #tpu.memory_space<hbm>>
          %dma_start3A_368 = arith.constant 0 : i32
          %dma_start3A_369 = arith.constant 0 : i32
          %dma_start3A_370 = tpu.memref_slice %arg2[%dma_start3A_361, %dma_start3A_368, %dma_start3A_369] : memref<3x160000x128xf32, #tpu.memory_space<hbm>> -> memref<1x160000x128xf32, #tpu.memory_space<hbm>>
          %dma_start3A_371 = tpu.memref_squeeze %dma_start3A_370 : memref<1x160000x128xf32, #tpu.memory_space<hbm>> -> memref<160000x128xf32, #tpu.memory_space<hbm>>
          %dma_start3A_372 = arith.constant 0 : i32
          %dma_start3A_373 = tpu.memref_slice %dma_start3A_371[%mul3A_360, %dma_start3A_372] : memref<160000x128xf32, #tpu.memory_space<hbm>> -> memref<128x128xf32, #tpu.memory_space<hbm>>
          tpu.enqueue_dma source(%dma_start3A_373 : memref<128x128xf32, #tpu.memory_space<hbm>>) target(%arg10 : memref<128x128xf32, #tpu.memory_space<vmem>>) target_semaphore(%arg13 : memref<!tpu.dma_semaphore, #tpu.memory_space<semaphore_mem>>)
        } else {
        }
      } else {
      }
      %mul3A_318 = arith.constant 2 : i32
      %mul3A_319 = arith.muli %mul3A_318, %scan3A_309 : i32
      %add3A_320 = arith.constant 1 : i32
      %add3A_321 = arith.addi %mul3A_319, %add3A_320 : i32
      %lt3A_322 = arith.cmpi slt, %add3A_321, %add3A_4 : i32
      %convert_element_type3A_323 = arith.extui %lt3A_322 : i1 to i32
      %cond3A_324 = arith.constant 0 : i32
      %cond3A_325 = arith.cmpi ne, %convert_element_type3A_323, %cond3A_324 : i32
      scf.if %cond3A_325 {
        %dma_wait3A = arith.constant 0 : i32
        %dma_wait3A_326 = tpu.memref_slice %arg3[%dma_wait3A] : memref<160000xi32, #tpu.memory_space<hbm>> -> memref<128xi32, #tpu.memory_space<hbm>>
        %dma_wait3A_327 = arith.constant 0 : i32
        %dma_wait3A_328 = tpu.memref_slice %arg3[%dma_wait3A_327] : memref<160000xi32, #tpu.memory_space<hbm>> -> memref<128xi32, #tpu.memory_space<hbm>>
        tpu.wait_dma2 semaphore(%arg14 : memref<!tpu.dma_semaphore, #tpu.memory_space<semaphore_mem>>) src(%dma_wait3A_328 : memref<128xi32, #tpu.memory_space<hbm>>) dst(%arg9 : memref<128xi32, #tpu.memory_space<vmem>>)
        %dma_wait3A_329 = arith.constant 0 : i32
        %dma_wait3A_330 = arith.constant 0 : i32
        %dma_wait3A_331 = arith.constant 0 : i32
        %dma_wait3A_332 = tpu.memref_slice %arg2[%dma_wait3A_329, %dma_wait3A_330, %dma_wait3A_331] : memref<3x160000x128xf32, #tpu.memory_space<hbm>> -> memref<1x160000x128xf32, #tpu.memory_space<hbm>>
        %dma_wait3A_333 = tpu.memref_squeeze %dma_wait3A_332 : memref<1x160000x128xf32, #tpu.memory_space<hbm>> -> memref<160000x128xf32, #tpu.memory_space<hbm>>
        %dma_wait3A_334 = arith.constant 0 : i32
        %dma_wait3A_335 = arith.constant 0 : i32
        %dma_wait3A_336 = tpu.memref_slice %dma_wait3A_333[%dma_wait3A_334, %dma_wait3A_335] : memref<160000x128xf32, #tpu.memory_space<hbm>> -> memref<128x128xf32, #tpu.memory_space<hbm>>
        %dma_wait3A_337 = arith.constant 0 : i32
        %dma_wait3A_338 = arith.constant 0 : i32
        %dma_wait3A_339 = tpu.memref_slice %arg2[%dma_wait3A_329, %dma_wait3A_337, %dma_wait3A_338] : memref<3x160000x128xf32, #tpu.memory_space<hbm>> -> memref<1x160000x128xf32, #tpu.memory_space<hbm>>
        %dma_wait3A_340 = tpu.memref_squeeze %dma_wait3A_339 : memref<1x160000x128xf32, #tpu.memory_space<hbm>> -> memref<160000x128xf32, #tpu.memory_space<hbm>>
        %dma_wait3A_341 = arith.constant 0 : i32
        %dma_wait3A_342 = arith.constant 0 : i32
        %dma_wait3A_343 = tpu.memref_slice %dma_wait3A_340[%dma_wait3A_341, %dma_wait3A_342] : memref<160000x128xf32, #tpu.memory_space<hbm>> -> memref<128x128xf32, #tpu.memory_space<hbm>>
        tpu.wait_dma2 semaphore(%arg14 : memref<!tpu.dma_semaphore, #tpu.memory_space<semaphore_mem>>) src(%dma_wait3A_343 : memref<128x128xf32, #tpu.memory_space<hbm>>) dst(%arg11 : memref<128x128xf32, #tpu.memory_space<vmem>>)
        "tpu.region"() ({
          %run_scoped3A = tpu.sem_alloc : memref<!tpu.dma_semaphore, #tpu.memory_space<semaphore_mem>>
          %dma_start3A_350 = arith.constant 0 : i32
          %dma_start3A_351 = arith.constant 0 : i32
          %dma_start3A_352 = tpu.memref_slice %arg12[%dma_start3A_350, %dma_start3A_351] : memref<10000x128xf32, #tpu.memory_space<vmem_shared>> -> memref<10000x128xf32, #tpu.memory_space<vmem_shared>>
          tpu.enqueue_indirect_dma source(%arg11 : memref<128x128xf32, #tpu.memory_space<vmem>>) target(%dma_start3A_352 : memref<10000x128xf32, #tpu.memory_space<vmem_shared>>) offsets(%arg9 : memref<128xi32, #tpu.memory_space<vmem>>) semaphore(%run_scoped3A : memref<!tpu.dma_semaphore, #tpu.memory_space<semaphore_mem>>) {add = true}
          %dma_wait3A_353 = arith.constant 0 : i32
          %dma_wait3A_354 = arith.constant 0 : i32
          %dma_wait3A_355 = tpu.memref_slice %arg12[%dma_wait3A_353, %dma_wait3A_354] : memref<10000x128xf32, #tpu.memory_space<vmem_shared>> -> memref<10000x128xf32, #tpu.memory_space<vmem_shared>>
          tpu.wait_indirect_dma semaphore(%run_scoped3A : memref<!tpu.dma_semaphore, #tpu.memory_space<semaphore_mem>>) src(%arg11 : memref<128x128xf32, #tpu.memory_space<vmem>>) dst(%dma_wait3A_355 : memref<10000x128xf32, #tpu.memory_space<vmem_shared>>)
          tpu.yield
        }) : () -> ()
        %add3A_344 = arith.constant 2 : i32
        %add3A_345 = arith.addi %add3A_321, %add3A_344 : i32
        %lt3A_346 = arith.cmpi slt, %add3A_345, %add3A_4 : i32
        %convert_element_type3A_347 = arith.extui %lt3A_346 : i1 to i32
        %cond3A_348 = arith.constant 0 : i32
        %cond3A_349 = arith.cmpi ne, %convert_element_type3A_347, %cond3A_348 : i32
        scf.if %cond3A_349 {
          %add3A_350 = arith.constant 2 : i32
          %add3A_351 = arith.addi %add3A_321, %add3A_350 : i32
          %mul3A_352 = arith.constant 32 : i32
          %mul3A_353 = arith.muli %mul3A_352, %add3A_351 : i32
          %add3A_354 = arith.addi %add3A, %mul3A_353 : i32
          %mul3A_355 = arith.constant 128 : i32
          %mul3A_356 = arith.muli %add3A_354, %mul3A_355 : i32
          %dma_start3A_357 = tpu.memref_slice %arg3[%mul3A_356] : memref<160000xi32, #tpu.memory_space<hbm>> -> memref<128xi32, #tpu.memory_space<hbm>>
          %dma_start3A_358 = tpu.memref_slice %arg3[%mul3A_356] : memref<160000xi32, #tpu.memory_space<hbm>> -> memref<128xi32, #tpu.memory_space<hbm>>
          tpu.enqueue_dma source(%dma_start3A_358 : memref<128xi32, #tpu.memory_space<hbm>>) target(%arg9 : memref<128xi32, #tpu.memory_space<vmem>>) target_semaphore(%arg14 : memref<!tpu.dma_semaphore, #tpu.memory_space<semaphore_mem>>)
          %mul3A_359 = arith.constant 128 : i32
          %mul3A_360 = arith.muli %add3A_354, %mul3A_359 : i32
          %dma_start3A_361 = arith.constant 0 : i32
          %dma_start3A_362 = arith.constant 0 : i32
          %dma_start3A_363 = arith.constant 0 : i32
          %dma_start3A_364 = tpu.memref_slice %arg2[%dma_start3A_361, %dma_start3A_362, %dma_start3A_363] : memref<3x160000x128xf32, #tpu.memory_space<hbm>> -> memref<1x160000x128xf32, #tpu.memory_space<hbm>>
          %dma_start3A_365 = tpu.memref_squeeze %dma_start3A_364 : memref<1x160000x128xf32, #tpu.memory_space<hbm>> -> memref<160000x128xf32, #tpu.memory_space<hbm>>
          %dma_start3A_366 = arith.constant 0 : i32
          %dma_start3A_367 = tpu.memref_slice %dma_start3A_365[%mul3A_360, %dma_start3A_366] : memref<160000x128xf32, #tpu.memory_space<hbm>> -> memref<128x128xf32, #tpu.memory_space<hbm>>
          %dma_start3A_368 = arith.constant 0 : i32
          %dma_start3A_369 = arith.constant 0 : i32
          %dma_start3A_370 = tpu.memref_slice %arg2[%dma_start3A_361, %dma_start3A_368, %dma_start3A_369] : memref<3x160000x128xf32, #tpu.memory_space<hbm>> -> memref<1x160000x128xf32, #tpu.memory_space<hbm>>
          %dma_start3A_371 = tpu.memref_squeeze %dma_start3A_370 : memref<1x160000x128xf32, #tpu.memory_space<hbm>> -> memref<160000x128xf32, #tpu.memory_space<hbm>>
          %dma_start3A_372 = arith.constant 0 : i32
          %dma_start3A_373 = tpu.memref_slice %dma_start3A_371[%mul3A_360, %dma_start3A_372] : memref<160000x128xf32, #tpu.memory_space<hbm>> -> memref<128x128xf32, #tpu.memory_space<hbm>>
          tpu.enqueue_dma source(%dma_start3A_373 : memref<128x128xf32, #tpu.memory_space<hbm>>) target(%arg11 : memref<128x128xf32, #tpu.memory_space<vmem>>) target_semaphore(%arg14 : memref<!tpu.dma_semaphore, #tpu.memory_space<semaphore_mem>>)
        } else {
        }
      } else {
      }
    }
    %scan3A_49 = arith.constant 20 : i32
    %barrier3A_50 = arith.constant 0 : index
    tpu.barrier barrier_id(%barrier3A_50)
    %lt3A_51 = arith.constant 2 : i32
    %lt3A_52 = arith.cmpi slt, %arg1, %lt3A_51 : i32
    %mul3A_53 = arith.constant 632 : i32
    %mul3A_54 = arith.muli %arg1, %mul3A_53 : i32
    %mul3A_55 = arith.constant 624 : i32
    %mul3A_56 = arith.muli %arg1, %mul3A_55 : i32
    %add3A_57 = arith.constant 16 : i32
    %add3A_58 = arith.addi %add3A_57, %mul3A_56 : i32
    %select_n3A_59 = arith.select %lt3A_52, %mul3A_54, %add3A_58 : i32
    %lt3A_60 = arith.constant 2 : i32
    %lt3A_61 = arith.cmpi slt, %arg1, %lt3A_60 : i32
    %convert_element_type3A_62 = arith.extui %lt3A_61 : i1 to i32
    %cond3A_63 = arith.constant 0 : i32
    %cond3A_64 = arith.constant 0 : i32
    %cond3A_65 = arith.cmpi ne, %convert_element_type3A_62, %cond3A_64 : i32
    scf.if %cond3A_65 {
      "tpu.region"() ({
        %run_scoped3A = tpu.sem_alloc : memref<!tpu.dma_semaphore, #tpu.memory_space<semaphore_mem>>
        %dma_start3A_309 = arith.constant 0 : i32
        %dma_start3A_310 = arith.constant 0 : i32
        %dma_start3A_311 = arith.constant 0 : i32
        %dma_start3A_312 = tpu.memref_slice %arg6[%cond3A_63, %dma_start3A_309, %dma_start3A_310, %dma_start3A_311] : memref<3x2x10000x128xf32, #tpu.memory_space<hbm>> -> memref<1x2x10000x128xf32, #tpu.memory_space<hbm>>
        %dma_start3A_313 = tpu.memref_squeeze %dma_start3A_312 : memref<1x2x10000x128xf32, #tpu.memory_space<hbm>> -> memref<2x10000x128xf32, #tpu.memory_space<hbm>>
        %dma_start3A_314 = arith.constant 0 : i32
        %dma_start3A_315 = arith.constant 0 : i32
        %dma_start3A_316 = tpu.memref_slice %dma_start3A_313[%arg0, %dma_start3A_314, %dma_start3A_315] : memref<2x10000x128xf32, #tpu.memory_space<hbm>> -> memref<1x10000x128xf32, #tpu.memory_space<hbm>>
        %dma_start3A_317 = tpu.memref_squeeze %dma_start3A_316 : memref<1x10000x128xf32, #tpu.memory_space<hbm>> -> memref<10000x128xf32, #tpu.memory_space<hbm>>
        %dma_start3A_318 = arith.constant 0 : i32
        %dma_start3A_319 = tpu.memref_slice %dma_start3A_317[%select_n3A_59, %dma_start3A_318] : memref<10000x128xf32, #tpu.memory_space<hbm>> -> memref<632x128xf32, #tpu.memory_space<hbm>>
        %dma_start3A_320 = arith.constant 0 : i32
        %dma_start3A_321 = tpu.memref_slice %arg12[%select_n3A_59, %dma_start3A_320] : memref<10000x128xf32, #tpu.memory_space<vmem_shared>> -> memref<632x128xf32, #tpu.memory_space<vmem_shared>>
        tpu.enqueue_dma source(%dma_start3A_321 : memref<632x128xf32, #tpu.memory_space<vmem_shared>>) target(%dma_start3A_319 : memref<632x128xf32, #tpu.memory_space<hbm>>) target_semaphore(%run_scoped3A : memref<!tpu.dma_semaphore, #tpu.memory_space<semaphore_mem>>)
        %dma_wait3A = arith.constant 0 : i32
        %dma_wait3A_322 = arith.constant 0 : i32
        %dma_wait3A_323 = arith.constant 0 : i32
        %dma_wait3A_324 = tpu.memref_slice %arg6[%cond3A_63, %dma_wait3A, %dma_wait3A_322, %dma_wait3A_323] : memref<3x2x10000x128xf32, #tpu.memory_space<hbm>> -> memref<1x2x10000x128xf32, #tpu.memory_space<hbm>>
        %dma_wait3A_325 = tpu.memref_squeeze %dma_wait3A_324 : memref<1x2x10000x128xf32, #tpu.memory_space<hbm>> -> memref<2x10000x128xf32, #tpu.memory_space<hbm>>
        %dma_wait3A_326 = arith.constant 0 : i32
        %dma_wait3A_327 = arith.constant 0 : i32
        %dma_wait3A_328 = tpu.memref_slice %dma_wait3A_325[%arg0, %dma_wait3A_326, %dma_wait3A_327] : memref<2x10000x128xf32, #tpu.memory_space<hbm>> -> memref<1x10000x128xf32, #tpu.memory_space<hbm>>
        %dma_wait3A_329 = tpu.memref_squeeze %dma_wait3A_328 : memref<1x10000x128xf32, #tpu.memory_space<hbm>> -> memref<10000x128xf32, #tpu.memory_space<hbm>>
        %dma_wait3A_330 = arith.constant 0 : i32
        %dma_wait3A_331 = tpu.memref_slice %dma_wait3A_329[%select_n3A_59, %dma_wait3A_330] : memref<10000x128xf32, #tpu.memory_space<hbm>> -> memref<632x128xf32, #tpu.memory_space<hbm>>
        %dma_wait3A_332 = arith.constant 0 : i32
        %dma_wait3A_333 = tpu.memref_slice %arg12[%select_n3A_59, %dma_wait3A_332] : memref<10000x128xf32, #tpu.memory_space<vmem_shared>> -> memref<632x128xf32, #tpu.memory_space<vmem_shared>>
        tpu.wait_dma2 semaphore(%run_scoped3A : memref<!tpu.dma_semaphore, #tpu.memory_space<semaphore_mem>>) src(%dma_wait3A_333 : memref<632x128xf32, #tpu.memory_space<vmem_shared>>) dst(%dma_wait3A_331 : memref<632x128xf32, #tpu.memory_space<hbm>>)
        tpu.yield
      }) : () -> ()
    } else {
    }
    %ge3A_66 = arith.constant 2 : i32
    %ge3A_67 = arith.cmpi sge, %arg1, %ge3A_66 : i32
    %convert_element_type3A_68 = arith.extui %ge3A_67 : i1 to i32
    %cond3A_69 = arith.constant 0 : i32
    %cond3A_70 = arith.constant 0 : i32
    %cond3A_71 = arith.cmpi ne, %convert_element_type3A_68, %cond3A_70 : i32
    scf.if %cond3A_71 {
      "tpu.region"() ({
        %run_scoped3A = tpu.sem_alloc : memref<!tpu.dma_semaphore, #tpu.memory_space<semaphore_mem>>
        %dma_start3A_309 = arith.constant 0 : i32
        %dma_start3A_310 = arith.constant 0 : i32
        %dma_start3A_311 = arith.constant 0 : i32
        %dma_start3A_312 = tpu.memref_slice %arg6[%cond3A_69, %dma_start3A_309, %dma_start3A_310, %dma_start3A_311] : memref<3x2x10000x128xf32, #tpu.memory_space<hbm>> -> memref<1x2x10000x128xf32, #tpu.memory_space<hbm>>
        %dma_start3A_313 = tpu.memref_squeeze %dma_start3A_312 : memref<1x2x10000x128xf32, #tpu.memory_space<hbm>> -> memref<2x10000x128xf32, #tpu.memory_space<hbm>>
        %dma_start3A_314 = arith.constant 0 : i32
        %dma_start3A_315 = arith.constant 0 : i32
        %dma_start3A_316 = tpu.memref_slice %dma_start3A_313[%arg0, %dma_start3A_314, %dma_start3A_315] : memref<2x10000x128xf32, #tpu.memory_space<hbm>> -> memref<1x10000x128xf32, #tpu.memory_space<hbm>>
        %dma_start3A_317 = tpu.memref_squeeze %dma_start3A_316 : memref<1x10000x128xf32, #tpu.memory_space<hbm>> -> memref<10000x128xf32, #tpu.memory_space<hbm>>
        %dma_start3A_318 = arith.constant 0 : i32
        %dma_start3A_319 = tpu.memref_slice %dma_start3A_317[%select_n3A_59, %dma_start3A_318] : memref<10000x128xf32, #tpu.memory_space<hbm>> -> memref<624x128xf32, #tpu.memory_space<hbm>>
        %dma_start3A_320 = arith.constant 0 : i32
        %dma_start3A_321 = tpu.memref_slice %arg12[%select_n3A_59, %dma_start3A_320] : memref<10000x128xf32, #tpu.memory_space<vmem_shared>> -> memref<624x128xf32, #tpu.memory_space<vmem_shared>>
        tpu.enqueue_dma source(%dma_start3A_321 : memref<624x128xf32, #tpu.memory_space<vmem_shared>>) target(%dma_start3A_319 : memref<624x128xf32, #tpu.memory_space<hbm>>) target_semaphore(%run_scoped3A : memref<!tpu.dma_semaphore, #tpu.memory_space<semaphore_mem>>)
        %dma_wait3A = arith.constant 0 : i32
        %dma_wait3A_322 = arith.constant 0 : i32
        %dma_wait3A_323 = arith.constant 0 : i32
        %dma_wait3A_324 = tpu.memref_slice %arg6[%cond3A_69, %dma_wait3A, %dma_wait3A_322, %dma_wait3A_323] : memref<3x2x10000x128xf32, #tpu.memory_space<hbm>> -> memref<1x2x10000x128xf32, #tpu.memory_space<hbm>>
        %dma_wait3A_325 = tpu.memref_squeeze %dma_wait3A_324 : memref<1x2x10000x128xf32, #tpu.memory_space<hbm>> -> memref<2x10000x128xf32, #tpu.memory_space<hbm>>
        %dma_wait3A_326 = arith.constant 0 : i32
        %dma_wait3A_327 = arith.constant 0 : i32
        %dma_wait3A_328 = tpu.memref_slice %dma_wait3A_325[%arg0, %dma_wait3A_326, %dma_wait3A_327] : memref<2x10000x128xf32, #tpu.memory_space<hbm>> -> memref<1x10000x128xf32, #tpu.memory_space<hbm>>
        %dma_wait3A_329 = tpu.memref_squeeze %dma_wait3A_328 : memref<1x10000x128xf32, #tpu.memory_space<hbm>> -> memref<10000x128xf32, #tpu.memory_space<hbm>>
        %dma_wait3A_330 = arith.constant 0 : i32
        %dma_wait3A_331 = tpu.memref_slice %dma_wait3A_329[%select_n3A_59, %dma_wait3A_330] : memref<10000x128xf32, #tpu.memory_space<hbm>> -> memref<624x128xf32, #tpu.memory_space<hbm>>
        %dma_wait3A_332 = arith.constant 0 : i32
        %dma_wait3A_333 = tpu.memref_slice %arg12[%select_n3A_59, %dma_wait3A_332] : memref<10000x128xf32, #tpu.memory_space<vmem_shared>> -> memref<624x128xf32, #tpu.memory_space<vmem_shared>>
        tpu.wait_dma2 semaphore(%run_scoped3A : memref<!tpu.dma_semaphore, #tpu.memory_space<semaphore_mem>>) src(%dma_wait3A_333 : memref<624x128xf32, #tpu.memory_space<vmem_shared>>) dst(%dma_wait3A_331 : memref<624x128xf32, #tpu.memory_space<hbm>>)
        tpu.yield
      }) : () -> ()
    } else {
    }
    %barrier3A_72 = arith.constant 0 : index
    tpu.barrier barrier_id(%barrier3A_72)
    %lt3A_73 = arith.constant 2 : i32
    %lt3A_74 = arith.cmpi slt, %add3A, %lt3A_73 : i32
    %jit3A_75 = arith.constant 1 : i32
    %jit3A_76 = arith.constant 0 : i32
    %select_n3A_77 = arith.select %lt3A_74, %jit3A_75, %jit3A_76 : i32
    %add3A_78 = arith.constant 39 : i32
    %add3A_79 = arith.addi %add3A_78, %select_n3A_77 : i32
    %lt3A_80 = arith.constant 2 : i32
    %lt3A_81 = arith.cmpi slt, %arg1, %lt3A_80 : i32
    %mul3A_82 = arith.constant 632 : i32
    %mul3A_83 = arith.muli %arg1, %mul3A_82 : i32
    %mul3A_84 = arith.constant 624 : i32
    %mul3A_85 = arith.muli %arg1, %mul3A_84 : i32
    %add3A_86 = arith.constant 16 : i32
    %add3A_87 = arith.addi %add3A_86, %mul3A_85 : i32
    %select_n3A_88 = arith.select %lt3A_81, %mul3A_83, %add3A_87 : i32
    %lt3A_89 = arith.constant 2 : i32
    %lt3A_90 = arith.cmpi slt, %arg1, %lt3A_89 : i32
    %convert_element_type3A_91 = arith.extui %lt3A_90 : i1 to i32
    %cond3A_92 = arith.constant 0 : i32
    %cond3A_93 = arith.cmpi ne, %convert_element_type3A_91, %cond3A_92 : i32
    scf.if %cond3A_93 {
      "tpu.region"() ({
        %run_scoped3A = tpu.sem_alloc : memref<!tpu.dma_semaphore, #tpu.memory_space<semaphore_mem>>
        %dma_start3A_309 = arith.constant 0 : i32
        %dma_start3A_310 = tpu.memref_slice %arg12[%select_n3A_88, %dma_start3A_309] : memref<10000x128xf32, #tpu.memory_space<vmem_shared>> -> memref<632x128xf32, #tpu.memory_space<vmem_shared>>
        tpu.enqueue_dma source(%arg5 : memref<632x128xf32, #tpu.memory_space<hbm>>) target(%dma_start3A_310 : memref<632x128xf32, #tpu.memory_space<vmem_shared>>) target_semaphore(%run_scoped3A : memref<!tpu.dma_semaphore, #tpu.memory_space<semaphore_mem>>)
        %dma_wait3A = arith.constant 0 : i32
        %dma_wait3A_311 = tpu.memref_slice %arg12[%select_n3A_88, %dma_wait3A] : memref<10000x128xf32, #tpu.memory_space<vmem_shared>> -> memref<632x128xf32, #tpu.memory_space<vmem_shared>>
        tpu.wait_dma2 semaphore(%run_scoped3A : memref<!tpu.dma_semaphore, #tpu.memory_space<semaphore_mem>>) src(%arg5 : memref<632x128xf32, #tpu.memory_space<hbm>>) dst(%dma_wait3A_311 : memref<632x128xf32, #tpu.memory_space<vmem_shared>>)
        tpu.yield
      }) : () -> ()
    } else {
    }
    %ge3A_94 = arith.constant 2 : i32
    %ge3A_95 = arith.cmpi sge, %arg1, %ge3A_94 : i32
    %convert_element_type3A_96 = arith.extui %ge3A_95 : i1 to i32
    %cond3A_97 = arith.constant 0 : i32
    %cond3A_98 = arith.cmpi ne, %convert_element_type3A_96, %cond3A_97 : i32
    scf.if %cond3A_98 {
      "tpu.region"() ({
        %run_scoped3A = tpu.sem_alloc : memref<!tpu.dma_semaphore, #tpu.memory_space<semaphore_mem>>
        %dma_start3A_309 = arith.constant 0 : i32
        %dma_start3A_310 = tpu.memref_slice %arg12[%select_n3A_88, %dma_start3A_309] : memref<10000x128xf32, #tpu.memory_space<vmem_shared>> -> memref<624x128xf32, #tpu.memory_space<vmem_shared>>
        %dma_start3A_311 = arith.constant 0 : i32
        %dma_start3A_312 = arith.constant 0 : i32
        %dma_start3A_313 = tpu.memref_slice %arg5[%dma_start3A_311, %dma_start3A_312] : memref<632x128xf32, #tpu.memory_space<hbm>> -> memref<624x128xf32, #tpu.memory_space<hbm>>
        tpu.enqueue_dma source(%dma_start3A_313 : memref<624x128xf32, #tpu.memory_space<hbm>>) target(%dma_start3A_310 : memref<624x128xf32, #tpu.memory_space<vmem_shared>>) target_semaphore(%run_scoped3A : memref<!tpu.dma_semaphore, #tpu.memory_space<semaphore_mem>>)
        %dma_wait3A = arith.constant 0 : i32
        %dma_wait3A_314 = tpu.memref_slice %arg12[%select_n3A_88, %dma_wait3A] : memref<10000x128xf32, #tpu.memory_space<vmem_shared>> -> memref<624x128xf32, #tpu.memory_space<vmem_shared>>
        %dma_wait3A_315 = arith.constant 0 : i32
        %dma_wait3A_316 = arith.constant 0 : i32
        %dma_wait3A_317 = tpu.memref_slice %arg5[%dma_wait3A_315, %dma_wait3A_316] : memref<632x128xf32, #tpu.memory_space<hbm>> -> memref<624x128xf32, #tpu.memory_space<hbm>>
        tpu.wait_dma2 semaphore(%run_scoped3A : memref<!tpu.dma_semaphore, #tpu.memory_space<semaphore_mem>>) src(%dma_wait3A_317 : memref<624x128xf32, #tpu.memory_space<hbm>>) dst(%dma_wait3A_314 : memref<624x128xf32, #tpu.memory_space<vmem_shared>>)
        tpu.yield
      }) : () -> ()
    } else {
    }
    %barrier3A_99 = arith.constant 0 : index
    tpu.barrier barrier_id(%barrier3A_99)
    %add3A_100 = arith.constant 0 : i32
    %add3A_101 = arith.addi %add3A, %add3A_100 : i32
    %mul3A_102 = arith.constant 128 : i32
    %mul3A_103 = arith.muli %add3A_101, %mul3A_102 : i32
    %dma_start3A_104 = tpu.memref_slice %arg3[%mul3A_103] : memref<160000xi32, #tpu.memory_space<hbm>> -> memref<128xi32, #tpu.memory_space<hbm>>
    %dma_start3A_105 = tpu.memref_slice %arg3[%mul3A_103] : memref<160000xi32, #tpu.memory_space<hbm>> -> memref<128xi32, #tpu.memory_space<hbm>>
    tpu.enqueue_dma source(%dma_start3A_105 : memref<128xi32, #tpu.memory_space<hbm>>) target(%arg8 : memref<128xi32, #tpu.memory_space<vmem>>) target_semaphore(%arg13 : memref<!tpu.dma_semaphore, #tpu.memory_space<semaphore_mem>>)
    %mul3A_106 = arith.constant 128 : i32
    %mul3A_107 = arith.muli %add3A_101, %mul3A_106 : i32
    %dma_start3A_108 = arith.constant 1 : i32
    %dma_start3A_109 = arith.constant 0 : i32
    %dma_start3A_110 = arith.constant 0 : i32
    %dma_start3A_111 = tpu.memref_slice %arg2[%dma_start3A_108, %dma_start3A_109, %dma_start3A_110] : memref<3x160000x128xf32, #tpu.memory_space<hbm>> -> memref<1x160000x128xf32, #tpu.memory_space<hbm>>
    %dma_start3A_112 = tpu.memref_squeeze %dma_start3A_111 : memref<1x160000x128xf32, #tpu.memory_space<hbm>> -> memref<160000x128xf32, #tpu.memory_space<hbm>>
    %dma_start3A_113 = arith.constant 0 : i32
    %dma_start3A_114 = tpu.memref_slice %dma_start3A_112[%mul3A_107, %dma_start3A_113] : memref<160000x128xf32, #tpu.memory_space<hbm>> -> memref<128x128xf32, #tpu.memory_space<hbm>>
    %dma_start3A_115 = arith.constant 0 : i32
    %dma_start3A_116 = arith.constant 0 : i32
    %dma_start3A_117 = tpu.memref_slice %arg2[%dma_start3A_108, %dma_start3A_115, %dma_start3A_116] : memref<3x160000x128xf32, #tpu.memory_space<hbm>> -> memref<1x160000x128xf32, #tpu.memory_space<hbm>>
    %dma_start3A_118 = tpu.memref_squeeze %dma_start3A_117 : memref<1x160000x128xf32, #tpu.memory_space<hbm>> -> memref<160000x128xf32, #tpu.memory_space<hbm>>
    %dma_start3A_119 = arith.constant 0 : i32
    %dma_start3A_120 = tpu.memref_slice %dma_start3A_118[%mul3A_107, %dma_start3A_119] : memref<160000x128xf32, #tpu.memory_space<hbm>> -> memref<128x128xf32, #tpu.memory_space<hbm>>
    tpu.enqueue_dma source(%dma_start3A_120 : memref<128x128xf32, #tpu.memory_space<hbm>>) target(%arg10 : memref<128x128xf32, #tpu.memory_space<vmem>>) target_semaphore(%arg13 : memref<!tpu.dma_semaphore, #tpu.memory_space<semaphore_mem>>)
    %gt3A_121 = arith.constant 1 : i32
    %gt3A_122 = arith.cmpi sgt, %add3A_79, %gt3A_121 : i32
    %convert_element_type3A_123 = arith.extui %gt3A_122 : i1 to i32
    %cond3A_124 = arith.constant 0 : i32
    %cond3A_125 = arith.cmpi ne, %convert_element_type3A_123, %cond3A_124 : i32
    scf.if %cond3A_125 {
      %add3A_309 = arith.constant 32 : i32
      %add3A_310 = arith.addi %add3A, %add3A_309 : i32
      %mul3A_311 = arith.constant 128 : i32
      %mul3A_312 = arith.muli %add3A_310, %mul3A_311 : i32
      %dma_start3A_313 = tpu.memref_slice %arg3[%mul3A_312] : memref<160000xi32, #tpu.memory_space<hbm>> -> memref<128xi32, #tpu.memory_space<hbm>>
      %dma_start3A_314 = tpu.memref_slice %arg3[%mul3A_312] : memref<160000xi32, #tpu.memory_space<hbm>> -> memref<128xi32, #tpu.memory_space<hbm>>
      tpu.enqueue_dma source(%dma_start3A_314 : memref<128xi32, #tpu.memory_space<hbm>>) target(%arg9 : memref<128xi32, #tpu.memory_space<vmem>>) target_semaphore(%arg14 : memref<!tpu.dma_semaphore, #tpu.memory_space<semaphore_mem>>)
      %mul3A_315 = arith.constant 128 : i32
      %mul3A_316 = arith.muli %add3A_310, %mul3A_315 : i32
      %dma_start3A_317 = arith.constant 1 : i32
      %dma_start3A_318 = arith.constant 0 : i32
      %dma_start3A_319 = arith.constant 0 : i32
      %dma_start3A_320 = tpu.memref_slice %arg2[%dma_start3A_317, %dma_start3A_318, %dma_start3A_319] : memref<3x160000x128xf32, #tpu.memory_space<hbm>> -> memref<1x160000x128xf32, #tpu.memory_space<hbm>>
      %dma_start3A_321 = tpu.memref_squeeze %dma_start3A_320 : memref<1x160000x128xf32, #tpu.memory_space<hbm>> -> memref<160000x128xf32, #tpu.memory_space<hbm>>
      %dma_start3A_322 = arith.constant 0 : i32
      %dma_start3A_323 = tpu.memref_slice %dma_start3A_321[%mul3A_316, %dma_start3A_322] : memref<160000x128xf32, #tpu.memory_space<hbm>> -> memref<128x128xf32, #tpu.memory_space<hbm>>
      %dma_start3A_324 = arith.constant 0 : i32
      %dma_start3A_325 = arith.constant 0 : i32
      %dma_start3A_326 = tpu.memref_slice %arg2[%dma_start3A_317, %dma_start3A_324, %dma_start3A_325] : memref<3x160000x128xf32, #tpu.memory_space<hbm>> -> memref<1x160000x128xf32, #tpu.memory_space<hbm>>
      %dma_start3A_327 = tpu.memref_squeeze %dma_start3A_326 : memref<1x160000x128xf32, #tpu.memory_space<hbm>> -> memref<160000x128xf32, #tpu.memory_space<hbm>>
      %dma_start3A_328 = arith.constant 0 : i32
      %dma_start3A_329 = tpu.memref_slice %dma_start3A_327[%mul3A_316, %dma_start3A_328] : memref<160000x128xf32, #tpu.memory_space<hbm>> -> memref<128x128xf32, #tpu.memory_space<hbm>>
      tpu.enqueue_dma source(%dma_start3A_329 : memref<128x128xf32, #tpu.memory_space<hbm>>) target(%arg11 : memref<128x128xf32, #tpu.memory_space<vmem>>) target_semaphore(%arg14 : memref<!tpu.dma_semaphore, #tpu.memory_space<semaphore_mem>>)
    } else {
    }
    %scan3A_126 = arith.constant 0 : i32
    %scan3A_127 = arith.constant 0 : i32
    %scan3A_128 = arith.constant 20 : i32
    %scan3A_129 = arith.addi %scan3A_127, %scan3A_128 : i32
    %scan3A_130 = arith.constant 1 : i32
    scf.for %scan3A_309 = %scan3A_127 to %scan3A_129 step %scan3A_130  : i32 {
      %mul3A_310 = arith.constant 2 : i32
      %mul3A_311 = arith.muli %mul3A_310, %scan3A_309 : i32
      %add3A_312 = arith.constant 0 : i32
      %add3A_313 = arith.addi %mul3A_311, %add3A_312 : i32
      %lt3A_314 = arith.cmpi slt, %add3A_313, %add3A_79 : i32
      %convert_element_type3A_315 = arith.extui %lt3A_314 : i1 to i32
      %cond3A_316 = arith.constant 0 : i32
      %cond3A_317 = arith.cmpi ne, %convert_element_type3A_315, %cond3A_316 : i32
      scf.if %cond3A_317 {
        %dma_wait3A = arith.constant 0 : i32
        %dma_wait3A_326 = tpu.memref_slice %arg3[%dma_wait3A] : memref<160000xi32, #tpu.memory_space<hbm>> -> memref<128xi32, #tpu.memory_space<hbm>>
        %dma_wait3A_327 = arith.constant 0 : i32
        %dma_wait3A_328 = tpu.memref_slice %arg3[%dma_wait3A_327] : memref<160000xi32, #tpu.memory_space<hbm>> -> memref<128xi32, #tpu.memory_space<hbm>>
        tpu.wait_dma2 semaphore(%arg13 : memref<!tpu.dma_semaphore, #tpu.memory_space<semaphore_mem>>) src(%dma_wait3A_328 : memref<128xi32, #tpu.memory_space<hbm>>) dst(%arg8 : memref<128xi32, #tpu.memory_space<vmem>>)
        %dma_wait3A_329 = arith.constant 0 : i32
        %dma_wait3A_330 = arith.constant 0 : i32
        %dma_wait3A_331 = arith.constant 0 : i32
        %dma_wait3A_332 = tpu.memref_slice %arg2[%dma_wait3A_329, %dma_wait3A_330, %dma_wait3A_331] : memref<3x160000x128xf32, #tpu.memory_space<hbm>> -> memref<1x160000x128xf32, #tpu.memory_space<hbm>>
        %dma_wait3A_333 = tpu.memref_squeeze %dma_wait3A_332 : memref<1x160000x128xf32, #tpu.memory_space<hbm>> -> memref<160000x128xf32, #tpu.memory_space<hbm>>
        %dma_wait3A_334 = arith.constant 0 : i32
        %dma_wait3A_335 = arith.constant 0 : i32
        %dma_wait3A_336 = tpu.memref_slice %dma_wait3A_333[%dma_wait3A_334, %dma_wait3A_335] : memref<160000x128xf32, #tpu.memory_space<hbm>> -> memref<128x128xf32, #tpu.memory_space<hbm>>
        %dma_wait3A_337 = arith.constant 0 : i32
        %dma_wait3A_338 = arith.constant 0 : i32
        %dma_wait3A_339 = tpu.memref_slice %arg2[%dma_wait3A_329, %dma_wait3A_337, %dma_wait3A_338] : memref<3x160000x128xf32, #tpu.memory_space<hbm>> -> memref<1x160000x128xf32, #tpu.memory_space<hbm>>
        %dma_wait3A_340 = tpu.memref_squeeze %dma_wait3A_339 : memref<1x160000x128xf32, #tpu.memory_space<hbm>> -> memref<160000x128xf32, #tpu.memory_space<hbm>>
        %dma_wait3A_341 = arith.constant 0 : i32
        %dma_wait3A_342 = arith.constant 0 : i32
        %dma_wait3A_343 = tpu.memref_slice %dma_wait3A_340[%dma_wait3A_341, %dma_wait3A_342] : memref<160000x128xf32, #tpu.memory_space<hbm>> -> memref<128x128xf32, #tpu.memory_space<hbm>>
        tpu.wait_dma2 semaphore(%arg13 : memref<!tpu.dma_semaphore, #tpu.memory_space<semaphore_mem>>) src(%dma_wait3A_343 : memref<128x128xf32, #tpu.memory_space<hbm>>) dst(%arg10 : memref<128x128xf32, #tpu.memory_space<vmem>>)
        "tpu.region"() ({
          %run_scoped3A = tpu.sem_alloc : memref<!tpu.dma_semaphore, #tpu.memory_space<semaphore_mem>>
          %dma_start3A_350 = arith.constant 0 : i32
          %dma_start3A_351 = arith.constant 0 : i32
          %dma_start3A_352 = tpu.memref_slice %arg12[%dma_start3A_350, %dma_start3A_351] : memref<10000x128xf32, #tpu.memory_space<vmem_shared>> -> memref<10000x128xf32, #tpu.memory_space<vmem_shared>>
          tpu.enqueue_indirect_dma source(%arg10 : memref<128x128xf32, #tpu.memory_space<vmem>>) target(%dma_start3A_352 : memref<10000x128xf32, #tpu.memory_space<vmem_shared>>) offsets(%arg8 : memref<128xi32, #tpu.memory_space<vmem>>) semaphore(%run_scoped3A : memref<!tpu.dma_semaphore, #tpu.memory_space<semaphore_mem>>) {add = true}
          %dma_wait3A_353 = arith.constant 0 : i32
          %dma_wait3A_354 = arith.constant 0 : i32
          %dma_wait3A_355 = tpu.memref_slice %arg12[%dma_wait3A_353, %dma_wait3A_354] : memref<10000x128xf32, #tpu.memory_space<vmem_shared>> -> memref<10000x128xf32, #tpu.memory_space<vmem_shared>>
          tpu.wait_indirect_dma semaphore(%run_scoped3A : memref<!tpu.dma_semaphore, #tpu.memory_space<semaphore_mem>>) src(%arg10 : memref<128x128xf32, #tpu.memory_space<vmem>>) dst(%dma_wait3A_355 : memref<10000x128xf32, #tpu.memory_space<vmem_shared>>)
          tpu.yield
        }) : () -> ()
        %add3A_344 = arith.constant 2 : i32
        %add3A_345 = arith.addi %add3A_313, %add3A_344 : i32
        %lt3A_346 = arith.cmpi slt, %add3A_345, %add3A_79 : i32
        %convert_element_type3A_347 = arith.extui %lt3A_346 : i1 to i32
        %cond3A_348 = arith.constant 0 : i32
        %cond3A_349 = arith.cmpi ne, %convert_element_type3A_347, %cond3A_348 : i32
        scf.if %cond3A_349 {
          %add3A_350 = arith.constant 2 : i32
          %add3A_351 = arith.addi %add3A_313, %add3A_350 : i32
          %mul3A_352 = arith.constant 32 : i32
          %mul3A_353 = arith.muli %mul3A_352, %add3A_351 : i32
          %add3A_354 = arith.addi %add3A, %mul3A_353 : i32
          %mul3A_355 = arith.constant 128 : i32
          %mul3A_356 = arith.muli %add3A_354, %mul3A_355 : i32
          %dma_start3A_357 = tpu.memref_slice %arg3[%mul3A_356] : memref<160000xi32, #tpu.memory_space<hbm>> -> memref<128xi32, #tpu.memory_space<hbm>>
          %dma_start3A_358 = tpu.memref_slice %arg3[%mul3A_356] : memref<160000xi32, #tpu.memory_space<hbm>> -> memref<128xi32, #tpu.memory_space<hbm>>
          tpu.enqueue_dma source(%dma_start3A_358 : memref<128xi32, #tpu.memory_space<hbm>>) target(%arg8 : memref<128xi32, #tpu.memory_space<vmem>>) target_semaphore(%arg13 : memref<!tpu.dma_semaphore, #tpu.memory_space<semaphore_mem>>)
          %mul3A_359 = arith.constant 128 : i32
          %mul3A_360 = arith.muli %add3A_354, %mul3A_359 : i32
          %dma_start3A_361 = arith.constant 1 : i32
          %dma_start3A_362 = arith.constant 0 : i32
          %dma_start3A_363 = arith.constant 0 : i32
          %dma_start3A_364 = tpu.memref_slice %arg2[%dma_start3A_361, %dma_start3A_362, %dma_start3A_363] : memref<3x160000x128xf32, #tpu.memory_space<hbm>> -> memref<1x160000x128xf32, #tpu.memory_space<hbm>>
          %dma_start3A_365 = tpu.memref_squeeze %dma_start3A_364 : memref<1x160000x128xf32, #tpu.memory_space<hbm>> -> memref<160000x128xf32, #tpu.memory_space<hbm>>
          %dma_start3A_366 = arith.constant 0 : i32
          %dma_start3A_367 = tpu.memref_slice %dma_start3A_365[%mul3A_360, %dma_start3A_366] : memref<160000x128xf32, #tpu.memory_space<hbm>> -> memref<128x128xf32, #tpu.memory_space<hbm>>
          %dma_start3A_368 = arith.constant 0 : i32
          %dma_start3A_369 = arith.constant 0 : i32
          %dma_start3A_370 = tpu.memref_slice %arg2[%dma_start3A_361, %dma_start3A_368, %dma_start3A_369] : memref<3x160000x128xf32, #tpu.memory_space<hbm>> -> memref<1x160000x128xf32, #tpu.memory_space<hbm>>
          %dma_start3A_371 = tpu.memref_squeeze %dma_start3A_370 : memref<1x160000x128xf32, #tpu.memory_space<hbm>> -> memref<160000x128xf32, #tpu.memory_space<hbm>>
          %dma_start3A_372 = arith.constant 0 : i32
          %dma_start3A_373 = tpu.memref_slice %dma_start3A_371[%mul3A_360, %dma_start3A_372] : memref<160000x128xf32, #tpu.memory_space<hbm>> -> memref<128x128xf32, #tpu.memory_space<hbm>>
          tpu.enqueue_dma source(%dma_start3A_373 : memref<128x128xf32, #tpu.memory_space<hbm>>) target(%arg10 : memref<128x128xf32, #tpu.memory_space<vmem>>) target_semaphore(%arg13 : memref<!tpu.dma_semaphore, #tpu.memory_space<semaphore_mem>>)
        } else {
        }
      } else {
      }
      %mul3A_318 = arith.constant 2 : i32
      %mul3A_319 = arith.muli %mul3A_318, %scan3A_309 : i32
      %add3A_320 = arith.constant 1 : i32
      %add3A_321 = arith.addi %mul3A_319, %add3A_320 : i32
      %lt3A_322 = arith.cmpi slt, %add3A_321, %add3A_79 : i32
      %convert_element_type3A_323 = arith.extui %lt3A_322 : i1 to i32
      %cond3A_324 = arith.constant 0 : i32
      %cond3A_325 = arith.cmpi ne, %convert_element_type3A_323, %cond3A_324 : i32
      scf.if %cond3A_325 {
        %dma_wait3A = arith.constant 0 : i32
        %dma_wait3A_326 = tpu.memref_slice %arg3[%dma_wait3A] : memref<160000xi32, #tpu.memory_space<hbm>> -> memref<128xi32, #tpu.memory_space<hbm>>
        %dma_wait3A_327 = arith.constant 0 : i32
        %dma_wait3A_328 = tpu.memref_slice %arg3[%dma_wait3A_327] : memref<160000xi32, #tpu.memory_space<hbm>> -> memref<128xi32, #tpu.memory_space<hbm>>
        tpu.wait_dma2 semaphore(%arg14 : memref<!tpu.dma_semaphore, #tpu.memory_space<semaphore_mem>>) src(%dma_wait3A_328 : memref<128xi32, #tpu.memory_space<hbm>>) dst(%arg9 : memref<128xi32, #tpu.memory_space<vmem>>)
        %dma_wait3A_329 = arith.constant 0 : i32
        %dma_wait3A_330 = arith.constant 0 : i32
        %dma_wait3A_331 = arith.constant 0 : i32
        %dma_wait3A_332 = tpu.memref_slice %arg2[%dma_wait3A_329, %dma_wait3A_330, %dma_wait3A_331] : memref<3x160000x128xf32, #tpu.memory_space<hbm>> -> memref<1x160000x128xf32, #tpu.memory_space<hbm>>
        %dma_wait3A_333 = tpu.memref_squeeze %dma_wait3A_332 : memref<1x160000x128xf32, #tpu.memory_space<hbm>> -> memref<160000x128xf32, #tpu.memory_space<hbm>>
        %dma_wait3A_334 = arith.constant 0 : i32
        %dma_wait3A_335 = arith.constant 0 : i32
        %dma_wait3A_336 = tpu.memref_slice %dma_wait3A_333[%dma_wait3A_334, %dma_wait3A_335] : memref<160000x128xf32, #tpu.memory_space<hbm>> -> memref<128x128xf32, #tpu.memory_space<hbm>>
        %dma_wait3A_337 = arith.constant 0 : i32
        %dma_wait3A_338 = arith.constant 0 : i32
        %dma_wait3A_339 = tpu.memref_slice %arg2[%dma_wait3A_329, %dma_wait3A_337, %dma_wait3A_338] : memref<3x160000x128xf32, #tpu.memory_space<hbm>> -> memref<1x160000x128xf32, #tpu.memory_space<hbm>>
        %dma_wait3A_340 = tpu.memref_squeeze %dma_wait3A_339 : memref<1x160000x128xf32, #tpu.memory_space<hbm>> -> memref<160000x128xf32, #tpu.memory_space<hbm>>
        %dma_wait3A_341 = arith.constant 0 : i32
        %dma_wait3A_342 = arith.constant 0 : i32
        %dma_wait3A_343 = tpu.memref_slice %dma_wait3A_340[%dma_wait3A_341, %dma_wait3A_342] : memref<160000x128xf32, #tpu.memory_space<hbm>> -> memref<128x128xf32, #tpu.memory_space<hbm>>
        tpu.wait_dma2 semaphore(%arg14 : memref<!tpu.dma_semaphore, #tpu.memory_space<semaphore_mem>>) src(%dma_wait3A_343 : memref<128x128xf32, #tpu.memory_space<hbm>>) dst(%arg11 : memref<128x128xf32, #tpu.memory_space<vmem>>)
        "tpu.region"() ({
          %run_scoped3A = tpu.sem_alloc : memref<!tpu.dma_semaphore, #tpu.memory_space<semaphore_mem>>
          %dma_start3A_350 = arith.constant 0 : i32
          %dma_start3A_351 = arith.constant 0 : i32
          %dma_start3A_352 = tpu.memref_slice %arg12[%dma_start3A_350, %dma_start3A_351] : memref<10000x128xf32, #tpu.memory_space<vmem_shared>> -> memref<10000x128xf32, #tpu.memory_space<vmem_shared>>
          tpu.enqueue_indirect_dma source(%arg11 : memref<128x128xf32, #tpu.memory_space<vmem>>) target(%dma_start3A_352 : memref<10000x128xf32, #tpu.memory_space<vmem_shared>>) offsets(%arg9 : memref<128xi32, #tpu.memory_space<vmem>>) semaphore(%run_scoped3A : memref<!tpu.dma_semaphore, #tpu.memory_space<semaphore_mem>>) {add = true}
          %dma_wait3A_353 = arith.constant 0 : i32
          %dma_wait3A_354 = arith.constant 0 : i32
          %dma_wait3A_355 = tpu.memref_slice %arg12[%dma_wait3A_353, %dma_wait3A_354] : memref<10000x128xf32, #tpu.memory_space<vmem_shared>> -> memref<10000x128xf32, #tpu.memory_space<vmem_shared>>
          tpu.wait_indirect_dma semaphore(%run_scoped3A : memref<!tpu.dma_semaphore, #tpu.memory_space<semaphore_mem>>) src(%arg11 : memref<128x128xf32, #tpu.memory_space<vmem>>) dst(%dma_wait3A_355 : memref<10000x128xf32, #tpu.memory_space<vmem_shared>>)
          tpu.yield
        }) : () -> ()
        %add3A_344 = arith.constant 2 : i32
        %add3A_345 = arith.addi %add3A_321, %add3A_344 : i32
        %lt3A_346 = arith.cmpi slt, %add3A_345, %add3A_79 : i32
        %convert_element_type3A_347 = arith.extui %lt3A_346 : i1 to i32
        %cond3A_348 = arith.constant 0 : i32
        %cond3A_349 = arith.cmpi ne, %convert_element_type3A_347, %cond3A_348 : i32
        scf.if %cond3A_349 {
          %add3A_350 = arith.constant 2 : i32
          %add3A_351 = arith.addi %add3A_321, %add3A_350 : i32
          %mul3A_352 = arith.constant 32 : i32
          %mul3A_353 = arith.muli %mul3A_352, %add3A_351 : i32
          %add3A_354 = arith.addi %add3A, %mul3A_353 : i32
          %mul3A_355 = arith.constant 128 : i32
          %mul3A_356 = arith.muli %add3A_354, %mul3A_355 : i32
          %dma_start3A_357 = tpu.memref_slice %arg3[%mul3A_356] : memref<160000xi32, #tpu.memory_space<hbm>> -> memref<128xi32, #tpu.memory_space<hbm>>
          %dma_start3A_358 = tpu.memref_slice %arg3[%mul3A_356] : memref<160000xi32, #tpu.memory_space<hbm>> -> memref<128xi32, #tpu.memory_space<hbm>>
          tpu.enqueue_dma source(%dma_start3A_358 : memref<128xi32, #tpu.memory_space<hbm>>) target(%arg9 : memref<128xi32, #tpu.memory_space<vmem>>) target_semaphore(%arg14 : memref<!tpu.dma_semaphore, #tpu.memory_space<semaphore_mem>>)
          %mul3A_359 = arith.constant 128 : i32
          %mul3A_360 = arith.muli %add3A_354, %mul3A_359 : i32
          %dma_start3A_361 = arith.constant 1 : i32
          %dma_start3A_362 = arith.constant 0 : i32
          %dma_start3A_363 = arith.constant 0 : i32
          %dma_start3A_364 = tpu.memref_slice %arg2[%dma_start3A_361, %dma_start3A_362, %dma_start3A_363] : memref<3x160000x128xf32, #tpu.memory_space<hbm>> -> memref<1x160000x128xf32, #tpu.memory_space<hbm>>
          %dma_start3A_365 = tpu.memref_squeeze %dma_start3A_364 : memref<1x160000x128xf32, #tpu.memory_space<hbm>> -> memref<160000x128xf32, #tpu.memory_space<hbm>>
          %dma_start3A_366 = arith.constant 0 : i32
          %dma_start3A_367 = tpu.memref_slice %dma_start3A_365[%mul3A_360, %dma_start3A_366] : memref<160000x128xf32, #tpu.memory_space<hbm>> -> memref<128x128xf32, #tpu.memory_space<hbm>>
          %dma_start3A_368 = arith.constant 0 : i32
          %dma_start3A_369 = arith.constant 0 : i32
          %dma_start3A_370 = tpu.memref_slice %arg2[%dma_start3A_361, %dma_start3A_368, %dma_start3A_369] : memref<3x160000x128xf32, #tpu.memory_space<hbm>> -> memref<1x160000x128xf32, #tpu.memory_space<hbm>>
          %dma_start3A_371 = tpu.memref_squeeze %dma_start3A_370 : memref<1x160000x128xf32, #tpu.memory_space<hbm>> -> memref<160000x128xf32, #tpu.memory_space<hbm>>
          %dma_start3A_372 = arith.constant 0 : i32
          %dma_start3A_373 = tpu.memref_slice %dma_start3A_371[%mul3A_360, %dma_start3A_372] : memref<160000x128xf32, #tpu.memory_space<hbm>> -> memref<128x128xf32, #tpu.memory_space<hbm>>
          tpu.enqueue_dma source(%dma_start3A_373 : memref<128x128xf32, #tpu.memory_space<hbm>>) target(%arg11 : memref<128x128xf32, #tpu.memory_space<vmem>>) target_semaphore(%arg14 : memref<!tpu.dma_semaphore, #tpu.memory_space<semaphore_mem>>)
        } else {
        }
      } else {
      }
    }
    %scan3A_131 = arith.constant 20 : i32
    %barrier3A_132 = arith.constant 0 : index
    tpu.barrier barrier_id(%barrier3A_132)
    %lt3A_133 = arith.constant 2 : i32
    %lt3A_134 = arith.cmpi slt, %arg1, %lt3A_133 : i32
    %mul3A_135 = arith.constant 632 : i32
    %mul3A_136 = arith.muli %arg1, %mul3A_135 : i32
    %mul3A_137 = arith.constant 624 : i32
    %mul3A_138 = arith.muli %arg1, %mul3A_137 : i32
    %add3A_139 = arith.constant 16 : i32
    %add3A_140 = arith.addi %add3A_139, %mul3A_138 : i32
    %select_n3A_141 = arith.select %lt3A_134, %mul3A_136, %add3A_140 : i32
    %lt3A_142 = arith.constant 2 : i32
    %lt3A_143 = arith.cmpi slt, %arg1, %lt3A_142 : i32
    %convert_element_type3A_144 = arith.extui %lt3A_143 : i1 to i32
    %cond3A_145 = arith.constant 1 : i32
    %cond3A_146 = arith.constant 0 : i32
    %cond3A_147 = arith.cmpi ne, %convert_element_type3A_144, %cond3A_146 : i32
    scf.if %cond3A_147 {
      "tpu.region"() ({
        %run_scoped3A = tpu.sem_alloc : memref<!tpu.dma_semaphore, #tpu.memory_space<semaphore_mem>>
        %dma_start3A_309 = arith.constant 0 : i32
        %dma_start3A_310 = arith.constant 0 : i32
        %dma_start3A_311 = arith.constant 0 : i32
        %dma_start3A_312 = tpu.memref_slice %arg6[%cond3A_145, %dma_start3A_309, %dma_start3A_310, %dma_start3A_311] : memref<3x2x10000x128xf32, #tpu.memory_space<hbm>> -> memref<1x2x10000x128xf32, #tpu.memory_space<hbm>>
        %dma_start3A_313 = tpu.memref_squeeze %dma_start3A_312 : memref<1x2x10000x128xf32, #tpu.memory_space<hbm>> -> memref<2x10000x128xf32, #tpu.memory_space<hbm>>
        %dma_start3A_314 = arith.constant 0 : i32
        %dma_start3A_315 = arith.constant 0 : i32
        %dma_start3A_316 = tpu.memref_slice %dma_start3A_313[%arg0, %dma_start3A_314, %dma_start3A_315] : memref<2x10000x128xf32, #tpu.memory_space<hbm>> -> memref<1x10000x128xf32, #tpu.memory_space<hbm>>
        %dma_start3A_317 = tpu.memref_squeeze %dma_start3A_316 : memref<1x10000x128xf32, #tpu.memory_space<hbm>> -> memref<10000x128xf32, #tpu.memory_space<hbm>>
        %dma_start3A_318 = arith.constant 0 : i32
        %dma_start3A_319 = tpu.memref_slice %dma_start3A_317[%select_n3A_141, %dma_start3A_318] : memref<10000x128xf32, #tpu.memory_space<hbm>> -> memref<632x128xf32, #tpu.memory_space<hbm>>
        %dma_start3A_320 = arith.constant 0 : i32
        %dma_start3A_321 = tpu.memref_slice %arg12[%select_n3A_141, %dma_start3A_320] : memref<10000x128xf32, #tpu.memory_space<vmem_shared>> -> memref<632x128xf32, #tpu.memory_space<vmem_shared>>
        tpu.enqueue_dma source(%dma_start3A_321 : memref<632x128xf32, #tpu.memory_space<vmem_shared>>) target(%dma_start3A_319 : memref<632x128xf32, #tpu.memory_space<hbm>>) target_semaphore(%run_scoped3A : memref<!tpu.dma_semaphore, #tpu.memory_space<semaphore_mem>>)
        %dma_wait3A = arith.constant 0 : i32
        %dma_wait3A_322 = arith.constant 0 : i32
        %dma_wait3A_323 = arith.constant 0 : i32
        %dma_wait3A_324 = tpu.memref_slice %arg6[%cond3A_145, %dma_wait3A, %dma_wait3A_322, %dma_wait3A_323] : memref<3x2x10000x128xf32, #tpu.memory_space<hbm>> -> memref<1x2x10000x128xf32, #tpu.memory_space<hbm>>
        %dma_wait3A_325 = tpu.memref_squeeze %dma_wait3A_324 : memref<1x2x10000x128xf32, #tpu.memory_space<hbm>> -> memref<2x10000x128xf32, #tpu.memory_space<hbm>>
        %dma_wait3A_326 = arith.constant 0 : i32
        %dma_wait3A_327 = arith.constant 0 : i32
        %dma_wait3A_328 = tpu.memref_slice %dma_wait3A_325[%arg0, %dma_wait3A_326, %dma_wait3A_327] : memref<2x10000x128xf32, #tpu.memory_space<hbm>> -> memref<1x10000x128xf32, #tpu.memory_space<hbm>>
        %dma_wait3A_329 = tpu.memref_squeeze %dma_wait3A_328 : memref<1x10000x128xf32, #tpu.memory_space<hbm>> -> memref<10000x128xf32, #tpu.memory_space<hbm>>
        %dma_wait3A_330 = arith.constant 0 : i32
        %dma_wait3A_331 = tpu.memref_slice %dma_wait3A_329[%select_n3A_141, %dma_wait3A_330] : memref<10000x128xf32, #tpu.memory_space<hbm>> -> memref<632x128xf32, #tpu.memory_space<hbm>>
        %dma_wait3A_332 = arith.constant 0 : i32
        %dma_wait3A_333 = tpu.memref_slice %arg12[%select_n3A_141, %dma_wait3A_332] : memref<10000x128xf32, #tpu.memory_space<vmem_shared>> -> memref<632x128xf32, #tpu.memory_space<vmem_shared>>
        tpu.wait_dma2 semaphore(%run_scoped3A : memref<!tpu.dma_semaphore, #tpu.memory_space<semaphore_mem>>) src(%dma_wait3A_333 : memref<632x128xf32, #tpu.memory_space<vmem_shared>>) dst(%dma_wait3A_331 : memref<632x128xf32, #tpu.memory_space<hbm>>)
        tpu.yield
      }) : () -> ()
    } else {
    }
    %ge3A_148 = arith.constant 2 : i32
    %ge3A_149 = arith.cmpi sge, %arg1, %ge3A_148 : i32
    %convert_element_type3A_150 = arith.extui %ge3A_149 : i1 to i32
    %cond3A_151 = arith.constant 1 : i32
    %cond3A_152 = arith.constant 0 : i32
    %cond3A_153 = arith.cmpi ne, %convert_element_type3A_150, %cond3A_152 : i32
    scf.if %cond3A_153 {
      "tpu.region"() ({
        %run_scoped3A = tpu.sem_alloc : memref<!tpu.dma_semaphore, #tpu.memory_space<semaphore_mem>>
        %dma_start3A_309 = arith.constant 0 : i32
        %dma_start3A_310 = arith.constant 0 : i32
        %dma_start3A_311 = arith.constant 0 : i32
        %dma_start3A_312 = tpu.memref_slice %arg6[%cond3A_151, %dma_start3A_309, %dma_start3A_310, %dma_start3A_311] : memref<3x2x10000x128xf32, #tpu.memory_space<hbm>> -> memref<1x2x10000x128xf32, #tpu.memory_space<hbm>>
        %dma_start3A_313 = tpu.memref_squeeze %dma_start3A_312 : memref<1x2x10000x128xf32, #tpu.memory_space<hbm>> -> memref<2x10000x128xf32, #tpu.memory_space<hbm>>
        %dma_start3A_314 = arith.constant 0 : i32
        %dma_start3A_315 = arith.constant 0 : i32
        %dma_start3A_316 = tpu.memref_slice %dma_start3A_313[%arg0, %dma_start3A_314, %dma_start3A_315] : memref<2x10000x128xf32, #tpu.memory_space<hbm>> -> memref<1x10000x128xf32, #tpu.memory_space<hbm>>
        %dma_start3A_317 = tpu.memref_squeeze %dma_start3A_316 : memref<1x10000x128xf32, #tpu.memory_space<hbm>> -> memref<10000x128xf32, #tpu.memory_space<hbm>>
        %dma_start3A_318 = arith.constant 0 : i32
        %dma_start3A_319 = tpu.memref_slice %dma_start3A_317[%select_n3A_141, %dma_start3A_318] : memref<10000x128xf32, #tpu.memory_space<hbm>> -> memref<624x128xf32, #tpu.memory_space<hbm>>
        %dma_start3A_320 = arith.constant 0 : i32
        %dma_start3A_321 = tpu.memref_slice %arg12[%select_n3A_141, %dma_start3A_320] : memref<10000x128xf32, #tpu.memory_space<vmem_shared>> -> memref<624x128xf32, #tpu.memory_space<vmem_shared>>
        tpu.enqueue_dma source(%dma_start3A_321 : memref<624x128xf32, #tpu.memory_space<vmem_shared>>) target(%dma_start3A_319 : memref<624x128xf32, #tpu.memory_space<hbm>>) target_semaphore(%run_scoped3A : memref<!tpu.dma_semaphore, #tpu.memory_space<semaphore_mem>>)
        %dma_wait3A = arith.constant 0 : i32
        %dma_wait3A_322 = arith.constant 0 : i32
        %dma_wait3A_323 = arith.constant 0 : i32
        %dma_wait3A_324 = tpu.memref_slice %arg6[%cond3A_151, %dma_wait3A, %dma_wait3A_322, %dma_wait3A_323] : memref<3x2x10000x128xf32, #tpu.memory_space<hbm>> -> memref<1x2x10000x128xf32, #tpu.memory_space<hbm>>
        %dma_wait3A_325 = tpu.memref_squeeze %dma_wait3A_324 : memref<1x2x10000x128xf32, #tpu.memory_space<hbm>> -> memref<2x10000x128xf32, #tpu.memory_space<hbm>>
        %dma_wait3A_326 = arith.constant 0 : i32
        %dma_wait3A_327 = arith.constant 0 : i32
        %dma_wait3A_328 = tpu.memref_slice %dma_wait3A_325[%arg0, %dma_wait3A_326, %dma_wait3A_327] : memref<2x10000x128xf32, #tpu.memory_space<hbm>> -> memref<1x10000x128xf32, #tpu.memory_space<hbm>>
        %dma_wait3A_329 = tpu.memref_squeeze %dma_wait3A_328 : memref<1x10000x128xf32, #tpu.memory_space<hbm>> -> memref<10000x128xf32, #tpu.memory_space<hbm>>
        %dma_wait3A_330 = arith.constant 0 : i32
        %dma_wait3A_331 = tpu.memref_slice %dma_wait3A_329[%select_n3A_141, %dma_wait3A_330] : memref<10000x128xf32, #tpu.memory_space<hbm>> -> memref<624x128xf32, #tpu.memory_space<hbm>>
        %dma_wait3A_332 = arith.constant 0 : i32
        %dma_wait3A_333 = tpu.memref_slice %arg12[%select_n3A_141, %dma_wait3A_332] : memref<10000x128xf32, #tpu.memory_space<vmem_shared>> -> memref<624x128xf32, #tpu.memory_space<vmem_shared>>
        tpu.wait_dma2 semaphore(%run_scoped3A : memref<!tpu.dma_semaphore, #tpu.memory_space<semaphore_mem>>) src(%dma_wait3A_333 : memref<624x128xf32, #tpu.memory_space<vmem_shared>>) dst(%dma_wait3A_331 : memref<624x128xf32, #tpu.memory_space<hbm>>)
        tpu.yield
      }) : () -> ()
    } else {
    }
    %barrier3A_154 = arith.constant 0 : index
    tpu.barrier barrier_id(%barrier3A_154)
    %lt3A_155 = arith.constant 2 : i32
    %lt3A_156 = arith.cmpi slt, %add3A, %lt3A_155 : i32
    %jit3A_157 = arith.constant 1 : i32
    %jit3A_158 = arith.constant 0 : i32
    %select_n3A_159 = arith.select %lt3A_156, %jit3A_157, %jit3A_158 : i32
    %add3A_160 = arith.constant 39 : i32
    %add3A_161 = arith.addi %add3A_160, %select_n3A_159 : i32
    %lt3A_162 = arith.constant 2 : i32
    %lt3A_163 = arith.cmpi slt, %arg1, %lt3A_162 : i32
    %mul3A_164 = arith.constant 632 : i32
    %mul3A_165 = arith.muli %arg1, %mul3A_164 : i32
    %mul3A_166 = arith.constant 624 : i32
    %mul3A_167 = arith.muli %arg1, %mul3A_166 : i32
    %add3A_168 = arith.constant 16 : i32
    %add3A_169 = arith.addi %add3A_168, %mul3A_167 : i32
    %select_n3A_170 = arith.select %lt3A_163, %mul3A_165, %add3A_169 : i32
    %lt3A_171 = arith.constant 2 : i32
    %lt3A_172 = arith.cmpi slt, %arg1, %lt3A_171 : i32
    %convert_element_type3A_173 = arith.extui %lt3A_172 : i1 to i32
    %cond3A_174 = arith.constant 0 : i32
    %cond3A_175 = arith.cmpi ne, %convert_element_type3A_173, %cond3A_174 : i32
    scf.if %cond3A_175 {
      "tpu.region"() ({
        %run_scoped3A = tpu.sem_alloc : memref<!tpu.dma_semaphore, #tpu.memory_space<semaphore_mem>>
        %dma_start3A_309 = arith.constant 0 : i32
        %dma_start3A_310 = tpu.memref_slice %arg12[%select_n3A_170, %dma_start3A_309] : memref<10000x128xf32, #tpu.memory_space<vmem_shared>> -> memref<632x128xf32, #tpu.memory_space<vmem_shared>>
        tpu.enqueue_dma source(%arg5 : memref<632x128xf32, #tpu.memory_space<hbm>>) target(%dma_start3A_310 : memref<632x128xf32, #tpu.memory_space<vmem_shared>>) target_semaphore(%run_scoped3A : memref<!tpu.dma_semaphore, #tpu.memory_space<semaphore_mem>>)
        %dma_wait3A = arith.constant 0 : i32
        %dma_wait3A_311 = tpu.memref_slice %arg12[%select_n3A_170, %dma_wait3A] : memref<10000x128xf32, #tpu.memory_space<vmem_shared>> -> memref<632x128xf32, #tpu.memory_space<vmem_shared>>
        tpu.wait_dma2 semaphore(%run_scoped3A : memref<!tpu.dma_semaphore, #tpu.memory_space<semaphore_mem>>) src(%arg5 : memref<632x128xf32, #tpu.memory_space<hbm>>) dst(%dma_wait3A_311 : memref<632x128xf32, #tpu.memory_space<vmem_shared>>)
        tpu.yield
      }) : () -> ()
    } else {
    }
    %ge3A_176 = arith.constant 2 : i32
    %ge3A_177 = arith.cmpi sge, %arg1, %ge3A_176 : i32
    %convert_element_type3A_178 = arith.extui %ge3A_177 : i1 to i32
    %cond3A_179 = arith.constant 0 : i32
    %cond3A_180 = arith.cmpi ne, %convert_element_type3A_178, %cond3A_179 : i32
    scf.if %cond3A_180 {
      "tpu.region"() ({
        %run_scoped3A = tpu.sem_alloc : memref<!tpu.dma_semaphore, #tpu.memory_space<semaphore_mem>>
        %dma_start3A_309 = arith.constant 0 : i32
        %dma_start3A_310 = tpu.memref_slice %arg12[%select_n3A_170, %dma_start3A_309] : memref<10000x128xf32, #tpu.memory_space<vmem_shared>> -> memref<624x128xf32, #tpu.memory_space<vmem_shared>>
        %dma_start3A_311 = arith.constant 0 : i32
        %dma_start3A_312 = arith.constant 0 : i32
        %dma_start3A_313 = tpu.memref_slice %arg5[%dma_start3A_311, %dma_start3A_312] : memref<632x128xf32, #tpu.memory_space<hbm>> -> memref<624x128xf32, #tpu.memory_space<hbm>>
        tpu.enqueue_dma source(%dma_start3A_313 : memref<624x128xf32, #tpu.memory_space<hbm>>) target(%dma_start3A_310 : memref<624x128xf32, #tpu.memory_space<vmem_shared>>) target_semaphore(%run_scoped3A : memref<!tpu.dma_semaphore, #tpu.memory_space<semaphore_mem>>)
        %dma_wait3A = arith.constant 0 : i32
        %dma_wait3A_314 = tpu.memref_slice %arg12[%select_n3A_170, %dma_wait3A] : memref<10000x128xf32, #tpu.memory_space<vmem_shared>> -> memref<624x128xf32, #tpu.memory_space<vmem_shared>>
        %dma_wait3A_315 = arith.constant 0 : i32
        %dma_wait3A_316 = arith.constant 0 : i32
        %dma_wait3A_317 = tpu.memref_slice %arg5[%dma_wait3A_315, %dma_wait3A_316] : memref<632x128xf32, #tpu.memory_space<hbm>> -> memref<624x128xf32, #tpu.memory_space<hbm>>
        tpu.wait_dma2 semaphore(%run_scoped3A : memref<!tpu.dma_semaphore, #tpu.memory_space<semaphore_mem>>) src(%dma_wait3A_317 : memref<624x128xf32, #tpu.memory_space<hbm>>) dst(%dma_wait3A_314 : memref<624x128xf32, #tpu.memory_space<vmem_shared>>)
        tpu.yield
      }) : () -> ()
    } else {
    }
    %barrier3A_181 = arith.constant 0 : index
    tpu.barrier barrier_id(%barrier3A_181)
    %add3A_182 = arith.constant 0 : i32
    %add3A_183 = arith.addi %add3A, %add3A_182 : i32
    %mul3A_184 = arith.constant 128 : i32
    %mul3A_185 = arith.muli %add3A_183, %mul3A_184 : i32
    %dma_start3A_186 = tpu.memref_slice %arg3[%mul3A_185] : memref<160000xi32, #tpu.memory_space<hbm>> -> memref<128xi32, #tpu.memory_space<hbm>>
    %dma_start3A_187 = tpu.memref_slice %arg3[%mul3A_185] : memref<160000xi32, #tpu.memory_space<hbm>> -> memref<128xi32, #tpu.memory_space<hbm>>
    tpu.enqueue_dma source(%dma_start3A_187 : memref<128xi32, #tpu.memory_space<hbm>>) target(%arg8 : memref<128xi32, #tpu.memory_space<vmem>>) target_semaphore(%arg13 : memref<!tpu.dma_semaphore, #tpu.memory_space<semaphore_mem>>)
    %mul3A_188 = arith.constant 128 : i32
    %mul3A_189 = arith.muli %add3A_183, %mul3A_188 : i32
    %dma_start3A_190 = arith.constant 2 : i32
    %dma_start3A_191 = arith.constant 0 : i32
    %dma_start3A_192 = arith.constant 0 : i32
    %dma_start3A_193 = tpu.memref_slice %arg2[%dma_start3A_190, %dma_start3A_191, %dma_start3A_192] : memref<3x160000x128xf32, #tpu.memory_space<hbm>> -> memref<1x160000x128xf32, #tpu.memory_space<hbm>>
    %dma_start3A_194 = tpu.memref_squeeze %dma_start3A_193 : memref<1x160000x128xf32, #tpu.memory_space<hbm>> -> memref<160000x128xf32, #tpu.memory_space<hbm>>
    %dma_start3A_195 = arith.constant 0 : i32
    %dma_start3A_196 = tpu.memref_slice %dma_start3A_194[%mul3A_189, %dma_start3A_195] : memref<160000x128xf32, #tpu.memory_space<hbm>> -> memref<128x128xf32, #tpu.memory_space<hbm>>
    %dma_start3A_197 = arith.constant 0 : i32
    %dma_start3A_198 = arith.constant 0 : i32
    %dma_start3A_199 = tpu.memref_slice %arg2[%dma_start3A_190, %dma_start3A_197, %dma_start3A_198] : memref<3x160000x128xf32, #tpu.memory_space<hbm>> -> memref<1x160000x128xf32, #tpu.memory_space<hbm>>
    %dma_start3A_200 = tpu.memref_squeeze %dma_start3A_199 : memref<1x160000x128xf32, #tpu.memory_space<hbm>> -> memref<160000x128xf32, #tpu.memory_space<hbm>>
    %dma_start3A_201 = arith.constant 0 : i32
    %dma_start3A_202 = tpu.memref_slice %dma_start3A_200[%mul3A_189, %dma_start3A_201] : memref<160000x128xf32, #tpu.memory_space<hbm>> -> memref<128x128xf32, #tpu.memory_space<hbm>>
    tpu.enqueue_dma source(%dma_start3A_202 : memref<128x128xf32, #tpu.memory_space<hbm>>) target(%arg10 : memref<128x128xf32, #tpu.memory_space<vmem>>) target_semaphore(%arg13 : memref<!tpu.dma_semaphore, #tpu.memory_space<semaphore_mem>>)
    %gt3A_203 = arith.constant 1 : i32
    %gt3A_204 = arith.cmpi sgt, %add3A_161, %gt3A_203 : i32
    %convert_element_type3A_205 = arith.extui %gt3A_204 : i1 to i32
    %cond3A_206 = arith.constant 0 : i32
    %cond3A_207 = arith.cmpi ne, %convert_element_type3A_205, %cond3A_206 : i32
    scf.if %cond3A_207 {
      %add3A_309 = arith.constant 32 : i32
      %add3A_310 = arith.addi %add3A, %add3A_309 : i32
      %mul3A_311 = arith.constant 128 : i32
      %mul3A_312 = arith.muli %add3A_310, %mul3A_311 : i32
      %dma_start3A_313 = tpu.memref_slice %arg3[%mul3A_312] : memref<160000xi32, #tpu.memory_space<hbm>> -> memref<128xi32, #tpu.memory_space<hbm>>
      %dma_start3A_314 = tpu.memref_slice %arg3[%mul3A_312] : memref<160000xi32, #tpu.memory_space<hbm>> -> memref<128xi32, #tpu.memory_space<hbm>>
      tpu.enqueue_dma source(%dma_start3A_314 : memref<128xi32, #tpu.memory_space<hbm>>) target(%arg9 : memref<128xi32, #tpu.memory_space<vmem>>) target_semaphore(%arg14 : memref<!tpu.dma_semaphore, #tpu.memory_space<semaphore_mem>>)
      %mul3A_315 = arith.constant 128 : i32
      %mul3A_316 = arith.muli %add3A_310, %mul3A_315 : i32
      %dma_start3A_317 = arith.constant 2 : i32
      %dma_start3A_318 = arith.constant 0 : i32
      %dma_start3A_319 = arith.constant 0 : i32
      %dma_start3A_320 = tpu.memref_slice %arg2[%dma_start3A_317, %dma_start3A_318, %dma_start3A_319] : memref<3x160000x128xf32, #tpu.memory_space<hbm>> -> memref<1x160000x128xf32, #tpu.memory_space<hbm>>
      %dma_start3A_321 = tpu.memref_squeeze %dma_start3A_320 : memref<1x160000x128xf32, #tpu.memory_space<hbm>> -> memref<160000x128xf32, #tpu.memory_space<hbm>>
      %dma_start3A_322 = arith.constant 0 : i32
      %dma_start3A_323 = tpu.memref_slice %dma_start3A_321[%mul3A_316, %dma_start3A_322] : memref<160000x128xf32, #tpu.memory_space<hbm>> -> memref<128x128xf32, #tpu.memory_space<hbm>>
      %dma_start3A_324 = arith.constant 0 : i32
      %dma_start3A_325 = arith.constant 0 : i32
      %dma_start3A_326 = tpu.memref_slice %arg2[%dma_start3A_317, %dma_start3A_324, %dma_start3A_325] : memref<3x160000x128xf32, #tpu.memory_space<hbm>> -> memref<1x160000x128xf32, #tpu.memory_space<hbm>>
      %dma_start3A_327 = tpu.memref_squeeze %dma_start3A_326 : memref<1x160000x128xf32, #tpu.memory_space<hbm>> -> memref<160000x128xf32, #tpu.memory_space<hbm>>
      %dma_start3A_328 = arith.constant 0 : i32
      %dma_start3A_329 = tpu.memref_slice %dma_start3A_327[%mul3A_316, %dma_start3A_328] : memref<160000x128xf32, #tpu.memory_space<hbm>> -> memref<128x128xf32, #tpu.memory_space<hbm>>
      tpu.enqueue_dma source(%dma_start3A_329 : memref<128x128xf32, #tpu.memory_space<hbm>>) target(%arg11 : memref<128x128xf32, #tpu.memory_space<vmem>>) target_semaphore(%arg14 : memref<!tpu.dma_semaphore, #tpu.memory_space<semaphore_mem>>)
    } else {
    }
    %scan3A_208 = arith.constant 0 : i32
    %scan3A_209 = arith.constant 0 : i32
    %scan3A_210 = arith.constant 20 : i32
    %scan3A_211 = arith.addi %scan3A_209, %scan3A_210 : i32
    %scan3A_212 = arith.constant 1 : i32
    scf.for %scan3A_309 = %scan3A_209 to %scan3A_211 step %scan3A_212  : i32 {
      %mul3A_310 = arith.constant 2 : i32
      %mul3A_311 = arith.muli %mul3A_310, %scan3A_309 : i32
      %add3A_312 = arith.constant 0 : i32
      %add3A_313 = arith.addi %mul3A_311, %add3A_312 : i32
      %lt3A_314 = arith.cmpi slt, %add3A_313, %add3A_161 : i32
      %convert_element_type3A_315 = arith.extui %lt3A_314 : i1 to i32
      %cond3A_316 = arith.constant 0 : i32
      %cond3A_317 = arith.cmpi ne, %convert_element_type3A_315, %cond3A_316 : i32
      scf.if %cond3A_317 {
        %dma_wait3A = arith.constant 0 : i32
        %dma_wait3A_326 = tpu.memref_slice %arg3[%dma_wait3A] : memref<160000xi32, #tpu.memory_space<hbm>> -> memref<128xi32, #tpu.memory_space<hbm>>
        %dma_wait3A_327 = arith.constant 0 : i32
        %dma_wait3A_328 = tpu.memref_slice %arg3[%dma_wait3A_327] : memref<160000xi32, #tpu.memory_space<hbm>> -> memref<128xi32, #tpu.memory_space<hbm>>
        tpu.wait_dma2 semaphore(%arg13 : memref<!tpu.dma_semaphore, #tpu.memory_space<semaphore_mem>>) src(%dma_wait3A_328 : memref<128xi32, #tpu.memory_space<hbm>>) dst(%arg8 : memref<128xi32, #tpu.memory_space<vmem>>)
        %dma_wait3A_329 = arith.constant 0 : i32
        %dma_wait3A_330 = arith.constant 0 : i32
        %dma_wait3A_331 = arith.constant 0 : i32
        %dma_wait3A_332 = tpu.memref_slice %arg2[%dma_wait3A_329, %dma_wait3A_330, %dma_wait3A_331] : memref<3x160000x128xf32, #tpu.memory_space<hbm>> -> memref<1x160000x128xf32, #tpu.memory_space<hbm>>
        %dma_wait3A_333 = tpu.memref_squeeze %dma_wait3A_332 : memref<1x160000x128xf32, #tpu.memory_space<hbm>> -> memref<160000x128xf32, #tpu.memory_space<hbm>>
        %dma_wait3A_334 = arith.constant 0 : i32
        %dma_wait3A_335 = arith.constant 0 : i32
        %dma_wait3A_336 = tpu.memref_slice %dma_wait3A_333[%dma_wait3A_334, %dma_wait3A_335] : memref<160000x128xf32, #tpu.memory_space<hbm>> -> memref<128x128xf32, #tpu.memory_space<hbm>>
        %dma_wait3A_337 = arith.constant 0 : i32
        %dma_wait3A_338 = arith.constant 0 : i32
        %dma_wait3A_339 = tpu.memref_slice %arg2[%dma_wait3A_329, %dma_wait3A_337, %dma_wait3A_338] : memref<3x160000x128xf32, #tpu.memory_space<hbm>> -> memref<1x160000x128xf32, #tpu.memory_space<hbm>>
        %dma_wait3A_340 = tpu.memref_squeeze %dma_wait3A_339 : memref<1x160000x128xf32, #tpu.memory_space<hbm>> -> memref<160000x128xf32, #tpu.memory_space<hbm>>
        %dma_wait3A_341 = arith.constant 0 : i32
        %dma_wait3A_342 = arith.constant 0 : i32
        %dma_wait3A_343 = tpu.memref_slice %dma_wait3A_340[%dma_wait3A_341, %dma_wait3A_342] : memref<160000x128xf32, #tpu.memory_space<hbm>> -> memref<128x128xf32, #tpu.memory_space<hbm>>
        tpu.wait_dma2 semaphore(%arg13 : memref<!tpu.dma_semaphore, #tpu.memory_space<semaphore_mem>>) src(%dma_wait3A_343 : memref<128x128xf32, #tpu.memory_space<hbm>>) dst(%arg10 : memref<128x128xf32, #tpu.memory_space<vmem>>)
        "tpu.region"() ({
          %run_scoped3A = tpu.sem_alloc : memref<!tpu.dma_semaphore, #tpu.memory_space<semaphore_mem>>
          %dma_start3A_350 = arith.constant 0 : i32
          %dma_start3A_351 = arith.constant 0 : i32
          %dma_start3A_352 = tpu.memref_slice %arg12[%dma_start3A_350, %dma_start3A_351] : memref<10000x128xf32, #tpu.memory_space<vmem_shared>> -> memref<10000x128xf32, #tpu.memory_space<vmem_shared>>
          tpu.enqueue_indirect_dma source(%arg10 : memref<128x128xf32, #tpu.memory_space<vmem>>) target(%dma_start3A_352 : memref<10000x128xf32, #tpu.memory_space<vmem_shared>>) offsets(%arg8 : memref<128xi32, #tpu.memory_space<vmem>>) semaphore(%run_scoped3A : memref<!tpu.dma_semaphore, #tpu.memory_space<semaphore_mem>>) {add = true}
          %dma_wait3A_353 = arith.constant 0 : i32
          %dma_wait3A_354 = arith.constant 0 : i32
          %dma_wait3A_355 = tpu.memref_slice %arg12[%dma_wait3A_353, %dma_wait3A_354] : memref<10000x128xf32, #tpu.memory_space<vmem_shared>> -> memref<10000x128xf32, #tpu.memory_space<vmem_shared>>
          tpu.wait_indirect_dma semaphore(%run_scoped3A : memref<!tpu.dma_semaphore, #tpu.memory_space<semaphore_mem>>) src(%arg10 : memref<128x128xf32, #tpu.memory_space<vmem>>) dst(%dma_wait3A_355 : memref<10000x128xf32, #tpu.memory_space<vmem_shared>>)
          tpu.yield
        }) : () -> ()
        %add3A_344 = arith.constant 2 : i32
        %add3A_345 = arith.addi %add3A_313, %add3A_344 : i32
        %lt3A_346 = arith.cmpi slt, %add3A_345, %add3A_161 : i32
        %convert_element_type3A_347 = arith.extui %lt3A_346 : i1 to i32
        %cond3A_348 = arith.constant 0 : i32
        %cond3A_349 = arith.cmpi ne, %convert_element_type3A_347, %cond3A_348 : i32
        scf.if %cond3A_349 {
          %add3A_350 = arith.constant 2 : i32
          %add3A_351 = arith.addi %add3A_313, %add3A_350 : i32
          %mul3A_352 = arith.constant 32 : i32
          %mul3A_353 = arith.muli %mul3A_352, %add3A_351 : i32
          %add3A_354 = arith.addi %add3A, %mul3A_353 : i32
          %mul3A_355 = arith.constant 128 : i32
          %mul3A_356 = arith.muli %add3A_354, %mul3A_355 : i32
          %dma_start3A_357 = tpu.memref_slice %arg3[%mul3A_356] : memref<160000xi32, #tpu.memory_space<hbm>> -> memref<128xi32, #tpu.memory_space<hbm>>
          %dma_start3A_358 = tpu.memref_slice %arg3[%mul3A_356] : memref<160000xi32, #tpu.memory_space<hbm>> -> memref<128xi32, #tpu.memory_space<hbm>>
          tpu.enqueue_dma source(%dma_start3A_358 : memref<128xi32, #tpu.memory_space<hbm>>) target(%arg8 : memref<128xi32, #tpu.memory_space<vmem>>) target_semaphore(%arg13 : memref<!tpu.dma_semaphore, #tpu.memory_space<semaphore_mem>>)
          %mul3A_359 = arith.constant 128 : i32
          %mul3A_360 = arith.muli %add3A_354, %mul3A_359 : i32
          %dma_start3A_361 = arith.constant 2 : i32
          %dma_start3A_362 = arith.constant 0 : i32
          %dma_start3A_363 = arith.constant 0 : i32
          %dma_start3A_364 = tpu.memref_slice %arg2[%dma_start3A_361, %dma_start3A_362, %dma_start3A_363] : memref<3x160000x128xf32, #tpu.memory_space<hbm>> -> memref<1x160000x128xf32, #tpu.memory_space<hbm>>
          %dma_start3A_365 = tpu.memref_squeeze %dma_start3A_364 : memref<1x160000x128xf32, #tpu.memory_space<hbm>> -> memref<160000x128xf32, #tpu.memory_space<hbm>>
          %dma_start3A_366 = arith.constant 0 : i32
          %dma_start3A_367 = tpu.memref_slice %dma_start3A_365[%mul3A_360, %dma_start3A_366] : memref<160000x128xf32, #tpu.memory_space<hbm>> -> memref<128x128xf32, #tpu.memory_space<hbm>>
          %dma_start3A_368 = arith.constant 0 : i32
          %dma_start3A_369 = arith.constant 0 : i32
          %dma_start3A_370 = tpu.memref_slice %arg2[%dma_start3A_361, %dma_start3A_368, %dma_start3A_369] : memref<3x160000x128xf32, #tpu.memory_space<hbm>> -> memref<1x160000x128xf32, #tpu.memory_space<hbm>>
          %dma_start3A_371 = tpu.memref_squeeze %dma_start3A_370 : memref<1x160000x128xf32, #tpu.memory_space<hbm>> -> memref<160000x128xf32, #tpu.memory_space<hbm>>
          %dma_start3A_372 = arith.constant 0 : i32
          %dma_start3A_373 = tpu.memref_slice %dma_start3A_371[%mul3A_360, %dma_start3A_372] : memref<160000x128xf32, #tpu.memory_space<hbm>> -> memref<128x128xf32, #tpu.memory_space<hbm>>
          tpu.enqueue_dma source(%dma_start3A_373 : memref<128x128xf32, #tpu.memory_space<hbm>>) target(%arg10 : memref<128x128xf32, #tpu.memory_space<vmem>>) target_semaphore(%arg13 : memref<!tpu.dma_semaphore, #tpu.memory_space<semaphore_mem>>)
        } else {
        }
      } else {
      }
      %mul3A_318 = arith.constant 2 : i32
      %mul3A_319 = arith.muli %mul3A_318, %scan3A_309 : i32
      %add3A_320 = arith.constant 1 : i32
      %add3A_321 = arith.addi %mul3A_319, %add3A_320 : i32
      %lt3A_322 = arith.cmpi slt, %add3A_321, %add3A_161 : i32
      %convert_element_type3A_323 = arith.extui %lt3A_322 : i1 to i32
      %cond3A_324 = arith.constant 0 : i32
      %cond3A_325 = arith.cmpi ne, %convert_element_type3A_323, %cond3A_324 : i32
      scf.if %cond3A_325 {
        %dma_wait3A = arith.constant 0 : i32
        %dma_wait3A_326 = tpu.memref_slice %arg3[%dma_wait3A] : memref<160000xi32, #tpu.memory_space<hbm>> -> memref<128xi32, #tpu.memory_space<hbm>>
        %dma_wait3A_327 = arith.constant 0 : i32
        %dma_wait3A_328 = tpu.memref_slice %arg3[%dma_wait3A_327] : memref<160000xi32, #tpu.memory_space<hbm>> -> memref<128xi32, #tpu.memory_space<hbm>>
        tpu.wait_dma2 semaphore(%arg14 : memref<!tpu.dma_semaphore, #tpu.memory_space<semaphore_mem>>) src(%dma_wait3A_328 : memref<128xi32, #tpu.memory_space<hbm>>) dst(%arg9 : memref<128xi32, #tpu.memory_space<vmem>>)
        %dma_wait3A_329 = arith.constant 0 : i32
        %dma_wait3A_330 = arith.constant 0 : i32
        %dma_wait3A_331 = arith.constant 0 : i32
        %dma_wait3A_332 = tpu.memref_slice %arg2[%dma_wait3A_329, %dma_wait3A_330, %dma_wait3A_331] : memref<3x160000x128xf32, #tpu.memory_space<hbm>> -> memref<1x160000x128xf32, #tpu.memory_space<hbm>>
        %dma_wait3A_333 = tpu.memref_squeeze %dma_wait3A_332 : memref<1x160000x128xf32, #tpu.memory_space<hbm>> -> memref<160000x128xf32, #tpu.memory_space<hbm>>
        %dma_wait3A_334 = arith.constant 0 : i32
        %dma_wait3A_335 = arith.constant 0 : i32
        %dma_wait3A_336 = tpu.memref_slice %dma_wait3A_333[%dma_wait3A_334, %dma_wait3A_335] : memref<160000x128xf32, #tpu.memory_space<hbm>> -> memref<128x128xf32, #tpu.memory_space<hbm>>
        %dma_wait3A_337 = arith.constant 0 : i32
        %dma_wait3A_338 = arith.constant 0 : i32
        %dma_wait3A_339 = tpu.memref_slice %arg2[%dma_wait3A_329, %dma_wait3A_337, %dma_wait3A_338] : memref<3x160000x128xf32, #tpu.memory_space<hbm>> -> memref<1x160000x128xf32, #tpu.memory_space<hbm>>
        %dma_wait3A_340 = tpu.memref_squeeze %dma_wait3A_339 : memref<1x160000x128xf32, #tpu.memory_space<hbm>> -> memref<160000x128xf32, #tpu.memory_space<hbm>>
        %dma_wait3A_341 = arith.constant 0 : i32
        %dma_wait3A_342 = arith.constant 0 : i32
        %dma_wait3A_343 = tpu.memref_slice %dma_wait3A_340[%dma_wait3A_341, %dma_wait3A_342] : memref<160000x128xf32, #tpu.memory_space<hbm>> -> memref<128x128xf32, #tpu.memory_space<hbm>>
        tpu.wait_dma2 semaphore(%arg14 : memref<!tpu.dma_semaphore, #tpu.memory_space<semaphore_mem>>) src(%dma_wait3A_343 : memref<128x128xf32, #tpu.memory_space<hbm>>) dst(%arg11 : memref<128x128xf32, #tpu.memory_space<vmem>>)
        "tpu.region"() ({
          %run_scoped3A = tpu.sem_alloc : memref<!tpu.dma_semaphore, #tpu.memory_space<semaphore_mem>>
          %dma_start3A_350 = arith.constant 0 : i32
          %dma_start3A_351 = arith.constant 0 : i32
          %dma_start3A_352 = tpu.memref_slice %arg12[%dma_start3A_350, %dma_start3A_351] : memref<10000x128xf32, #tpu.memory_space<vmem_shared>> -> memref<10000x128xf32, #tpu.memory_space<vmem_shared>>
          tpu.enqueue_indirect_dma source(%arg11 : memref<128x128xf32, #tpu.memory_space<vmem>>) target(%dma_start3A_352 : memref<10000x128xf32, #tpu.memory_space<vmem_shared>>) offsets(%arg9 : memref<128xi32, #tpu.memory_space<vmem>>) semaphore(%run_scoped3A : memref<!tpu.dma_semaphore, #tpu.memory_space<semaphore_mem>>) {add = true}
          %dma_wait3A_353 = arith.constant 0 : i32
          %dma_wait3A_354 = arith.constant 0 : i32
          %dma_wait3A_355 = tpu.memref_slice %arg12[%dma_wait3A_353, %dma_wait3A_354] : memref<10000x128xf32, #tpu.memory_space<vmem_shared>> -> memref<10000x128xf32, #tpu.memory_space<vmem_shared>>
          tpu.wait_indirect_dma semaphore(%run_scoped3A : memref<!tpu.dma_semaphore, #tpu.memory_space<semaphore_mem>>) src(%arg11 : memref<128x128xf32, #tpu.memory_space<vmem>>) dst(%dma_wait3A_355 : memref<10000x128xf32, #tpu.memory_space<vmem_shared>>)
          tpu.yield
        }) : () -> ()
        %add3A_344 = arith.constant 2 : i32
        %add3A_345 = arith.addi %add3A_321, %add3A_344 : i32
        %lt3A_346 = arith.cmpi slt, %add3A_345, %add3A_161 : i32
        %convert_element_type3A_347 = arith.extui %lt3A_346 : i1 to i32
        %cond3A_348 = arith.constant 0 : i32
        %cond3A_349 = arith.cmpi ne, %convert_element_type3A_347, %cond3A_348 : i32
        scf.if %cond3A_349 {
          %add3A_350 = arith.constant 2 : i32
          %add3A_351 = arith.addi %add3A_321, %add3A_350 : i32
          %mul3A_352 = arith.constant 32 : i32
          %mul3A_353 = arith.muli %mul3A_352, %add3A_351 : i32
          %add3A_354 = arith.addi %add3A, %mul3A_353 : i32
          %mul3A_355 = arith.constant 128 : i32
          %mul3A_356 = arith.muli %add3A_354, %mul3A_355 : i32
          %dma_start3A_357 = tpu.memref_slice %arg3[%mul3A_356] : memref<160000xi32, #tpu.memory_space<hbm>> -> memref<128xi32, #tpu.memory_space<hbm>>
          %dma_start3A_358 = tpu.memref_slice %arg3[%mul3A_356] : memref<160000xi32, #tpu.memory_space<hbm>> -> memref<128xi32, #tpu.memory_space<hbm>>
          tpu.enqueue_dma source(%dma_start3A_358 : memref<128xi32, #tpu.memory_space<hbm>>) target(%arg9 : memref<128xi32, #tpu.memory_space<vmem>>) target_semaphore(%arg14 : memref<!tpu.dma_semaphore, #tpu.memory_space<semaphore_mem>>)
          %mul3A_359 = arith.constant 128 : i32
          %mul3A_360 = arith.muli %add3A_354, %mul3A_359 : i32
          %dma_start3A_361 = arith.constant 2 : i32
          %dma_start3A_362 = arith.constant 0 : i32
          %dma_start3A_363 = arith.constant 0 : i32
          %dma_start3A_364 = tpu.memref_slice %arg2[%dma_start3A_361, %dma_start3A_362, %dma_start3A_363] : memref<3x160000x128xf32, #tpu.memory_space<hbm>> -> memref<1x160000x128xf32, #tpu.memory_space<hbm>>
          %dma_start3A_365 = tpu.memref_squeeze %dma_start3A_364 : memref<1x160000x128xf32, #tpu.memory_space<hbm>> -> memref<160000x128xf32, #tpu.memory_space<hbm>>
          %dma_start3A_366 = arith.constant 0 : i32
          %dma_start3A_367 = tpu.memref_slice %dma_start3A_365[%mul3A_360, %dma_start3A_366] : memref<160000x128xf32, #tpu.memory_space<hbm>> -> memref<128x128xf32, #tpu.memory_space<hbm>>
          %dma_start3A_368 = arith.constant 0 : i32
          %dma_start3A_369 = arith.constant 0 : i32
          %dma_start3A_370 = tpu.memref_slice %arg2[%dma_start3A_361, %dma_start3A_368, %dma_start3A_369] : memref<3x160000x128xf32, #tpu.memory_space<hbm>> -> memref<1x160000x128xf32, #tpu.memory_space<hbm>>
          %dma_start3A_371 = tpu.memref_squeeze %dma_start3A_370 : memref<1x160000x128xf32, #tpu.memory_space<hbm>> -> memref<160000x128xf32, #tpu.memory_space<hbm>>
          %dma_start3A_372 = arith.constant 0 : i32
          %dma_start3A_373 = tpu.memref_slice %dma_start3A_371[%mul3A_360, %dma_start3A_372] : memref<160000x128xf32, #tpu.memory_space<hbm>> -> memref<128x128xf32, #tpu.memory_space<hbm>>
          tpu.enqueue_dma source(%dma_start3A_373 : memref<128x128xf32, #tpu.memory_space<hbm>>) target(%arg11 : memref<128x128xf32, #tpu.memory_space<vmem>>) target_semaphore(%arg14 : memref<!tpu.dma_semaphore, #tpu.memory_space<semaphore_mem>>)
        } else {
        }
      } else {
      }
    }
    %scan3A_213 = arith.constant 20 : i32
    %barrier3A_214 = arith.constant 0 : index
    tpu.barrier barrier_id(%barrier3A_214)
    %lt3A_215 = arith.constant 2 : i32
    %lt3A_216 = arith.cmpi slt, %arg1, %lt3A_215 : i32
    %mul3A_217 = arith.constant 632 : i32
    %mul3A_218 = arith.muli %arg1, %mul3A_217 : i32
    %mul3A_219 = arith.constant 624 : i32
    %mul3A_220 = arith.muli %arg1, %mul3A_219 : i32
    %add3A_221 = arith.constant 16 : i32
    %add3A_222 = arith.addi %add3A_221, %mul3A_220 : i32
    %select_n3A_223 = arith.select %lt3A_216, %mul3A_218, %add3A_222 : i32
    %lt3A_224 = arith.constant 2 : i32
    %lt3A_225 = arith.cmpi slt, %arg1, %lt3A_224 : i32
    %convert_element_type3A_226 = arith.extui %lt3A_225 : i1 to i32
    %cond3A_227 = arith.constant 2 : i32
    %cond3A_228 = arith.constant 0 : i32
    %cond3A_229 = arith.cmpi ne, %convert_element_type3A_226, %cond3A_228 : i32
    scf.if %cond3A_229 {
      "tpu.region"() ({
        %run_scoped3A = tpu.sem_alloc : memref<!tpu.dma_semaphore, #tpu.memory_space<semaphore_mem>>
        %dma_start3A_309 = arith.constant 0 : i32
        %dma_start3A_310 = arith.constant 0 : i32
        %dma_start3A_311 = arith.constant 0 : i32
        %dma_start3A_312 = tpu.memref_slice %arg6[%cond3A_227, %dma_start3A_309, %dma_start3A_310, %dma_start3A_311] : memref<3x2x10000x128xf32, #tpu.memory_space<hbm>> -> memref<1x2x10000x128xf32, #tpu.memory_space<hbm>>
        %dma_start3A_313 = tpu.memref_squeeze %dma_start3A_312 : memref<1x2x10000x128xf32, #tpu.memory_space<hbm>> -> memref<2x10000x128xf32, #tpu.memory_space<hbm>>
        %dma_start3A_314 = arith.constant 0 : i32
        %dma_start3A_315 = arith.constant 0 : i32
        %dma_start3A_316 = tpu.memref_slice %dma_start3A_313[%arg0, %dma_start3A_314, %dma_start3A_315] : memref<2x10000x128xf32, #tpu.memory_space<hbm>> -> memref<1x10000x128xf32, #tpu.memory_space<hbm>>
        %dma_start3A_317 = tpu.memref_squeeze %dma_start3A_316 : memref<1x10000x128xf32, #tpu.memory_space<hbm>> -> memref<10000x128xf32, #tpu.memory_space<hbm>>
        %dma_start3A_318 = arith.constant 0 : i32
        %dma_start3A_319 = tpu.memref_slice %dma_start3A_317[%select_n3A_223, %dma_start3A_318] : memref<10000x128xf32, #tpu.memory_space<hbm>> -> memref<632x128xf32, #tpu.memory_space<hbm>>
        %dma_start3A_320 = arith.constant 0 : i32
        %dma_start3A_321 = tpu.memref_slice %arg12[%select_n3A_223, %dma_start3A_320] : memref<10000x128xf32, #tpu.memory_space<vmem_shared>> -> memref<632x128xf32, #tpu.memory_space<vmem_shared>>
        tpu.enqueue_dma source(%dma_start3A_321 : memref<632x128xf32, #tpu.memory_space<vmem_shared>>) target(%dma_start3A_319 : memref<632x128xf32, #tpu.memory_space<hbm>>) target_semaphore(%run_scoped3A : memref<!tpu.dma_semaphore, #tpu.memory_space<semaphore_mem>>)
        %dma_wait3A = arith.constant 0 : i32
        %dma_wait3A_322 = arith.constant 0 : i32
        %dma_wait3A_323 = arith.constant 0 : i32
        %dma_wait3A_324 = tpu.memref_slice %arg6[%cond3A_227, %dma_wait3A, %dma_wait3A_322, %dma_wait3A_323] : memref<3x2x10000x128xf32, #tpu.memory_space<hbm>> -> memref<1x2x10000x128xf32, #tpu.memory_space<hbm>>
        %dma_wait3A_325 = tpu.memref_squeeze %dma_wait3A_324 : memref<1x2x10000x128xf32, #tpu.memory_space<hbm>> -> memref<2x10000x128xf32, #tpu.memory_space<hbm>>
        %dma_wait3A_326 = arith.constant 0 : i32
        %dma_wait3A_327 = arith.constant 0 : i32
        %dma_wait3A_328 = tpu.memref_slice %dma_wait3A_325[%arg0, %dma_wait3A_326, %dma_wait3A_327] : memref<2x10000x128xf32, #tpu.memory_space<hbm>> -> memref<1x10000x128xf32, #tpu.memory_space<hbm>>
        %dma_wait3A_329 = tpu.memref_squeeze %dma_wait3A_328 : memref<1x10000x128xf32, #tpu.memory_space<hbm>> -> memref<10000x128xf32, #tpu.memory_space<hbm>>
        %dma_wait3A_330 = arith.constant 0 : i32
        %dma_wait3A_331 = tpu.memref_slice %dma_wait3A_329[%select_n3A_223, %dma_wait3A_330] : memref<10000x128xf32, #tpu.memory_space<hbm>> -> memref<632x128xf32, #tpu.memory_space<hbm>>
        %dma_wait3A_332 = arith.constant 0 : i32
        %dma_wait3A_333 = tpu.memref_slice %arg12[%select_n3A_223, %dma_wait3A_332] : memref<10000x128xf32, #tpu.memory_space<vmem_shared>> -> memref<632x128xf32, #tpu.memory_space<vmem_shared>>
        tpu.wait_dma2 semaphore(%run_scoped3A : memref<!tpu.dma_semaphore, #tpu.memory_space<semaphore_mem>>) src(%dma_wait3A_333 : memref<632x128xf32, #tpu.memory_space<vmem_shared>>) dst(%dma_wait3A_331 : memref<632x128xf32, #tpu.memory_space<hbm>>)
        tpu.yield
      }) : () -> ()
    } else {
    }
    %ge3A_230 = arith.constant 2 : i32
    %ge3A_231 = arith.cmpi sge, %arg1, %ge3A_230 : i32
    %convert_element_type3A_232 = arith.extui %ge3A_231 : i1 to i32
    %cond3A_233 = arith.constant 2 : i32
    %cond3A_234 = arith.constant 0 : i32
    %cond3A_235 = arith.cmpi ne, %convert_element_type3A_232, %cond3A_234 : i32
    scf.if %cond3A_235 {
      "tpu.region"() ({
        %run_scoped3A = tpu.sem_alloc : memref<!tpu.dma_semaphore, #tpu.memory_space<semaphore_mem>>
        %dma_start3A_309 = arith.constant 0 : i32
        %dma_start3A_310 = arith.constant 0 : i32
        %dma_start3A_311 = arith.constant 0 : i32
        %dma_start3A_312 = tpu.memref_slice %arg6[%cond3A_233, %dma_start3A_309, %dma_start3A_310, %dma_start3A_311] : memref<3x2x10000x128xf32, #tpu.memory_space<hbm>> -> memref<1x2x10000x128xf32, #tpu.memory_space<hbm>>
        %dma_start3A_313 = tpu.memref_squeeze %dma_start3A_312 : memref<1x2x10000x128xf32, #tpu.memory_space<hbm>> -> memref<2x10000x128xf32, #tpu.memory_space<hbm>>
        %dma_start3A_314 = arith.constant 0 : i32
        %dma_start3A_315 = arith.constant 0 : i32
        %dma_start3A_316 = tpu.memref_slice %dma_start3A_313[%arg0, %dma_start3A_314, %dma_start3A_315] : memref<2x10000x128xf32, #tpu.memory_space<hbm>> -> memref<1x10000x128xf32, #tpu.memory_space<hbm>>
        %dma_start3A_317 = tpu.memref_squeeze %dma_start3A_316 : memref<1x10000x128xf32, #tpu.memory_space<hbm>> -> memref<10000x128xf32, #tpu.memory_space<hbm>>
        %dma_start3A_318 = arith.constant 0 : i32
        %dma_start3A_319 = tpu.memref_slice %dma_start3A_317[%select_n3A_223, %dma_start3A_318] : memref<10000x128xf32, #tpu.memory_space<hbm>> -> memref<624x128xf32, #tpu.memory_space<hbm>>
        %dma_start3A_320 = arith.constant 0 : i32
        %dma_start3A_321 = tpu.memref_slice %arg12[%select_n3A_223, %dma_start3A_320] : memref<10000x128xf32, #tpu.memory_space<vmem_shared>> -> memref<624x128xf32, #tpu.memory_space<vmem_shared>>
        tpu.enqueue_dma source(%dma_start3A_321 : memref<624x128xf32, #tpu.memory_space<vmem_shared>>) target(%dma_start3A_319 : memref<624x128xf32, #tpu.memory_space<hbm>>) target_semaphore(%run_scoped3A : memref<!tpu.dma_semaphore, #tpu.memory_space<semaphore_mem>>)
        %dma_wait3A = arith.constant 0 : i32
        %dma_wait3A_322 = arith.constant 0 : i32
        %dma_wait3A_323 = arith.constant 0 : i32
        %dma_wait3A_324 = tpu.memref_slice %arg6[%cond3A_233, %dma_wait3A, %dma_wait3A_322, %dma_wait3A_323] : memref<3x2x10000x128xf32, #tpu.memory_space<hbm>> -> memref<1x2x10000x128xf32, #tpu.memory_space<hbm>>
        %dma_wait3A_325 = tpu.memref_squeeze %dma_wait3A_324 : memref<1x2x10000x128xf32, #tpu.memory_space<hbm>> -> memref<2x10000x128xf32, #tpu.memory_space<hbm>>
        %dma_wait3A_326 = arith.constant 0 : i32
        %dma_wait3A_327 = arith.constant 0 : i32
        %dma_wait3A_328 = tpu.memref_slice %dma_wait3A_325[%arg0, %dma_wait3A_326, %dma_wait3A_327] : memref<2x10000x128xf32, #tpu.memory_space<hbm>> -> memref<1x10000x128xf32, #tpu.memory_space<hbm>>
        %dma_wait3A_329 = tpu.memref_squeeze %dma_wait3A_328 : memref<1x10000x128xf32, #tpu.memory_space<hbm>> -> memref<10000x128xf32, #tpu.memory_space<hbm>>
        %dma_wait3A_330 = arith.constant 0 : i32
        %dma_wait3A_331 = tpu.memref_slice %dma_wait3A_329[%select_n3A_223, %dma_wait3A_330] : memref<10000x128xf32, #tpu.memory_space<hbm>> -> memref<624x128xf32, #tpu.memory_space<hbm>>
        %dma_wait3A_332 = arith.constant 0 : i32
        %dma_wait3A_333 = tpu.memref_slice %arg12[%select_n3A_223, %dma_wait3A_332] : memref<10000x128xf32, #tpu.memory_space<vmem_shared>> -> memref<624x128xf32, #tpu.memory_space<vmem_shared>>
        tpu.wait_dma2 semaphore(%run_scoped3A : memref<!tpu.dma_semaphore, #tpu.memory_space<semaphore_mem>>) src(%dma_wait3A_333 : memref<624x128xf32, #tpu.memory_space<vmem_shared>>) dst(%dma_wait3A_331 : memref<624x128xf32, #tpu.memory_space<hbm>>)
        tpu.yield
      }) : () -> ()
    } else {
    }
    %barrier3A_236 = arith.constant 0 : index
    tpu.barrier barrier_id(%barrier3A_236)
    %lt3A_237 = arith.constant 4 : i32
    %lt3A_238 = arith.cmpi slt, %add3A, %lt3A_237 : i32
    %jit3A_239 = arith.constant 1 : i32
    %jit3A_240 = arith.constant 0 : i32
    %select_n3A_241 = arith.select %lt3A_238, %jit3A_239, %jit3A_240 : i32
    %add3A_242 = arith.constant 78 : i32
    %add3A_243 = arith.addi %add3A_242, %select_n3A_241 : i32
    %broadcast_in_dim3A = arith.constant 1.000000e+00 : f32
    %broadcast_in_dim3A_244 = vector.broadcast %broadcast_in_dim3A : f32 to vector<16xf32>
    %scan3A_245 = arith.constant 0 : i32
    %scan3A_246 = arith.constant 0 : i32
    %scan3A_247 = arith.constant 128 : i32
    %scan3A_248 = arith.addi %scan3A_246, %scan3A_247 : i32
    %scan3A_249 = arith.constant 1 : i32
    scf.for %scan3A_309 = %scan3A_246 to %scan3A_248 step %scan3A_249  : i32 {
      %swap3A = arith.index_cast %scan3A_309 : i32 to index
      %swap3A_310 = arith.constant 0 : index
      %swap3A_311 = tpu.vector_load %arg10[%swap3A, %swap3A_310] {strides = array<i32>} : memref<128x128xf32, #tpu.memory_space<vmem>>, vector<1x16xf32>,
      %swap3A_312 = vector.shape_cast %swap3A_311 : vector<1x16xf32> to vector<16xf32>
      %swap3A_313 = vector.shape_cast %broadcast_in_dim3A_244 : vector<16xf32> to vector<1x16xf32>
      tpu.vector_store %arg10[%swap3A, %swap3A_310], %swap3A_313 {strides = array<i32>} : memref<128x128xf32, #tpu.memory_space<vmem>>, vector<1x16xf32>,
      %swap3A_314 = arith.index_cast %scan3A_309 : i32 to index
      %swap3A_315 = arith.constant 16 : index
      %swap3A_316 = tpu.vector_load %arg10[%swap3A_314, %swap3A_315] {strides = array<i32>} : memref<128x128xf32, #tpu.memory_space<vmem>>, vector<1x16xf32>,
      %swap3A_317 = vector.shape_cast %swap3A_316 : vector<1x16xf32> to vector<16xf32>
      %swap3A_318 = vector.shape_cast %broadcast_in_dim3A_244 : vector<16xf32> to vector<1x16xf32>
      tpu.vector_store %arg10[%swap3A_314, %swap3A_315], %swap3A_318 {strides = array<i32>} : memref<128x128xf32, #tpu.memory_space<vmem>>, vector<1x16xf32>,
      %swap3A_319 = arith.index_cast %scan3A_309 : i32 to index
      %swap3A_320 = arith.constant 32 : index
      %swap3A_321 = tpu.vector_load %arg10[%swap3A_319, %swap3A_320] {strides = array<i32>} : memref<128x128xf32, #tpu.memory_space<vmem>>, vector<1x16xf32>,
      %swap3A_322 = vector.shape_cast %swap3A_321 : vector<1x16xf32> to vector<16xf32>
      %swap3A_323 = vector.shape_cast %broadcast_in_dim3A_244 : vector<16xf32> to vector<1x16xf32>
      tpu.vector_store %arg10[%swap3A_319, %swap3A_320], %swap3A_323 {strides = array<i32>} : memref<128x128xf32, #tpu.memory_space<vmem>>, vector<1x16xf32>,
      %swap3A_324 = arith.index_cast %scan3A_309 : i32 to index
      %swap3A_325 = arith.constant 48 : index
      %swap3A_326 = tpu.vector_load %arg10[%swap3A_324, %swap3A_325] {strides = array<i32>} : memref<128x128xf32, #tpu.memory_space<vmem>>, vector<1x16xf32>,
      %swap3A_327 = vector.shape_cast %swap3A_326 : vector<1x16xf32> to vector<16xf32>
      %swap3A_328 = vector.shape_cast %broadcast_in_dim3A_244 : vector<16xf32> to vector<1x16xf32>
      tpu.vector_store %arg10[%swap3A_324, %swap3A_325], %swap3A_328 {strides = array<i32>} : memref<128x128xf32, #tpu.memory_space<vmem>>, vector<1x16xf32>,
      %swap3A_329 = arith.index_cast %scan3A_309 : i32 to index
      %swap3A_330 = arith.constant 64 : index
      %swap3A_331 = tpu.vector_load %arg10[%swap3A_329, %swap3A_330] {strides = array<i32>} : memref<128x128xf32, #tpu.memory_space<vmem>>, vector<1x16xf32>,
      %swap3A_332 = vector.shape_cast %swap3A_331 : vector<1x16xf32> to vector<16xf32>
      %swap3A_333 = vector.shape_cast %broadcast_in_dim3A_244 : vector<16xf32> to vector<1x16xf32>
      tpu.vector_store %arg10[%swap3A_329, %swap3A_330], %swap3A_333 {strides = array<i32>} : memref<128x128xf32, #tpu.memory_space<vmem>>, vector<1x16xf32>,
      %swap3A_334 = arith.index_cast %scan3A_309 : i32 to index
      %swap3A_335 = arith.constant 80 : index
      %swap3A_336 = tpu.vector_load %arg10[%swap3A_334, %swap3A_335] {strides = array<i32>} : memref<128x128xf32, #tpu.memory_space<vmem>>, vector<1x16xf32>,
      %swap3A_337 = vector.shape_cast %swap3A_336 : vector<1x16xf32> to vector<16xf32>
      %swap3A_338 = vector.shape_cast %broadcast_in_dim3A_244 : vector<16xf32> to vector<1x16xf32>
      tpu.vector_store %arg10[%swap3A_334, %swap3A_335], %swap3A_338 {strides = array<i32>} : memref<128x128xf32, #tpu.memory_space<vmem>>, vector<1x16xf32>,
      %swap3A_339 = arith.index_cast %scan3A_309 : i32 to index
      %swap3A_340 = arith.constant 96 : index
      %swap3A_341 = tpu.vector_load %arg10[%swap3A_339, %swap3A_340] {strides = array<i32>} : memref<128x128xf32, #tpu.memory_space<vmem>>, vector<1x16xf32>,
      %swap3A_342 = vector.shape_cast %swap3A_341 : vector<1x16xf32> to vector<16xf32>
      %swap3A_343 = vector.shape_cast %broadcast_in_dim3A_244 : vector<16xf32> to vector<1x16xf32>
      tpu.vector_store %arg10[%swap3A_339, %swap3A_340], %swap3A_343 {strides = array<i32>} : memref<128x128xf32, #tpu.memory_space<vmem>>, vector<1x16xf32>,
      %swap3A_344 = arith.index_cast %scan3A_309 : i32 to index
      %swap3A_345 = arith.constant 112 : index
      %swap3A_346 = tpu.vector_load %arg10[%swap3A_344, %swap3A_345] {strides = array<i32>} : memref<128x128xf32, #tpu.memory_space<vmem>>, vector<1x16xf32>,
      %swap3A_347 = vector.shape_cast %swap3A_346 : vector<1x16xf32> to vector<16xf32>
      %swap3A_348 = vector.shape_cast %broadcast_in_dim3A_244 : vector<16xf32> to vector<1x16xf32>
      tpu.vector_store %arg10[%swap3A_344, %swap3A_345], %swap3A_348 {strides = array<i32>} : memref<128x128xf32, #tpu.memory_space<vmem>>, vector<1x16xf32>,
    }
    %scan3A_250 = arith.constant 128 : i32
    %lt3A_251 = arith.constant 2 : i32
    %lt3A_252 = arith.cmpi slt, %arg1, %lt3A_251 : i32
    %mul3A_253 = arith.constant 632 : i32
    %mul3A_254 = arith.muli %arg1, %mul3A_253 : i32
    %mul3A_255 = arith.constant 624 : i32
    %mul3A_256 = arith.muli %arg1, %mul3A_255 : i32
    %add3A_257 = arith.constant 16 : i32
    %add3A_258 = arith.addi %add3A_257, %mul3A_256 : i32
    %select_n3A_259 = arith.select %lt3A_252, %mul3A_254, %add3A_258 : i32
    %lt3A_260 = arith.constant 2 : i32
    %lt3A_261 = arith.cmpi slt, %arg1, %lt3A_260 : i32
    %convert_element_type3A_262 = arith.extui %lt3A_261 : i1 to i32
    %cond3A_263 = arith.constant 0 : i32
    %cond3A_264 = arith.cmpi ne, %convert_element_type3A_262, %cond3A_263 : i32
    scf.if %cond3A_264 {
      "tpu.region"() ({
        %run_scoped3A = tpu.sem_alloc : memref<!tpu.dma_semaphore, #tpu.memory_space<semaphore_mem>>
        %dma_start3A_309 = arith.constant 0 : i32
        %dma_start3A_310 = tpu.memref_slice %arg12[%select_n3A_259, %dma_start3A_309] : memref<10000x128xf32, #tpu.memory_space<vmem_shared>> -> memref<632x128xf32, #tpu.memory_space<vmem_shared>>
        tpu.enqueue_dma source(%arg5 : memref<632x128xf32, #tpu.memory_space<hbm>>) target(%dma_start3A_310 : memref<632x128xf32, #tpu.memory_space<vmem_shared>>) target_semaphore(%run_scoped3A : memref<!tpu.dma_semaphore, #tpu.memory_space<semaphore_mem>>)
        %dma_wait3A = arith.constant 0 : i32
        %dma_wait3A_311 = tpu.memref_slice %arg12[%select_n3A_259, %dma_wait3A] : memref<10000x128xf32, #tpu.memory_space<vmem_shared>> -> memref<632x128xf32, #tpu.memory_space<vmem_shared>>
        tpu.wait_dma2 semaphore(%run_scoped3A : memref<!tpu.dma_semaphore, #tpu.memory_space<semaphore_mem>>) src(%arg5 : memref<632x128xf32, #tpu.memory_space<hbm>>) dst(%dma_wait3A_311 : memref<632x128xf32, #tpu.memory_space<vmem_shared>>)
        tpu.yield
      }) : () -> ()
    } else {
    }
    %ge3A_265 = arith.constant 2 : i32
    %ge3A_266 = arith.cmpi sge, %arg1, %ge3A_265 : i32
    %convert_element_type3A_267 = arith.extui %ge3A_266 : i1 to i32
    %cond3A_268 = arith.constant 0 : i32
    %cond3A_269 = arith.cmpi ne, %convert_element_type3A_267, %cond3A_268 : i32
    scf.if %cond3A_269 {
      "tpu.region"() ({
        %run_scoped3A = tpu.sem_alloc : memref<!tpu.dma_semaphore, #tpu.memory_space<semaphore_mem>>
        %dma_start3A_309 = arith.constant 0 : i32
        %dma_start3A_310 = tpu.memref_slice %arg12[%select_n3A_259, %dma_start3A_309] : memref<10000x128xf32, #tpu.memory_space<vmem_shared>> -> memref<624x128xf32, #tpu.memory_space<vmem_shared>>
        %dma_start3A_311 = arith.constant 0 : i32
        %dma_start3A_312 = arith.constant 0 : i32
        %dma_start3A_313 = tpu.memref_slice %arg5[%dma_start3A_311, %dma_start3A_312] : memref<632x128xf32, #tpu.memory_space<hbm>> -> memref<624x128xf32, #tpu.memory_space<hbm>>
        tpu.enqueue_dma source(%dma_start3A_313 : memref<624x128xf32, #tpu.memory_space<hbm>>) target(%dma_start3A_310 : memref<624x128xf32, #tpu.memory_space<vmem_shared>>) target_semaphore(%run_scoped3A : memref<!tpu.dma_semaphore, #tpu.memory_space<semaphore_mem>>)
        %dma_wait3A = arith.constant 0 : i32
        %dma_wait3A_314 = tpu.memref_slice %arg12[%select_n3A_259, %dma_wait3A] : memref<10000x128xf32, #tpu.memory_space<vmem_shared>> -> memref<624x128xf32, #tpu.memory_space<vmem_shared>>
        %dma_wait3A_315 = arith.constant 0 : i32
        %dma_wait3A_316 = arith.constant 0 : i32
        %dma_wait3A_317 = tpu.memref_slice %arg5[%dma_wait3A_315, %dma_wait3A_316] : memref<632x128xf32, #tpu.memory_space<hbm>> -> memref<624x128xf32, #tpu.memory_space<hbm>>
        tpu.wait_dma2 semaphore(%run_scoped3A : memref<!tpu.dma_semaphore, #tpu.memory_space<semaphore_mem>>) src(%dma_wait3A_317 : memref<624x128xf32, #tpu.memory_space<hbm>>) dst(%dma_wait3A_314 : memref<624x128xf32, #tpu.memory_space<vmem_shared>>)
        tpu.yield
      }) : () -> ()
    } else {
    }
    %barrier3A_270 = arith.constant 0 : index
    tpu.barrier barrier_id(%barrier3A_270)
    %add3A_271 = arith.constant 0 : i32
    %add3A_272 = arith.addi %add3A, %add3A_271 : i32
    %mul3A_273 = arith.constant 128 : i32
    %mul3A_274 = arith.muli %add3A_272, %mul3A_273 : i32
    %dma_start3A_275 = tpu.memref_slice %arg4[%mul3A_274] : memref<320000xi32, #tpu.memory_space<hbm>> -> memref<128xi32, #tpu.memory_space<hbm>>
    %dma_start3A_276 = tpu.memref_slice %arg4[%mul3A_274] : memref<320000xi32, #tpu.memory_space<hbm>> -> memref<128xi32, #tpu.memory_space<hbm>>
    tpu.enqueue_dma source(%dma_start3A_276 : memref<128xi32, #tpu.memory_space<hbm>>) target(%arg8 : memref<128xi32, #tpu.memory_space<vmem>>) target_semaphore(%arg13 : memref<!tpu.dma_semaphore, #tpu.memory_space<semaphore_mem>>)
    %gt3A_277 = arith.constant 1 : i32
    %gt3A_278 = arith.cmpi sgt, %add3A_243, %gt3A_277 : i32
    %convert_element_type3A_279 = arith.extui %gt3A_278 : i1 to i32
    %cond3A_280 = arith.constant 0 : i32
    %cond3A_281 = arith.cmpi ne, %convert_element_type3A_279, %cond3A_280 : i32
    scf.if %cond3A_281 {
      %add3A_309 = arith.constant 32 : i32
      %add3A_310 = arith.addi %add3A, %add3A_309 : i32
      %mul3A_311 = arith.constant 128 : i32
      %mul3A_312 = arith.muli %add3A_310, %mul3A_311 : i32
      %dma_start3A_313 = tpu.memref_slice %arg4[%mul3A_312] : memref<320000xi32, #tpu.memory_space<hbm>> -> memref<128xi32, #tpu.memory_space<hbm>>
      %dma_start3A_314 = tpu.memref_slice %arg4[%mul3A_312] : memref<320000xi32, #tpu.memory_space<hbm>> -> memref<128xi32, #tpu.memory_space<hbm>>
      tpu.enqueue_dma source(%dma_start3A_314 : memref<128xi32, #tpu.memory_space<hbm>>) target(%arg9 : memref<128xi32, #tpu.memory_space<vmem>>) target_semaphore(%arg14 : memref<!tpu.dma_semaphore, #tpu.memory_space<semaphore_mem>>)
    } else {
    }
    %scan3A_282 = arith.constant 0 : i32
    %scan3A_283 = arith.constant 0 : i32
    %scan3A_284 = arith.constant 40 : i32
    %scan3A_285 = arith.addi %scan3A_283, %scan3A_284 : i32
    %scan3A_286 = arith.constant 1 : i32
    scf.for %scan3A_309 = %scan3A_283 to %scan3A_285 step %scan3A_286  : i32 {
      %mul3A_310 = arith.constant 2 : i32
      %mul3A_311 = arith.muli %mul3A_310, %scan3A_309 : i32
      %add3A_312 = arith.constant 0 : i32
      %add3A_313 = arith.addi %mul3A_311, %add3A_312 : i32
      %lt3A_314 = arith.cmpi slt, %add3A_313, %add3A_243 : i32
      %convert_element_type3A_315 = arith.extui %lt3A_314 : i1 to i32
      %cond3A_316 = arith.constant 0 : i32
      %cond3A_317 = arith.cmpi ne, %convert_element_type3A_315, %cond3A_316 : i32
      scf.if %cond3A_317 {
        %dma_wait3A = arith.constant 0 : i32
        %dma_wait3A_326 = tpu.memref_slice %arg4[%dma_wait3A] : memref<320000xi32, #tpu.memory_space<hbm>> -> memref<128xi32, #tpu.memory_space<hbm>>
        %dma_wait3A_327 = arith.constant 0 : i32
        %dma_wait3A_328 = tpu.memref_slice %arg4[%dma_wait3A_327] : memref<320000xi32, #tpu.memory_space<hbm>> -> memref<128xi32, #tpu.memory_space<hbm>>
        tpu.wait_dma2 semaphore(%arg13 : memref<!tpu.dma_semaphore, #tpu.memory_space<semaphore_mem>>) src(%dma_wait3A_328 : memref<128xi32, #tpu.memory_space<hbm>>) dst(%arg8 : memref<128xi32, #tpu.memory_space<vmem>>)
        "tpu.region"() ({
          %run_scoped3A = tpu.sem_alloc : memref<!tpu.dma_semaphore, #tpu.memory_space<semaphore_mem>>
          %dma_start3A_335 = arith.constant 0 : i32
          %dma_start3A_336 = arith.constant 0 : i32
          %dma_start3A_337 = tpu.memref_slice %arg12[%dma_start3A_335, %dma_start3A_336] : memref<10000x128xf32, #tpu.memory_space<vmem_shared>> -> memref<10000x128xf32, #tpu.memory_space<vmem_shared>>
          tpu.enqueue_indirect_dma source(%arg10 : memref<128x128xf32, #tpu.memory_space<vmem>>) target(%dma_start3A_337 : memref<10000x128xf32, #tpu.memory_space<vmem_shared>>) offsets(%arg8 : memref<128xi32, #tpu.memory_space<vmem>>) semaphore(%run_scoped3A : memref<!tpu.dma_semaphore, #tpu.memory_space<semaphore_mem>>) {add = true}
          %dma_wait3A_338 = arith.constant 0 : i32
          %dma_wait3A_339 = arith.constant 0 : i32
          %dma_wait3A_340 = tpu.memref_slice %arg12[%dma_wait3A_338, %dma_wait3A_339] : memref<10000x128xf32, #tpu.memory_space<vmem_shared>> -> memref<10000x128xf32, #tpu.memory_space<vmem_shared>>
          tpu.wait_indirect_dma semaphore(%run_scoped3A : memref<!tpu.dma_semaphore, #tpu.memory_space<semaphore_mem>>) src(%arg10 : memref<128x128xf32, #tpu.memory_space<vmem>>) dst(%dma_wait3A_340 : memref<10000x128xf32, #tpu.memory_space<vmem_shared>>)
          tpu.yield
        }) : () -> ()
        %add3A_329 = arith.constant 2 : i32
        %add3A_330 = arith.addi %add3A_313, %add3A_329 : i32
        %lt3A_331 = arith.cmpi slt, %add3A_330, %add3A_243 : i32
        %convert_element_type3A_332 = arith.extui %lt3A_331 : i1 to i32
        %cond3A_333 = arith.constant 0 : i32
        %cond3A_334 = arith.cmpi ne, %convert_element_type3A_332, %cond3A_333 : i32
        scf.if %cond3A_334 {
          %add3A_335 = arith.constant 2 : i32
          %add3A_336 = arith.addi %add3A_313, %add3A_335 : i32
          %mul3A_337 = arith.constant 32 : i32
          %mul3A_338 = arith.muli %mul3A_337, %add3A_336 : i32
          %add3A_339 = arith.addi %add3A, %mul3A_338 : i32
          %mul3A_340 = arith.constant 128 : i32
          %mul3A_341 = arith.muli %add3A_339, %mul3A_340 : i32
          %dma_start3A_342 = tpu.memref_slice %arg4[%mul3A_341] : memref<320000xi32, #tpu.memory_space<hbm>> -> memref<128xi32, #tpu.memory_space<hbm>>
          %dma_start3A_343 = tpu.memref_slice %arg4[%mul3A_341] : memref<320000xi32, #tpu.memory_space<hbm>> -> memref<128xi32, #tpu.memory_space<hbm>>
          tpu.enqueue_dma source(%dma_start3A_343 : memref<128xi32, #tpu.memory_space<hbm>>) target(%arg8 : memref<128xi32, #tpu.memory_space<vmem>>) target_semaphore(%arg13 : memref<!tpu.dma_semaphore, #tpu.memory_space<semaphore_mem>>)
        } else {
        }
      } else {
      }
      %mul3A_318 = arith.constant 2 : i32
      %mul3A_319 = arith.muli %mul3A_318, %scan3A_309 : i32
      %add3A_320 = arith.constant 1 : i32
      %add3A_321 = arith.addi %mul3A_319, %add3A_320 : i32
      %lt3A_322 = arith.cmpi slt, %add3A_321, %add3A_243 : i32
      %convert_element_type3A_323 = arith.extui %lt3A_322 : i1 to i32
      %cond3A_324 = arith.constant 0 : i32
      %cond3A_325 = arith.cmpi ne, %convert_element_type3A_323, %cond3A_324 : i32
      scf.if %cond3A_325 {
        %dma_wait3A = arith.constant 0 : i32
        %dma_wait3A_326 = tpu.memref_slice %arg4[%dma_wait3A] : memref<320000xi32, #tpu.memory_space<hbm>> -> memref<128xi32, #tpu.memory_space<hbm>>
        %dma_wait3A_327 = arith.constant 0 : i32
        %dma_wait3A_328 = tpu.memref_slice %arg4[%dma_wait3A_327] : memref<320000xi32, #tpu.memory_space<hbm>> -> memref<128xi32, #tpu.memory_space<hbm>>
        tpu.wait_dma2 semaphore(%arg14 : memref<!tpu.dma_semaphore, #tpu.memory_space<semaphore_mem>>) src(%dma_wait3A_328 : memref<128xi32, #tpu.memory_space<hbm>>) dst(%arg9 : memref<128xi32, #tpu.memory_space<vmem>>)
        "tpu.region"() ({
          %run_scoped3A = tpu.sem_alloc : memref<!tpu.dma_semaphore, #tpu.memory_space<semaphore_mem>>
          %dma_start3A_335 = arith.constant 0 : i32
          %dma_start3A_336 = arith.constant 0 : i32
          %dma_start3A_337 = tpu.memref_slice %arg12[%dma_start3A_335, %dma_start3A_336] : memref<10000x128xf32, #tpu.memory_space<vmem_shared>> -> memref<10000x128xf32, #tpu.memory_space<vmem_shared>>
          tpu.enqueue_indirect_dma source(%arg10 : memref<128x128xf32, #tpu.memory_space<vmem>>) target(%dma_start3A_337 : memref<10000x128xf32, #tpu.memory_space<vmem_shared>>) offsets(%arg9 : memref<128xi32, #tpu.memory_space<vmem>>) semaphore(%run_scoped3A : memref<!tpu.dma_semaphore, #tpu.memory_space<semaphore_mem>>) {add = true}
          %dma_wait3A_338 = arith.constant 0 : i32
          %dma_wait3A_339 = arith.constant 0 : i32
          %dma_wait3A_340 = tpu.memref_slice %arg12[%dma_wait3A_338, %dma_wait3A_339] : memref<10000x128xf32, #tpu.memory_space<vmem_shared>> -> memref<10000x128xf32, #tpu.memory_space<vmem_shared>>
          tpu.wait_indirect_dma semaphore(%run_scoped3A : memref<!tpu.dma_semaphore, #tpu.memory_space<semaphore_mem>>) src(%arg10 : memref<128x128xf32, #tpu.memory_space<vmem>>) dst(%dma_wait3A_340 : memref<10000x128xf32, #tpu.memory_space<vmem_shared>>)
          tpu.yield
        }) : () -> ()
        %add3A_329 = arith.constant 2 : i32
        %add3A_330 = arith.addi %add3A_321, %add3A_329 : i32
        %lt3A_331 = arith.cmpi slt, %add3A_330, %add3A_243 : i32
        %convert_element_type3A_332 = arith.extui %lt3A_331 : i1 to i32
        %cond3A_333 = arith.constant 0 : i32
        %cond3A_334 = arith.cmpi ne, %convert_element_type3A_332, %cond3A_333 : i32
        scf.if %cond3A_334 {
          %add3A_335 = arith.constant 2 : i32
          %add3A_336 = arith.addi %add3A_321, %add3A_335 : i32
          %mul3A_337 = arith.constant 32 : i32
          %mul3A_338 = arith.muli %mul3A_337, %add3A_336 : i32
          %add3A_339 = arith.addi %add3A, %mul3A_338 : i32
          %mul3A_340 = arith.constant 128 : i32
          %mul3A_341 = arith.muli %add3A_339, %mul3A_340 : i32
          %dma_start3A_342 = tpu.memref_slice %arg4[%mul3A_341] : memref<320000xi32, #tpu.memory_space<hbm>> -> memref<128xi32, #tpu.memory_space<hbm>>
          %dma_start3A_343 = tpu.memref_slice %arg4[%mul3A_341] : memref<320000xi32, #tpu.memory_space<hbm>> -> memref<128xi32, #tpu.memory_space<hbm>>
          tpu.enqueue_dma source(%dma_start3A_343 : memref<128xi32, #tpu.memory_space<hbm>>) target(%arg9 : memref<128xi32, #tpu.memory_space<vmem>>) target_semaphore(%arg14 : memref<!tpu.dma_semaphore, #tpu.memory_space<semaphore_mem>>)
        } else {
        }
      } else {
      }
    }
    %scan3A_287 = arith.constant 40 : i32
    %barrier3A_288 = arith.constant 0 : index
    tpu.barrier barrier_id(%barrier3A_288)
    %lt3A_289 = arith.constant 2 : i32
    %lt3A_290 = arith.cmpi slt, %arg1, %lt3A_289 : i32
    %mul3A_291 = arith.constant 632 : i32
    %mul3A_292 = arith.muli %arg1, %mul3A_291 : i32
    %mul3A_293 = arith.constant 624 : i32
    %mul3A_294 = arith.muli %arg1, %mul3A_293 : i32
    %add3A_295 = arith.constant 16 : i32
    %add3A_296 = arith.addi %add3A_295, %mul3A_294 : i32
    %select_n3A_297 = arith.select %lt3A_290, %mul3A_292, %add3A_296 : i32
    %lt3A_298 = arith.constant 2 : i32
    %lt3A_299 = arith.cmpi slt, %arg1, %lt3A_298 : i32
    %convert_element_type3A_300 = arith.extui %lt3A_299 : i1 to i32
    %cond3A_301 = arith.constant 0 : i32
    %cond3A_302 = arith.cmpi ne, %convert_element_type3A_300, %cond3A_301 : i32
    scf.if %cond3A_302 {
      "tpu.region"() ({
        %run_scoped3A = tpu.sem_alloc : memref<!tpu.dma_semaphore, #tpu.memory_space<semaphore_mem>>
        %dma_start3A_309 = arith.constant 0 : i32
        %dma_start3A_310 = arith.constant 0 : i32
        %dma_start3A_311 = tpu.memref_slice %arg7[%arg0, %dma_start3A_309, %dma_start3A_310] : memref<2x10000x128xf32, #tpu.memory_space<hbm>> -> memref<1x10000x128xf32, #tpu.memory_space<hbm>>
        %dma_start3A_312 = tpu.memref_squeeze %dma_start3A_311 : memref<1x10000x128xf32, #tpu.memory_space<hbm>> -> memref<10000x128xf32, #tpu.memory_space<hbm>>
        %dma_start3A_313 = arith.constant 0 : i32
        %dma_start3A_314 = tpu.memref_slice %dma_start3A_312[%select_n3A_297, %dma_start3A_313] : memref<10000x128xf32, #tpu.memory_space<hbm>> -> memref<632x128xf32, #tpu.memory_space<hbm>>
        %dma_start3A_315 = arith.constant 0 : i32
        %dma_start3A_316 = tpu.memref_slice %arg12[%select_n3A_297, %dma_start3A_315] : memref<10000x128xf32, #tpu.memory_space<vmem_shared>> -> memref<632x128xf32, #tpu.memory_space<vmem_shared>>
        tpu.enqueue_dma source(%dma_start3A_316 : memref<632x128xf32, #tpu.memory_space<vmem_shared>>) target(%dma_start3A_314 : memref<632x128xf32, #tpu.memory_space<hbm>>) target_semaphore(%run_scoped3A : memref<!tpu.dma_semaphore, #tpu.memory_space<semaphore_mem>>)
        %dma_wait3A = arith.constant 0 : i32
        %dma_wait3A_317 = arith.constant 0 : i32
        %dma_wait3A_318 = tpu.memref_slice %arg7[%arg0, %dma_wait3A, %dma_wait3A_317] : memref<2x10000x128xf32, #tpu.memory_space<hbm>> -> memref<1x10000x128xf32, #tpu.memory_space<hbm>>
        %dma_wait3A_319 = tpu.memref_squeeze %dma_wait3A_318 : memref<1x10000x128xf32, #tpu.memory_space<hbm>> -> memref<10000x128xf32, #tpu.memory_space<hbm>>
        %dma_wait3A_320 = arith.constant 0 : i32
        %dma_wait3A_321 = tpu.memref_slice %dma_wait3A_319[%select_n3A_297, %dma_wait3A_320] : memref<10000x128xf32, #tpu.memory_space<hbm>> -> memref<632x128xf32, #tpu.memory_space<hbm>>
        %dma_wait3A_322 = arith.constant 0 : i32
        %dma_wait3A_323 = tpu.memref_slice %arg12[%select_n3A_297, %dma_wait3A_322] : memref<10000x128xf32, #tpu.memory_space<vmem_shared>> -> memref<632x128xf32, #tpu.memory_space<vmem_shared>>
        tpu.wait_dma2 semaphore(%run_scoped3A : memref<!tpu.dma_semaphore, #tpu.memory_space<semaphore_mem>>) src(%dma_wait3A_323 : memref<632x128xf32, #tpu.memory_space<vmem_shared>>) dst(%dma_wait3A_321 : memref<632x128xf32, #tpu.memory_space<hbm>>)
        tpu.yield
      }) : () -> ()
    } else {
    }
    %ge3A_303 = arith.constant 2 : i32
    %ge3A_304 = arith.cmpi sge, %arg1, %ge3A_303 : i32
    %convert_element_type3A_305 = arith.extui %ge3A_304 : i1 to i32
    %cond3A_306 = arith.constant 0 : i32
    %cond3A_307 = arith.cmpi ne, %convert_element_type3A_305, %cond3A_306 : i32
    scf.if %cond3A_307 {
      "tpu.region"() ({
        %run_scoped3A = tpu.sem_alloc : memref<!tpu.dma_semaphore, #tpu.memory_space<semaphore_mem>>
        %dma_start3A_309 = arith.constant 0 : i32
        %dma_start3A_310 = arith.constant 0 : i32
        %dma_start3A_311 = tpu.memref_slice %arg7[%arg0, %dma_start3A_309, %dma_start3A_310] : memref<2x10000x128xf32, #tpu.memory_space<hbm>> -> memref<1x10000x128xf32, #tpu.memory_space<hbm>>
        %dma_start3A_312 = tpu.memref_squeeze %dma_start3A_311 : memref<1x10000x128xf32, #tpu.memory_space<hbm>> -> memref<10000x128xf32, #tpu.memory_space<hbm>>
        %dma_start3A_313 = arith.constant 0 : i32
        %dma_start3A_314 = tpu.memref_slice %dma_start3A_312[%select_n3A_297, %dma_start3A_313] : memref<10000x128xf32, #tpu.memory_space<hbm>> -> memref<624x128xf32, #tpu.memory_space<hbm>>
        %dma_start3A_315 = arith.constant 0 : i32
        %dma_start3A_316 = tpu.memref_slice %arg12[%select_n3A_297, %dma_start3A_315] : memref<10000x128xf32, #tpu.memory_space<vmem_shared>> -> memref<624x128xf32, #tpu.memory_space<vmem_shared>>
        tpu.enqueue_dma source(%dma_start3A_316 : memref<624x128xf32, #tpu.memory_space<vmem_shared>>) target(%dma_start3A_314 : memref<624x128xf32, #tpu.memory_space<hbm>>) target_semaphore(%run_scoped3A : memref<!tpu.dma_semaphore, #tpu.memory_space<semaphore_mem>>)
        %dma_wait3A = arith.constant 0 : i32
        %dma_wait3A_317 = arith.constant 0 : i32
        %dma_wait3A_318 = tpu.memref_slice %arg7[%arg0, %dma_wait3A, %dma_wait3A_317] : memref<2x10000x128xf32, #tpu.memory_space<hbm>> -> memref<1x10000x128xf32, #tpu.memory_space<hbm>>
        %dma_wait3A_319 = tpu.memref_squeeze %dma_wait3A_318 : memref<1x10000x128xf32, #tpu.memory_space<hbm>> -> memref<10000x128xf32, #tpu.memory_space<hbm>>
        %dma_wait3A_320 = arith.constant 0 : i32
        %dma_wait3A_321 = tpu.memref_slice %dma_wait3A_319[%select_n3A_297, %dma_wait3A_320] : memref<10000x128xf32, #tpu.memory_space<hbm>> -> memref<624x128xf32, #tpu.memory_space<hbm>>
        %dma_wait3A_322 = arith.constant 0 : i32
        %dma_wait3A_323 = tpu.memref_slice %arg12[%select_n3A_297, %dma_wait3A_322] : memref<10000x128xf32, #tpu.memory_space<vmem_shared>> -> memref<624x128xf32, #tpu.memory_space<vmem_shared>>
        tpu.wait_dma2 semaphore(%run_scoped3A : memref<!tpu.dma_semaphore, #tpu.memory_space<semaphore_mem>>) src(%dma_wait3A_323 : memref<624x128xf32, #tpu.memory_space<vmem_shared>>) dst(%dma_wait3A_321 : memref<624x128xf32, #tpu.memory_space<hbm>>)
        tpu.yield
      }) : () -> ()
    } else {
    }
    %barrier3A_308 = arith.constant 0 : index
    tpu.barrier barrier_id(%barrier3A_308)
    return
  }
}

#map = affine_map<(d0, d1) -> (0, 0, 0)>
#map1 = affine_map<(d0, d1) -> (0)>
#map2 = affine_map<(d0, d1) -> (0, 0)>
#map3 = affine_map<(d0, d1) -> (0, 0, 0, 0)>
module attributes {stable_mosaic.version = 14 : i64} {
  func.func @seg(%arg0: i32, %arg1: i32, %arg2: memref<3x160000x128xf32, #tpu.memory_space<hbm>>, %arg3: memref<160000xi32, #tpu.memory_space<hbm>>, %arg4: memref<632x128xf32, #tpu.memory_space<hbm>>, %arg5: memref<3x2x10000x128xf32, #tpu.memory_space<hbm>>, %arg6: memref<128xi32, #tpu.memory_space<vmem>>, %arg7: memref<128xi32, #tpu.memory_space<vmem>>, %arg8: memref<128x128xf32, #tpu.memory_space<vmem>>, %arg9: memref<128x128xf32, #tpu.memory_space<vmem>>, %arg10: memref<10000x128xf32, #tpu.memory_space<vmem_shared>>, %arg11: memref<!tpu.dma_semaphore, #tpu.memory_space<semaphore_mem>>, %arg12: memref<!tpu.dma_semaphore, #tpu.memory_space<semaphore_mem>>) attributes {dimension_semantics = [#tpu.dimension_semantics<core_parallel>, #tpu.dimension_semantics<subcore_parallel>], iteration_bounds = array<i64: 2, 16>, scalar_prefetch = 0 : i64, scratch_operands = 7 : i64, tpu.core_type = #tpu.core_type<sc_vector_subcore>, window_params = [{transform_indices = #map}, {transform_indices = #map1}, {transform_indices = #map2}, {transform_indices = #map3}]} {
    %mul3A = arith.constant 2 : i32
    %mul3A_0 = arith.muli %arg1, %mul3A : i32
    %add3A = arith.addi %mul3A_0, %arg0 : i32
    %lt3A = arith.constant 2 : i32
    %lt3A_1 = arith.cmpi slt, %add3A, %lt3A : i32
    %jit3A = arith.constant 1 : i32
    %jit3A_2 = arith.constant 0 : i32
    %select_n3A = arith.select %lt3A_1, %jit3A, %jit3A_2 : i32
    %add3A_3 = arith.constant 39 : i32
    %add3A_4 = arith.addi %add3A_3, %select_n3A : i32
    %lt3A_5 = arith.constant 2 : i32
    %lt3A_6 = arith.cmpi slt, %arg1, %lt3A_5 : i32
    %mul3A_7 = arith.constant 632 : i32
    %mul3A_8 = arith.muli %arg1, %mul3A_7 : i32
    %mul3A_9 = arith.constant 624 : i32
    %mul3A_10 = arith.muli %arg1, %mul3A_9 : i32
    %add3A_11 = arith.constant 16 : i32
    %add3A_12 = arith.addi %add3A_11, %mul3A_10 : i32
    %select_n3A_13 = arith.select %lt3A_6, %mul3A_8, %add3A_12 : i32
    %lt3A_14 = arith.constant 2 : i32
    %lt3A_15 = arith.cmpi slt, %arg1, %lt3A_14 : i32
    %convert_element_type3A = arith.extui %lt3A_15 : i1 to i32
    %cond3A = arith.constant 0 : i32
    %cond3A_16 = arith.cmpi ne, %convert_element_type3A, %cond3A : i32
    scf.if %cond3A_16 {
      "tpu.region"() ({
        %run_scoped3A = tpu.sem_alloc : memref<!tpu.dma_semaphore, #tpu.memory_space<semaphore_mem>>
        %dma_start3A_237 = arith.constant 0 : i32
        %dma_start3A_238 = tpu.memref_slice %arg10[%select_n3A_13, %dma_start3A_237] : memref<10000x128xf32, #tpu.memory_space<vmem_shared>> -> memref<632x128xf32, #tpu.memory_space<vmem_shared>>
        tpu.enqueue_dma source(%arg4 : memref<632x128xf32, #tpu.memory_space<hbm>>) target(%dma_start3A_238 : memref<632x128xf32, #tpu.memory_space<vmem_shared>>) target_semaphore(%run_scoped3A : memref<!tpu.dma_semaphore, #tpu.memory_space<semaphore_mem>>)
        %dma_wait3A = arith.constant 0 : i32
        %dma_wait3A_239 = tpu.memref_slice %arg10[%select_n3A_13, %dma_wait3A] : memref<10000x128xf32, #tpu.memory_space<vmem_shared>> -> memref<632x128xf32, #tpu.memory_space<vmem_shared>>
        tpu.wait_dma2 semaphore(%run_scoped3A : memref<!tpu.dma_semaphore, #tpu.memory_space<semaphore_mem>>) src(%arg4 : memref<632x128xf32, #tpu.memory_space<hbm>>) dst(%dma_wait3A_239 : memref<632x128xf32, #tpu.memory_space<vmem_shared>>)
        tpu.yield
      }) : () -> ()
    } else {
    }
    %ge3A = arith.constant 2 : i32
    %ge3A_17 = arith.cmpi sge, %arg1, %ge3A : i32
    %convert_element_type3A_18 = arith.extui %ge3A_17 : i1 to i32
    %cond3A_19 = arith.constant 0 : i32
    %cond3A_20 = arith.cmpi ne, %convert_element_type3A_18, %cond3A_19 : i32
    scf.if %cond3A_20 {
      "tpu.region"() ({
        %run_scoped3A = tpu.sem_alloc : memref<!tpu.dma_semaphore, #tpu.memory_space<semaphore_mem>>
        %dma_start3A_237 = arith.constant 0 : i32
        %dma_start3A_238 = tpu.memref_slice %arg10[%select_n3A_13, %dma_start3A_237] : memref<10000x128xf32, #tpu.memory_space<vmem_shared>> -> memref<624x128xf32, #tpu.memory_space<vmem_shared>>
        %dma_start3A_239 = arith.constant 0 : i32
        %dma_start3A_240 = arith.constant 0 : i32
        %dma_start3A_241 = tpu.memref_slice %arg4[%dma_start3A_239, %dma_start3A_240] : memref<632x128xf32, #tpu.memory_space<hbm>> -> memref<624x128xf32, #tpu.memory_space<hbm>>
        tpu.enqueue_dma source(%dma_start3A_241 : memref<624x128xf32, #tpu.memory_space<hbm>>) target(%dma_start3A_238 : memref<624x128xf32, #tpu.memory_space<vmem_shared>>) target_semaphore(%run_scoped3A : memref<!tpu.dma_semaphore, #tpu.memory_space<semaphore_mem>>)
        %dma_wait3A = arith.constant 0 : i32
        %dma_wait3A_242 = tpu.memref_slice %arg10[%select_n3A_13, %dma_wait3A] : memref<10000x128xf32, #tpu.memory_space<vmem_shared>> -> memref<624x128xf32, #tpu.memory_space<vmem_shared>>
        %dma_wait3A_243 = arith.constant 0 : i32
        %dma_wait3A_244 = arith.constant 0 : i32
        %dma_wait3A_245 = tpu.memref_slice %arg4[%dma_wait3A_243, %dma_wait3A_244] : memref<632x128xf32, #tpu.memory_space<hbm>> -> memref<624x128xf32, #tpu.memory_space<hbm>>
        tpu.wait_dma2 semaphore(%run_scoped3A : memref<!tpu.dma_semaphore, #tpu.memory_space<semaphore_mem>>) src(%dma_wait3A_245 : memref<624x128xf32, #tpu.memory_space<hbm>>) dst(%dma_wait3A_242 : memref<624x128xf32, #tpu.memory_space<vmem_shared>>)
        tpu.yield
      }) : () -> ()
    } else {
    }
    %barrier3A = arith.constant 0 : index
    tpu.barrier barrier_id(%barrier3A)
    %add3A_21 = arith.constant 0 : i32
    %add3A_22 = arith.addi %add3A, %add3A_21 : i32
    %mul3A_23 = arith.constant 128 : i32
    %mul3A_24 = arith.muli %add3A_22, %mul3A_23 : i32
    %dma_start3A = tpu.memref_slice %arg3[%mul3A_24] : memref<160000xi32, #tpu.memory_space<hbm>> -> memref<128xi32, #tpu.memory_space<hbm>>
    %dma_start3A_25 = tpu.memref_slice %arg3[%mul3A_24] : memref<160000xi32, #tpu.memory_space<hbm>> -> memref<128xi32, #tpu.memory_space<hbm>>
    tpu.enqueue_dma source(%dma_start3A_25 : memref<128xi32, #tpu.memory_space<hbm>>) target(%arg6 : memref<128xi32, #tpu.memory_space<vmem>>) target_semaphore(%arg11 : memref<!tpu.dma_semaphore, #tpu.memory_space<semaphore_mem>>)
    %mul3A_26 = arith.constant 128 : i32
    %mul3A_27 = arith.muli %add3A_22, %mul3A_26 : i32
    %dma_start3A_28 = arith.constant 0 : i32
    %dma_start3A_29 = arith.constant 0 : i32
    %dma_start3A_30 = arith.constant 0 : i32
    %dma_start3A_31 = tpu.memref_slice %arg2[%dma_start3A_28, %dma_start3A_29, %dma_start3A_30] : memref<3x160000x128xf32, #tpu.memory_space<hbm>> -> memref<1x160000x128xf32, #tpu.memory_space<hbm>>
    %dma_start3A_32 = tpu.memref_squeeze %dma_start3A_31 : memref<1x160000x128xf32, #tpu.memory_space<hbm>> -> memref<160000x128xf32, #tpu.memory_space<hbm>>
    %dma_start3A_33 = arith.constant 0 : i32
    %dma_start3A_34 = tpu.memref_slice %dma_start3A_32[%mul3A_27, %dma_start3A_33] : memref<160000x128xf32, #tpu.memory_space<hbm>> -> memref<128x128xf32, #tpu.memory_space<hbm>>
    %dma_start3A_35 = arith.constant 0 : i32
    %dma_start3A_36 = arith.constant 0 : i32
    %dma_start3A_37 = tpu.memref_slice %arg2[%dma_start3A_28, %dma_start3A_35, %dma_start3A_36] : memref<3x160000x128xf32, #tpu.memory_space<hbm>> -> memref<1x160000x128xf32, #tpu.memory_space<hbm>>
    %dma_start3A_38 = tpu.memref_squeeze %dma_start3A_37 : memref<1x160000x128xf32, #tpu.memory_space<hbm>> -> memref<160000x128xf32, #tpu.memory_space<hbm>>
    %dma_start3A_39 = arith.constant 0 : i32
    %dma_start3A_40 = tpu.memref_slice %dma_start3A_38[%mul3A_27, %dma_start3A_39] : memref<160000x128xf32, #tpu.memory_space<hbm>> -> memref<128x128xf32, #tpu.memory_space<hbm>>
    tpu.enqueue_dma source(%dma_start3A_40 : memref<128x128xf32, #tpu.memory_space<hbm>>) target(%arg8 : memref<128x128xf32, #tpu.memory_space<vmem>>) target_semaphore(%arg11 : memref<!tpu.dma_semaphore, #tpu.memory_space<semaphore_mem>>)
    %gt3A = arith.constant 1 : i32
    %gt3A_41 = arith.cmpi sgt, %add3A_4, %gt3A : i32
    %convert_element_type3A_42 = arith.extui %gt3A_41 : i1 to i32
    %cond3A_43 = arith.constant 0 : i32
    %cond3A_44 = arith.cmpi ne, %convert_element_type3A_42, %cond3A_43 : i32
    scf.if %cond3A_44 {
      %add3A_237 = arith.constant 32 : i32
      %add3A_238 = arith.addi %add3A, %add3A_237 : i32
      %mul3A_239 = arith.constant 128 : i32
      %mul3A_240 = arith.muli %add3A_238, %mul3A_239 : i32
      %dma_start3A_241 = tpu.memref_slice %arg3[%mul3A_240] : memref<160000xi32, #tpu.memory_space<hbm>> -> memref<128xi32, #tpu.memory_space<hbm>>
      %dma_start3A_242 = tpu.memref_slice %arg3[%mul3A_240] : memref<160000xi32, #tpu.memory_space<hbm>> -> memref<128xi32, #tpu.memory_space<hbm>>
      tpu.enqueue_dma source(%dma_start3A_242 : memref<128xi32, #tpu.memory_space<hbm>>) target(%arg7 : memref<128xi32, #tpu.memory_space<vmem>>) target_semaphore(%arg12 : memref<!tpu.dma_semaphore, #tpu.memory_space<semaphore_mem>>)
      %mul3A_243 = arith.constant 128 : i32
      %mul3A_244 = arith.muli %add3A_238, %mul3A_243 : i32
      %dma_start3A_245 = arith.constant 0 : i32
      %dma_start3A_246 = arith.constant 0 : i32
      %dma_start3A_247 = arith.constant 0 : i32
      %dma_start3A_248 = tpu.memref_slice %arg2[%dma_start3A_245, %dma_start3A_246, %dma_start3A_247] : memref<3x160000x128xf32, #tpu.memory_space<hbm>> -> memref<1x160000x128xf32, #tpu.memory_space<hbm>>
      %dma_start3A_249 = tpu.memref_squeeze %dma_start3A_248 : memref<1x160000x128xf32, #tpu.memory_space<hbm>> -> memref<160000x128xf32, #tpu.memory_space<hbm>>
      %dma_start3A_250 = arith.constant 0 : i32
      %dma_start3A_251 = tpu.memref_slice %dma_start3A_249[%mul3A_244, %dma_start3A_250] : memref<160000x128xf32, #tpu.memory_space<hbm>> -> memref<128x128xf32, #tpu.memory_space<hbm>>
      %dma_start3A_252 = arith.constant 0 : i32
      %dma_start3A_253 = arith.constant 0 : i32
      %dma_start3A_254 = tpu.memref_slice %arg2[%dma_start3A_245, %dma_start3A_252, %dma_start3A_253] : memref<3x160000x128xf32, #tpu.memory_space<hbm>> -> memref<1x160000x128xf32, #tpu.memory_space<hbm>>
      %dma_start3A_255 = tpu.memref_squeeze %dma_start3A_254 : memref<1x160000x128xf32, #tpu.memory_space<hbm>> -> memref<160000x128xf32, #tpu.memory_space<hbm>>
      %dma_start3A_256 = arith.constant 0 : i32
      %dma_start3A_257 = tpu.memref_slice %dma_start3A_255[%mul3A_244, %dma_start3A_256] : memref<160000x128xf32, #tpu.memory_space<hbm>> -> memref<128x128xf32, #tpu.memory_space<hbm>>
      tpu.enqueue_dma source(%dma_start3A_257 : memref<128x128xf32, #tpu.memory_space<hbm>>) target(%arg9 : memref<128x128xf32, #tpu.memory_space<vmem>>) target_semaphore(%arg12 : memref<!tpu.dma_semaphore, #tpu.memory_space<semaphore_mem>>)
    } else {
    }
    %scan3A = arith.constant 0 : i32
    %scan3A_45 = arith.constant 0 : i32
    %scan3A_46 = arith.constant 20 : i32
    %scan3A_47 = arith.addi %scan3A_45, %scan3A_46 : i32
    %scan3A_48 = arith.constant 1 : i32
    scf.for %scan3A_237 = %scan3A_45 to %scan3A_47 step %scan3A_48  : i32 {
      %mul3A_238 = arith.constant 2 : i32
      %mul3A_239 = arith.muli %mul3A_238, %scan3A_237 : i32
      %add3A_240 = arith.constant 0 : i32
      %add3A_241 = arith.addi %mul3A_239, %add3A_240 : i32
      %lt3A_242 = arith.cmpi slt, %add3A_241, %add3A_4 : i32
      %convert_element_type3A_243 = arith.extui %lt3A_242 : i1 to i32
      %cond3A_244 = arith.constant 0 : i32
      %cond3A_245 = arith.cmpi ne, %convert_element_type3A_243, %cond3A_244 : i32
      scf.if %cond3A_245 {
        %dma_wait3A = arith.constant 0 : i32
        %dma_wait3A_254 = tpu.memref_slice %arg3[%dma_wait3A] : memref<160000xi32, #tpu.memory_space<hbm>> -> memref<128xi32, #tpu.memory_space<hbm>>
        %dma_wait3A_255 = arith.constant 0 : i32
        %dma_wait3A_256 = tpu.memref_slice %arg3[%dma_wait3A_255] : memref<160000xi32, #tpu.memory_space<hbm>> -> memref<128xi32, #tpu.memory_space<hbm>>
        tpu.wait_dma2 semaphore(%arg11 : memref<!tpu.dma_semaphore, #tpu.memory_space<semaphore_mem>>) src(%dma_wait3A_256 : memref<128xi32, #tpu.memory_space<hbm>>) dst(%arg6 : memref<128xi32, #tpu.memory_space<vmem>>)
        %dma_wait3A_257 = arith.constant 0 : i32
        %dma_wait3A_258 = arith.constant 0 : i32
        %dma_wait3A_259 = arith.constant 0 : i32
        %dma_wait3A_260 = tpu.memref_slice %arg2[%dma_wait3A_257, %dma_wait3A_258, %dma_wait3A_259] : memref<3x160000x128xf32, #tpu.memory_space<hbm>> -> memref<1x160000x128xf32, #tpu.memory_space<hbm>>
        %dma_wait3A_261 = tpu.memref_squeeze %dma_wait3A_260 : memref<1x160000x128xf32, #tpu.memory_space<hbm>> -> memref<160000x128xf32, #tpu.memory_space<hbm>>
        %dma_wait3A_262 = arith.constant 0 : i32
        %dma_wait3A_263 = arith.constant 0 : i32
        %dma_wait3A_264 = tpu.memref_slice %dma_wait3A_261[%dma_wait3A_262, %dma_wait3A_263] : memref<160000x128xf32, #tpu.memory_space<hbm>> -> memref<128x128xf32, #tpu.memory_space<hbm>>
        %dma_wait3A_265 = arith.constant 0 : i32
        %dma_wait3A_266 = arith.constant 0 : i32
        %dma_wait3A_267 = tpu.memref_slice %arg2[%dma_wait3A_257, %dma_wait3A_265, %dma_wait3A_266] : memref<3x160000x128xf32, #tpu.memory_space<hbm>> -> memref<1x160000x128xf32, #tpu.memory_space<hbm>>
        %dma_wait3A_268 = tpu.memref_squeeze %dma_wait3A_267 : memref<1x160000x128xf32, #tpu.memory_space<hbm>> -> memref<160000x128xf32, #tpu.memory_space<hbm>>
        %dma_wait3A_269 = arith.constant 0 : i32
        %dma_wait3A_270 = arith.constant 0 : i32
        %dma_wait3A_271 = tpu.memref_slice %dma_wait3A_268[%dma_wait3A_269, %dma_wait3A_270] : memref<160000x128xf32, #tpu.memory_space<hbm>> -> memref<128x128xf32, #tpu.memory_space<hbm>>
        tpu.wait_dma2 semaphore(%arg11 : memref<!tpu.dma_semaphore, #tpu.memory_space<semaphore_mem>>) src(%dma_wait3A_271 : memref<128x128xf32, #tpu.memory_space<hbm>>) dst(%arg8 : memref<128x128xf32, #tpu.memory_space<vmem>>)
        "tpu.region"() ({
          %run_scoped3A = tpu.sem_alloc : memref<!tpu.dma_semaphore, #tpu.memory_space<semaphore_mem>>
          %dma_start3A_278 = arith.constant 0 : i32
          %dma_start3A_279 = arith.constant 0 : i32
          %dma_start3A_280 = tpu.memref_slice %arg10[%dma_start3A_278, %dma_start3A_279] : memref<10000x128xf32, #tpu.memory_space<vmem_shared>> -> memref<10000x128xf32, #tpu.memory_space<vmem_shared>>
          tpu.enqueue_indirect_dma source(%arg8 : memref<128x128xf32, #tpu.memory_space<vmem>>) target(%dma_start3A_280 : memref<10000x128xf32, #tpu.memory_space<vmem_shared>>) offsets(%arg6 : memref<128xi32, #tpu.memory_space<vmem>>) semaphore(%run_scoped3A : memref<!tpu.dma_semaphore, #tpu.memory_space<semaphore_mem>>) {add = true}
          %dma_wait3A_281 = arith.constant 0 : i32
          %dma_wait3A_282 = arith.constant 0 : i32
          %dma_wait3A_283 = tpu.memref_slice %arg10[%dma_wait3A_281, %dma_wait3A_282] : memref<10000x128xf32, #tpu.memory_space<vmem_shared>> -> memref<10000x128xf32, #tpu.memory_space<vmem_shared>>
          tpu.wait_indirect_dma semaphore(%run_scoped3A : memref<!tpu.dma_semaphore, #tpu.memory_space<semaphore_mem>>) src(%arg8 : memref<128x128xf32, #tpu.memory_space<vmem>>) dst(%dma_wait3A_283 : memref<10000x128xf32, #tpu.memory_space<vmem_shared>>)
          tpu.yield
        }) : () -> ()
        %add3A_272 = arith.constant 2 : i32
        %add3A_273 = arith.addi %add3A_241, %add3A_272 : i32
        %lt3A_274 = arith.cmpi slt, %add3A_273, %add3A_4 : i32
        %convert_element_type3A_275 = arith.extui %lt3A_274 : i1 to i32
        %cond3A_276 = arith.constant 0 : i32
        %cond3A_277 = arith.cmpi ne, %convert_element_type3A_275, %cond3A_276 : i32
        scf.if %cond3A_277 {
          %add3A_278 = arith.constant 2 : i32
          %add3A_279 = arith.addi %add3A_241, %add3A_278 : i32
          %mul3A_280 = arith.constant 32 : i32
          %mul3A_281 = arith.muli %mul3A_280, %add3A_279 : i32
          %add3A_282 = arith.addi %add3A, %mul3A_281 : i32
          %mul3A_283 = arith.constant 128 : i32
          %mul3A_284 = arith.muli %add3A_282, %mul3A_283 : i32
          %dma_start3A_285 = tpu.memref_slice %arg3[%mul3A_284] : memref<160000xi32, #tpu.memory_space<hbm>> -> memref<128xi32, #tpu.memory_space<hbm>>
          %dma_start3A_286 = tpu.memref_slice %arg3[%mul3A_284] : memref<160000xi32, #tpu.memory_space<hbm>> -> memref<128xi32, #tpu.memory_space<hbm>>
          tpu.enqueue_dma source(%dma_start3A_286 : memref<128xi32, #tpu.memory_space<hbm>>) target(%arg6 : memref<128xi32, #tpu.memory_space<vmem>>) target_semaphore(%arg11 : memref<!tpu.dma_semaphore, #tpu.memory_space<semaphore_mem>>)
          %mul3A_287 = arith.constant 128 : i32
          %mul3A_288 = arith.muli %add3A_282, %mul3A_287 : i32
          %dma_start3A_289 = arith.constant 0 : i32
          %dma_start3A_290 = arith.constant 0 : i32
          %dma_start3A_291 = arith.constant 0 : i32
          %dma_start3A_292 = tpu.memref_slice %arg2[%dma_start3A_289, %dma_start3A_290, %dma_start3A_291] : memref<3x160000x128xf32, #tpu.memory_space<hbm>> -> memref<1x160000x128xf32, #tpu.memory_space<hbm>>
          %dma_start3A_293 = tpu.memref_squeeze %dma_start3A_292 : memref<1x160000x128xf32, #tpu.memory_space<hbm>> -> memref<160000x128xf32, #tpu.memory_space<hbm>>
          %dma_start3A_294 = arith.constant 0 : i32
          %dma_start3A_295 = tpu.memref_slice %dma_start3A_293[%mul3A_288, %dma_start3A_294] : memref<160000x128xf32, #tpu.memory_space<hbm>> -> memref<128x128xf32, #tpu.memory_space<hbm>>
          %dma_start3A_296 = arith.constant 0 : i32
          %dma_start3A_297 = arith.constant 0 : i32
          %dma_start3A_298 = tpu.memref_slice %arg2[%dma_start3A_289, %dma_start3A_296, %dma_start3A_297] : memref<3x160000x128xf32, #tpu.memory_space<hbm>> -> memref<1x160000x128xf32, #tpu.memory_space<hbm>>
          %dma_start3A_299 = tpu.memref_squeeze %dma_start3A_298 : memref<1x160000x128xf32, #tpu.memory_space<hbm>> -> memref<160000x128xf32, #tpu.memory_space<hbm>>
          %dma_start3A_300 = arith.constant 0 : i32
          %dma_start3A_301 = tpu.memref_slice %dma_start3A_299[%mul3A_288, %dma_start3A_300] : memref<160000x128xf32, #tpu.memory_space<hbm>> -> memref<128x128xf32, #tpu.memory_space<hbm>>
          tpu.enqueue_dma source(%dma_start3A_301 : memref<128x128xf32, #tpu.memory_space<hbm>>) target(%arg8 : memref<128x128xf32, #tpu.memory_space<vmem>>) target_semaphore(%arg11 : memref<!tpu.dma_semaphore, #tpu.memory_space<semaphore_mem>>)
        } else {
        }
      } else {
      }
      %mul3A_246 = arith.constant 2 : i32
      %mul3A_247 = arith.muli %mul3A_246, %scan3A_237 : i32
      %add3A_248 = arith.constant 1 : i32
      %add3A_249 = arith.addi %mul3A_247, %add3A_248 : i32
      %lt3A_250 = arith.cmpi slt, %add3A_249, %add3A_4 : i32
      %convert_element_type3A_251 = arith.extui %lt3A_250 : i1 to i32
      %cond3A_252 = arith.constant 0 : i32
      %cond3A_253 = arith.cmpi ne, %convert_element_type3A_251, %cond3A_252 : i32
      scf.if %cond3A_253 {
        %dma_wait3A = arith.constant 0 : i32
        %dma_wait3A_254 = tpu.memref_slice %arg3[%dma_wait3A] : memref<160000xi32, #tpu.memory_space<hbm>> -> memref<128xi32, #tpu.memory_space<hbm>>
        %dma_wait3A_255 = arith.constant 0 : i32
        %dma_wait3A_256 = tpu.memref_slice %arg3[%dma_wait3A_255] : memref<160000xi32, #tpu.memory_space<hbm>> -> memref<128xi32, #tpu.memory_space<hbm>>
        tpu.wait_dma2 semaphore(%arg12 : memref<!tpu.dma_semaphore, #tpu.memory_space<semaphore_mem>>) src(%dma_wait3A_256 : memref<128xi32, #tpu.memory_space<hbm>>) dst(%arg7 : memref<128xi32, #tpu.memory_space<vmem>>)
        %dma_wait3A_257 = arith.constant 0 : i32
        %dma_wait3A_258 = arith.constant 0 : i32
        %dma_wait3A_259 = arith.constant 0 : i32
        %dma_wait3A_260 = tpu.memref_slice %arg2[%dma_wait3A_257, %dma_wait3A_258, %dma_wait3A_259] : memref<3x160000x128xf32, #tpu.memory_space<hbm>> -> memref<1x160000x128xf32, #tpu.memory_space<hbm>>
        %dma_wait3A_261 = tpu.memref_squeeze %dma_wait3A_260 : memref<1x160000x128xf32, #tpu.memory_space<hbm>> -> memref<160000x128xf32, #tpu.memory_space<hbm>>
        %dma_wait3A_262 = arith.constant 0 : i32
        %dma_wait3A_263 = arith.constant 0 : i32
        %dma_wait3A_264 = tpu.memref_slice %dma_wait3A_261[%dma_wait3A_262, %dma_wait3A_263] : memref<160000x128xf32, #tpu.memory_space<hbm>> -> memref<128x128xf32, #tpu.memory_space<hbm>>
        %dma_wait3A_265 = arith.constant 0 : i32
        %dma_wait3A_266 = arith.constant 0 : i32
        %dma_wait3A_267 = tpu.memref_slice %arg2[%dma_wait3A_257, %dma_wait3A_265, %dma_wait3A_266] : memref<3x160000x128xf32, #tpu.memory_space<hbm>> -> memref<1x160000x128xf32, #tpu.memory_space<hbm>>
        %dma_wait3A_268 = tpu.memref_squeeze %dma_wait3A_267 : memref<1x160000x128xf32, #tpu.memory_space<hbm>> -> memref<160000x128xf32, #tpu.memory_space<hbm>>
        %dma_wait3A_269 = arith.constant 0 : i32
        %dma_wait3A_270 = arith.constant 0 : i32
        %dma_wait3A_271 = tpu.memref_slice %dma_wait3A_268[%dma_wait3A_269, %dma_wait3A_270] : memref<160000x128xf32, #tpu.memory_space<hbm>> -> memref<128x128xf32, #tpu.memory_space<hbm>>
        tpu.wait_dma2 semaphore(%arg12 : memref<!tpu.dma_semaphore, #tpu.memory_space<semaphore_mem>>) src(%dma_wait3A_271 : memref<128x128xf32, #tpu.memory_space<hbm>>) dst(%arg9 : memref<128x128xf32, #tpu.memory_space<vmem>>)
        "tpu.region"() ({
          %run_scoped3A = tpu.sem_alloc : memref<!tpu.dma_semaphore, #tpu.memory_space<semaphore_mem>>
          %dma_start3A_278 = arith.constant 0 : i32
          %dma_start3A_279 = arith.constant 0 : i32
          %dma_start3A_280 = tpu.memref_slice %arg10[%dma_start3A_278, %dma_start3A_279] : memref<10000x128xf32, #tpu.memory_space<vmem_shared>> -> memref<10000x128xf32, #tpu.memory_space<vmem_shared>>
          tpu.enqueue_indirect_dma source(%arg9 : memref<128x128xf32, #tpu.memory_space<vmem>>) target(%dma_start3A_280 : memref<10000x128xf32, #tpu.memory_space<vmem_shared>>) offsets(%arg7 : memref<128xi32, #tpu.memory_space<vmem>>) semaphore(%run_scoped3A : memref<!tpu.dma_semaphore, #tpu.memory_space<semaphore_mem>>) {add = true}
          %dma_wait3A_281 = arith.constant 0 : i32
          %dma_wait3A_282 = arith.constant 0 : i32
          %dma_wait3A_283 = tpu.memref_slice %arg10[%dma_wait3A_281, %dma_wait3A_282] : memref<10000x128xf32, #tpu.memory_space<vmem_shared>> -> memref<10000x128xf32, #tpu.memory_space<vmem_shared>>
          tpu.wait_indirect_dma semaphore(%run_scoped3A : memref<!tpu.dma_semaphore, #tpu.memory_space<semaphore_mem>>) src(%arg9 : memref<128x128xf32, #tpu.memory_space<vmem>>) dst(%dma_wait3A_283 : memref<10000x128xf32, #tpu.memory_space<vmem_shared>>)
          tpu.yield
        }) : () -> ()
        %add3A_272 = arith.constant 2 : i32
        %add3A_273 = arith.addi %add3A_249, %add3A_272 : i32
        %lt3A_274 = arith.cmpi slt, %add3A_273, %add3A_4 : i32
        %convert_element_type3A_275 = arith.extui %lt3A_274 : i1 to i32
        %cond3A_276 = arith.constant 0 : i32
        %cond3A_277 = arith.cmpi ne, %convert_element_type3A_275, %cond3A_276 : i32
        scf.if %cond3A_277 {
          %add3A_278 = arith.constant 2 : i32
          %add3A_279 = arith.addi %add3A_249, %add3A_278 : i32
          %mul3A_280 = arith.constant 32 : i32
          %mul3A_281 = arith.muli %mul3A_280, %add3A_279 : i32
          %add3A_282 = arith.addi %add3A, %mul3A_281 : i32
          %mul3A_283 = arith.constant 128 : i32
          %mul3A_284 = arith.muli %add3A_282, %mul3A_283 : i32
          %dma_start3A_285 = tpu.memref_slice %arg3[%mul3A_284] : memref<160000xi32, #tpu.memory_space<hbm>> -> memref<128xi32, #tpu.memory_space<hbm>>
          %dma_start3A_286 = tpu.memref_slice %arg3[%mul3A_284] : memref<160000xi32, #tpu.memory_space<hbm>> -> memref<128xi32, #tpu.memory_space<hbm>>
          tpu.enqueue_dma source(%dma_start3A_286 : memref<128xi32, #tpu.memory_space<hbm>>) target(%arg7 : memref<128xi32, #tpu.memory_space<vmem>>) target_semaphore(%arg12 : memref<!tpu.dma_semaphore, #tpu.memory_space<semaphore_mem>>)
          %mul3A_287 = arith.constant 128 : i32
          %mul3A_288 = arith.muli %add3A_282, %mul3A_287 : i32
          %dma_start3A_289 = arith.constant 0 : i32
          %dma_start3A_290 = arith.constant 0 : i32
          %dma_start3A_291 = arith.constant 0 : i32
          %dma_start3A_292 = tpu.memref_slice %arg2[%dma_start3A_289, %dma_start3A_290, %dma_start3A_291] : memref<3x160000x128xf32, #tpu.memory_space<hbm>> -> memref<1x160000x128xf32, #tpu.memory_space<hbm>>
          %dma_start3A_293 = tpu.memref_squeeze %dma_start3A_292 : memref<1x160000x128xf32, #tpu.memory_space<hbm>> -> memref<160000x128xf32, #tpu.memory_space<hbm>>
          %dma_start3A_294 = arith.constant 0 : i32
          %dma_start3A_295 = tpu.memref_slice %dma_start3A_293[%mul3A_288, %dma_start3A_294] : memref<160000x128xf32, #tpu.memory_space<hbm>> -> memref<128x128xf32, #tpu.memory_space<hbm>>
          %dma_start3A_296 = arith.constant 0 : i32
          %dma_start3A_297 = arith.constant 0 : i32
          %dma_start3A_298 = tpu.memref_slice %arg2[%dma_start3A_289, %dma_start3A_296, %dma_start3A_297] : memref<3x160000x128xf32, #tpu.memory_space<hbm>> -> memref<1x160000x128xf32, #tpu.memory_space<hbm>>
          %dma_start3A_299 = tpu.memref_squeeze %dma_start3A_298 : memref<1x160000x128xf32, #tpu.memory_space<hbm>> -> memref<160000x128xf32, #tpu.memory_space<hbm>>
          %dma_start3A_300 = arith.constant 0 : i32
          %dma_start3A_301 = tpu.memref_slice %dma_start3A_299[%mul3A_288, %dma_start3A_300] : memref<160000x128xf32, #tpu.memory_space<hbm>> -> memref<128x128xf32, #tpu.memory_space<hbm>>
          tpu.enqueue_dma source(%dma_start3A_301 : memref<128x128xf32, #tpu.memory_space<hbm>>) target(%arg9 : memref<128x128xf32, #tpu.memory_space<vmem>>) target_semaphore(%arg12 : memref<!tpu.dma_semaphore, #tpu.memory_space<semaphore_mem>>)
        } else {
        }
      } else {
      }
    }
    %scan3A_49 = arith.constant 20 : i32
    %barrier3A_50 = arith.constant 0 : index
    tpu.barrier barrier_id(%barrier3A_50)
    %lt3A_51 = arith.constant 2 : i32
    %lt3A_52 = arith.cmpi slt, %arg1, %lt3A_51 : i32
    %mul3A_53 = arith.constant 632 : i32
    %mul3A_54 = arith.muli %arg1, %mul3A_53 : i32
    %mul3A_55 = arith.constant 624 : i32
    %mul3A_56 = arith.muli %arg1, %mul3A_55 : i32
    %add3A_57 = arith.constant 16 : i32
    %add3A_58 = arith.addi %add3A_57, %mul3A_56 : i32
    %select_n3A_59 = arith.select %lt3A_52, %mul3A_54, %add3A_58 : i32
    %lt3A_60 = arith.constant 2 : i32
    %lt3A_61 = arith.cmpi slt, %arg1, %lt3A_60 : i32
    %convert_element_type3A_62 = arith.extui %lt3A_61 : i1 to i32
    %cond3A_63 = arith.constant 0 : i32
    %cond3A_64 = arith.constant 0 : i32
    %cond3A_65 = arith.cmpi ne, %convert_element_type3A_62, %cond3A_64 : i32
    scf.if %cond3A_65 {
      "tpu.region"() ({
        %run_scoped3A = tpu.sem_alloc : memref<!tpu.dma_semaphore, #tpu.memory_space<semaphore_mem>>
        %dma_start3A_237 = arith.constant 0 : i32
        %dma_start3A_238 = arith.constant 0 : i32
        %dma_start3A_239 = arith.constant 0 : i32
        %dma_start3A_240 = tpu.memref_slice %arg5[%cond3A_63, %dma_start3A_237, %dma_start3A_238, %dma_start3A_239] : memref<3x2x10000x128xf32, #tpu.memory_space<hbm>> -> memref<1x2x10000x128xf32, #tpu.memory_space<hbm>>
        %dma_start3A_241 = tpu.memref_squeeze %dma_start3A_240 : memref<1x2x10000x128xf32, #tpu.memory_space<hbm>> -> memref<2x10000x128xf32, #tpu.memory_space<hbm>>
        %dma_start3A_242 = arith.constant 0 : i32
        %dma_start3A_243 = arith.constant 0 : i32
        %dma_start3A_244 = tpu.memref_slice %dma_start3A_241[%arg0, %dma_start3A_242, %dma_start3A_243] : memref<2x10000x128xf32, #tpu.memory_space<hbm>> -> memref<1x10000x128xf32, #tpu.memory_space<hbm>>
        %dma_start3A_245 = tpu.memref_squeeze %dma_start3A_244 : memref<1x10000x128xf32, #tpu.memory_space<hbm>> -> memref<10000x128xf32, #tpu.memory_space<hbm>>
        %dma_start3A_246 = arith.constant 0 : i32
        %dma_start3A_247 = tpu.memref_slice %dma_start3A_245[%select_n3A_59, %dma_start3A_246] : memref<10000x128xf32, #tpu.memory_space<hbm>> -> memref<632x128xf32, #tpu.memory_space<hbm>>
        %dma_start3A_248 = arith.constant 0 : i32
        %dma_start3A_249 = tpu.memref_slice %arg10[%select_n3A_59, %dma_start3A_248] : memref<10000x128xf32, #tpu.memory_space<vmem_shared>> -> memref<632x128xf32, #tpu.memory_space<vmem_shared>>
        tpu.enqueue_dma source(%dma_start3A_249 : memref<632x128xf32, #tpu.memory_space<vmem_shared>>) target(%dma_start3A_247 : memref<632x128xf32, #tpu.memory_space<hbm>>) target_semaphore(%run_scoped3A : memref<!tpu.dma_semaphore, #tpu.memory_space<semaphore_mem>>)
        %dma_wait3A = arith.constant 0 : i32
        %dma_wait3A_250 = arith.constant 0 : i32
        %dma_wait3A_251 = arith.constant 0 : i32
        %dma_wait3A_252 = tpu.memref_slice %arg5[%cond3A_63, %dma_wait3A, %dma_wait3A_250, %dma_wait3A_251] : memref<3x2x10000x128xf32, #tpu.memory_space<hbm>> -> memref<1x2x10000x128xf32, #tpu.memory_space<hbm>>
        %dma_wait3A_253 = tpu.memref_squeeze %dma_wait3A_252 : memref<1x2x10000x128xf32, #tpu.memory_space<hbm>> -> memref<2x10000x128xf32, #tpu.memory_space<hbm>>
        %dma_wait3A_254 = arith.constant 0 : i32
        %dma_wait3A_255 = arith.constant 0 : i32
        %dma_wait3A_256 = tpu.memref_slice %dma_wait3A_253[%arg0, %dma_wait3A_254, %dma_wait3A_255] : memref<2x10000x128xf32, #tpu.memory_space<hbm>> -> memref<1x10000x128xf32, #tpu.memory_space<hbm>>
        %dma_wait3A_257 = tpu.memref_squeeze %dma_wait3A_256 : memref<1x10000x128xf32, #tpu.memory_space<hbm>> -> memref<10000x128xf32, #tpu.memory_space<hbm>>
        %dma_wait3A_258 = arith.constant 0 : i32
        %dma_wait3A_259 = tpu.memref_slice %dma_wait3A_257[%select_n3A_59, %dma_wait3A_258] : memref<10000x128xf32, #tpu.memory_space<hbm>> -> memref<632x128xf32, #tpu.memory_space<hbm>>
        %dma_wait3A_260 = arith.constant 0 : i32
        %dma_wait3A_261 = tpu.memref_slice %arg10[%select_n3A_59, %dma_wait3A_260] : memref<10000x128xf32, #tpu.memory_space<vmem_shared>> -> memref<632x128xf32, #tpu.memory_space<vmem_shared>>
        tpu.wait_dma2 semaphore(%run_scoped3A : memref<!tpu.dma_semaphore, #tpu.memory_space<semaphore_mem>>) src(%dma_wait3A_261 : memref<632x128xf32, #tpu.memory_space<vmem_shared>>) dst(%dma_wait3A_259 : memref<632x128xf32, #tpu.memory_space<hbm>>)
        tpu.yield
      }) : () -> ()
    } else {
    }
    %ge3A_66 = arith.constant 2 : i32
    %ge3A_67 = arith.cmpi sge, %arg1, %ge3A_66 : i32
    %convert_element_type3A_68 = arith.extui %ge3A_67 : i1 to i32
    %cond3A_69 = arith.constant 0 : i32
    %cond3A_70 = arith.constant 0 : i32
    %cond3A_71 = arith.cmpi ne, %convert_element_type3A_68, %cond3A_70 : i32
    scf.if %cond3A_71 {
      "tpu.region"() ({
        %run_scoped3A = tpu.sem_alloc : memref<!tpu.dma_semaphore, #tpu.memory_space<semaphore_mem>>
        %dma_start3A_237 = arith.constant 0 : i32
        %dma_start3A_238 = arith.constant 0 : i32
        %dma_start3A_239 = arith.constant 0 : i32
        %dma_start3A_240 = tpu.memref_slice %arg5[%cond3A_69, %dma_start3A_237, %dma_start3A_238, %dma_start3A_239] : memref<3x2x10000x128xf32, #tpu.memory_space<hbm>> -> memref<1x2x10000x128xf32, #tpu.memory_space<hbm>>
        %dma_start3A_241 = tpu.memref_squeeze %dma_start3A_240 : memref<1x2x10000x128xf32, #tpu.memory_space<hbm>> -> memref<2x10000x128xf32, #tpu.memory_space<hbm>>
        %dma_start3A_242 = arith.constant 0 : i32
        %dma_start3A_243 = arith.constant 0 : i32
        %dma_start3A_244 = tpu.memref_slice %dma_start3A_241[%arg0, %dma_start3A_242, %dma_start3A_243] : memref<2x10000x128xf32, #tpu.memory_space<hbm>> -> memref<1x10000x128xf32, #tpu.memory_space<hbm>>
        %dma_start3A_245 = tpu.memref_squeeze %dma_start3A_244 : memref<1x10000x128xf32, #tpu.memory_space<hbm>> -> memref<10000x128xf32, #tpu.memory_space<hbm>>
        %dma_start3A_246 = arith.constant 0 : i32
        %dma_start3A_247 = tpu.memref_slice %dma_start3A_245[%select_n3A_59, %dma_start3A_246] : memref<10000x128xf32, #tpu.memory_space<hbm>> -> memref<624x128xf32, #tpu.memory_space<hbm>>
        %dma_start3A_248 = arith.constant 0 : i32
        %dma_start3A_249 = tpu.memref_slice %arg10[%select_n3A_59, %dma_start3A_248] : memref<10000x128xf32, #tpu.memory_space<vmem_shared>> -> memref<624x128xf32, #tpu.memory_space<vmem_shared>>
        tpu.enqueue_dma source(%dma_start3A_249 : memref<624x128xf32, #tpu.memory_space<vmem_shared>>) target(%dma_start3A_247 : memref<624x128xf32, #tpu.memory_space<hbm>>) target_semaphore(%run_scoped3A : memref<!tpu.dma_semaphore, #tpu.memory_space<semaphore_mem>>)
        %dma_wait3A = arith.constant 0 : i32
        %dma_wait3A_250 = arith.constant 0 : i32
        %dma_wait3A_251 = arith.constant 0 : i32
        %dma_wait3A_252 = tpu.memref_slice %arg5[%cond3A_69, %dma_wait3A, %dma_wait3A_250, %dma_wait3A_251] : memref<3x2x10000x128xf32, #tpu.memory_space<hbm>> -> memref<1x2x10000x128xf32, #tpu.memory_space<hbm>>
        %dma_wait3A_253 = tpu.memref_squeeze %dma_wait3A_252 : memref<1x2x10000x128xf32, #tpu.memory_space<hbm>> -> memref<2x10000x128xf32, #tpu.memory_space<hbm>>
        %dma_wait3A_254 = arith.constant 0 : i32
        %dma_wait3A_255 = arith.constant 0 : i32
        %dma_wait3A_256 = tpu.memref_slice %dma_wait3A_253[%arg0, %dma_wait3A_254, %dma_wait3A_255] : memref<2x10000x128xf32, #tpu.memory_space<hbm>> -> memref<1x10000x128xf32, #tpu.memory_space<hbm>>
        %dma_wait3A_257 = tpu.memref_squeeze %dma_wait3A_256 : memref<1x10000x128xf32, #tpu.memory_space<hbm>> -> memref<10000x128xf32, #tpu.memory_space<hbm>>
        %dma_wait3A_258 = arith.constant 0 : i32
        %dma_wait3A_259 = tpu.memref_slice %dma_wait3A_257[%select_n3A_59, %dma_wait3A_258] : memref<10000x128xf32, #tpu.memory_space<hbm>> -> memref<624x128xf32, #tpu.memory_space<hbm>>
        %dma_wait3A_260 = arith.constant 0 : i32
        %dma_wait3A_261 = tpu.memref_slice %arg10[%select_n3A_59, %dma_wait3A_260] : memref<10000x128xf32, #tpu.memory_space<vmem_shared>> -> memref<624x128xf32, #tpu.memory_space<vmem_shared>>
        tpu.wait_dma2 semaphore(%run_scoped3A : memref<!tpu.dma_semaphore, #tpu.memory_space<semaphore_mem>>) src(%dma_wait3A_261 : memref<624x128xf32, #tpu.memory_space<vmem_shared>>) dst(%dma_wait3A_259 : memref<624x128xf32, #tpu.memory_space<hbm>>)
        tpu.yield
      }) : () -> ()
    } else {
    }
    %barrier3A_72 = arith.constant 0 : index
    tpu.barrier barrier_id(%barrier3A_72)
    %lt3A_73 = arith.constant 2 : i32
    %lt3A_74 = arith.cmpi slt, %add3A, %lt3A_73 : i32
    %jit3A_75 = arith.constant 1 : i32
    %jit3A_76 = arith.constant 0 : i32
    %select_n3A_77 = arith.select %lt3A_74, %jit3A_75, %jit3A_76 : i32
    %add3A_78 = arith.constant 39 : i32
    %add3A_79 = arith.addi %add3A_78, %select_n3A_77 : i32
    %lt3A_80 = arith.constant 2 : i32
    %lt3A_81 = arith.cmpi slt, %arg1, %lt3A_80 : i32
    %mul3A_82 = arith.constant 632 : i32
    %mul3A_83 = arith.muli %arg1, %mul3A_82 : i32
    %mul3A_84 = arith.constant 624 : i32
    %mul3A_85 = arith.muli %arg1, %mul3A_84 : i32
    %add3A_86 = arith.constant 16 : i32
    %add3A_87 = arith.addi %add3A_86, %mul3A_85 : i32
    %select_n3A_88 = arith.select %lt3A_81, %mul3A_83, %add3A_87 : i32
    %lt3A_89 = arith.constant 2 : i32
    %lt3A_90 = arith.cmpi slt, %arg1, %lt3A_89 : i32
    %convert_element_type3A_91 = arith.extui %lt3A_90 : i1 to i32
    %cond3A_92 = arith.constant 0 : i32
    %cond3A_93 = arith.cmpi ne, %convert_element_type3A_91, %cond3A_92 : i32
    scf.if %cond3A_93 {
      "tpu.region"() ({
        %run_scoped3A = tpu.sem_alloc : memref<!tpu.dma_semaphore, #tpu.memory_space<semaphore_mem>>
        %dma_start3A_237 = arith.constant 0 : i32
        %dma_start3A_238 = tpu.memref_slice %arg10[%select_n3A_88, %dma_start3A_237] : memref<10000x128xf32, #tpu.memory_space<vmem_shared>> -> memref<632x128xf32, #tpu.memory_space<vmem_shared>>
        tpu.enqueue_dma source(%arg4 : memref<632x128xf32, #tpu.memory_space<hbm>>) target(%dma_start3A_238 : memref<632x128xf32, #tpu.memory_space<vmem_shared>>) target_semaphore(%run_scoped3A : memref<!tpu.dma_semaphore, #tpu.memory_space<semaphore_mem>>)
        %dma_wait3A = arith.constant 0 : i32
        %dma_wait3A_239 = tpu.memref_slice %arg10[%select_n3A_88, %dma_wait3A] : memref<10000x128xf32, #tpu.memory_space<vmem_shared>> -> memref<632x128xf32, #tpu.memory_space<vmem_shared>>
        tpu.wait_dma2 semaphore(%run_scoped3A : memref<!tpu.dma_semaphore, #tpu.memory_space<semaphore_mem>>) src(%arg4 : memref<632x128xf32, #tpu.memory_space<hbm>>) dst(%dma_wait3A_239 : memref<632x128xf32, #tpu.memory_space<vmem_shared>>)
        tpu.yield
      }) : () -> ()
    } else {
    }
    %ge3A_94 = arith.constant 2 : i32
    %ge3A_95 = arith.cmpi sge, %arg1, %ge3A_94 : i32
    %convert_element_type3A_96 = arith.extui %ge3A_95 : i1 to i32
    %cond3A_97 = arith.constant 0 : i32
    %cond3A_98 = arith.cmpi ne, %convert_element_type3A_96, %cond3A_97 : i32
    scf.if %cond3A_98 {
      "tpu.region"() ({
        %run_scoped3A = tpu.sem_alloc : memref<!tpu.dma_semaphore, #tpu.memory_space<semaphore_mem>>
        %dma_start3A_237 = arith.constant 0 : i32
        %dma_start3A_238 = tpu.memref_slice %arg10[%select_n3A_88, %dma_start3A_237] : memref<10000x128xf32, #tpu.memory_space<vmem_shared>> -> memref<624x128xf32, #tpu.memory_space<vmem_shared>>
        %dma_start3A_239 = arith.constant 0 : i32
        %dma_start3A_240 = arith.constant 0 : i32
        %dma_start3A_241 = tpu.memref_slice %arg4[%dma_start3A_239, %dma_start3A_240] : memref<632x128xf32, #tpu.memory_space<hbm>> -> memref<624x128xf32, #tpu.memory_space<hbm>>
        tpu.enqueue_dma source(%dma_start3A_241 : memref<624x128xf32, #tpu.memory_space<hbm>>) target(%dma_start3A_238 : memref<624x128xf32, #tpu.memory_space<vmem_shared>>) target_semaphore(%run_scoped3A : memref<!tpu.dma_semaphore, #tpu.memory_space<semaphore_mem>>)
        %dma_wait3A = arith.constant 0 : i32
        %dma_wait3A_242 = tpu.memref_slice %arg10[%select_n3A_88, %dma_wait3A] : memref<10000x128xf32, #tpu.memory_space<vmem_shared>> -> memref<624x128xf32, #tpu.memory_space<vmem_shared>>
        %dma_wait3A_243 = arith.constant 0 : i32
        %dma_wait3A_244 = arith.constant 0 : i32
        %dma_wait3A_245 = tpu.memref_slice %arg4[%dma_wait3A_243, %dma_wait3A_244] : memref<632x128xf32, #tpu.memory_space<hbm>> -> memref<624x128xf32, #tpu.memory_space<hbm>>
        tpu.wait_dma2 semaphore(%run_scoped3A : memref<!tpu.dma_semaphore, #tpu.memory_space<semaphore_mem>>) src(%dma_wait3A_245 : memref<624x128xf32, #tpu.memory_space<hbm>>) dst(%dma_wait3A_242 : memref<624x128xf32, #tpu.memory_space<vmem_shared>>)
        tpu.yield
      }) : () -> ()
    } else {
    }
    %barrier3A_99 = arith.constant 0 : index
    tpu.barrier barrier_id(%barrier3A_99)
    %add3A_100 = arith.constant 0 : i32
    %add3A_101 = arith.addi %add3A, %add3A_100 : i32
    %mul3A_102 = arith.constant 128 : i32
    %mul3A_103 = arith.muli %add3A_101, %mul3A_102 : i32
    %dma_start3A_104 = tpu.memref_slice %arg3[%mul3A_103] : memref<160000xi32, #tpu.memory_space<hbm>> -> memref<128xi32, #tpu.memory_space<hbm>>
    %dma_start3A_105 = tpu.memref_slice %arg3[%mul3A_103] : memref<160000xi32, #tpu.memory_space<hbm>> -> memref<128xi32, #tpu.memory_space<hbm>>
    tpu.enqueue_dma source(%dma_start3A_105 : memref<128xi32, #tpu.memory_space<hbm>>) target(%arg6 : memref<128xi32, #tpu.memory_space<vmem>>) target_semaphore(%arg11 : memref<!tpu.dma_semaphore, #tpu.memory_space<semaphore_mem>>)
    %mul3A_106 = arith.constant 128 : i32
    %mul3A_107 = arith.muli %add3A_101, %mul3A_106 : i32
    %dma_start3A_108 = arith.constant 1 : i32
    %dma_start3A_109 = arith.constant 0 : i32
    %dma_start3A_110 = arith.constant 0 : i32
    %dma_start3A_111 = tpu.memref_slice %arg2[%dma_start3A_108, %dma_start3A_109, %dma_start3A_110] : memref<3x160000x128xf32, #tpu.memory_space<hbm>> -> memref<1x160000x128xf32, #tpu.memory_space<hbm>>
    %dma_start3A_112 = tpu.memref_squeeze %dma_start3A_111 : memref<1x160000x128xf32, #tpu.memory_space<hbm>> -> memref<160000x128xf32, #tpu.memory_space<hbm>>
    %dma_start3A_113 = arith.constant 0 : i32
    %dma_start3A_114 = tpu.memref_slice %dma_start3A_112[%mul3A_107, %dma_start3A_113] : memref<160000x128xf32, #tpu.memory_space<hbm>> -> memref<128x128xf32, #tpu.memory_space<hbm>>
    %dma_start3A_115 = arith.constant 0 : i32
    %dma_start3A_116 = arith.constant 0 : i32
    %dma_start3A_117 = tpu.memref_slice %arg2[%dma_start3A_108, %dma_start3A_115, %dma_start3A_116] : memref<3x160000x128xf32, #tpu.memory_space<hbm>> -> memref<1x160000x128xf32, #tpu.memory_space<hbm>>
    %dma_start3A_118 = tpu.memref_squeeze %dma_start3A_117 : memref<1x160000x128xf32, #tpu.memory_space<hbm>> -> memref<160000x128xf32, #tpu.memory_space<hbm>>
    %dma_start3A_119 = arith.constant 0 : i32
    %dma_start3A_120 = tpu.memref_slice %dma_start3A_118[%mul3A_107, %dma_start3A_119] : memref<160000x128xf32, #tpu.memory_space<hbm>> -> memref<128x128xf32, #tpu.memory_space<hbm>>
    tpu.enqueue_dma source(%dma_start3A_120 : memref<128x128xf32, #tpu.memory_space<hbm>>) target(%arg8 : memref<128x128xf32, #tpu.memory_space<vmem>>) target_semaphore(%arg11 : memref<!tpu.dma_semaphore, #tpu.memory_space<semaphore_mem>>)
    %gt3A_121 = arith.constant 1 : i32
    %gt3A_122 = arith.cmpi sgt, %add3A_79, %gt3A_121 : i32
    %convert_element_type3A_123 = arith.extui %gt3A_122 : i1 to i32
    %cond3A_124 = arith.constant 0 : i32
    %cond3A_125 = arith.cmpi ne, %convert_element_type3A_123, %cond3A_124 : i32
    scf.if %cond3A_125 {
      %add3A_237 = arith.constant 32 : i32
      %add3A_238 = arith.addi %add3A, %add3A_237 : i32
      %mul3A_239 = arith.constant 128 : i32
      %mul3A_240 = arith.muli %add3A_238, %mul3A_239 : i32
      %dma_start3A_241 = tpu.memref_slice %arg3[%mul3A_240] : memref<160000xi32, #tpu.memory_space<hbm>> -> memref<128xi32, #tpu.memory_space<hbm>>
      %dma_start3A_242 = tpu.memref_slice %arg3[%mul3A_240] : memref<160000xi32, #tpu.memory_space<hbm>> -> memref<128xi32, #tpu.memory_space<hbm>>
      tpu.enqueue_dma source(%dma_start3A_242 : memref<128xi32, #tpu.memory_space<hbm>>) target(%arg7 : memref<128xi32, #tpu.memory_space<vmem>>) target_semaphore(%arg12 : memref<!tpu.dma_semaphore, #tpu.memory_space<semaphore_mem>>)
      %mul3A_243 = arith.constant 128 : i32
      %mul3A_244 = arith.muli %add3A_238, %mul3A_243 : i32
      %dma_start3A_245 = arith.constant 1 : i32
      %dma_start3A_246 = arith.constant 0 : i32
      %dma_start3A_247 = arith.constant 0 : i32
      %dma_start3A_248 = tpu.memref_slice %arg2[%dma_start3A_245, %dma_start3A_246, %dma_start3A_247] : memref<3x160000x128xf32, #tpu.memory_space<hbm>> -> memref<1x160000x128xf32, #tpu.memory_space<hbm>>
      %dma_start3A_249 = tpu.memref_squeeze %dma_start3A_248 : memref<1x160000x128xf32, #tpu.memory_space<hbm>> -> memref<160000x128xf32, #tpu.memory_space<hbm>>
      %dma_start3A_250 = arith.constant 0 : i32
      %dma_start3A_251 = tpu.memref_slice %dma_start3A_249[%mul3A_244, %dma_start3A_250] : memref<160000x128xf32, #tpu.memory_space<hbm>> -> memref<128x128xf32, #tpu.memory_space<hbm>>
      %dma_start3A_252 = arith.constant 0 : i32
      %dma_start3A_253 = arith.constant 0 : i32
      %dma_start3A_254 = tpu.memref_slice %arg2[%dma_start3A_245, %dma_start3A_252, %dma_start3A_253] : memref<3x160000x128xf32, #tpu.memory_space<hbm>> -> memref<1x160000x128xf32, #tpu.memory_space<hbm>>
      %dma_start3A_255 = tpu.memref_squeeze %dma_start3A_254 : memref<1x160000x128xf32, #tpu.memory_space<hbm>> -> memref<160000x128xf32, #tpu.memory_space<hbm>>
      %dma_start3A_256 = arith.constant 0 : i32
      %dma_start3A_257 = tpu.memref_slice %dma_start3A_255[%mul3A_244, %dma_start3A_256] : memref<160000x128xf32, #tpu.memory_space<hbm>> -> memref<128x128xf32, #tpu.memory_space<hbm>>
      tpu.enqueue_dma source(%dma_start3A_257 : memref<128x128xf32, #tpu.memory_space<hbm>>) target(%arg9 : memref<128x128xf32, #tpu.memory_space<vmem>>) target_semaphore(%arg12 : memref<!tpu.dma_semaphore, #tpu.memory_space<semaphore_mem>>)
    } else {
    }
    %scan3A_126 = arith.constant 0 : i32
    %scan3A_127 = arith.constant 0 : i32
    %scan3A_128 = arith.constant 20 : i32
    %scan3A_129 = arith.addi %scan3A_127, %scan3A_128 : i32
    %scan3A_130 = arith.constant 1 : i32
    scf.for %scan3A_237 = %scan3A_127 to %scan3A_129 step %scan3A_130  : i32 {
      %mul3A_238 = arith.constant 2 : i32
      %mul3A_239 = arith.muli %mul3A_238, %scan3A_237 : i32
      %add3A_240 = arith.constant 0 : i32
      %add3A_241 = arith.addi %mul3A_239, %add3A_240 : i32
      %lt3A_242 = arith.cmpi slt, %add3A_241, %add3A_79 : i32
      %convert_element_type3A_243 = arith.extui %lt3A_242 : i1 to i32
      %cond3A_244 = arith.constant 0 : i32
      %cond3A_245 = arith.cmpi ne, %convert_element_type3A_243, %cond3A_244 : i32
      scf.if %cond3A_245 {
        %dma_wait3A = arith.constant 0 : i32
        %dma_wait3A_254 = tpu.memref_slice %arg3[%dma_wait3A] : memref<160000xi32, #tpu.memory_space<hbm>> -> memref<128xi32, #tpu.memory_space<hbm>>
        %dma_wait3A_255 = arith.constant 0 : i32
        %dma_wait3A_256 = tpu.memref_slice %arg3[%dma_wait3A_255] : memref<160000xi32, #tpu.memory_space<hbm>> -> memref<128xi32, #tpu.memory_space<hbm>>
        tpu.wait_dma2 semaphore(%arg11 : memref<!tpu.dma_semaphore, #tpu.memory_space<semaphore_mem>>) src(%dma_wait3A_256 : memref<128xi32, #tpu.memory_space<hbm>>) dst(%arg6 : memref<128xi32, #tpu.memory_space<vmem>>)
        %dma_wait3A_257 = arith.constant 0 : i32
        %dma_wait3A_258 = arith.constant 0 : i32
        %dma_wait3A_259 = arith.constant 0 : i32
        %dma_wait3A_260 = tpu.memref_slice %arg2[%dma_wait3A_257, %dma_wait3A_258, %dma_wait3A_259] : memref<3x160000x128xf32, #tpu.memory_space<hbm>> -> memref<1x160000x128xf32, #tpu.memory_space<hbm>>
        %dma_wait3A_261 = tpu.memref_squeeze %dma_wait3A_260 : memref<1x160000x128xf32, #tpu.memory_space<hbm>> -> memref<160000x128xf32, #tpu.memory_space<hbm>>
        %dma_wait3A_262 = arith.constant 0 : i32
        %dma_wait3A_263 = arith.constant 0 : i32
        %dma_wait3A_264 = tpu.memref_slice %dma_wait3A_261[%dma_wait3A_262, %dma_wait3A_263] : memref<160000x128xf32, #tpu.memory_space<hbm>> -> memref<128x128xf32, #tpu.memory_space<hbm>>
        %dma_wait3A_265 = arith.constant 0 : i32
        %dma_wait3A_266 = arith.constant 0 : i32
        %dma_wait3A_267 = tpu.memref_slice %arg2[%dma_wait3A_257, %dma_wait3A_265, %dma_wait3A_266] : memref<3x160000x128xf32, #tpu.memory_space<hbm>> -> memref<1x160000x128xf32, #tpu.memory_space<hbm>>
        %dma_wait3A_268 = tpu.memref_squeeze %dma_wait3A_267 : memref<1x160000x128xf32, #tpu.memory_space<hbm>> -> memref<160000x128xf32, #tpu.memory_space<hbm>>
        %dma_wait3A_269 = arith.constant 0 : i32
        %dma_wait3A_270 = arith.constant 0 : i32
        %dma_wait3A_271 = tpu.memref_slice %dma_wait3A_268[%dma_wait3A_269, %dma_wait3A_270] : memref<160000x128xf32, #tpu.memory_space<hbm>> -> memref<128x128xf32, #tpu.memory_space<hbm>>
        tpu.wait_dma2 semaphore(%arg11 : memref<!tpu.dma_semaphore, #tpu.memory_space<semaphore_mem>>) src(%dma_wait3A_271 : memref<128x128xf32, #tpu.memory_space<hbm>>) dst(%arg8 : memref<128x128xf32, #tpu.memory_space<vmem>>)
        "tpu.region"() ({
          %run_scoped3A = tpu.sem_alloc : memref<!tpu.dma_semaphore, #tpu.memory_space<semaphore_mem>>
          %dma_start3A_278 = arith.constant 0 : i32
          %dma_start3A_279 = arith.constant 0 : i32
          %dma_start3A_280 = tpu.memref_slice %arg10[%dma_start3A_278, %dma_start3A_279] : memref<10000x128xf32, #tpu.memory_space<vmem_shared>> -> memref<10000x128xf32, #tpu.memory_space<vmem_shared>>
          tpu.enqueue_indirect_dma source(%arg8 : memref<128x128xf32, #tpu.memory_space<vmem>>) target(%dma_start3A_280 : memref<10000x128xf32, #tpu.memory_space<vmem_shared>>) offsets(%arg6 : memref<128xi32, #tpu.memory_space<vmem>>) semaphore(%run_scoped3A : memref<!tpu.dma_semaphore, #tpu.memory_space<semaphore_mem>>) {add = true}
          %dma_wait3A_281 = arith.constant 0 : i32
          %dma_wait3A_282 = arith.constant 0 : i32
          %dma_wait3A_283 = tpu.memref_slice %arg10[%dma_wait3A_281, %dma_wait3A_282] : memref<10000x128xf32, #tpu.memory_space<vmem_shared>> -> memref<10000x128xf32, #tpu.memory_space<vmem_shared>>
          tpu.wait_indirect_dma semaphore(%run_scoped3A : memref<!tpu.dma_semaphore, #tpu.memory_space<semaphore_mem>>) src(%arg8 : memref<128x128xf32, #tpu.memory_space<vmem>>) dst(%dma_wait3A_283 : memref<10000x128xf32, #tpu.memory_space<vmem_shared>>)
          tpu.yield
        }) : () -> ()
        %add3A_272 = arith.constant 2 : i32
        %add3A_273 = arith.addi %add3A_241, %add3A_272 : i32
        %lt3A_274 = arith.cmpi slt, %add3A_273, %add3A_79 : i32
        %convert_element_type3A_275 = arith.extui %lt3A_274 : i1 to i32
        %cond3A_276 = arith.constant 0 : i32
        %cond3A_277 = arith.cmpi ne, %convert_element_type3A_275, %cond3A_276 : i32
        scf.if %cond3A_277 {
          %add3A_278 = arith.constant 2 : i32
          %add3A_279 = arith.addi %add3A_241, %add3A_278 : i32
          %mul3A_280 = arith.constant 32 : i32
          %mul3A_281 = arith.muli %mul3A_280, %add3A_279 : i32
          %add3A_282 = arith.addi %add3A, %mul3A_281 : i32
          %mul3A_283 = arith.constant 128 : i32
          %mul3A_284 = arith.muli %add3A_282, %mul3A_283 : i32
          %dma_start3A_285 = tpu.memref_slice %arg3[%mul3A_284] : memref<160000xi32, #tpu.memory_space<hbm>> -> memref<128xi32, #tpu.memory_space<hbm>>
          %dma_start3A_286 = tpu.memref_slice %arg3[%mul3A_284] : memref<160000xi32, #tpu.memory_space<hbm>> -> memref<128xi32, #tpu.memory_space<hbm>>
          tpu.enqueue_dma source(%dma_start3A_286 : memref<128xi32, #tpu.memory_space<hbm>>) target(%arg6 : memref<128xi32, #tpu.memory_space<vmem>>) target_semaphore(%arg11 : memref<!tpu.dma_semaphore, #tpu.memory_space<semaphore_mem>>)
          %mul3A_287 = arith.constant 128 : i32
          %mul3A_288 = arith.muli %add3A_282, %mul3A_287 : i32
          %dma_start3A_289 = arith.constant 1 : i32
          %dma_start3A_290 = arith.constant 0 : i32
          %dma_start3A_291 = arith.constant 0 : i32
          %dma_start3A_292 = tpu.memref_slice %arg2[%dma_start3A_289, %dma_start3A_290, %dma_start3A_291] : memref<3x160000x128xf32, #tpu.memory_space<hbm>> -> memref<1x160000x128xf32, #tpu.memory_space<hbm>>
          %dma_start3A_293 = tpu.memref_squeeze %dma_start3A_292 : memref<1x160000x128xf32, #tpu.memory_space<hbm>> -> memref<160000x128xf32, #tpu.memory_space<hbm>>
          %dma_start3A_294 = arith.constant 0 : i32
          %dma_start3A_295 = tpu.memref_slice %dma_start3A_293[%mul3A_288, %dma_start3A_294] : memref<160000x128xf32, #tpu.memory_space<hbm>> -> memref<128x128xf32, #tpu.memory_space<hbm>>
          %dma_start3A_296 = arith.constant 0 : i32
          %dma_start3A_297 = arith.constant 0 : i32
          %dma_start3A_298 = tpu.memref_slice %arg2[%dma_start3A_289, %dma_start3A_296, %dma_start3A_297] : memref<3x160000x128xf32, #tpu.memory_space<hbm>> -> memref<1x160000x128xf32, #tpu.memory_space<hbm>>
          %dma_start3A_299 = tpu.memref_squeeze %dma_start3A_298 : memref<1x160000x128xf32, #tpu.memory_space<hbm>> -> memref<160000x128xf32, #tpu.memory_space<hbm>>
          %dma_start3A_300 = arith.constant 0 : i32
          %dma_start3A_301 = tpu.memref_slice %dma_start3A_299[%mul3A_288, %dma_start3A_300] : memref<160000x128xf32, #tpu.memory_space<hbm>> -> memref<128x128xf32, #tpu.memory_space<hbm>>
          tpu.enqueue_dma source(%dma_start3A_301 : memref<128x128xf32, #tpu.memory_space<hbm>>) target(%arg8 : memref<128x128xf32, #tpu.memory_space<vmem>>) target_semaphore(%arg11 : memref<!tpu.dma_semaphore, #tpu.memory_space<semaphore_mem>>)
        } else {
        }
      } else {
      }
      %mul3A_246 = arith.constant 2 : i32
      %mul3A_247 = arith.muli %mul3A_246, %scan3A_237 : i32
      %add3A_248 = arith.constant 1 : i32
      %add3A_249 = arith.addi %mul3A_247, %add3A_248 : i32
      %lt3A_250 = arith.cmpi slt, %add3A_249, %add3A_79 : i32
      %convert_element_type3A_251 = arith.extui %lt3A_250 : i1 to i32
      %cond3A_252 = arith.constant 0 : i32
      %cond3A_253 = arith.cmpi ne, %convert_element_type3A_251, %cond3A_252 : i32
      scf.if %cond3A_253 {
        %dma_wait3A = arith.constant 0 : i32
        %dma_wait3A_254 = tpu.memref_slice %arg3[%dma_wait3A] : memref<160000xi32, #tpu.memory_space<hbm>> -> memref<128xi32, #tpu.memory_space<hbm>>
        %dma_wait3A_255 = arith.constant 0 : i32
        %dma_wait3A_256 = tpu.memref_slice %arg3[%dma_wait3A_255] : memref<160000xi32, #tpu.memory_space<hbm>> -> memref<128xi32, #tpu.memory_space<hbm>>
        tpu.wait_dma2 semaphore(%arg12 : memref<!tpu.dma_semaphore, #tpu.memory_space<semaphore_mem>>) src(%dma_wait3A_256 : memref<128xi32, #tpu.memory_space<hbm>>) dst(%arg7 : memref<128xi32, #tpu.memory_space<vmem>>)
        %dma_wait3A_257 = arith.constant 0 : i32
        %dma_wait3A_258 = arith.constant 0 : i32
        %dma_wait3A_259 = arith.constant 0 : i32
        %dma_wait3A_260 = tpu.memref_slice %arg2[%dma_wait3A_257, %dma_wait3A_258, %dma_wait3A_259] : memref<3x160000x128xf32, #tpu.memory_space<hbm>> -> memref<1x160000x128xf32, #tpu.memory_space<hbm>>
        %dma_wait3A_261 = tpu.memref_squeeze %dma_wait3A_260 : memref<1x160000x128xf32, #tpu.memory_space<hbm>> -> memref<160000x128xf32, #tpu.memory_space<hbm>>
        %dma_wait3A_262 = arith.constant 0 : i32
        %dma_wait3A_263 = arith.constant 0 : i32
        %dma_wait3A_264 = tpu.memref_slice %dma_wait3A_261[%dma_wait3A_262, %dma_wait3A_263] : memref<160000x128xf32, #tpu.memory_space<hbm>> -> memref<128x128xf32, #tpu.memory_space<hbm>>
        %dma_wait3A_265 = arith.constant 0 : i32
        %dma_wait3A_266 = arith.constant 0 : i32
        %dma_wait3A_267 = tpu.memref_slice %arg2[%dma_wait3A_257, %dma_wait3A_265, %dma_wait3A_266] : memref<3x160000x128xf32, #tpu.memory_space<hbm>> -> memref<1x160000x128xf32, #tpu.memory_space<hbm>>
        %dma_wait3A_268 = tpu.memref_squeeze %dma_wait3A_267 : memref<1x160000x128xf32, #tpu.memory_space<hbm>> -> memref<160000x128xf32, #tpu.memory_space<hbm>>
        %dma_wait3A_269 = arith.constant 0 : i32
        %dma_wait3A_270 = arith.constant 0 : i32
        %dma_wait3A_271 = tpu.memref_slice %dma_wait3A_268[%dma_wait3A_269, %dma_wait3A_270] : memref<160000x128xf32, #tpu.memory_space<hbm>> -> memref<128x128xf32, #tpu.memory_space<hbm>>
        tpu.wait_dma2 semaphore(%arg12 : memref<!tpu.dma_semaphore, #tpu.memory_space<semaphore_mem>>) src(%dma_wait3A_271 : memref<128x128xf32, #tpu.memory_space<hbm>>) dst(%arg9 : memref<128x128xf32, #tpu.memory_space<vmem>>)
        "tpu.region"() ({
          %run_scoped3A = tpu.sem_alloc : memref<!tpu.dma_semaphore, #tpu.memory_space<semaphore_mem>>
          %dma_start3A_278 = arith.constant 0 : i32
          %dma_start3A_279 = arith.constant 0 : i32
          %dma_start3A_280 = tpu.memref_slice %arg10[%dma_start3A_278, %dma_start3A_279] : memref<10000x128xf32, #tpu.memory_space<vmem_shared>> -> memref<10000x128xf32, #tpu.memory_space<vmem_shared>>
          tpu.enqueue_indirect_dma source(%arg9 : memref<128x128xf32, #tpu.memory_space<vmem>>) target(%dma_start3A_280 : memref<10000x128xf32, #tpu.memory_space<vmem_shared>>) offsets(%arg7 : memref<128xi32, #tpu.memory_space<vmem>>) semaphore(%run_scoped3A : memref<!tpu.dma_semaphore, #tpu.memory_space<semaphore_mem>>) {add = true}
          %dma_wait3A_281 = arith.constant 0 : i32
          %dma_wait3A_282 = arith.constant 0 : i32
          %dma_wait3A_283 = tpu.memref_slice %arg10[%dma_wait3A_281, %dma_wait3A_282] : memref<10000x128xf32, #tpu.memory_space<vmem_shared>> -> memref<10000x128xf32, #tpu.memory_space<vmem_shared>>
          tpu.wait_indirect_dma semaphore(%run_scoped3A : memref<!tpu.dma_semaphore, #tpu.memory_space<semaphore_mem>>) src(%arg9 : memref<128x128xf32, #tpu.memory_space<vmem>>) dst(%dma_wait3A_283 : memref<10000x128xf32, #tpu.memory_space<vmem_shared>>)
          tpu.yield
        }) : () -> ()
        %add3A_272 = arith.constant 2 : i32
        %add3A_273 = arith.addi %add3A_249, %add3A_272 : i32
        %lt3A_274 = arith.cmpi slt, %add3A_273, %add3A_79 : i32
        %convert_element_type3A_275 = arith.extui %lt3A_274 : i1 to i32
        %cond3A_276 = arith.constant 0 : i32
        %cond3A_277 = arith.cmpi ne, %convert_element_type3A_275, %cond3A_276 : i32
        scf.if %cond3A_277 {
          %add3A_278 = arith.constant 2 : i32
          %add3A_279 = arith.addi %add3A_249, %add3A_278 : i32
          %mul3A_280 = arith.constant 32 : i32
          %mul3A_281 = arith.muli %mul3A_280, %add3A_279 : i32
          %add3A_282 = arith.addi %add3A, %mul3A_281 : i32
          %mul3A_283 = arith.constant 128 : i32
          %mul3A_284 = arith.muli %add3A_282, %mul3A_283 : i32
          %dma_start3A_285 = tpu.memref_slice %arg3[%mul3A_284] : memref<160000xi32, #tpu.memory_space<hbm>> -> memref<128xi32, #tpu.memory_space<hbm>>
          %dma_start3A_286 = tpu.memref_slice %arg3[%mul3A_284] : memref<160000xi32, #tpu.memory_space<hbm>> -> memref<128xi32, #tpu.memory_space<hbm>>
          tpu.enqueue_dma source(%dma_start3A_286 : memref<128xi32, #tpu.memory_space<hbm>>) target(%arg7 : memref<128xi32, #tpu.memory_space<vmem>>) target_semaphore(%arg12 : memref<!tpu.dma_semaphore, #tpu.memory_space<semaphore_mem>>)
          %mul3A_287 = arith.constant 128 : i32
          %mul3A_288 = arith.muli %add3A_282, %mul3A_287 : i32
          %dma_start3A_289 = arith.constant 1 : i32
          %dma_start3A_290 = arith.constant 0 : i32
          %dma_start3A_291 = arith.constant 0 : i32
          %dma_start3A_292 = tpu.memref_slice %arg2[%dma_start3A_289, %dma_start3A_290, %dma_start3A_291] : memref<3x160000x128xf32, #tpu.memory_space<hbm>> -> memref<1x160000x128xf32, #tpu.memory_space<hbm>>
          %dma_start3A_293 = tpu.memref_squeeze %dma_start3A_292 : memref<1x160000x128xf32, #tpu.memory_space<hbm>> -> memref<160000x128xf32, #tpu.memory_space<hbm>>
          %dma_start3A_294 = arith.constant 0 : i32
          %dma_start3A_295 = tpu.memref_slice %dma_start3A_293[%mul3A_288, %dma_start3A_294] : memref<160000x128xf32, #tpu.memory_space<hbm>> -> memref<128x128xf32, #tpu.memory_space<hbm>>
          %dma_start3A_296 = arith.constant 0 : i32
          %dma_start3A_297 = arith.constant 0 : i32
          %dma_start3A_298 = tpu.memref_slice %arg2[%dma_start3A_289, %dma_start3A_296, %dma_start3A_297] : memref<3x160000x128xf32, #tpu.memory_space<hbm>> -> memref<1x160000x128xf32, #tpu.memory_space<hbm>>
          %dma_start3A_299 = tpu.memref_squeeze %dma_start3A_298 : memref<1x160000x128xf32, #tpu.memory_space<hbm>> -> memref<160000x128xf32, #tpu.memory_space<hbm>>
          %dma_start3A_300 = arith.constant 0 : i32
          %dma_start3A_301 = tpu.memref_slice %dma_start3A_299[%mul3A_288, %dma_start3A_300] : memref<160000x128xf32, #tpu.memory_space<hbm>> -> memref<128x128xf32, #tpu.memory_space<hbm>>
          tpu.enqueue_dma source(%dma_start3A_301 : memref<128x128xf32, #tpu.memory_space<hbm>>) target(%arg9 : memref<128x128xf32, #tpu.memory_space<vmem>>) target_semaphore(%arg12 : memref<!tpu.dma_semaphore, #tpu.memory_space<semaphore_mem>>)
        } else {
        }
      } else {
      }
    }
    %scan3A_131 = arith.constant 20 : i32
    %barrier3A_132 = arith.constant 0 : index
    tpu.barrier barrier_id(%barrier3A_132)
    %lt3A_133 = arith.constant 2 : i32
    %lt3A_134 = arith.cmpi slt, %arg1, %lt3A_133 : i32
    %mul3A_135 = arith.constant 632 : i32
    %mul3A_136 = arith.muli %arg1, %mul3A_135 : i32
    %mul3A_137 = arith.constant 624 : i32
    %mul3A_138 = arith.muli %arg1, %mul3A_137 : i32
    %add3A_139 = arith.constant 16 : i32
    %add3A_140 = arith.addi %add3A_139, %mul3A_138 : i32
    %select_n3A_141 = arith.select %lt3A_134, %mul3A_136, %add3A_140 : i32
    %lt3A_142 = arith.constant 2 : i32
    %lt3A_143 = arith.cmpi slt, %arg1, %lt3A_142 : i32
    %convert_element_type3A_144 = arith.extui %lt3A_143 : i1 to i32
    %cond3A_145 = arith.constant 1 : i32
    %cond3A_146 = arith.constant 0 : i32
    %cond3A_147 = arith.cmpi ne, %convert_element_type3A_144, %cond3A_146 : i32
    scf.if %cond3A_147 {
      "tpu.region"() ({
        %run_scoped3A = tpu.sem_alloc : memref<!tpu.dma_semaphore, #tpu.memory_space<semaphore_mem>>
        %dma_start3A_237 = arith.constant 0 : i32
        %dma_start3A_238 = arith.constant 0 : i32
        %dma_start3A_239 = arith.constant 0 : i32
        %dma_start3A_240 = tpu.memref_slice %arg5[%cond3A_145, %dma_start3A_237, %dma_start3A_238, %dma_start3A_239] : memref<3x2x10000x128xf32, #tpu.memory_space<hbm>> -> memref<1x2x10000x128xf32, #tpu.memory_space<hbm>>
        %dma_start3A_241 = tpu.memref_squeeze %dma_start3A_240 : memref<1x2x10000x128xf32, #tpu.memory_space<hbm>> -> memref<2x10000x128xf32, #tpu.memory_space<hbm>>
        %dma_start3A_242 = arith.constant 0 : i32
        %dma_start3A_243 = arith.constant 0 : i32
        %dma_start3A_244 = tpu.memref_slice %dma_start3A_241[%arg0, %dma_start3A_242, %dma_start3A_243] : memref<2x10000x128xf32, #tpu.memory_space<hbm>> -> memref<1x10000x128xf32, #tpu.memory_space<hbm>>
        %dma_start3A_245 = tpu.memref_squeeze %dma_start3A_244 : memref<1x10000x128xf32, #tpu.memory_space<hbm>> -> memref<10000x128xf32, #tpu.memory_space<hbm>>
        %dma_start3A_246 = arith.constant 0 : i32
        %dma_start3A_247 = tpu.memref_slice %dma_start3A_245[%select_n3A_141, %dma_start3A_246] : memref<10000x128xf32, #tpu.memory_space<hbm>> -> memref<632x128xf32, #tpu.memory_space<hbm>>
        %dma_start3A_248 = arith.constant 0 : i32
        %dma_start3A_249 = tpu.memref_slice %arg10[%select_n3A_141, %dma_start3A_248] : memref<10000x128xf32, #tpu.memory_space<vmem_shared>> -> memref<632x128xf32, #tpu.memory_space<vmem_shared>>
        tpu.enqueue_dma source(%dma_start3A_249 : memref<632x128xf32, #tpu.memory_space<vmem_shared>>) target(%dma_start3A_247 : memref<632x128xf32, #tpu.memory_space<hbm>>) target_semaphore(%run_scoped3A : memref<!tpu.dma_semaphore, #tpu.memory_space<semaphore_mem>>)
        %dma_wait3A = arith.constant 0 : i32
        %dma_wait3A_250 = arith.constant 0 : i32
        %dma_wait3A_251 = arith.constant 0 : i32
        %dma_wait3A_252 = tpu.memref_slice %arg5[%cond3A_145, %dma_wait3A, %dma_wait3A_250, %dma_wait3A_251] : memref<3x2x10000x128xf32, #tpu.memory_space<hbm>> -> memref<1x2x10000x128xf32, #tpu.memory_space<hbm>>
        %dma_wait3A_253 = tpu.memref_squeeze %dma_wait3A_252 : memref<1x2x10000x128xf32, #tpu.memory_space<hbm>> -> memref<2x10000x128xf32, #tpu.memory_space<hbm>>
        %dma_wait3A_254 = arith.constant 0 : i32
        %dma_wait3A_255 = arith.constant 0 : i32
        %dma_wait3A_256 = tpu.memref_slice %dma_wait3A_253[%arg0, %dma_wait3A_254, %dma_wait3A_255] : memref<2x10000x128xf32, #tpu.memory_space<hbm>> -> memref<1x10000x128xf32, #tpu.memory_space<hbm>>
        %dma_wait3A_257 = tpu.memref_squeeze %dma_wait3A_256 : memref<1x10000x128xf32, #tpu.memory_space<hbm>> -> memref<10000x128xf32, #tpu.memory_space<hbm>>
        %dma_wait3A_258 = arith.constant 0 : i32
        %dma_wait3A_259 = tpu.memref_slice %dma_wait3A_257[%select_n3A_141, %dma_wait3A_258] : memref<10000x128xf32, #tpu.memory_space<hbm>> -> memref<632x128xf32, #tpu.memory_space<hbm>>
        %dma_wait3A_260 = arith.constant 0 : i32
        %dma_wait3A_261 = tpu.memref_slice %arg10[%select_n3A_141, %dma_wait3A_260] : memref<10000x128xf32, #tpu.memory_space<vmem_shared>> -> memref<632x128xf32, #tpu.memory_space<vmem_shared>>
        tpu.wait_dma2 semaphore(%run_scoped3A : memref<!tpu.dma_semaphore, #tpu.memory_space<semaphore_mem>>) src(%dma_wait3A_261 : memref<632x128xf32, #tpu.memory_space<vmem_shared>>) dst(%dma_wait3A_259 : memref<632x128xf32, #tpu.memory_space<hbm>>)
        tpu.yield
      }) : () -> ()
    } else {
    }
    %ge3A_148 = arith.constant 2 : i32
    %ge3A_149 = arith.cmpi sge, %arg1, %ge3A_148 : i32
    %convert_element_type3A_150 = arith.extui %ge3A_149 : i1 to i32
    %cond3A_151 = arith.constant 1 : i32
    %cond3A_152 = arith.constant 0 : i32
    %cond3A_153 = arith.cmpi ne, %convert_element_type3A_150, %cond3A_152 : i32
    scf.if %cond3A_153 {
      "tpu.region"() ({
        %run_scoped3A = tpu.sem_alloc : memref<!tpu.dma_semaphore, #tpu.memory_space<semaphore_mem>>
        %dma_start3A_237 = arith.constant 0 : i32
        %dma_start3A_238 = arith.constant 0 : i32
        %dma_start3A_239 = arith.constant 0 : i32
        %dma_start3A_240 = tpu.memref_slice %arg5[%cond3A_151, %dma_start3A_237, %dma_start3A_238, %dma_start3A_239] : memref<3x2x10000x128xf32, #tpu.memory_space<hbm>> -> memref<1x2x10000x128xf32, #tpu.memory_space<hbm>>
        %dma_start3A_241 = tpu.memref_squeeze %dma_start3A_240 : memref<1x2x10000x128xf32, #tpu.memory_space<hbm>> -> memref<2x10000x128xf32, #tpu.memory_space<hbm>>
        %dma_start3A_242 = arith.constant 0 : i32
        %dma_start3A_243 = arith.constant 0 : i32
        %dma_start3A_244 = tpu.memref_slice %dma_start3A_241[%arg0, %dma_start3A_242, %dma_start3A_243] : memref<2x10000x128xf32, #tpu.memory_space<hbm>> -> memref<1x10000x128xf32, #tpu.memory_space<hbm>>
        %dma_start3A_245 = tpu.memref_squeeze %dma_start3A_244 : memref<1x10000x128xf32, #tpu.memory_space<hbm>> -> memref<10000x128xf32, #tpu.memory_space<hbm>>
        %dma_start3A_246 = arith.constant 0 : i32
        %dma_start3A_247 = tpu.memref_slice %dma_start3A_245[%select_n3A_141, %dma_start3A_246] : memref<10000x128xf32, #tpu.memory_space<hbm>> -> memref<624x128xf32, #tpu.memory_space<hbm>>
        %dma_start3A_248 = arith.constant 0 : i32
        %dma_start3A_249 = tpu.memref_slice %arg10[%select_n3A_141, %dma_start3A_248] : memref<10000x128xf32, #tpu.memory_space<vmem_shared>> -> memref<624x128xf32, #tpu.memory_space<vmem_shared>>
        tpu.enqueue_dma source(%dma_start3A_249 : memref<624x128xf32, #tpu.memory_space<vmem_shared>>) target(%dma_start3A_247 : memref<624x128xf32, #tpu.memory_space<hbm>>) target_semaphore(%run_scoped3A : memref<!tpu.dma_semaphore, #tpu.memory_space<semaphore_mem>>)
        %dma_wait3A = arith.constant 0 : i32
        %dma_wait3A_250 = arith.constant 0 : i32
        %dma_wait3A_251 = arith.constant 0 : i32
        %dma_wait3A_252 = tpu.memref_slice %arg5[%cond3A_151, %dma_wait3A, %dma_wait3A_250, %dma_wait3A_251] : memref<3x2x10000x128xf32, #tpu.memory_space<hbm>> -> memref<1x2x10000x128xf32, #tpu.memory_space<hbm>>
        %dma_wait3A_253 = tpu.memref_squeeze %dma_wait3A_252 : memref<1x2x10000x128xf32, #tpu.memory_space<hbm>> -> memref<2x10000x128xf32, #tpu.memory_space<hbm>>
        %dma_wait3A_254 = arith.constant 0 : i32
        %dma_wait3A_255 = arith.constant 0 : i32
        %dma_wait3A_256 = tpu.memref_slice %dma_wait3A_253[%arg0, %dma_wait3A_254, %dma_wait3A_255] : memref<2x10000x128xf32, #tpu.memory_space<hbm>> -> memref<1x10000x128xf32, #tpu.memory_space<hbm>>
        %dma_wait3A_257 = tpu.memref_squeeze %dma_wait3A_256 : memref<1x10000x128xf32, #tpu.memory_space<hbm>> -> memref<10000x128xf32, #tpu.memory_space<hbm>>
        %dma_wait3A_258 = arith.constant 0 : i32
        %dma_wait3A_259 = tpu.memref_slice %dma_wait3A_257[%select_n3A_141, %dma_wait3A_258] : memref<10000x128xf32, #tpu.memory_space<hbm>> -> memref<624x128xf32, #tpu.memory_space<hbm>>
        %dma_wait3A_260 = arith.constant 0 : i32
        %dma_wait3A_261 = tpu.memref_slice %arg10[%select_n3A_141, %dma_wait3A_260] : memref<10000x128xf32, #tpu.memory_space<vmem_shared>> -> memref<624x128xf32, #tpu.memory_space<vmem_shared>>
        tpu.wait_dma2 semaphore(%run_scoped3A : memref<!tpu.dma_semaphore, #tpu.memory_space<semaphore_mem>>) src(%dma_wait3A_261 : memref<624x128xf32, #tpu.memory_space<vmem_shared>>) dst(%dma_wait3A_259 : memref<624x128xf32, #tpu.memory_space<hbm>>)
        tpu.yield
      }) : () -> ()
    } else {
    }
    %barrier3A_154 = arith.constant 0 : index
    tpu.barrier barrier_id(%barrier3A_154)
    %lt3A_155 = arith.constant 2 : i32
    %lt3A_156 = arith.cmpi slt, %add3A, %lt3A_155 : i32
    %jit3A_157 = arith.constant 1 : i32
    %jit3A_158 = arith.constant 0 : i32
    %select_n3A_159 = arith.select %lt3A_156, %jit3A_157, %jit3A_158 : i32
    %add3A_160 = arith.constant 39 : i32
    %add3A_161 = arith.addi %add3A_160, %select_n3A_159 : i32
    %lt3A_162 = arith.constant 2 : i32
    %lt3A_163 = arith.cmpi slt, %arg1, %lt3A_162 : i32
    %mul3A_164 = arith.constant 632 : i32
    %mul3A_165 = arith.muli %arg1, %mul3A_164 : i32
    %mul3A_166 = arith.constant 624 : i32
    %mul3A_167 = arith.muli %arg1, %mul3A_166 : i32
    %add3A_168 = arith.constant 16 : i32
    %add3A_169 = arith.addi %add3A_168, %mul3A_167 : i32
    %select_n3A_170 = arith.select %lt3A_163, %mul3A_165, %add3A_169 : i32
    %lt3A_171 = arith.constant 2 : i32
    %lt3A_172 = arith.cmpi slt, %arg1, %lt3A_171 : i32
    %convert_element_type3A_173 = arith.extui %lt3A_172 : i1 to i32
    %cond3A_174 = arith.constant 0 : i32
    %cond3A_175 = arith.cmpi ne, %convert_element_type3A_173, %cond3A_174 : i32
    scf.if %cond3A_175 {
      "tpu.region"() ({
        %run_scoped3A = tpu.sem_alloc : memref<!tpu.dma_semaphore, #tpu.memory_space<semaphore_mem>>
        %dma_start3A_237 = arith.constant 0 : i32
        %dma_start3A_238 = tpu.memref_slice %arg10[%select_n3A_170, %dma_start3A_237] : memref<10000x128xf32, #tpu.memory_space<vmem_shared>> -> memref<632x128xf32, #tpu.memory_space<vmem_shared>>
        tpu.enqueue_dma source(%arg4 : memref<632x128xf32, #tpu.memory_space<hbm>>) target(%dma_start3A_238 : memref<632x128xf32, #tpu.memory_space<vmem_shared>>) target_semaphore(%run_scoped3A : memref<!tpu.dma_semaphore, #tpu.memory_space<semaphore_mem>>)
        %dma_wait3A = arith.constant 0 : i32
        %dma_wait3A_239 = tpu.memref_slice %arg10[%select_n3A_170, %dma_wait3A] : memref<10000x128xf32, #tpu.memory_space<vmem_shared>> -> memref<632x128xf32, #tpu.memory_space<vmem_shared>>
        tpu.wait_dma2 semaphore(%run_scoped3A : memref<!tpu.dma_semaphore, #tpu.memory_space<semaphore_mem>>) src(%arg4 : memref<632x128xf32, #tpu.memory_space<hbm>>) dst(%dma_wait3A_239 : memref<632x128xf32, #tpu.memory_space<vmem_shared>>)
        tpu.yield
      }) : () -> ()
    } else {
    }
    %ge3A_176 = arith.constant 2 : i32
    %ge3A_177 = arith.cmpi sge, %arg1, %ge3A_176 : i32
    %convert_element_type3A_178 = arith.extui %ge3A_177 : i1 to i32
    %cond3A_179 = arith.constant 0 : i32
    %cond3A_180 = arith.cmpi ne, %convert_element_type3A_178, %cond3A_179 : i32
    scf.if %cond3A_180 {
      "tpu.region"() ({
        %run_scoped3A = tpu.sem_alloc : memref<!tpu.dma_semaphore, #tpu.memory_space<semaphore_mem>>
        %dma_start3A_237 = arith.constant 0 : i32
        %dma_start3A_238 = tpu.memref_slice %arg10[%select_n3A_170, %dma_start3A_237] : memref<10000x128xf32, #tpu.memory_space<vmem_shared>> -> memref<624x128xf32, #tpu.memory_space<vmem_shared>>
        %dma_start3A_239 = arith.constant 0 : i32
        %dma_start3A_240 = arith.constant 0 : i32
        %dma_start3A_241 = tpu.memref_slice %arg4[%dma_start3A_239, %dma_start3A_240] : memref<632x128xf32, #tpu.memory_space<hbm>> -> memref<624x128xf32, #tpu.memory_space<hbm>>
        tpu.enqueue_dma source(%dma_start3A_241 : memref<624x128xf32, #tpu.memory_space<hbm>>) target(%dma_start3A_238 : memref<624x128xf32, #tpu.memory_space<vmem_shared>>) target_semaphore(%run_scoped3A : memref<!tpu.dma_semaphore, #tpu.memory_space<semaphore_mem>>)
        %dma_wait3A = arith.constant 0 : i32
        %dma_wait3A_242 = tpu.memref_slice %arg10[%select_n3A_170, %dma_wait3A] : memref<10000x128xf32, #tpu.memory_space<vmem_shared>> -> memref<624x128xf32, #tpu.memory_space<vmem_shared>>
        %dma_wait3A_243 = arith.constant 0 : i32
        %dma_wait3A_244 = arith.constant 0 : i32
        %dma_wait3A_245 = tpu.memref_slice %arg4[%dma_wait3A_243, %dma_wait3A_244] : memref<632x128xf32, #tpu.memory_space<hbm>> -> memref<624x128xf32, #tpu.memory_space<hbm>>
        tpu.wait_dma2 semaphore(%run_scoped3A : memref<!tpu.dma_semaphore, #tpu.memory_space<semaphore_mem>>) src(%dma_wait3A_245 : memref<624x128xf32, #tpu.memory_space<hbm>>) dst(%dma_wait3A_242 : memref<624x128xf32, #tpu.memory_space<vmem_shared>>)
        tpu.yield
      }) : () -> ()
    } else {
    }
    %barrier3A_181 = arith.constant 0 : index
    tpu.barrier barrier_id(%barrier3A_181)
    %add3A_182 = arith.constant 0 : i32
    %add3A_183 = arith.addi %add3A, %add3A_182 : i32
    %mul3A_184 = arith.constant 128 : i32
    %mul3A_185 = arith.muli %add3A_183, %mul3A_184 : i32
    %dma_start3A_186 = tpu.memref_slice %arg3[%mul3A_185] : memref<160000xi32, #tpu.memory_space<hbm>> -> memref<128xi32, #tpu.memory_space<hbm>>
    %dma_start3A_187 = tpu.memref_slice %arg3[%mul3A_185] : memref<160000xi32, #tpu.memory_space<hbm>> -> memref<128xi32, #tpu.memory_space<hbm>>
    tpu.enqueue_dma source(%dma_start3A_187 : memref<128xi32, #tpu.memory_space<hbm>>) target(%arg6 : memref<128xi32, #tpu.memory_space<vmem>>) target_semaphore(%arg11 : memref<!tpu.dma_semaphore, #tpu.memory_space<semaphore_mem>>)
    %mul3A_188 = arith.constant 128 : i32
    %mul3A_189 = arith.muli %add3A_183, %mul3A_188 : i32
    %dma_start3A_190 = arith.constant 2 : i32
    %dma_start3A_191 = arith.constant 0 : i32
    %dma_start3A_192 = arith.constant 0 : i32
    %dma_start3A_193 = tpu.memref_slice %arg2[%dma_start3A_190, %dma_start3A_191, %dma_start3A_192] : memref<3x160000x128xf32, #tpu.memory_space<hbm>> -> memref<1x160000x128xf32, #tpu.memory_space<hbm>>
    %dma_start3A_194 = tpu.memref_squeeze %dma_start3A_193 : memref<1x160000x128xf32, #tpu.memory_space<hbm>> -> memref<160000x128xf32, #tpu.memory_space<hbm>>
    %dma_start3A_195 = arith.constant 0 : i32
    %dma_start3A_196 = tpu.memref_slice %dma_start3A_194[%mul3A_189, %dma_start3A_195] : memref<160000x128xf32, #tpu.memory_space<hbm>> -> memref<128x128xf32, #tpu.memory_space<hbm>>
    %dma_start3A_197 = arith.constant 0 : i32
    %dma_start3A_198 = arith.constant 0 : i32
    %dma_start3A_199 = tpu.memref_slice %arg2[%dma_start3A_190, %dma_start3A_197, %dma_start3A_198] : memref<3x160000x128xf32, #tpu.memory_space<hbm>> -> memref<1x160000x128xf32, #tpu.memory_space<hbm>>
    %dma_start3A_200 = tpu.memref_squeeze %dma_start3A_199 : memref<1x160000x128xf32, #tpu.memory_space<hbm>> -> memref<160000x128xf32, #tpu.memory_space<hbm>>
    %dma_start3A_201 = arith.constant 0 : i32
    %dma_start3A_202 = tpu.memref_slice %dma_start3A_200[%mul3A_189, %dma_start3A_201] : memref<160000x128xf32, #tpu.memory_space<hbm>> -> memref<128x128xf32, #tpu.memory_space<hbm>>
    tpu.enqueue_dma source(%dma_start3A_202 : memref<128x128xf32, #tpu.memory_space<hbm>>) target(%arg8 : memref<128x128xf32, #tpu.memory_space<vmem>>) target_semaphore(%arg11 : memref<!tpu.dma_semaphore, #tpu.memory_space<semaphore_mem>>)
    %gt3A_203 = arith.constant 1 : i32
    %gt3A_204 = arith.cmpi sgt, %add3A_161, %gt3A_203 : i32
    %convert_element_type3A_205 = arith.extui %gt3A_204 : i1 to i32
    %cond3A_206 = arith.constant 0 : i32
    %cond3A_207 = arith.cmpi ne, %convert_element_type3A_205, %cond3A_206 : i32
    scf.if %cond3A_207 {
      %add3A_237 = arith.constant 32 : i32
      %add3A_238 = arith.addi %add3A, %add3A_237 : i32
      %mul3A_239 = arith.constant 128 : i32
      %mul3A_240 = arith.muli %add3A_238, %mul3A_239 : i32
      %dma_start3A_241 = tpu.memref_slice %arg3[%mul3A_240] : memref<160000xi32, #tpu.memory_space<hbm>> -> memref<128xi32, #tpu.memory_space<hbm>>
      %dma_start3A_242 = tpu.memref_slice %arg3[%mul3A_240] : memref<160000xi32, #tpu.memory_space<hbm>> -> memref<128xi32, #tpu.memory_space<hbm>>
      tpu.enqueue_dma source(%dma_start3A_242 : memref<128xi32, #tpu.memory_space<hbm>>) target(%arg7 : memref<128xi32, #tpu.memory_space<vmem>>) target_semaphore(%arg12 : memref<!tpu.dma_semaphore, #tpu.memory_space<semaphore_mem>>)
      %mul3A_243 = arith.constant 128 : i32
      %mul3A_244 = arith.muli %add3A_238, %mul3A_243 : i32
      %dma_start3A_245 = arith.constant 2 : i32
      %dma_start3A_246 = arith.constant 0 : i32
      %dma_start3A_247 = arith.constant 0 : i32
      %dma_start3A_248 = tpu.memref_slice %arg2[%dma_start3A_245, %dma_start3A_246, %dma_start3A_247] : memref<3x160000x128xf32, #tpu.memory_space<hbm>> -> memref<1x160000x128xf32, #tpu.memory_space<hbm>>
      %dma_start3A_249 = tpu.memref_squeeze %dma_start3A_248 : memref<1x160000x128xf32, #tpu.memory_space<hbm>> -> memref<160000x128xf32, #tpu.memory_space<hbm>>
      %dma_start3A_250 = arith.constant 0 : i32
      %dma_start3A_251 = tpu.memref_slice %dma_start3A_249[%mul3A_244, %dma_start3A_250] : memref<160000x128xf32, #tpu.memory_space<hbm>> -> memref<128x128xf32, #tpu.memory_space<hbm>>
      %dma_start3A_252 = arith.constant 0 : i32
      %dma_start3A_253 = arith.constant 0 : i32
      %dma_start3A_254 = tpu.memref_slice %arg2[%dma_start3A_245, %dma_start3A_252, %dma_start3A_253] : memref<3x160000x128xf32, #tpu.memory_space<hbm>> -> memref<1x160000x128xf32, #tpu.memory_space<hbm>>
      %dma_start3A_255 = tpu.memref_squeeze %dma_start3A_254 : memref<1x160000x128xf32, #tpu.memory_space<hbm>> -> memref<160000x128xf32, #tpu.memory_space<hbm>>
      %dma_start3A_256 = arith.constant 0 : i32
      %dma_start3A_257 = tpu.memref_slice %dma_start3A_255[%mul3A_244, %dma_start3A_256] : memref<160000x128xf32, #tpu.memory_space<hbm>> -> memref<128x128xf32, #tpu.memory_space<hbm>>
      tpu.enqueue_dma source(%dma_start3A_257 : memref<128x128xf32, #tpu.memory_space<hbm>>) target(%arg9 : memref<128x128xf32, #tpu.memory_space<vmem>>) target_semaphore(%arg12 : memref<!tpu.dma_semaphore, #tpu.memory_space<semaphore_mem>>)
    } else {
    }
    %scan3A_208 = arith.constant 0 : i32
    %scan3A_209 = arith.constant 0 : i32
    %scan3A_210 = arith.constant 20 : i32
    %scan3A_211 = arith.addi %scan3A_209, %scan3A_210 : i32
    %scan3A_212 = arith.constant 1 : i32
    scf.for %scan3A_237 = %scan3A_209 to %scan3A_211 step %scan3A_212  : i32 {
      %mul3A_238 = arith.constant 2 : i32
      %mul3A_239 = arith.muli %mul3A_238, %scan3A_237 : i32
      %add3A_240 = arith.constant 0 : i32
      %add3A_241 = arith.addi %mul3A_239, %add3A_240 : i32
      %lt3A_242 = arith.cmpi slt, %add3A_241, %add3A_161 : i32
      %convert_element_type3A_243 = arith.extui %lt3A_242 : i1 to i32
      %cond3A_244 = arith.constant 0 : i32
      %cond3A_245 = arith.cmpi ne, %convert_element_type3A_243, %cond3A_244 : i32
      scf.if %cond3A_245 {
        %dma_wait3A = arith.constant 0 : i32
        %dma_wait3A_254 = tpu.memref_slice %arg3[%dma_wait3A] : memref<160000xi32, #tpu.memory_space<hbm>> -> memref<128xi32, #tpu.memory_space<hbm>>
        %dma_wait3A_255 = arith.constant 0 : i32
        %dma_wait3A_256 = tpu.memref_slice %arg3[%dma_wait3A_255] : memref<160000xi32, #tpu.memory_space<hbm>> -> memref<128xi32, #tpu.memory_space<hbm>>
        tpu.wait_dma2 semaphore(%arg11 : memref<!tpu.dma_semaphore, #tpu.memory_space<semaphore_mem>>) src(%dma_wait3A_256 : memref<128xi32, #tpu.memory_space<hbm>>) dst(%arg6 : memref<128xi32, #tpu.memory_space<vmem>>)
        %dma_wait3A_257 = arith.constant 0 : i32
        %dma_wait3A_258 = arith.constant 0 : i32
        %dma_wait3A_259 = arith.constant 0 : i32
        %dma_wait3A_260 = tpu.memref_slice %arg2[%dma_wait3A_257, %dma_wait3A_258, %dma_wait3A_259] : memref<3x160000x128xf32, #tpu.memory_space<hbm>> -> memref<1x160000x128xf32, #tpu.memory_space<hbm>>
        %dma_wait3A_261 = tpu.memref_squeeze %dma_wait3A_260 : memref<1x160000x128xf32, #tpu.memory_space<hbm>> -> memref<160000x128xf32, #tpu.memory_space<hbm>>
        %dma_wait3A_262 = arith.constant 0 : i32
        %dma_wait3A_263 = arith.constant 0 : i32
        %dma_wait3A_264 = tpu.memref_slice %dma_wait3A_261[%dma_wait3A_262, %dma_wait3A_263] : memref<160000x128xf32, #tpu.memory_space<hbm>> -> memref<128x128xf32, #tpu.memory_space<hbm>>
        %dma_wait3A_265 = arith.constant 0 : i32
        %dma_wait3A_266 = arith.constant 0 : i32
        %dma_wait3A_267 = tpu.memref_slice %arg2[%dma_wait3A_257, %dma_wait3A_265, %dma_wait3A_266] : memref<3x160000x128xf32, #tpu.memory_space<hbm>> -> memref<1x160000x128xf32, #tpu.memory_space<hbm>>
        %dma_wait3A_268 = tpu.memref_squeeze %dma_wait3A_267 : memref<1x160000x128xf32, #tpu.memory_space<hbm>> -> memref<160000x128xf32, #tpu.memory_space<hbm>>
        %dma_wait3A_269 = arith.constant 0 : i32
        %dma_wait3A_270 = arith.constant 0 : i32
        %dma_wait3A_271 = tpu.memref_slice %dma_wait3A_268[%dma_wait3A_269, %dma_wait3A_270] : memref<160000x128xf32, #tpu.memory_space<hbm>> -> memref<128x128xf32, #tpu.memory_space<hbm>>
        tpu.wait_dma2 semaphore(%arg11 : memref<!tpu.dma_semaphore, #tpu.memory_space<semaphore_mem>>) src(%dma_wait3A_271 : memref<128x128xf32, #tpu.memory_space<hbm>>) dst(%arg8 : memref<128x128xf32, #tpu.memory_space<vmem>>)
        "tpu.region"() ({
          %run_scoped3A = tpu.sem_alloc : memref<!tpu.dma_semaphore, #tpu.memory_space<semaphore_mem>>
          %dma_start3A_278 = arith.constant 0 : i32
          %dma_start3A_279 = arith.constant 0 : i32
          %dma_start3A_280 = tpu.memref_slice %arg10[%dma_start3A_278, %dma_start3A_279] : memref<10000x128xf32, #tpu.memory_space<vmem_shared>> -> memref<10000x128xf32, #tpu.memory_space<vmem_shared>>
          tpu.enqueue_indirect_dma source(%arg8 : memref<128x128xf32, #tpu.memory_space<vmem>>) target(%dma_start3A_280 : memref<10000x128xf32, #tpu.memory_space<vmem_shared>>) offsets(%arg6 : memref<128xi32, #tpu.memory_space<vmem>>) semaphore(%run_scoped3A : memref<!tpu.dma_semaphore, #tpu.memory_space<semaphore_mem>>) {add = true}
          %dma_wait3A_281 = arith.constant 0 : i32
          %dma_wait3A_282 = arith.constant 0 : i32
          %dma_wait3A_283 = tpu.memref_slice %arg10[%dma_wait3A_281, %dma_wait3A_282] : memref<10000x128xf32, #tpu.memory_space<vmem_shared>> -> memref<10000x128xf32, #tpu.memory_space<vmem_shared>>
          tpu.wait_indirect_dma semaphore(%run_scoped3A : memref<!tpu.dma_semaphore, #tpu.memory_space<semaphore_mem>>) src(%arg8 : memref<128x128xf32, #tpu.memory_space<vmem>>) dst(%dma_wait3A_283 : memref<10000x128xf32, #tpu.memory_space<vmem_shared>>)
          tpu.yield
        }) : () -> ()
        %add3A_272 = arith.constant 2 : i32
        %add3A_273 = arith.addi %add3A_241, %add3A_272 : i32
        %lt3A_274 = arith.cmpi slt, %add3A_273, %add3A_161 : i32
        %convert_element_type3A_275 = arith.extui %lt3A_274 : i1 to i32
        %cond3A_276 = arith.constant 0 : i32
        %cond3A_277 = arith.cmpi ne, %convert_element_type3A_275, %cond3A_276 : i32
        scf.if %cond3A_277 {
          %add3A_278 = arith.constant 2 : i32
          %add3A_279 = arith.addi %add3A_241, %add3A_278 : i32
          %mul3A_280 = arith.constant 32 : i32
          %mul3A_281 = arith.muli %mul3A_280, %add3A_279 : i32
          %add3A_282 = arith.addi %add3A, %mul3A_281 : i32
          %mul3A_283 = arith.constant 128 : i32
          %mul3A_284 = arith.muli %add3A_282, %mul3A_283 : i32
          %dma_start3A_285 = tpu.memref_slice %arg3[%mul3A_284] : memref<160000xi32, #tpu.memory_space<hbm>> -> memref<128xi32, #tpu.memory_space<hbm>>
          %dma_start3A_286 = tpu.memref_slice %arg3[%mul3A_284] : memref<160000xi32, #tpu.memory_space<hbm>> -> memref<128xi32, #tpu.memory_space<hbm>>
          tpu.enqueue_dma source(%dma_start3A_286 : memref<128xi32, #tpu.memory_space<hbm>>) target(%arg6 : memref<128xi32, #tpu.memory_space<vmem>>) target_semaphore(%arg11 : memref<!tpu.dma_semaphore, #tpu.memory_space<semaphore_mem>>)
          %mul3A_287 = arith.constant 128 : i32
          %mul3A_288 = arith.muli %add3A_282, %mul3A_287 : i32
          %dma_start3A_289 = arith.constant 2 : i32
          %dma_start3A_290 = arith.constant 0 : i32
          %dma_start3A_291 = arith.constant 0 : i32
          %dma_start3A_292 = tpu.memref_slice %arg2[%dma_start3A_289, %dma_start3A_290, %dma_start3A_291] : memref<3x160000x128xf32, #tpu.memory_space<hbm>> -> memref<1x160000x128xf32, #tpu.memory_space<hbm>>
          %dma_start3A_293 = tpu.memref_squeeze %dma_start3A_292 : memref<1x160000x128xf32, #tpu.memory_space<hbm>> -> memref<160000x128xf32, #tpu.memory_space<hbm>>
          %dma_start3A_294 = arith.constant 0 : i32
          %dma_start3A_295 = tpu.memref_slice %dma_start3A_293[%mul3A_288, %dma_start3A_294] : memref<160000x128xf32, #tpu.memory_space<hbm>> -> memref<128x128xf32, #tpu.memory_space<hbm>>
          %dma_start3A_296 = arith.constant 0 : i32
          %dma_start3A_297 = arith.constant 0 : i32
          %dma_start3A_298 = tpu.memref_slice %arg2[%dma_start3A_289, %dma_start3A_296, %dma_start3A_297] : memref<3x160000x128xf32, #tpu.memory_space<hbm>> -> memref<1x160000x128xf32, #tpu.memory_space<hbm>>
          %dma_start3A_299 = tpu.memref_squeeze %dma_start3A_298 : memref<1x160000x128xf32, #tpu.memory_space<hbm>> -> memref<160000x128xf32, #tpu.memory_space<hbm>>
          %dma_start3A_300 = arith.constant 0 : i32
          %dma_start3A_301 = tpu.memref_slice %dma_start3A_299[%mul3A_288, %dma_start3A_300] : memref<160000x128xf32, #tpu.memory_space<hbm>> -> memref<128x128xf32, #tpu.memory_space<hbm>>
          tpu.enqueue_dma source(%dma_start3A_301 : memref<128x128xf32, #tpu.memory_space<hbm>>) target(%arg8 : memref<128x128xf32, #tpu.memory_space<vmem>>) target_semaphore(%arg11 : memref<!tpu.dma_semaphore, #tpu.memory_space<semaphore_mem>>)
        } else {
        }
      } else {
      }
      %mul3A_246 = arith.constant 2 : i32
      %mul3A_247 = arith.muli %mul3A_246, %scan3A_237 : i32
      %add3A_248 = arith.constant 1 : i32
      %add3A_249 = arith.addi %mul3A_247, %add3A_248 : i32
      %lt3A_250 = arith.cmpi slt, %add3A_249, %add3A_161 : i32
      %convert_element_type3A_251 = arith.extui %lt3A_250 : i1 to i32
      %cond3A_252 = arith.constant 0 : i32
      %cond3A_253 = arith.cmpi ne, %convert_element_type3A_251, %cond3A_252 : i32
      scf.if %cond3A_253 {
        %dma_wait3A = arith.constant 0 : i32
        %dma_wait3A_254 = tpu.memref_slice %arg3[%dma_wait3A] : memref<160000xi32, #tpu.memory_space<hbm>> -> memref<128xi32, #tpu.memory_space<hbm>>
        %dma_wait3A_255 = arith.constant 0 : i32
        %dma_wait3A_256 = tpu.memref_slice %arg3[%dma_wait3A_255] : memref<160000xi32, #tpu.memory_space<hbm>> -> memref<128xi32, #tpu.memory_space<hbm>>
        tpu.wait_dma2 semaphore(%arg12 : memref<!tpu.dma_semaphore, #tpu.memory_space<semaphore_mem>>) src(%dma_wait3A_256 : memref<128xi32, #tpu.memory_space<hbm>>) dst(%arg7 : memref<128xi32, #tpu.memory_space<vmem>>)
        %dma_wait3A_257 = arith.constant 0 : i32
        %dma_wait3A_258 = arith.constant 0 : i32
        %dma_wait3A_259 = arith.constant 0 : i32
        %dma_wait3A_260 = tpu.memref_slice %arg2[%dma_wait3A_257, %dma_wait3A_258, %dma_wait3A_259] : memref<3x160000x128xf32, #tpu.memory_space<hbm>> -> memref<1x160000x128xf32, #tpu.memory_space<hbm>>
        %dma_wait3A_261 = tpu.memref_squeeze %dma_wait3A_260 : memref<1x160000x128xf32, #tpu.memory_space<hbm>> -> memref<160000x128xf32, #tpu.memory_space<hbm>>
        %dma_wait3A_262 = arith.constant 0 : i32
        %dma_wait3A_263 = arith.constant 0 : i32
        %dma_wait3A_264 = tpu.memref_slice %dma_wait3A_261[%dma_wait3A_262, %dma_wait3A_263] : memref<160000x128xf32, #tpu.memory_space<hbm>> -> memref<128x128xf32, #tpu.memory_space<hbm>>
        %dma_wait3A_265 = arith.constant 0 : i32
        %dma_wait3A_266 = arith.constant 0 : i32
        %dma_wait3A_267 = tpu.memref_slice %arg2[%dma_wait3A_257, %dma_wait3A_265, %dma_wait3A_266] : memref<3x160000x128xf32, #tpu.memory_space<hbm>> -> memref<1x160000x128xf32, #tpu.memory_space<hbm>>
        %dma_wait3A_268 = tpu.memref_squeeze %dma_wait3A_267 : memref<1x160000x128xf32, #tpu.memory_space<hbm>> -> memref<160000x128xf32, #tpu.memory_space<hbm>>
        %dma_wait3A_269 = arith.constant 0 : i32
        %dma_wait3A_270 = arith.constant 0 : i32
        %dma_wait3A_271 = tpu.memref_slice %dma_wait3A_268[%dma_wait3A_269, %dma_wait3A_270] : memref<160000x128xf32, #tpu.memory_space<hbm>> -> memref<128x128xf32, #tpu.memory_space<hbm>>
        tpu.wait_dma2 semaphore(%arg12 : memref<!tpu.dma_semaphore, #tpu.memory_space<semaphore_mem>>) src(%dma_wait3A_271 : memref<128x128xf32, #tpu.memory_space<hbm>>) dst(%arg9 : memref<128x128xf32, #tpu.memory_space<vmem>>)
        "tpu.region"() ({
          %run_scoped3A = tpu.sem_alloc : memref<!tpu.dma_semaphore, #tpu.memory_space<semaphore_mem>>
          %dma_start3A_278 = arith.constant 0 : i32
          %dma_start3A_279 = arith.constant 0 : i32
          %dma_start3A_280 = tpu.memref_slice %arg10[%dma_start3A_278, %dma_start3A_279] : memref<10000x128xf32, #tpu.memory_space<vmem_shared>> -> memref<10000x128xf32, #tpu.memory_space<vmem_shared>>
          tpu.enqueue_indirect_dma source(%arg9 : memref<128x128xf32, #tpu.memory_space<vmem>>) target(%dma_start3A_280 : memref<10000x128xf32, #tpu.memory_space<vmem_shared>>) offsets(%arg7 : memref<128xi32, #tpu.memory_space<vmem>>) semaphore(%run_scoped3A : memref<!tpu.dma_semaphore, #tpu.memory_space<semaphore_mem>>) {add = true}
          %dma_wait3A_281 = arith.constant 0 : i32
          %dma_wait3A_282 = arith.constant 0 : i32
          %dma_wait3A_283 = tpu.memref_slice %arg10[%dma_wait3A_281, %dma_wait3A_282] : memref<10000x128xf32, #tpu.memory_space<vmem_shared>> -> memref<10000x128xf32, #tpu.memory_space<vmem_shared>>
          tpu.wait_indirect_dma semaphore(%run_scoped3A : memref<!tpu.dma_semaphore, #tpu.memory_space<semaphore_mem>>) src(%arg9 : memref<128x128xf32, #tpu.memory_space<vmem>>) dst(%dma_wait3A_283 : memref<10000x128xf32, #tpu.memory_space<vmem_shared>>)
          tpu.yield
        }) : () -> ()
        %add3A_272 = arith.constant 2 : i32
        %add3A_273 = arith.addi %add3A_249, %add3A_272 : i32
        %lt3A_274 = arith.cmpi slt, %add3A_273, %add3A_161 : i32
        %convert_element_type3A_275 = arith.extui %lt3A_274 : i1 to i32
        %cond3A_276 = arith.constant 0 : i32
        %cond3A_277 = arith.cmpi ne, %convert_element_type3A_275, %cond3A_276 : i32
        scf.if %cond3A_277 {
          %add3A_278 = arith.constant 2 : i32
          %add3A_279 = arith.addi %add3A_249, %add3A_278 : i32
          %mul3A_280 = arith.constant 32 : i32
          %mul3A_281 = arith.muli %mul3A_280, %add3A_279 : i32
          %add3A_282 = arith.addi %add3A, %mul3A_281 : i32
          %mul3A_283 = arith.constant 128 : i32
          %mul3A_284 = arith.muli %add3A_282, %mul3A_283 : i32
          %dma_start3A_285 = tpu.memref_slice %arg3[%mul3A_284] : memref<160000xi32, #tpu.memory_space<hbm>> -> memref<128xi32, #tpu.memory_space<hbm>>
          %dma_start3A_286 = tpu.memref_slice %arg3[%mul3A_284] : memref<160000xi32, #tpu.memory_space<hbm>> -> memref<128xi32, #tpu.memory_space<hbm>>
          tpu.enqueue_dma source(%dma_start3A_286 : memref<128xi32, #tpu.memory_space<hbm>>) target(%arg7 : memref<128xi32, #tpu.memory_space<vmem>>) target_semaphore(%arg12 : memref<!tpu.dma_semaphore, #tpu.memory_space<semaphore_mem>>)
          %mul3A_287 = arith.constant 128 : i32
          %mul3A_288 = arith.muli %add3A_282, %mul3A_287 : i32
          %dma_start3A_289 = arith.constant 2 : i32
          %dma_start3A_290 = arith.constant 0 : i32
          %dma_start3A_291 = arith.constant 0 : i32
          %dma_start3A_292 = tpu.memref_slice %arg2[%dma_start3A_289, %dma_start3A_290, %dma_start3A_291] : memref<3x160000x128xf32, #tpu.memory_space<hbm>> -> memref<1x160000x128xf32, #tpu.memory_space<hbm>>
          %dma_start3A_293 = tpu.memref_squeeze %dma_start3A_292 : memref<1x160000x128xf32, #tpu.memory_space<hbm>> -> memref<160000x128xf32, #tpu.memory_space<hbm>>
          %dma_start3A_294 = arith.constant 0 : i32
          %dma_start3A_295 = tpu.memref_slice %dma_start3A_293[%mul3A_288, %dma_start3A_294] : memref<160000x128xf32, #tpu.memory_space<hbm>> -> memref<128x128xf32, #tpu.memory_space<hbm>>
          %dma_start3A_296 = arith.constant 0 : i32
          %dma_start3A_297 = arith.constant 0 : i32
          %dma_start3A_298 = tpu.memref_slice %arg2[%dma_start3A_289, %dma_start3A_296, %dma_start3A_297] : memref<3x160000x128xf32, #tpu.memory_space<hbm>> -> memref<1x160000x128xf32, #tpu.memory_space<hbm>>
          %dma_start3A_299 = tpu.memref_squeeze %dma_start3A_298 : memref<1x160000x128xf32, #tpu.memory_space<hbm>> -> memref<160000x128xf32, #tpu.memory_space<hbm>>
          %dma_start3A_300 = arith.constant 0 : i32
          %dma_start3A_301 = tpu.memref_slice %dma_start3A_299[%mul3A_288, %dma_start3A_300] : memref<160000x128xf32, #tpu.memory_space<hbm>> -> memref<128x128xf32, #tpu.memory_space<hbm>>
          tpu.enqueue_dma source(%dma_start3A_301 : memref<128x128xf32, #tpu.memory_space<hbm>>) target(%arg9 : memref<128x128xf32, #tpu.memory_space<vmem>>) target_semaphore(%arg12 : memref<!tpu.dma_semaphore, #tpu.memory_space<semaphore_mem>>)
        } else {
        }
      } else {
      }
    }
    %scan3A_213 = arith.constant 20 : i32
    %barrier3A_214 = arith.constant 0 : index
    tpu.barrier barrier_id(%barrier3A_214)
    %lt3A_215 = arith.constant 2 : i32
    %lt3A_216 = arith.cmpi slt, %arg1, %lt3A_215 : i32
    %mul3A_217 = arith.constant 632 : i32
    %mul3A_218 = arith.muli %arg1, %mul3A_217 : i32
    %mul3A_219 = arith.constant 624 : i32
    %mul3A_220 = arith.muli %arg1, %mul3A_219 : i32
    %add3A_221 = arith.constant 16 : i32
    %add3A_222 = arith.addi %add3A_221, %mul3A_220 : i32
    %select_n3A_223 = arith.select %lt3A_216, %mul3A_218, %add3A_222 : i32
    %lt3A_224 = arith.constant 2 : i32
    %lt3A_225 = arith.cmpi slt, %arg1, %lt3A_224 : i32
    %convert_element_type3A_226 = arith.extui %lt3A_225 : i1 to i32
    %cond3A_227 = arith.constant 2 : i32
    %cond3A_228 = arith.constant 0 : i32
    %cond3A_229 = arith.cmpi ne, %convert_element_type3A_226, %cond3A_228 : i32
    scf.if %cond3A_229 {
      "tpu.region"() ({
        %run_scoped3A = tpu.sem_alloc : memref<!tpu.dma_semaphore, #tpu.memory_space<semaphore_mem>>
        %dma_start3A_237 = arith.constant 0 : i32
        %dma_start3A_238 = arith.constant 0 : i32
        %dma_start3A_239 = arith.constant 0 : i32
        %dma_start3A_240 = tpu.memref_slice %arg5[%cond3A_227, %dma_start3A_237, %dma_start3A_238, %dma_start3A_239] : memref<3x2x10000x128xf32, #tpu.memory_space<hbm>> -> memref<1x2x10000x128xf32, #tpu.memory_space<hbm>>
        %dma_start3A_241 = tpu.memref_squeeze %dma_start3A_240 : memref<1x2x10000x128xf32, #tpu.memory_space<hbm>> -> memref<2x10000x128xf32, #tpu.memory_space<hbm>>
        %dma_start3A_242 = arith.constant 0 : i32
        %dma_start3A_243 = arith.constant 0 : i32
        %dma_start3A_244 = tpu.memref_slice %dma_start3A_241[%arg0, %dma_start3A_242, %dma_start3A_243] : memref<2x10000x128xf32, #tpu.memory_space<hbm>> -> memref<1x10000x128xf32, #tpu.memory_space<hbm>>
        %dma_start3A_245 = tpu.memref_squeeze %dma_start3A_244 : memref<1x10000x128xf32, #tpu.memory_space<hbm>> -> memref<10000x128xf32, #tpu.memory_space<hbm>>
        %dma_start3A_246 = arith.constant 0 : i32
        %dma_start3A_247 = tpu.memref_slice %dma_start3A_245[%select_n3A_223, %dma_start3A_246] : memref<10000x128xf32, #tpu.memory_space<hbm>> -> memref<632x128xf32, #tpu.memory_space<hbm>>
        %dma_start3A_248 = arith.constant 0 : i32
        %dma_start3A_249 = tpu.memref_slice %arg10[%select_n3A_223, %dma_start3A_248] : memref<10000x128xf32, #tpu.memory_space<vmem_shared>> -> memref<632x128xf32, #tpu.memory_space<vmem_shared>>
        tpu.enqueue_dma source(%dma_start3A_249 : memref<632x128xf32, #tpu.memory_space<vmem_shared>>) target(%dma_start3A_247 : memref<632x128xf32, #tpu.memory_space<hbm>>) target_semaphore(%run_scoped3A : memref<!tpu.dma_semaphore, #tpu.memory_space<semaphore_mem>>)
        %dma_wait3A = arith.constant 0 : i32
        %dma_wait3A_250 = arith.constant 0 : i32
        %dma_wait3A_251 = arith.constant 0 : i32
        %dma_wait3A_252 = tpu.memref_slice %arg5[%cond3A_227, %dma_wait3A, %dma_wait3A_250, %dma_wait3A_251] : memref<3x2x10000x128xf32, #tpu.memory_space<hbm>> -> memref<1x2x10000x128xf32, #tpu.memory_space<hbm>>
        %dma_wait3A_253 = tpu.memref_squeeze %dma_wait3A_252 : memref<1x2x10000x128xf32, #tpu.memory_space<hbm>> -> memref<2x10000x128xf32, #tpu.memory_space<hbm>>
        %dma_wait3A_254 = arith.constant 0 : i32
        %dma_wait3A_255 = arith.constant 0 : i32
        %dma_wait3A_256 = tpu.memref_slice %dma_wait3A_253[%arg0, %dma_wait3A_254, %dma_wait3A_255] : memref<2x10000x128xf32, #tpu.memory_space<hbm>> -> memref<1x10000x128xf32, #tpu.memory_space<hbm>>
        %dma_wait3A_257 = tpu.memref_squeeze %dma_wait3A_256 : memref<1x10000x128xf32, #tpu.memory_space<hbm>> -> memref<10000x128xf32, #tpu.memory_space<hbm>>
        %dma_wait3A_258 = arith.constant 0 : i32
        %dma_wait3A_259 = tpu.memref_slice %dma_wait3A_257[%select_n3A_223, %dma_wait3A_258] : memref<10000x128xf32, #tpu.memory_space<hbm>> -> memref<632x128xf32, #tpu.memory_space<hbm>>
        %dma_wait3A_260 = arith.constant 0 : i32
        %dma_wait3A_261 = tpu.memref_slice %arg10[%select_n3A_223, %dma_wait3A_260] : memref<10000x128xf32, #tpu.memory_space<vmem_shared>> -> memref<632x128xf32, #tpu.memory_space<vmem_shared>>
        tpu.wait_dma2 semaphore(%run_scoped3A : memref<!tpu.dma_semaphore, #tpu.memory_space<semaphore_mem>>) src(%dma_wait3A_261 : memref<632x128xf32, #tpu.memory_space<vmem_shared>>) dst(%dma_wait3A_259 : memref<632x128xf32, #tpu.memory_space<hbm>>)
        tpu.yield
      }) : () -> ()
    } else {
    }
    %ge3A_230 = arith.constant 2 : i32
    %ge3A_231 = arith.cmpi sge, %arg1, %ge3A_230 : i32
    %convert_element_type3A_232 = arith.extui %ge3A_231 : i1 to i32
    %cond3A_233 = arith.constant 2 : i32
    %cond3A_234 = arith.constant 0 : i32
    %cond3A_235 = arith.cmpi ne, %convert_element_type3A_232, %cond3A_234 : i32
    scf.if %cond3A_235 {
      "tpu.region"() ({
        %run_scoped3A = tpu.sem_alloc : memref<!tpu.dma_semaphore, #tpu.memory_space<semaphore_mem>>
        %dma_start3A_237 = arith.constant 0 : i32
        %dma_start3A_238 = arith.constant 0 : i32
        %dma_start3A_239 = arith.constant 0 : i32
        %dma_start3A_240 = tpu.memref_slice %arg5[%cond3A_233, %dma_start3A_237, %dma_start3A_238, %dma_start3A_239] : memref<3x2x10000x128xf32, #tpu.memory_space<hbm>> -> memref<1x2x10000x128xf32, #tpu.memory_space<hbm>>
        %dma_start3A_241 = tpu.memref_squeeze %dma_start3A_240 : memref<1x2x10000x128xf32, #tpu.memory_space<hbm>> -> memref<2x10000x128xf32, #tpu.memory_space<hbm>>
        %dma_start3A_242 = arith.constant 0 : i32
        %dma_start3A_243 = arith.constant 0 : i32
        %dma_start3A_244 = tpu.memref_slice %dma_start3A_241[%arg0, %dma_start3A_242, %dma_start3A_243] : memref<2x10000x128xf32, #tpu.memory_space<hbm>> -> memref<1x10000x128xf32, #tpu.memory_space<hbm>>
        %dma_start3A_245 = tpu.memref_squeeze %dma_start3A_244 : memref<1x10000x128xf32, #tpu.memory_space<hbm>> -> memref<10000x128xf32, #tpu.memory_space<hbm>>
        %dma_start3A_246 = arith.constant 0 : i32
        %dma_start3A_247 = tpu.memref_slice %dma_start3A_245[%select_n3A_223, %dma_start3A_246] : memref<10000x128xf32, #tpu.memory_space<hbm>> -> memref<624x128xf32, #tpu.memory_space<hbm>>
        %dma_start3A_248 = arith.constant 0 : i32
        %dma_start3A_249 = tpu.memref_slice %arg10[%select_n3A_223, %dma_start3A_248] : memref<10000x128xf32, #tpu.memory_space<vmem_shared>> -> memref<624x128xf32, #tpu.memory_space<vmem_shared>>
        tpu.enqueue_dma source(%dma_start3A_249 : memref<624x128xf32, #tpu.memory_space<vmem_shared>>) target(%dma_start3A_247 : memref<624x128xf32, #tpu.memory_space<hbm>>) target_semaphore(%run_scoped3A : memref<!tpu.dma_semaphore, #tpu.memory_space<semaphore_mem>>)
        %dma_wait3A = arith.constant 0 : i32
        %dma_wait3A_250 = arith.constant 0 : i32
        %dma_wait3A_251 = arith.constant 0 : i32
        %dma_wait3A_252 = tpu.memref_slice %arg5[%cond3A_233, %dma_wait3A, %dma_wait3A_250, %dma_wait3A_251] : memref<3x2x10000x128xf32, #tpu.memory_space<hbm>> -> memref<1x2x10000x128xf32, #tpu.memory_space<hbm>>
        %dma_wait3A_253 = tpu.memref_squeeze %dma_wait3A_252 : memref<1x2x10000x128xf32, #tpu.memory_space<hbm>> -> memref<2x10000x128xf32, #tpu.memory_space<hbm>>
        %dma_wait3A_254 = arith.constant 0 : i32
        %dma_wait3A_255 = arith.constant 0 : i32
        %dma_wait3A_256 = tpu.memref_slice %dma_wait3A_253[%arg0, %dma_wait3A_254, %dma_wait3A_255] : memref<2x10000x128xf32, #tpu.memory_space<hbm>> -> memref<1x10000x128xf32, #tpu.memory_space<hbm>>
        %dma_wait3A_257 = tpu.memref_squeeze %dma_wait3A_256 : memref<1x10000x128xf32, #tpu.memory_space<hbm>> -> memref<10000x128xf32, #tpu.memory_space<hbm>>
        %dma_wait3A_258 = arith.constant 0 : i32
        %dma_wait3A_259 = tpu.memref_slice %dma_wait3A_257[%select_n3A_223, %dma_wait3A_258] : memref<10000x128xf32, #tpu.memory_space<hbm>> -> memref<624x128xf32, #tpu.memory_space<hbm>>
        %dma_wait3A_260 = arith.constant 0 : i32
        %dma_wait3A_261 = tpu.memref_slice %arg10[%select_n3A_223, %dma_wait3A_260] : memref<10000x128xf32, #tpu.memory_space<vmem_shared>> -> memref<624x128xf32, #tpu.memory_space<vmem_shared>>
        tpu.wait_dma2 semaphore(%run_scoped3A : memref<!tpu.dma_semaphore, #tpu.memory_space<semaphore_mem>>) src(%dma_wait3A_261 : memref<624x128xf32, #tpu.memory_space<vmem_shared>>) dst(%dma_wait3A_259 : memref<624x128xf32, #tpu.memory_space<hbm>>)
        tpu.yield
      }) : () -> ()
    } else {
    }
    %barrier3A_236 = arith.constant 0 : index
    tpu.barrier barrier_id(%barrier3A_236)
    return
  }
}

module attributes {stable_mosaic.version = 14 : i64} {
  func.func @body(%arg0: i32, %arg1: memref<1x5x128xf32, #tpu.memory_space<vmem>>, %arg2: memref<3x128x128xf32, #tpu.memory_space<vmem>>, %arg3: memref<3x128xf32, #tpu.memory_space<vmem>>, %arg4: memref<3x640x128xf32, #tpu.memory_space<vmem>>) attributes {dimension_semantics = [#tpu.dimension_semantics<arbitrary>], iteration_bounds = array<i64: 250>, scalar_prefetch = 0 : i64, scratch_operands = 0 : i64, tpu.core_type = #tpu.core_type<tc>, window_params = [{transform_indices = @transform_0, window_bounds = array<i64: 1, 5, 128>}, {pipeline_mode = #tpu.pipeline_mode<synchronous>, transform_indices = @transform_1, window_bounds = array<i64: 3, 128, 128>}, {pipeline_mode = #tpu.pipeline_mode<synchronous>, transform_indices = @transform_2, window_bounds = array<i64: 3, 128>}, {transform_indices = @transform_3, window_bounds = array<i64: 3, 640, 128>}]} {
    %iota3A = tpu.iota {dimensions = array<i32: 0>} : vector<128x1xi32>
    %convert_element_type3A = arith.sitofp %iota3A : vector<128x1xi32> to vector<128x1xf32>
    %mul3A = arith.constant 0.236220479 : f32
    %mul3A_0 = vector.broadcast %mul3A : f32 to vector<128x1xf32>
    %mul3A_1 = arith.mulf %convert_element_type3A, %mul3A_0 : vector<128x1xf32>
    %add3A = arith.constant 0.000000e+00 : f32
    %add3A_2 = vector.broadcast %add3A : f32 to vector<128x1xf32>
    %add3A_3 = arith.addf %mul3A_1, %add3A_2 : vector<128x1xf32>
    %get3A = arith.constant 0 : index
    %get3A_4 = arith.constant 0 : index
    %get3A_5 = arith.constant 0 : index
    %get3A_6 = vector.load %arg1[%get3A, %get3A_4, %get3A_5] : memref<1x5x128xf32, #tpu.memory_space<vmem>>, vector<1x1x128xf32>
    %get3A_7 = vector.shape_cast %get3A_6 : vector<1x1x128xf32> to vector<1x128xf32>
    %sub3A = vector.broadcast %get3A_7 : vector<1x128xf32> to vector<128x128xf32>
    %sub3A_8 = vector.broadcast %add3A_3 : vector<128x1xf32> to vector<128x128xf32>
    %sub3A_9 = arith.subf %sub3A, %sub3A_8 : vector<128x128xf32>
    %integer_pow3A = arith.mulf %sub3A_9, %sub3A_9 : vector<128x128xf32>
    %mul3A_10 = arith.constant -8.96055603 : f32
    %mul3A_11 = vector.broadcast %mul3A_10 : f32 to vector<128x128xf32>
    %mul3A_12 = arith.mulf %mul3A_11, %integer_pow3A : vector<128x128xf32>
    %exp3A = math.exp %mul3A_12 : vector<128x128xf32>
    %get3A_13 = arith.constant 0 : index
    %get3A_14 = arith.constant 0 : index
    %get3A_15 = arith.constant 0 : index
    %get3A_16 = vector.load %arg2[%get3A_13, %get3A_14, %get3A_15] : memref<3x128x128xf32, #tpu.memory_space<vmem>>, vector<1x128x128xf32>
    %get3A_17 = vector.shape_cast %get3A_16 : vector<1x128x128xf32> to vector<128x128xf32>
    %dot_general3A = arith.constant dense<0.000000e+00> : vector<128x128xf32>
    %dot_general3A_18 = tpu.matmul %exp3A, %get3A_17, %dot_general3A {dimension_numbers = #tpu.dot_dimension_numbers<[0], [0], [1], [1], [0, 1, 1, 1], [], []>, transpose_lhs_hint = false} : vector<128x128xf32>, vector<128x128xf32>, vector<128x128xf32> -> vector<128x128xf32>
    %get3A_19 = arith.constant 0 : index
    %get3A_20 = arith.constant 0 : index
    %get3A_21 = vector.load %arg3[%get3A_19, %get3A_20] : memref<3x128xf32, #tpu.memory_space<vmem>>, vector<1x128xf32>
    %get3A_22 = vector.shape_cast %get3A_21 : vector<1x128xf32> to vector<128xf32>
    %broadcast_in_dim3A = vector.shape_cast %get3A_22 : vector<128xf32> to vector<1x128xf32>
    %add3A_23 = vector.broadcast %broadcast_in_dim3A : vector<1x128xf32> to vector<128x128xf32>
    %add3A_24 = arith.addf %dot_general3A_18, %add3A_23 : vector<128x128xf32>
    %max3A = arith.constant 0.000000e+00 : f32
    %max3A_25 = vector.broadcast %max3A : f32 to vector<128x128xf32>
    %max3A_26 = arith.maximumf %add3A_24, %max3A_25 : vector<128x128xf32>
    %abs3A = math.absf %add3A_24 : vector<128x128xf32>
    %neg3A = arith.constant 0.000000e+00 : f32
    %neg3A_27 = vector.broadcast %neg3A : f32 to vector<128x128xf32>
    %neg3A_28 = arith.subf %neg3A_27, %abs3A : vector<128x128xf32>
    %exp3A_29 = math.exp %neg3A_28 : vector<128x128xf32>
    %log1p3A = math.log1p %exp3A_29 : vector<128x128xf32>
    %add3A_30 = arith.addf %max3A_26, %log1p3A : vector<128x128xf32>
    %sub3A_31 = arith.constant 0.693147182 : f32
    %sub3A_32 = vector.broadcast %sub3A_31 : f32 to vector<128x128xf32>
    %sub3A_33 = arith.subf %add3A_30, %sub3A_32 : vector<128x128xf32>
    %swap3A = arith.constant 0 : index
    %swap3A_34 = arith.constant 0 : index
    %swap3A_35 = arith.constant 0 : index
    %swap3A_36 = vector.load %arg4[%swap3A, %swap3A_34, %swap3A_35] : memref<3x640x128xf32, #tpu.memory_space<vmem>>, vector<1x128x128xf32>
    %swap3A_37 = vector.shape_cast %swap3A_36 : vector<1x128x128xf32> to vector<128x128xf32>
    %swap3A_38 = vector.shape_cast %sub3A_33 : vector<128x128xf32> to vector<1x128x128xf32>
    tpu.vector_store %arg4[%swap3A, %swap3A_34, %swap3A_35], %swap3A_38 {strides = array<i32>} : memref<3x640x128xf32, #tpu.memory_space<vmem>>, vector<1x128x128xf32>,
    %get3A_39 = arith.constant 1 : index
    %get3A_40 = arith.constant 0 : index
    %get3A_41 = arith.constant 0 : index
    %get3A_42 = vector.load %arg2[%get3A_39, %get3A_40, %get3A_41] : memref<3x128x128xf32, #tpu.memory_space<vmem>>, vector<1x128x128xf32>
    %get3A_43 = vector.shape_cast %get3A_42 : vector<1x128x128xf32> to vector<128x128xf32>
    %dot_general3A_44 = arith.constant dense<0.000000e+00> : vector<128x128xf32>
    %dot_general3A_45 = tpu.matmul %exp3A, %get3A_43, %dot_general3A_44 {dimension_numbers = #tpu.dot_dimension_numbers<[0], [0], [1], [1], [0, 1, 1, 1], [], []>, transpose_lhs_hint = false} : vector<128x128xf32>, vector<128x128xf32>, vector<128x128xf32> -> vector<128x128xf32>
    %get3A_46 = arith.constant 1 : index
    %get3A_47 = arith.constant 0 : index
    %get3A_48 = vector.load %arg3[%get3A_46, %get3A_47] : memref<3x128xf32, #tpu.memory_space<vmem>>, vector<1x128xf32>
    %get3A_49 = vector.shape_cast %get3A_48 : vector<1x128xf32> to vector<128xf32>
    %broadcast_in_dim3A_50 = vector.shape_cast %get3A_49 : vector<128xf32> to vector<1x128xf32>
    %add3A_51 = vector.broadcast %broadcast_in_dim3A_50 : vector<1x128xf32> to vector<128x128xf32>
    %add3A_52 = arith.addf %dot_general3A_45, %add3A_51 : vector<128x128xf32>
    %max3A_53 = arith.constant 0.000000e+00 : f32
    %max3A_54 = vector.broadcast %max3A_53 : f32 to vector<128x128xf32>
    %max3A_55 = arith.maximumf %add3A_52, %max3A_54 : vector<128x128xf32>
    %abs3A_56 = math.absf %add3A_52 : vector<128x128xf32>
    %neg3A_57 = arith.constant 0.000000e+00 : f32
    %neg3A_58 = vector.broadcast %neg3A_57 : f32 to vector<128x128xf32>
    %neg3A_59 = arith.subf %neg3A_58, %abs3A_56 : vector<128x128xf32>
    %exp3A_60 = math.exp %neg3A_59 : vector<128x128xf32>
    %log1p3A_61 = math.log1p %exp3A_60 : vector<128x128xf32>
    %add3A_62 = arith.addf %max3A_55, %log1p3A_61 : vector<128x128xf32>
    %sub3A_63 = arith.constant 0.693147182 : f32
    %sub3A_64 = vector.broadcast %sub3A_63 : f32 to vector<128x128xf32>
    %sub3A_65 = arith.subf %add3A_62, %sub3A_64 : vector<128x128xf32>
    %swap3A_66 = arith.constant 1 : index
    %swap3A_67 = arith.constant 0 : index
    %swap3A_68 = arith.constant 0 : index
    %swap3A_69 = vector.load %arg4[%swap3A_66, %swap3A_67, %swap3A_68] : memref<3x640x128xf32, #tpu.memory_space<vmem>>, vector<1x128x128xf32>
    %swap3A_70 = vector.shape_cast %swap3A_69 : vector<1x128x128xf32> to vector<128x128xf32>
    %swap3A_71 = vector.shape_cast %sub3A_65 : vector<128x128xf32> to vector<1x128x128xf32>
    tpu.vector_store %arg4[%swap3A_66, %swap3A_67, %swap3A_68], %swap3A_71 {strides = array<i32>} : memref<3x640x128xf32, #tpu.memory_space<vmem>>, vector<1x128x128xf32>,
    %get3A_72 = arith.constant 2 : index
    %get3A_73 = arith.constant 0 : index
    %get3A_74 = arith.constant 0 : index
    %get3A_75 = vector.load %arg2[%get3A_72, %get3A_73, %get3A_74] : memref<3x128x128xf32, #tpu.memory_space<vmem>>, vector<1x128x128xf32>
    %get3A_76 = vector.shape_cast %get3A_75 : vector<1x128x128xf32> to vector<128x128xf32>
    %dot_general3A_77 = arith.constant dense<0.000000e+00> : vector<128x128xf32>
    %dot_general3A_78 = tpu.matmul %exp3A, %get3A_76, %dot_general3A_77 {dimension_numbers = #tpu.dot_dimension_numbers<[0], [0], [1], [1], [0, 1, 1, 1], [], []>, transpose_lhs_hint = false} : vector<128x128xf32>, vector<128x128xf32>, vector<128x128xf32> -> vector<128x128xf32>
    %get3A_79 = arith.constant 2 : index
    %get3A_80 = arith.constant 0 : index
    %get3A_81 = vector.load %arg3[%get3A_79, %get3A_80] : memref<3x128xf32, #tpu.memory_space<vmem>>, vector<1x128xf32>
    %get3A_82 = vector.shape_cast %get3A_81 : vector<1x128xf32> to vector<128xf32>
    %broadcast_in_dim3A_83 = vector.shape_cast %get3A_82 : vector<128xf32> to vector<1x128xf32>
    %add3A_84 = vector.broadcast %broadcast_in_dim3A_83 : vector<1x128xf32> to vector<128x128xf32>
    %add3A_85 = arith.addf %dot_general3A_78, %add3A_84 : vector<128x128xf32>
    %max3A_86 = arith.constant 0.000000e+00 : f32
    %max3A_87 = vector.broadcast %max3A_86 : f32 to vector<128x128xf32>
    %max3A_88 = arith.maximumf %add3A_85, %max3A_87 : vector<128x128xf32>
    %abs3A_89 = math.absf %add3A_85 : vector<128x128xf32>
    %neg3A_90 = arith.constant 0.000000e+00 : f32
    %neg3A_91 = vector.broadcast %neg3A_90 : f32 to vector<128x128xf32>
    %neg3A_92 = arith.subf %neg3A_91, %abs3A_89 : vector<128x128xf32>
    %exp3A_93 = math.exp %neg3A_92 : vector<128x128xf32>
    %log1p3A_94 = math.log1p %exp3A_93 : vector<128x128xf32>
    %add3A_95 = arith.addf %max3A_88, %log1p3A_94 : vector<128x128xf32>
    %sub3A_96 = arith.constant 0.693147182 : f32
    %sub3A_97 = vector.broadcast %sub3A_96 : f32 to vector<128x128xf32>
    %sub3A_98 = arith.subf %add3A_95, %sub3A_97 : vector<128x128xf32>
    %swap3A_99 = arith.constant 2 : index
    %swap3A_100 = arith.constant 0 : index
    %swap3A_101 = arith.constant 0 : index
    %swap3A_102 = vector.load %arg4[%swap3A_99, %swap3A_100, %swap3A_101] : memref<3x640x128xf32, #tpu.memory_space<vmem>>, vector<1x128x128xf32>
    %swap3A_103 = vector.shape_cast %swap3A_102 : vector<1x128x128xf32> to vector<128x128xf32>
    %swap3A_104 = vector.shape_cast %sub3A_98 : vector<128x128xf32> to vector<1x128x128xf32>
    tpu.vector_store %arg4[%swap3A_99, %swap3A_100, %swap3A_101], %swap3A_104 {strides = array<i32>} : memref<3x640x128xf32, #tpu.memory_space<vmem>>, vector<1x128x128xf32>,
    %get3A_105 = arith.constant 0 : index
    %get3A_106 = arith.constant 1 : index
    %get3A_107 = arith.constant 0 : index
    %get3A_108 = vector.load %arg1[%get3A_105, %get3A_106, %get3A_107] : memref<1x5x128xf32, #tpu.memory_space<vmem>>, vector<1x1x128xf32>
    %get3A_109 = vector.shape_cast %get3A_108 : vector<1x1x128xf32> to vector<1x128xf32>
    %sub3A_110 = vector.broadcast %get3A_109 : vector<1x128xf32> to vector<128x128xf32>
    %sub3A_111 = vector.broadcast %add3A_3 : vector<128x1xf32> to vector<128x128xf32>
    %sub3A_112 = arith.subf %sub3A_110, %sub3A_111 : vector<128x128xf32>
    %integer_pow3A_113 = arith.mulf %sub3A_112, %sub3A_112 : vector<128x128xf32>
    %mul3A_114 = arith.constant -8.96055603 : f32
    %mul3A_115 = vector.broadcast %mul3A_114 : f32 to vector<128x128xf32>
    %mul3A_116 = arith.mulf %mul3A_115, %integer_pow3A_113 : vector<128x128xf32>
    %exp3A_117 = math.exp %mul3A_116 : vector<128x128xf32>
    %get3A_118 = arith.constant 0 : index
    %get3A_119 = arith.constant 0 : index
    %get3A_120 = arith.constant 0 : index
    %get3A_121 = vector.load %arg2[%get3A_118, %get3A_119, %get3A_120] : memref<3x128x128xf32, #tpu.memory_space<vmem>>, vector<1x128x128xf32>
    %get3A_122 = vector.shape_cast %get3A_121 : vector<1x128x128xf32> to vector<128x128xf32>
    %dot_general3A_123 = arith.constant dense<0.000000e+00> : vector<128x128xf32>
    %dot_general3A_124 = tpu.matmul %exp3A_117, %get3A_122, %dot_general3A_123 {dimension_numbers = #tpu.dot_dimension_numbers<[0], [0], [1], [1], [0, 1, 1, 1], [], []>, transpose_lhs_hint = false} : vector<128x128xf32>, vector<128x128xf32>, vector<128x128xf32> -> vector<128x128xf32>
    %get3A_125 = arith.constant 0 : index
    %get3A_126 = arith.constant 0 : index
    %get3A_127 = vector.load %arg3[%get3A_125, %get3A_126] : memref<3x128xf32, #tpu.memory_space<vmem>>, vector<1x128xf32>
    %get3A_128 = vector.shape_cast %get3A_127 : vector<1x128xf32> to vector<128xf32>
    %broadcast_in_dim3A_129 = vector.shape_cast %get3A_128 : vector<128xf32> to vector<1x128xf32>
    %add3A_130 = vector.broadcast %broadcast_in_dim3A_129 : vector<1x128xf32> to vector<128x128xf32>
    %add3A_131 = arith.addf %dot_general3A_124, %add3A_130 : vector<128x128xf32>
    %max3A_132 = arith.constant 0.000000e+00 : f32
    %max3A_133 = vector.broadcast %max3A_132 : f32 to vector<128x128xf32>
    %max3A_134 = arith.maximumf %add3A_131, %max3A_133 : vector<128x128xf32>
    %abs3A_135 = math.absf %add3A_131 : vector<128x128xf32>
    %neg3A_136 = arith.constant 0.000000e+00 : f32
    %neg3A_137 = vector.broadcast %neg3A_136 : f32 to vector<128x128xf32>
    %neg3A_138 = arith.subf %neg3A_137, %abs3A_135 : vector<128x128xf32>
    %exp3A_139 = math.exp %neg3A_138 : vector<128x128xf32>
    %log1p3A_140 = math.log1p %exp3A_139 : vector<128x128xf32>
    %add3A_141 = arith.addf %max3A_134, %log1p3A_140 : vector<128x128xf32>
    %sub3A_142 = arith.constant 0.693147182 : f32
    %sub3A_143 = vector.broadcast %sub3A_142 : f32 to vector<128x128xf32>
    %sub3A_144 = arith.subf %add3A_141, %sub3A_143 : vector<128x128xf32>
    %swap3A_145 = arith.constant 0 : index
    %swap3A_146 = arith.constant 128 : index
    %swap3A_147 = arith.constant 0 : index
    %swap3A_148 = vector.load %arg4[%swap3A_145, %swap3A_146, %swap3A_147] : memref<3x640x128xf32, #tpu.memory_space<vmem>>, vector<1x128x128xf32>
    %swap3A_149 = vector.shape_cast %swap3A_148 : vector<1x128x128xf32> to vector<128x128xf32>
    %swap3A_150 = vector.shape_cast %sub3A_144 : vector<128x128xf32> to vector<1x128x128xf32>
    tpu.vector_store %arg4[%swap3A_145, %swap3A_146, %swap3A_147], %swap3A_150 {strides = array<i32>} : memref<3x640x128xf32, #tpu.memory_space<vmem>>, vector<1x128x128xf32>,
    %get3A_151 = arith.constant 1 : index
    %get3A_152 = arith.constant 0 : index
    %get3A_153 = arith.constant 0 : index
    %get3A_154 = vector.load %arg2[%get3A_151, %get3A_152, %get3A_153] : memref<3x128x128xf32, #tpu.memory_space<vmem>>, vector<1x128x128xf32>
    %get3A_155 = vector.shape_cast %get3A_154 : vector<1x128x128xf32> to vector<128x128xf32>
    %dot_general3A_156 = arith.constant dense<0.000000e+00> : vector<128x128xf32>
    %dot_general3A_157 = tpu.matmul %exp3A_117, %get3A_155, %dot_general3A_156 {dimension_numbers = #tpu.dot_dimension_numbers<[0], [0], [1], [1], [0, 1, 1, 1], [], []>, transpose_lhs_hint = false} : vector<128x128xf32>, vector<128x128xf32>, vector<128x128xf32> -> vector<128x128xf32>
    %get3A_158 = arith.constant 1 : index
    %get3A_159 = arith.constant 0 : index
    %get3A_160 = vector.load %arg3[%get3A_158, %get3A_159] : memref<3x128xf32, #tpu.memory_space<vmem>>, vector<1x128xf32>
    %get3A_161 = vector.shape_cast %get3A_160 : vector<1x128xf32> to vector<128xf32>
    %broadcast_in_dim3A_162 = vector.shape_cast %get3A_161 : vector<128xf32> to vector<1x128xf32>
    %add3A_163 = vector.broadcast %broadcast_in_dim3A_162 : vector<1x128xf32> to vector<128x128xf32>
    %add3A_164 = arith.addf %dot_general3A_157, %add3A_163 : vector<128x128xf32>
    %max3A_165 = arith.constant 0.000000e+00 : f32
    %max3A_166 = vector.broadcast %max3A_165 : f32 to vector<128x128xf32>
    %max3A_167 = arith.maximumf %add3A_164, %max3A_166 : vector<128x128xf32>
    %abs3A_168 = math.absf %add3A_164 : vector<128x128xf32>
    %neg3A_169 = arith.constant 0.000000e+00 : f32
    %neg3A_170 = vector.broadcast %neg3A_169 : f32 to vector<128x128xf32>
    %neg3A_171 = arith.subf %neg3A_170, %abs3A_168 : vector<128x128xf32>
    %exp3A_172 = math.exp %neg3A_171 : vector<128x128xf32>
    %log1p3A_173 = math.log1p %exp3A_172 : vector<128x128xf32>
    %add3A_174 = arith.addf %max3A_167, %log1p3A_173 : vector<128x128xf32>
    %sub3A_175 = arith.constant 0.693147182 : f32
    %sub3A_176 = vector.broadcast %sub3A_175 : f32 to vector<128x128xf32>
    %sub3A_177 = arith.subf %add3A_174, %sub3A_176 : vector<128x128xf32>
    %swap3A_178 = arith.constant 1 : index
    %swap3A_179 = arith.constant 128 : index
    %swap3A_180 = arith.constant 0 : index
    %swap3A_181 = vector.load %arg4[%swap3A_178, %swap3A_179, %swap3A_180] : memref<3x640x128xf32, #tpu.memory_space<vmem>>, vector<1x128x128xf32>
    %swap3A_182 = vector.shape_cast %swap3A_181 : vector<1x128x128xf32> to vector<128x128xf32>
    %swap3A_183 = vector.shape_cast %sub3A_177 : vector<128x128xf32> to vector<1x128x128xf32>
    tpu.vector_store %arg4[%swap3A_178, %swap3A_179, %swap3A_180], %swap3A_183 {strides = array<i32>} : memref<3x640x128xf32, #tpu.memory_space<vmem>>, vector<1x128x128xf32>,
    %get3A_184 = arith.constant 2 : index
    %get3A_185 = arith.constant 0 : index
    %get3A_186 = arith.constant 0 : index
    %get3A_187 = vector.load %arg2[%get3A_184, %get3A_185, %get3A_186] : memref<3x128x128xf32, #tpu.memory_space<vmem>>, vector<1x128x128xf32>
    %get3A_188 = vector.shape_cast %get3A_187 : vector<1x128x128xf32> to vector<128x128xf32>
    %dot_general3A_189 = arith.constant dense<0.000000e+00> : vector<128x128xf32>
    %dot_general3A_190 = tpu.matmul %exp3A_117, %get3A_188, %dot_general3A_189 {dimension_numbers = #tpu.dot_dimension_numbers<[0], [0], [1], [1], [0, 1, 1, 1], [], []>, transpose_lhs_hint = false} : vector<128x128xf32>, vector<128x128xf32>, vector<128x128xf32> -> vector<128x128xf32>
    %get3A_191 = arith.constant 2 : index
    %get3A_192 = arith.constant 0 : index
    %get3A_193 = vector.load %arg3[%get3A_191, %get3A_192] : memref<3x128xf32, #tpu.memory_space<vmem>>, vector<1x128xf32>
    %get3A_194 = vector.shape_cast %get3A_193 : vector<1x128xf32> to vector<128xf32>
    %broadcast_in_dim3A_195 = vector.shape_cast %get3A_194 : vector<128xf32> to vector<1x128xf32>
    %add3A_196 = vector.broadcast %broadcast_in_dim3A_195 : vector<1x128xf32> to vector<128x128xf32>
    %add3A_197 = arith.addf %dot_general3A_190, %add3A_196 : vector<128x128xf32>
    %max3A_198 = arith.constant 0.000000e+00 : f32
    %max3A_199 = vector.broadcast %max3A_198 : f32 to vector<128x128xf32>
    %max3A_200 = arith.maximumf %add3A_197, %max3A_199 : vector<128x128xf32>
    %abs3A_201 = math.absf %add3A_197 : vector<128x128xf32>
    %neg3A_202 = arith.constant 0.000000e+00 : f32
    %neg3A_203 = vector.broadcast %neg3A_202 : f32 to vector<128x128xf32>
    %neg3A_204 = arith.subf %neg3A_203, %abs3A_201 : vector<128x128xf32>
    %exp3A_205 = math.exp %neg3A_204 : vector<128x128xf32>
    %log1p3A_206 = math.log1p %exp3A_205 : vector<128x128xf32>
    %add3A_207 = arith.addf %max3A_200, %log1p3A_206 : vector<128x128xf32>
    %sub3A_208 = arith.constant 0.693147182 : f32
    %sub3A_209 = vector.broadcast %sub3A_208 : f32 to vector<128x128xf32>
    %sub3A_210 = arith.subf %add3A_207, %sub3A_209 : vector<128x128xf32>
    %swap3A_211 = arith.constant 2 : index
    %swap3A_212 = arith.constant 128 : index
    %swap3A_213 = arith.constant 0 : index
    %swap3A_214 = vector.load %arg4[%swap3A_211, %swap3A_212, %swap3A_213] : memref<3x640x128xf32, #tpu.memory_space<vmem>>, vector<1x128x128xf32>
    %swap3A_215 = vector.shape_cast %swap3A_214 : vector<1x128x128xf32> to vector<128x128xf32>
    %swap3A_216 = vector.shape_cast %sub3A_210 : vector<128x128xf32> to vector<1x128x128xf32>
    tpu.vector_store %arg4[%swap3A_211, %swap3A_212, %swap3A_213], %swap3A_216 {strides = array<i32>} : memref<3x640x128xf32, #tpu.memory_space<vmem>>, vector<1x128x128xf32>,
    %get3A_217 = arith.constant 0 : index
    %get3A_218 = arith.constant 2 : index
    %get3A_219 = arith.constant 0 : index
    %get3A_220 = vector.load %arg1[%get3A_217, %get3A_218, %get3A_219] : memref<1x5x128xf32, #tpu.memory_space<vmem>>, vector<1x1x128xf32>
    %get3A_221 = vector.shape_cast %get3A_220 : vector<1x1x128xf32> to vector<1x128xf32>
    %sub3A_222 = vector.broadcast %get3A_221 : vector<1x128xf32> to vector<128x128xf32>
    %sub3A_223 = vector.broadcast %add3A_3 : vector<128x1xf32> to vector<128x128xf32>
    %sub3A_224 = arith.subf %sub3A_222, %sub3A_223 : vector<128x128xf32>
    %integer_pow3A_225 = arith.mulf %sub3A_224, %sub3A_224 : vector<128x128xf32>
    %mul3A_226 = arith.constant -8.96055603 : f32
    %mul3A_227 = vector.broadcast %mul3A_226 : f32 to vector<128x128xf32>
    %mul3A_228 = arith.mulf %mul3A_227, %integer_pow3A_225 : vector<128x128xf32>
    %exp3A_229 = math.exp %mul3A_228 : vector<128x128xf32>
    %get3A_230 = arith.constant 0 : index
    %get3A_231 = arith.constant 0 : index
    %get3A_232 = arith.constant 0 : index
    %get3A_233 = vector.load %arg2[%get3A_230, %get3A_231, %get3A_232] : memref<3x128x128xf32, #tpu.memory_space<vmem>>, vector<1x128x128xf32>
    %get3A_234 = vector.shape_cast %get3A_233 : vector<1x128x128xf32> to vector<128x128xf32>
    %dot_general3A_235 = arith.constant dense<0.000000e+00> : vector<128x128xf32>
    %dot_general3A_236 = tpu.matmul %exp3A_229, %get3A_234, %dot_general3A_235 {dimension_numbers = #tpu.dot_dimension_numbers<[0], [0], [1], [1], [0, 1, 1, 1], [], []>, transpose_lhs_hint = false} : vector<128x128xf32>, vector<128x128xf32>, vector<128x128xf32> -> vector<128x128xf32>
    %get3A_237 = arith.constant 0 : index
    %get3A_238 = arith.constant 0 : index
    %get3A_239 = vector.load %arg3[%get3A_237, %get3A_238] : memref<3x128xf32, #tpu.memory_space<vmem>>, vector<1x128xf32>
    %get3A_240 = vector.shape_cast %get3A_239 : vector<1x128xf32> to vector<128xf32>
    %broadcast_in_dim3A_241 = vector.shape_cast %get3A_240 : vector<128xf32> to vector<1x128xf32>
    %add3A_242 = vector.broadcast %broadcast_in_dim3A_241 : vector<1x128xf32> to vector<128x128xf32>
    %add3A_243 = arith.addf %dot_general3A_236, %add3A_242 : vector<128x128xf32>
    %max3A_244 = arith.constant 0.000000e+00 : f32
    %max3A_245 = vector.broadcast %max3A_244 : f32 to vector<128x128xf32>
    %max3A_246 = arith.maximumf %add3A_243, %max3A_245 : vector<128x128xf32>
    %abs3A_247 = math.absf %add3A_243 : vector<128x128xf32>
    %neg3A_248 = arith.constant 0.000000e+00 : f32
    %neg3A_249 = vector.broadcast %neg3A_248 : f32 to vector<128x128xf32>
    %neg3A_250 = arith.subf %neg3A_249, %abs3A_247 : vector<128x128xf32>
    %exp3A_251 = math.exp %neg3A_250 : vector<128x128xf32>
    %log1p3A_252 = math.log1p %exp3A_251 : vector<128x128xf32>
    %add3A_253 = arith.addf %max3A_246, %log1p3A_252 : vector<128x128xf32>
    %sub3A_254 = arith.constant 0.693147182 : f32
    %sub3A_255 = vector.broadcast %sub3A_254 : f32 to vector<128x128xf32>
    %sub3A_256 = arith.subf %add3A_253, %sub3A_255 : vector<128x128xf32>
    %swap3A_257 = arith.constant 0 : index
    %swap3A_258 = arith.constant 256 : index
    %swap3A_259 = arith.constant 0 : index
    %swap3A_260 = vector.load %arg4[%swap3A_257, %swap3A_258, %swap3A_259] : memref<3x640x128xf32, #tpu.memory_space<vmem>>, vector<1x128x128xf32>
    %swap3A_261 = vector.shape_cast %swap3A_260 : vector<1x128x128xf32> to vector<128x128xf32>
    %swap3A_262 = vector.shape_cast %sub3A_256 : vector<128x128xf32> to vector<1x128x128xf32>
    tpu.vector_store %arg4[%swap3A_257, %swap3A_258, %swap3A_259], %swap3A_262 {strides = array<i32>} : memref<3x640x128xf32, #tpu.memory_space<vmem>>, vector<1x128x128xf32>,
    %get3A_263 = arith.constant 1 : index
    %get3A_264 = arith.constant 0 : index
    %get3A_265 = arith.constant 0 : index
    %get3A_266 = vector.load %arg2[%get3A_263, %get3A_264, %get3A_265] : memref<3x128x128xf32, #tpu.memory_space<vmem>>, vector<1x128x128xf32>
    %get3A_267 = vector.shape_cast %get3A_266 : vector<1x128x128xf32> to vector<128x128xf32>
    %dot_general3A_268 = arith.constant dense<0.000000e+00> : vector<128x128xf32>
    %dot_general3A_269 = tpu.matmul %exp3A_229, %get3A_267, %dot_general3A_268 {dimension_numbers = #tpu.dot_dimension_numbers<[0], [0], [1], [1], [0, 1, 1, 1], [], []>, transpose_lhs_hint = false} : vector<128x128xf32>, vector<128x128xf32>, vector<128x128xf32> -> vector<128x128xf32>
    %get3A_270 = arith.constant 1 : index
    %get3A_271 = arith.constant 0 : index
    %get3A_272 = vector.load %arg3[%get3A_270, %get3A_271] : memref<3x128xf32, #tpu.memory_space<vmem>>, vector<1x128xf32>
    %get3A_273 = vector.shape_cast %get3A_272 : vector<1x128xf32> to vector<128xf32>
    %broadcast_in_dim3A_274 = vector.shape_cast %get3A_273 : vector<128xf32> to vector<1x128xf32>
    %add3A_275 = vector.broadcast %broadcast_in_dim3A_274 : vector<1x128xf32> to vector<128x128xf32>
    %add3A_276 = arith.addf %dot_general3A_269, %add3A_275 : vector<128x128xf32>
    %max3A_277 = arith.constant 0.000000e+00 : f32
    %max3A_278 = vector.broadcast %max3A_277 : f32 to vector<128x128xf32>
    %max3A_279 = arith.maximumf %add3A_276, %max3A_278 : vector<128x128xf32>
    %abs3A_280 = math.absf %add3A_276 : vector<128x128xf32>
    %neg3A_281 = arith.constant 0.000000e+00 : f32
    %neg3A_282 = vector.broadcast %neg3A_281 : f32 to vector<128x128xf32>
    %neg3A_283 = arith.subf %neg3A_282, %abs3A_280 : vector<128x128xf32>
    %exp3A_284 = math.exp %neg3A_283 : vector<128x128xf32>
    %log1p3A_285 = math.log1p %exp3A_284 : vector<128x128xf32>
    %add3A_286 = arith.addf %max3A_279, %log1p3A_285 : vector<128x128xf32>
    %sub3A_287 = arith.constant 0.693147182 : f32
    %sub3A_288 = vector.broadcast %sub3A_287 : f32 to vector<128x128xf32>
    %sub3A_289 = arith.subf %add3A_286, %sub3A_288 : vector<128x128xf32>
    %swap3A_290 = arith.constant 1 : index
    %swap3A_291 = arith.constant 256 : index
    %swap3A_292 = arith.constant 0 : index
    %swap3A_293 = vector.load %arg4[%swap3A_290, %swap3A_291, %swap3A_292] : memref<3x640x128xf32, #tpu.memory_space<vmem>>, vector<1x128x128xf32>
    %swap3A_294 = vector.shape_cast %swap3A_293 : vector<1x128x128xf32> to vector<128x128xf32>
    %swap3A_295 = vector.shape_cast %sub3A_289 : vector<128x128xf32> to vector<1x128x128xf32>
    tpu.vector_store %arg4[%swap3A_290, %swap3A_291, %swap3A_292], %swap3A_295 {strides = array<i32>} : memref<3x640x128xf32, #tpu.memory_space<vmem>>, vector<1x128x128xf32>,
    %get3A_296 = arith.constant 2 : index
    %get3A_297 = arith.constant 0 : index
    %get3A_298 = arith.constant 0 : index
    %get3A_299 = vector.load %arg2[%get3A_296, %get3A_297, %get3A_298] : memref<3x128x128xf32, #tpu.memory_space<vmem>>, vector<1x128x128xf32>
    %get3A_300 = vector.shape_cast %get3A_299 : vector<1x128x128xf32> to vector<128x128xf32>
    %dot_general3A_301 = arith.constant dense<0.000000e+00> : vector<128x128xf32>
    %dot_general3A_302 = tpu.matmul %exp3A_229, %get3A_300, %dot_general3A_301 {dimension_numbers = #tpu.dot_dimension_numbers<[0], [0], [1], [1], [0, 1, 1, 1], [], []>, transpose_lhs_hint = false} : vector<128x128xf32>, vector<128x128xf32>, vector<128x128xf32> -> vector<128x128xf32>
    %get3A_303 = arith.constant 2 : index
    %get3A_304 = arith.constant 0 : index
    %get3A_305 = vector.load %arg3[%get3A_303, %get3A_304] : memref<3x128xf32, #tpu.memory_space<vmem>>, vector<1x128xf32>
    %get3A_306 = vector.shape_cast %get3A_305 : vector<1x128xf32> to vector<128xf32>
    %broadcast_in_dim3A_307 = vector.shape_cast %get3A_306 : vector<128xf32> to vector<1x128xf32>
    %add3A_308 = vector.broadcast %broadcast_in_dim3A_307 : vector<1x128xf32> to vector<128x128xf32>
    %add3A_309 = arith.addf %dot_general3A_302, %add3A_308 : vector<128x128xf32>
    %max3A_310 = arith.constant 0.000000e+00 : f32
    %max3A_311 = vector.broadcast %max3A_310 : f32 to vector<128x128xf32>
    %max3A_312 = arith.maximumf %add3A_309, %max3A_311 : vector<128x128xf32>
    %abs3A_313 = math.absf %add3A_309 : vector<128x128xf32>
    %neg3A_314 = arith.constant 0.000000e+00 : f32
    %neg3A_315 = vector.broadcast %neg3A_314 : f32 to vector<128x128xf32>
    %neg3A_316 = arith.subf %neg3A_315, %abs3A_313 : vector<128x128xf32>
    %exp3A_317 = math.exp %neg3A_316 : vector<128x128xf32>
    %log1p3A_318 = math.log1p %exp3A_317 : vector<128x128xf32>
    %add3A_319 = arith.addf %max3A_312, %log1p3A_318 : vector<128x128xf32>
    %sub3A_320 = arith.constant 0.693147182 : f32
    %sub3A_321 = vector.broadcast %sub3A_320 : f32 to vector<128x128xf32>
    %sub3A_322 = arith.subf %add3A_319, %sub3A_321 : vector<128x128xf32>
    %swap3A_323 = arith.constant 2 : index
    %swap3A_324 = arith.constant 256 : index
    %swap3A_325 = arith.constant 0 : index
    %swap3A_326 = vector.load %arg4[%swap3A_323, %swap3A_324, %swap3A_325] : memref<3x640x128xf32, #tpu.memory_space<vmem>>, vector<1x128x128xf32>
    %swap3A_327 = vector.shape_cast %swap3A_326 : vector<1x128x128xf32> to vector<128x128xf32>
    %swap3A_328 = vector.shape_cast %sub3A_322 : vector<128x128xf32> to vector<1x128x128xf32>
    tpu.vector_store %arg4[%swap3A_323, %swap3A_324, %swap3A_325], %swap3A_328 {strides = array<i32>} : memref<3x640x128xf32, #tpu.memory_space<vmem>>, vector<1x128x128xf32>,
    %get3A_329 = arith.constant 0 : index
    %get3A_330 = arith.constant 3 : index
    %get3A_331 = arith.constant 0 : index
    %get3A_332 = vector.load %arg1[%get3A_329, %get3A_330, %get3A_331] : memref<1x5x128xf32, #tpu.memory_space<vmem>>, vector<1x1x128xf32>
    %get3A_333 = vector.shape_cast %get3A_332 : vector<1x1x128xf32> to vector<1x128xf32>
    %sub3A_334 = vector.broadcast %get3A_333 : vector<1x128xf32> to vector<128x128xf32>
    %sub3A_335 = vector.broadcast %add3A_3 : vector<128x1xf32> to vector<128x128xf32>
    %sub3A_336 = arith.subf %sub3A_334, %sub3A_335 : vector<128x128xf32>
    %integer_pow3A_337 = arith.mulf %sub3A_336, %sub3A_336 : vector<128x128xf32>
    %mul3A_338 = arith.constant -8.96055603 : f32
    %mul3A_339 = vector.broadcast %mul3A_338 : f32 to vector<128x128xf32>
    %mul3A_340 = arith.mulf %mul3A_339, %integer_pow3A_337 : vector<128x128xf32>
    %exp3A_341 = math.exp %mul3A_340 : vector<128x128xf32>
    %get3A_342 = arith.constant 0 : index
    %get3A_343 = arith.constant 0 : index
    %get3A_344 = arith.constant 0 : index
    %get3A_345 = vector.load %arg2[%get3A_342, %get3A_343, %get3A_344] : memref<3x128x128xf32, #tpu.memory_space<vmem>>, vector<1x128x128xf32>
    %get3A_346 = vector.shape_cast %get3A_345 : vector<1x128x128xf32> to vector<128x128xf32>
    %dot_general3A_347 = arith.constant dense<0.000000e+00> : vector<128x128xf32>
    %dot_general3A_348 = tpu.matmul %exp3A_341, %get3A_346, %dot_general3A_347 {dimension_numbers = #tpu.dot_dimension_numbers<[0], [0], [1], [1], [0, 1, 1, 1], [], []>, transpose_lhs_hint = false} : vector<128x128xf32>, vector<128x128xf32>, vector<128x128xf32> -> vector<128x128xf32>
    %get3A_349 = arith.constant 0 : index
    %get3A_350 = arith.constant 0 : index
    %get3A_351 = vector.load %arg3[%get3A_349, %get3A_350] : memref<3x128xf32, #tpu.memory_space<vmem>>, vector<1x128xf32>
    %get3A_352 = vector.shape_cast %get3A_351 : vector<1x128xf32> to vector<128xf32>
    %broadcast_in_dim3A_353 = vector.shape_cast %get3A_352 : vector<128xf32> to vector<1x128xf32>
    %add3A_354 = vector.broadcast %broadcast_in_dim3A_353 : vector<1x128xf32> to vector<128x128xf32>
    %add3A_355 = arith.addf %dot_general3A_348, %add3A_354 : vector<128x128xf32>
    %max3A_356 = arith.constant 0.000000e+00 : f32
    %max3A_357 = vector.broadcast %max3A_356 : f32 to vector<128x128xf32>
    %max3A_358 = arith.maximumf %add3A_355, %max3A_357 : vector<128x128xf32>
    %abs3A_359 = math.absf %add3A_355 : vector<128x128xf32>
    %neg3A_360 = arith.constant 0.000000e+00 : f32
    %neg3A_361 = vector.broadcast %neg3A_360 : f32 to vector<128x128xf32>
    %neg3A_362 = arith.subf %neg3A_361, %abs3A_359 : vector<128x128xf32>
    %exp3A_363 = math.exp %neg3A_362 : vector<128x128xf32>
    %log1p3A_364 = math.log1p %exp3A_363 : vector<128x128xf32>
    %add3A_365 = arith.addf %max3A_358, %log1p3A_364 : vector<128x128xf32>
    %sub3A_366 = arith.constant 0.693147182 : f32
    %sub3A_367 = vector.broadcast %sub3A_366 : f32 to vector<128x128xf32>
    %sub3A_368 = arith.subf %add3A_365, %sub3A_367 : vector<128x128xf32>
    %swap3A_369 = arith.constant 0 : index
    %swap3A_370 = arith.constant 384 : index
    %swap3A_371 = arith.constant 0 : index
    %swap3A_372 = vector.load %arg4[%swap3A_369, %swap3A_370, %swap3A_371] : memref<3x640x128xf32, #tpu.memory_space<vmem>>, vector<1x128x128xf32>
    %swap3A_373 = vector.shape_cast %swap3A_372 : vector<1x128x128xf32> to vector<128x128xf32>
    %swap3A_374 = vector.shape_cast %sub3A_368 : vector<128x128xf32> to vector<1x128x128xf32>
    tpu.vector_store %arg4[%swap3A_369, %swap3A_370, %swap3A_371], %swap3A_374 {strides = array<i32>} : memref<3x640x128xf32, #tpu.memory_space<vmem>>, vector<1x128x128xf32>,
    %get3A_375 = arith.constant 1 : index
    %get3A_376 = arith.constant 0 : index
    %get3A_377 = arith.constant 0 : index
    %get3A_378 = vector.load %arg2[%get3A_375, %get3A_376, %get3A_377] : memref<3x128x128xf32, #tpu.memory_space<vmem>>, vector<1x128x128xf32>
    %get3A_379 = vector.shape_cast %get3A_378 : vector<1x128x128xf32> to vector<128x128xf32>
    %dot_general3A_380 = arith.constant dense<0.000000e+00> : vector<128x128xf32>
    %dot_general3A_381 = tpu.matmul %exp3A_341, %get3A_379, %dot_general3A_380 {dimension_numbers = #tpu.dot_dimension_numbers<[0], [0], [1], [1], [0, 1, 1, 1], [], []>, transpose_lhs_hint = false} : vector<128x128xf32>, vector<128x128xf32>, vector<128x128xf32> -> vector<128x128xf32>
    %get3A_382 = arith.constant 1 : index
    %get3A_383 = arith.constant 0 : index
    %get3A_384 = vector.load %arg3[%get3A_382, %get3A_383] : memref<3x128xf32, #tpu.memory_space<vmem>>, vector<1x128xf32>
    %get3A_385 = vector.shape_cast %get3A_384 : vector<1x128xf32> to vector<128xf32>
    %broadcast_in_dim3A_386 = vector.shape_cast %get3A_385 : vector<128xf32> to vector<1x128xf32>
    %add3A_387 = vector.broadcast %broadcast_in_dim3A_386 : vector<1x128xf32> to vector<128x128xf32>
    %add3A_388 = arith.addf %dot_general3A_381, %add3A_387 : vector<128x128xf32>
    %max3A_389 = arith.constant 0.000000e+00 : f32
    %max3A_390 = vector.broadcast %max3A_389 : f32 to vector<128x128xf32>
    %max3A_391 = arith.maximumf %add3A_388, %max3A_390 : vector<128x128xf32>
    %abs3A_392 = math.absf %add3A_388 : vector<128x128xf32>
    %neg3A_393 = arith.constant 0.000000e+00 : f32
    %neg3A_394 = vector.broadcast %neg3A_393 : f32 to vector<128x128xf32>
    %neg3A_395 = arith.subf %neg3A_394, %abs3A_392 : vector<128x128xf32>
    %exp3A_396 = math.exp %neg3A_395 : vector<128x128xf32>
    %log1p3A_397 = math.log1p %exp3A_396 : vector<128x128xf32>
    %add3A_398 = arith.addf %max3A_391, %log1p3A_397 : vector<128x128xf32>
    %sub3A_399 = arith.constant 0.693147182 : f32
    %sub3A_400 = vector.broadcast %sub3A_399 : f32 to vector<128x128xf32>
    %sub3A_401 = arith.subf %add3A_398, %sub3A_400 : vector<128x128xf32>
    %swap3A_402 = arith.constant 1 : index
    %swap3A_403 = arith.constant 384 : index
    %swap3A_404 = arith.constant 0 : index
    %swap3A_405 = vector.load %arg4[%swap3A_402, %swap3A_403, %swap3A_404] : memref<3x640x128xf32, #tpu.memory_space<vmem>>, vector<1x128x128xf32>
    %swap3A_406 = vector.shape_cast %swap3A_405 : vector<1x128x128xf32> to vector<128x128xf32>
    %swap3A_407 = vector.shape_cast %sub3A_401 : vector<128x128xf32> to vector<1x128x128xf32>
    tpu.vector_store %arg4[%swap3A_402, %swap3A_403, %swap3A_404], %swap3A_407 {strides = array<i32>} : memref<3x640x128xf32, #tpu.memory_space<vmem>>, vector<1x128x128xf32>,
    %get3A_408 = arith.constant 2 : index
    %get3A_409 = arith.constant 0 : index
    %get3A_410 = arith.constant 0 : index
    %get3A_411 = vector.load %arg2[%get3A_408, %get3A_409, %get3A_410] : memref<3x128x128xf32, #tpu.memory_space<vmem>>, vector<1x128x128xf32>
    %get3A_412 = vector.shape_cast %get3A_411 : vector<1x128x128xf32> to vector<128x128xf32>
    %dot_general3A_413 = arith.constant dense<0.000000e+00> : vector<128x128xf32>
    %dot_general3A_414 = tpu.matmul %exp3A_341, %get3A_412, %dot_general3A_413 {dimension_numbers = #tpu.dot_dimension_numbers<[0], [0], [1], [1], [0, 1, 1, 1], [], []>, transpose_lhs_hint = false} : vector<128x128xf32>, vector<128x128xf32>, vector<128x128xf32> -> vector<128x128xf32>
    %get3A_415 = arith.constant 2 : index
    %get3A_416 = arith.constant 0 : index
    %get3A_417 = vector.load %arg3[%get3A_415, %get3A_416] : memref<3x128xf32, #tpu.memory_space<vmem>>, vector<1x128xf32>
    %get3A_418 = vector.shape_cast %get3A_417 : vector<1x128xf32> to vector<128xf32>
    %broadcast_in_dim3A_419 = vector.shape_cast %get3A_418 : vector<128xf32> to vector<1x128xf32>
    %add3A_420 = vector.broadcast %broadcast_in_dim3A_419 : vector<1x128xf32> to vector<128x128xf32>
    %add3A_421 = arith.addf %dot_general3A_414, %add3A_420 : vector<128x128xf32>
    %max3A_422 = arith.constant 0.000000e+00 : f32
    %max3A_423 = vector.broadcast %max3A_422 : f32 to vector<128x128xf32>
    %max3A_424 = arith.maximumf %add3A_421, %max3A_423 : vector<128x128xf32>
    %abs3A_425 = math.absf %add3A_421 : vector<128x128xf32>
    %neg3A_426 = arith.constant 0.000000e+00 : f32
    %neg3A_427 = vector.broadcast %neg3A_426 : f32 to vector<128x128xf32>
    %neg3A_428 = arith.subf %neg3A_427, %abs3A_425 : vector<128x128xf32>
    %exp3A_429 = math.exp %neg3A_428 : vector<128x128xf32>
    %log1p3A_430 = math.log1p %exp3A_429 : vector<128x128xf32>
    %add3A_431 = arith.addf %max3A_424, %log1p3A_430 : vector<128x128xf32>
    %sub3A_432 = arith.constant 0.693147182 : f32
    %sub3A_433 = vector.broadcast %sub3A_432 : f32 to vector<128x128xf32>
    %sub3A_434 = arith.subf %add3A_431, %sub3A_433 : vector<128x128xf32>
    %swap3A_435 = arith.constant 2 : index
    %swap3A_436 = arith.constant 384 : index
    %swap3A_437 = arith.constant 0 : index
    %swap3A_438 = vector.load %arg4[%swap3A_435, %swap3A_436, %swap3A_437] : memref<3x640x128xf32, #tpu.memory_space<vmem>>, vector<1x128x128xf32>
    %swap3A_439 = vector.shape_cast %swap3A_438 : vector<1x128x128xf32> to vector<128x128xf32>
    %swap3A_440 = vector.shape_cast %sub3A_434 : vector<128x128xf32> to vector<1x128x128xf32>
    tpu.vector_store %arg4[%swap3A_435, %swap3A_436, %swap3A_437], %swap3A_440 {strides = array<i32>} : memref<3x640x128xf32, #tpu.memory_space<vmem>>, vector<1x128x128xf32>,
    %get3A_441 = arith.constant 0 : index
    %get3A_442 = arith.constant 4 : index
    %get3A_443 = arith.constant 0 : index
    %get3A_444 = vector.load %arg1[%get3A_441, %get3A_442, %get3A_443] : memref<1x5x128xf32, #tpu.memory_space<vmem>>, vector<1x1x128xf32>
    %get3A_445 = vector.shape_cast %get3A_444 : vector<1x1x128xf32> to vector<1x128xf32>
    %sub3A_446 = vector.broadcast %get3A_445 : vector<1x128xf32> to vector<128x128xf32>
    %sub3A_447 = vector.broadcast %add3A_3 : vector<128x1xf32> to vector<128x128xf32>
    %sub3A_448 = arith.subf %sub3A_446, %sub3A_447 : vector<128x128xf32>
    %integer_pow3A_449 = arith.mulf %sub3A_448, %sub3A_448 : vector<128x128xf32>
    %mul3A_450 = arith.constant -8.96055603 : f32
    %mul3A_451 = vector.broadcast %mul3A_450 : f32 to vector<128x128xf32>
    %mul3A_452 = arith.mulf %mul3A_451, %integer_pow3A_449 : vector<128x128xf32>
    %exp3A_453 = math.exp %mul3A_452 : vector<128x128xf32>
    %get3A_454 = arith.constant 0 : index
    %get3A_455 = arith.constant 0 : index
    %get3A_456 = arith.constant 0 : index
    %get3A_457 = vector.load %arg2[%get3A_454, %get3A_455, %get3A_456] : memref<3x128x128xf32, #tpu.memory_space<vmem>>, vector<1x128x128xf32>
    %get3A_458 = vector.shape_cast %get3A_457 : vector<1x128x128xf32> to vector<128x128xf32>
    %dot_general3A_459 = arith.constant dense<0.000000e+00> : vector<128x128xf32>
    %dot_general3A_460 = tpu.matmul %exp3A_453, %get3A_458, %dot_general3A_459 {dimension_numbers = #tpu.dot_dimension_numbers<[0], [0], [1], [1], [0, 1, 1, 1], [], []>, transpose_lhs_hint = false} : vector<128x128xf32>, vector<128x128xf32>, vector<128x128xf32> -> vector<128x128xf32>
    %get3A_461 = arith.constant 0 : index
    %get3A_462 = arith.constant 0 : index
    %get3A_463 = vector.load %arg3[%get3A_461, %get3A_462] : memref<3x128xf32, #tpu.memory_space<vmem>>, vector<1x128xf32>
    %get3A_464 = vector.shape_cast %get3A_463 : vector<1x128xf32> to vector<128xf32>
    %broadcast_in_dim3A_465 = vector.shape_cast %get3A_464 : vector<128xf32> to vector<1x128xf32>
    %add3A_466 = vector.broadcast %broadcast_in_dim3A_465 : vector<1x128xf32> to vector<128x128xf32>
    %add3A_467 = arith.addf %dot_general3A_460, %add3A_466 : vector<128x128xf32>
    %max3A_468 = arith.constant 0.000000e+00 : f32
    %max3A_469 = vector.broadcast %max3A_468 : f32 to vector<128x128xf32>
    %max3A_470 = arith.maximumf %add3A_467, %max3A_469 : vector<128x128xf32>
    %abs3A_471 = math.absf %add3A_467 : vector<128x128xf32>
    %neg3A_472 = arith.constant 0.000000e+00 : f32
    %neg3A_473 = vector.broadcast %neg3A_472 : f32 to vector<128x128xf32>
    %neg3A_474 = arith.subf %neg3A_473, %abs3A_471 : vector<128x128xf32>
    %exp3A_475 = math.exp %neg3A_474 : vector<128x128xf32>
    %log1p3A_476 = math.log1p %exp3A_475 : vector<128x128xf32>
    %add3A_477 = arith.addf %max3A_470, %log1p3A_476 : vector<128x128xf32>
    %sub3A_478 = arith.constant 0.693147182 : f32
    %sub3A_479 = vector.broadcast %sub3A_478 : f32 to vector<128x128xf32>
    %sub3A_480 = arith.subf %add3A_477, %sub3A_479 : vector<128x128xf32>
    %swap3A_481 = arith.constant 0 : index
    %swap3A_482 = arith.constant 512 : index
    %swap3A_483 = arith.constant 0 : index
    %swap3A_484 = vector.load %arg4[%swap3A_481, %swap3A_482, %swap3A_483] : memref<3x640x128xf32, #tpu.memory_space<vmem>>, vector<1x128x128xf32>
    %swap3A_485 = vector.shape_cast %swap3A_484 : vector<1x128x128xf32> to vector<128x128xf32>
    %swap3A_486 = vector.shape_cast %sub3A_480 : vector<128x128xf32> to vector<1x128x128xf32>
    tpu.vector_store %arg4[%swap3A_481, %swap3A_482, %swap3A_483], %swap3A_486 {strides = array<i32>} : memref<3x640x128xf32, #tpu.memory_space<vmem>>, vector<1x128x128xf32>,
    %get3A_487 = arith.constant 1 : index
    %get3A_488 = arith.constant 0 : index
    %get3A_489 = arith.constant 0 : index
    %get3A_490 = vector.load %arg2[%get3A_487, %get3A_488, %get3A_489] : memref<3x128x128xf32, #tpu.memory_space<vmem>>, vector<1x128x128xf32>
    %get3A_491 = vector.shape_cast %get3A_490 : vector<1x128x128xf32> to vector<128x128xf32>
    %dot_general3A_492 = arith.constant dense<0.000000e+00> : vector<128x128xf32>
    %dot_general3A_493 = tpu.matmul %exp3A_453, %get3A_491, %dot_general3A_492 {dimension_numbers = #tpu.dot_dimension_numbers<[0], [0], [1], [1], [0, 1, 1, 1], [], []>, transpose_lhs_hint = false} : vector<128x128xf32>, vector<128x128xf32>, vector<128x128xf32> -> vector<128x128xf32>
    %get3A_494 = arith.constant 1 : index
    %get3A_495 = arith.constant 0 : index
    %get3A_496 = vector.load %arg3[%get3A_494, %get3A_495] : memref<3x128xf32, #tpu.memory_space<vmem>>, vector<1x128xf32>
    %get3A_497 = vector.shape_cast %get3A_496 : vector<1x128xf32> to vector<128xf32>
    %broadcast_in_dim3A_498 = vector.shape_cast %get3A_497 : vector<128xf32> to vector<1x128xf32>
    %add3A_499 = vector.broadcast %broadcast_in_dim3A_498 : vector<1x128xf32> to vector<128x128xf32>
    %add3A_500 = arith.addf %dot_general3A_493, %add3A_499 : vector<128x128xf32>
    %max3A_501 = arith.constant 0.000000e+00 : f32
    %max3A_502 = vector.broadcast %max3A_501 : f32 to vector<128x128xf32>
    %max3A_503 = arith.maximumf %add3A_500, %max3A_502 : vector<128x128xf32>
    %abs3A_504 = math.absf %add3A_500 : vector<128x128xf32>
    %neg3A_505 = arith.constant 0.000000e+00 : f32
    %neg3A_506 = vector.broadcast %neg3A_505 : f32 to vector<128x128xf32>
    %neg3A_507 = arith.subf %neg3A_506, %abs3A_504 : vector<128x128xf32>
    %exp3A_508 = math.exp %neg3A_507 : vector<128x128xf32>
    %log1p3A_509 = math.log1p %exp3A_508 : vector<128x128xf32>
    %add3A_510 = arith.addf %max3A_503, %log1p3A_509 : vector<128x128xf32>
    %sub3A_511 = arith.constant 0.693147182 : f32
    %sub3A_512 = vector.broadcast %sub3A_511 : f32 to vector<128x128xf32>
    %sub3A_513 = arith.subf %add3A_510, %sub3A_512 : vector<128x128xf32>
    %swap3A_514 = arith.constant 1 : index
    %swap3A_515 = arith.constant 512 : index
    %swap3A_516 = arith.constant 0 : index
    %swap3A_517 = vector.load %arg4[%swap3A_514, %swap3A_515, %swap3A_516] : memref<3x640x128xf32, #tpu.memory_space<vmem>>, vector<1x128x128xf32>
    %swap3A_518 = vector.shape_cast %swap3A_517 : vector<1x128x128xf32> to vector<128x128xf32>
    %swap3A_519 = vector.shape_cast %sub3A_513 : vector<128x128xf32> to vector<1x128x128xf32>
    tpu.vector_store %arg4[%swap3A_514, %swap3A_515, %swap3A_516], %swap3A_519 {strides = array<i32>} : memref<3x640x128xf32, #tpu.memory_space<vmem>>, vector<1x128x128xf32>,
    %get3A_520 = arith.constant 2 : index
    %get3A_521 = arith.constant 0 : index
    %get3A_522 = arith.constant 0 : index
    %get3A_523 = vector.load %arg2[%get3A_520, %get3A_521, %get3A_522] : memref<3x128x128xf32, #tpu.memory_space<vmem>>, vector<1x128x128xf32>
    %get3A_524 = vector.shape_cast %get3A_523 : vector<1x128x128xf32> to vector<128x128xf32>
    %dot_general3A_525 = arith.constant dense<0.000000e+00> : vector<128x128xf32>
    %dot_general3A_526 = tpu.matmul %exp3A_453, %get3A_524, %dot_general3A_525 {dimension_numbers = #tpu.dot_dimension_numbers<[0], [0], [1], [1], [0, 1, 1, 1], [], []>, transpose_lhs_hint = false} : vector<128x128xf32>, vector<128x128xf32>, vector<128x128xf32> -> vector<128x128xf32>
    %get3A_527 = arith.constant 2 : index
    %get3A_528 = arith.constant 0 : index
    %get3A_529 = vector.load %arg3[%get3A_527, %get3A_528] : memref<3x128xf32, #tpu.memory_space<vmem>>, vector<1x128xf32>
    %get3A_530 = vector.shape_cast %get3A_529 : vector<1x128xf32> to vector<128xf32>
    %broadcast_in_dim3A_531 = vector.shape_cast %get3A_530 : vector<128xf32> to vector<1x128xf32>
    %add3A_532 = vector.broadcast %broadcast_in_dim3A_531 : vector<1x128xf32> to vector<128x128xf32>
    %add3A_533 = arith.addf %dot_general3A_526, %add3A_532 : vector<128x128xf32>
    %max3A_534 = arith.constant 0.000000e+00 : f32
    %max3A_535 = vector.broadcast %max3A_534 : f32 to vector<128x128xf32>
    %max3A_536 = arith.maximumf %add3A_533, %max3A_535 : vector<128x128xf32>
    %abs3A_537 = math.absf %add3A_533 : vector<128x128xf32>
    %neg3A_538 = arith.constant 0.000000e+00 : f32
    %neg3A_539 = vector.broadcast %neg3A_538 : f32 to vector<128x128xf32>
    %neg3A_540 = arith.subf %neg3A_539, %abs3A_537 : vector<128x128xf32>
    %exp3A_541 = math.exp %neg3A_540 : vector<128x128xf32>
    %log1p3A_542 = math.log1p %exp3A_541 : vector<128x128xf32>
    %add3A_543 = arith.addf %max3A_536, %log1p3A_542 : vector<128x128xf32>
    %sub3A_544 = arith.constant 0.693147182 : f32
    %sub3A_545 = vector.broadcast %sub3A_544 : f32 to vector<128x128xf32>
    %sub3A_546 = arith.subf %add3A_543, %sub3A_545 : vector<128x128xf32>
    %swap3A_547 = arith.constant 2 : index
    %swap3A_548 = arith.constant 512 : index
    %swap3A_549 = arith.constant 0 : index
    %swap3A_550 = vector.load %arg4[%swap3A_547, %swap3A_548, %swap3A_549] : memref<3x640x128xf32, #tpu.memory_space<vmem>>, vector<1x128x128xf32>
    %swap3A_551 = vector.shape_cast %swap3A_550 : vector<1x128x128xf32> to vector<128x128xf32>
    %swap3A_552 = vector.shape_cast %sub3A_546 : vector<128x128xf32> to vector<1x128x128xf32>
    tpu.vector_store %arg4[%swap3A_547, %swap3A_548, %swap3A_549], %swap3A_552 {strides = array<i32>} : memref<3x640x128xf32, #tpu.memory_space<vmem>>, vector<1x128x128xf32>,
    return
  }
  func.func @transform_0(%arg0: i32) -> (i32, i32, i32) {
    %c0_i32 = arith.constant 0 : i32
    %c0_i32_0 = arith.constant 0 : i32
    %c0_i32_1 = arith.constant 0 : i32
    return %arg0, %c0_i32, %c0_i32_0 : i32, i32, i32
  }
  func.func @transform_1(%arg0: i32) -> (i32, i32, i32) {
    %c0_i32 = arith.constant 0 : i32
    %c0_i32_0 = arith.constant 0 : i32
    %c0_i32_1 = arith.constant 0 : i32
    %c0_i32_2 = arith.constant 0 : i32
    return %c0_i32, %c0_i32_0, %c0_i32_1 : i32, i32, i32
  }
  func.func @transform_2(%arg0: i32) -> (i32, i32) {
    %c0_i32 = arith.constant 0 : i32
    %c0_i32_0 = arith.constant 0 : i32
    %c0_i32_1 = arith.constant 0 : i32
    return %c0_i32, %c0_i32_0 : i32, i32
  }
  func.func @transform_3(%arg0: i32) -> (i32, i32, i32) {
    %c0_i32 = arith.constant 0 : i32
    %c0_i32_0 = arith.constant 0 : i32
    %c0_i32_1 = arith.constant 0 : i32
    return %c0_i32, %arg0, %c0_i32_0 : i32, i32, i32
  }
}

module attributes {stable_mosaic.version = 14 : i64} {
  func.func @body(%arg0: i32, %arg1: memref<1000x1xi32, #tpu.memory_space<vmem>>, %arg2: memref<128x128xf32, #tpu.memory_space<vmem>>, %arg3: memref<3x128x128xf32, #tpu.memory_space<vmem>>, %arg4: memref<3x2x1000x128xf32, #tpu.memory_space<vmem>>, %arg5: memref<3x2x1000x128xf32, #tpu.memory_space<vmem>>, %arg6: memref<2x1000x128xf32, #tpu.memory_space<vmem>>, %arg7: memref<3x128x128xf32, #tpu.memory_space<vmem>>, %arg8: memref<3x128xf32, #tpu.memory_space<vmem>>, %arg9: memref<3x128x128xf32, #tpu.memory_space<vmem>>, %arg10: memref<3x128xf32, #tpu.memory_space<vmem>>, %arg11: memref<3x128x128xf32, #tpu.memory_space<vmem>>, %arg12: memref<3x128xf32, #tpu.memory_space<vmem>>, %arg13: memref<128x32xf32, #tpu.memory_space<vmem>>, %arg14: memref<32x1xf32, #tpu.memory_space<vmem>>, %arg15: memref<1x1xf32, #tpu.memory_space<vmem>>, %arg16: memref<1000x1xf32, #tpu.memory_space<vmem>>) attributes {dimension_semantics = [#tpu.dimension_semantics<arbitrary>], iteration_bounds = array<i64: 10>, scalar_prefetch = 0 : i64, scratch_operands = 0 : i64, tpu.core_type = #tpu.core_type<tc>, window_params = [{transform_indices = @transform_0, window_bounds = array<i64: 1000, 1>}, {pipeline_mode = #tpu.pipeline_mode<synchronous>, transform_indices = @transform_1, window_bounds = array<i64: 128, 128>}, {pipeline_mode = #tpu.pipeline_mode<synchronous>, transform_indices = @transform_2, window_bounds = array<i64: 3, 128, 128>}, {transform_indices = @transform_3, window_bounds = array<i64: 3, 2, 1000, 128>}, {transform_indices = @transform_4, window_bounds = array<i64: 3, 2, 1000, 128>}, {transform_indices = @transform_5, window_bounds = array<i64: 2, 1000, 128>}, {pipeline_mode = #tpu.pipeline_mode<synchronous>, transform_indices = @transform_6, window_bounds = array<i64: 3, 128, 128>}, {pipeline_mode = #tpu.pipeline_mode<synchronous>, transform_indices = @transform_7, window_bounds = array<i64: 3, 128>}, {pipeline_mode = #tpu.pipeline_mode<synchronous>, transform_indices = @transform_8, window_bounds = array<i64: 3, 128, 128>}, {pipeline_mode = #tpu.pipeline_mode<synchronous>, transform_indices = @transform_9, window_bounds = array<i64: 3, 128>}, {pipeline_mode = #tpu.pipeline_mode<synchronous>, transform_indices = @transform_10, window_bounds = array<i64: 3, 128, 128>}, {pipeline_mode = #tpu.pipeline_mode<synchronous>, transform_indices = @transform_11, window_bounds = array<i64: 3, 128>}, {pipeline_mode = #tpu.pipeline_mode<synchronous>, transform_indices = @transform_12, window_bounds = array<i64: 128, 32>}, {pipeline_mode = #tpu.pipeline_mode<synchronous>, transform_indices = @transform_13, window_bounds = array<i64: 32, 1>}, {pipeline_mode = #tpu.pipeline_mode<synchronous>, transform_indices = @transform_14, window_bounds = array<i64: 1, 1>}, {transform_indices = @transform_15, window_bounds = array<i64: 1000, 1>}]} {
    %get3A = arith.constant 0 : index
    %get3A_0 = arith.constant 0 : index
    %get3A_1 = vector.load %arg1[%get3A, %get3A_0] : memref<1000x1xi32, #tpu.memory_space<vmem>>, vector<1000x1xi32>
    %iota3A = tpu.iota {dimensions = array<i32: 1>} : vector<1x128xi32>
    %eq3A = vector.broadcast %get3A_1 : vector<1000x1xi32> to vector<1000x128xi32>
    %eq3A_2 = vector.broadcast %iota3A : vector<1x128xi32> to vector<1000x128xi32>
    %eq3A_3 = arith.cmpi eq, %eq3A, %eq3A_2 : vector<1000x128xi32>
    %convert_element_type3A = arith.extui %eq3A_3 : vector<1000x128xi1> to vector<1000x128xi32>
    %convert_element_type3A_4 = arith.sitofp %convert_element_type3A : vector<1000x128xi32> to vector<1000x128xf32>
    %get3A_5 = arith.constant 0 : index
    %get3A_6 = arith.constant 0 : index
    %get3A_7 = vector.load %arg2[%get3A_5, %get3A_6] : memref<128x128xf32, #tpu.memory_space<vmem>>, vector<128x128xf32>
    %dot_general3A = arith.constant dense<0.000000e+00> : vector<1000x128xf32>
    %dot_general3A_8 = tpu.matmul %convert_element_type3A_4, %get3A_7, %dot_general3A {dimension_numbers = #tpu.dot_dimension_numbers<[1], [0], [0], [1], [0, 0, 1, 1], [], []>, transpose_lhs_hint = false} : vector<1000x128xf32>, vector<128x128xf32>, vector<1000x128xf32> -> vector<1000x128xf32>
    %get3A_9 = arith.constant 0 : index
    %get3A_10 = arith.constant 0 : index
    %get3A_11 = arith.constant 0 : index
    %get3A_12 = vector.load %arg6[%get3A_9, %get3A_10, %get3A_11] : memref<2x1000x128xf32, #tpu.memory_space<vmem>>, vector<1x1000x128xf32>
    %get3A_13 = vector.shape_cast %get3A_12 : vector<1x1000x128xf32> to vector<1000x128xf32>
    %get3A_14 = arith.constant 1 : index
    %get3A_15 = arith.constant 0 : index
    %get3A_16 = arith.constant 0 : index
    %get3A_17 = vector.load %arg6[%get3A_14, %get3A_15, %get3A_16] : memref<2x1000x128xf32, #tpu.memory_space<vmem>>, vector<1x1000x128xf32>
    %get3A_18 = vector.shape_cast %get3A_17 : vector<1x1000x128xf32> to vector<1000x128xf32>
    %add3A = arith.addf %get3A_13, %get3A_18 : vector<1000x128xf32>
    %slice3A = vector.extract_strided_slice %add3A {offsets = [0, 0], sizes = [1000, 1], strides = [1, 1]} : vector<1000x128xf32> to vector<1000x1xf32>
    %get3A_19 = arith.constant 0 : index
    %get3A_20 = arith.constant 0 : index
    %get3A_21 = arith.constant 0 : index
    %get3A_22 = vector.load %arg3[%get3A_19, %get3A_20, %get3A_21] : memref<3x128x128xf32, #tpu.memory_space<vmem>>, vector<1x128x128xf32>
    %get3A_23 = vector.shape_cast %get3A_22 : vector<1x128x128xf32> to vector<128x128xf32>
    %dot_general3A_24 = arith.constant dense<0.000000e+00> : vector<1000x128xf32>
    %dot_general3A_25 = tpu.matmul %dot_general3A_8, %get3A_23, %dot_general3A_24 {dimension_numbers = #tpu.dot_dimension_numbers<[1], [0], [0], [1], [0, 0, 1, 1], [], []>, transpose_lhs_hint = false} : vector<1000x128xf32>, vector<128x128xf32>, vector<1000x128xf32> -> vector<1000x128xf32>
    %get3A_26 = arith.constant 0 : index
    %get3A_27 = arith.constant 0 : index
    %get3A_28 = arith.constant 0 : index
    %get3A_29 = arith.constant 0 : index
    %get3A_30 = vector.load %arg4[%get3A_26, %get3A_27, %get3A_28, %get3A_29] : memref<3x2x1000x128xf32, #tpu.memory_space<vmem>>, vector<1x1x1000x128xf32>
    %get3A_31 = vector.shape_cast %get3A_30 : vector<1x1x1000x128xf32> to vector<1000x128xf32>
    %get3A_32 = arith.constant 0 : index
    %get3A_33 = arith.constant 1 : index
    %get3A_34 = arith.constant 0 : index
    %get3A_35 = arith.constant 0 : index
    %get3A_36 = vector.load %arg4[%get3A_32, %get3A_33, %get3A_34, %get3A_35] : memref<3x2x1000x128xf32, #tpu.memory_space<vmem>>, vector<1x1x1000x128xf32>
    %get3A_37 = vector.shape_cast %get3A_36 : vector<1x1x1000x128xf32> to vector<1000x128xf32>
    %add3A_38 = arith.addf %get3A_31, %get3A_37 : vector<1000x128xf32>
    %get3A_39 = arith.constant 0 : index
    %get3A_40 = arith.constant 0 : index
    %get3A_41 = arith.constant 0 : index
    %get3A_42 = arith.constant 0 : index
    %get3A_43 = vector.load %arg5[%get3A_39, %get3A_40, %get3A_41, %get3A_42] : memref<3x2x1000x128xf32, #tpu.memory_space<vmem>>, vector<1x1x1000x128xf32>
    %get3A_44 = vector.shape_cast %get3A_43 : vector<1x1x1000x128xf32> to vector<1000x128xf32>
    %add3A_45 = arith.addf %add3A_38, %get3A_44 : vector<1000x128xf32>
    %get3A_46 = arith.constant 0 : index
    %get3A_47 = arith.constant 1 : index
    %get3A_48 = arith.constant 0 : index
    %get3A_49 = arith.constant 0 : index
    %get3A_50 = vector.load %arg5[%get3A_46, %get3A_47, %get3A_48, %get3A_49] : memref<3x2x1000x128xf32, #tpu.memory_space<vmem>>, vector<1x1x1000x128xf32>
    %get3A_51 = vector.shape_cast %get3A_50 : vector<1x1x1000x128xf32> to vector<1000x128xf32>
    %add3A_52 = arith.addf %add3A_45, %get3A_51 : vector<1000x128xf32>
    %get3A_53 = arith.constant 0 : index
    %get3A_54 = arith.constant 0 : index
    %get3A_55 = arith.constant 0 : index
    %get3A_56 = vector.load %arg7[%get3A_53, %get3A_54, %get3A_55] : memref<3x128x128xf32, #tpu.memory_space<vmem>>, vector<1x128x128xf32>
    %get3A_57 = vector.shape_cast %get3A_56 : vector<1x128x128xf32> to vector<128x128xf32>
    %dot_general3A_58 = arith.constant dense<0.000000e+00> : vector<1000x128xf32>
    %dot_general3A_59 = tpu.matmul %add3A_52, %get3A_57, %dot_general3A_58 {dimension_numbers = #tpu.dot_dimension_numbers<[1], [0], [0], [1], [0, 0, 1, 1], [], []>, transpose_lhs_hint = false} : vector<1000x128xf32>, vector<128x128xf32>, vector<1000x128xf32> -> vector<1000x128xf32>
    %get3A_60 = arith.constant 0 : index
    %get3A_61 = arith.constant 0 : index
    %get3A_62 = vector.load %arg8[%get3A_60, %get3A_61] : memref<3x128xf32, #tpu.memory_space<vmem>>, vector<1x128xf32>
    %get3A_63 = vector.shape_cast %get3A_62 : vector<1x128xf32> to vector<128xf32>
    %broadcast_in_dim3A = vector.shape_cast %get3A_63 : vector<128xf32> to vector<1x128xf32>
    %mul3A = vector.broadcast %slice3A : vector<1000x1xf32> to vector<1000x128xf32>
    %mul3A_64 = vector.broadcast %broadcast_in_dim3A : vector<1x128xf32> to vector<1000x128xf32>
    %mul3A_65 = arith.mulf %mul3A, %mul3A_64 : vector<1000x128xf32>
    %add3A_66 = arith.addf %dot_general3A_59, %mul3A_65 : vector<1000x128xf32>
    %mul3A_67 = arith.mulf %dot_general3A_25, %add3A_66 : vector<1000x128xf32>
    %get3A_68 = arith.constant 0 : index
    %get3A_69 = arith.constant 0 : index
    %get3A_70 = arith.constant 0 : index
    %get3A_71 = vector.load %arg9[%get3A_68, %get3A_69, %get3A_70] : memref<3x128x128xf32, #tpu.memory_space<vmem>>, vector<1x128x128xf32>
    %get3A_72 = vector.shape_cast %get3A_71 : vector<1x128x128xf32> to vector<128x128xf32>
    %dot_general3A_73 = arith.constant dense<0.000000e+00> : vector<1000x128xf32>
    %dot_general3A_74 = tpu.matmul %mul3A_67, %get3A_72, %dot_general3A_73 {dimension_numbers = #tpu.dot_dimension_numbers<[1], [0], [0], [1], [0, 0, 1, 1], [], []>, transpose_lhs_hint = false} : vector<1000x128xf32>, vector<128x128xf32>, vector<1000x128xf32> -> vector<1000x128xf32>
    %get3A_75 = arith.constant 0 : index
    %get3A_76 = arith.constant 0 : index
    %get3A_77 = vector.load %arg10[%get3A_75, %get3A_76] : memref<3x128xf32, #tpu.memory_space<vmem>>, vector<1x128xf32>
    %get3A_78 = vector.shape_cast %get3A_77 : vector<1x128xf32> to vector<128xf32>
    %broadcast_in_dim3A_79 = vector.shape_cast %get3A_78 : vector<128xf32> to vector<1x128xf32>
    %add3A_80 = vector.broadcast %broadcast_in_dim3A_79 : vector<1x128xf32> to vector<1000x128xf32>
    %add3A_81 = arith.addf %dot_general3A_74, %add3A_80 : vector<1000x128xf32>
    %max3A = arith.constant 0.000000e+00 : f32
    %max3A_82 = vector.broadcast %max3A : f32 to vector<1000x128xf32>
    %max3A_83 = arith.maximumf %add3A_81, %max3A_82 : vector<1000x128xf32>
    %abs3A = math.absf %add3A_81 : vector<1000x128xf32>
    %neg3A = arith.constant 0.000000e+00 : f32
    %neg3A_84 = vector.broadcast %neg3A : f32 to vector<1000x128xf32>
    %neg3A_85 = arith.subf %neg3A_84, %abs3A : vector<1000x128xf32>
    %exp3A = math.exp %neg3A_85 : vector<1000x128xf32>
    %log1p3A = math.log1p %exp3A : vector<1000x128xf32>
    %add3A_86 = arith.addf %max3A_83, %log1p3A : vector<1000x128xf32>
    %sub3A = arith.constant 0.693147182 : f32
    %sub3A_87 = vector.broadcast %sub3A : f32 to vector<1000x128xf32>
    %sub3A_88 = arith.subf %add3A_86, %sub3A_87 : vector<1000x128xf32>
    %get3A_89 = arith.constant 0 : index
    %get3A_90 = arith.constant 0 : index
    %get3A_91 = arith.constant 0 : index
    %get3A_92 = vector.load %arg11[%get3A_89, %get3A_90, %get3A_91] : memref<3x128x128xf32, #tpu.memory_space<vmem>>, vector<1x128x128xf32>
    %get3A_93 = vector.shape_cast %get3A_92 : vector<1x128x128xf32> to vector<128x128xf32>
    %dot_general3A_94 = arith.constant dense<0.000000e+00> : vector<1000x128xf32>
    %dot_general3A_95 = tpu.matmul %sub3A_88, %get3A_93, %dot_general3A_94 {dimension_numbers = #tpu.dot_dimension_numbers<[1], [0], [0], [1], [0, 0, 1, 1], [], []>, transpose_lhs_hint = false} : vector<1000x128xf32>, vector<128x128xf32>, vector<1000x128xf32> -> vector<1000x128xf32>
    %add3A_96 = arith.addf %dot_general3A_8, %dot_general3A_95 : vector<1000x128xf32>
    %get3A_97 = arith.constant 0 : index
    %get3A_98 = arith.constant 0 : index
    %get3A_99 = vector.load %arg12[%get3A_97, %get3A_98] : memref<3x128xf32, #tpu.memory_space<vmem>>, vector<1x128xf32>
    %get3A_100 = vector.shape_cast %get3A_99 : vector<1x128xf32> to vector<128xf32>
    %broadcast_in_dim3A_101 = vector.shape_cast %get3A_100 : vector<128xf32> to vector<1x128xf32>
    %add3A_102 = vector.broadcast %broadcast_in_dim3A_101 : vector<1x128xf32> to vector<1000x128xf32>
    %add3A_103 = arith.addf %add3A_96, %add3A_102 : vector<1000x128xf32>
    %get3A_104 = arith.constant 1 : index
    %get3A_105 = arith.constant 0 : index
    %get3A_106 = arith.constant 0 : index
    %get3A_107 = vector.load %arg3[%get3A_104, %get3A_105, %get3A_106] : memref<3x128x128xf32, #tpu.memory_space<vmem>>, vector<1x128x128xf32>
    %get3A_108 = vector.shape_cast %get3A_107 : vector<1x128x128xf32> to vector<128x128xf32>
    %dot_general3A_109 = arith.constant dense<0.000000e+00> : vector<1000x128xf32>
    %dot_general3A_110 = tpu.matmul %add3A_103, %get3A_108, %dot_general3A_109 {dimension_numbers = #tpu.dot_dimension_numbers<[1], [0], [0], [1], [0, 0, 1, 1], [], []>, transpose_lhs_hint = false} : vector<1000x128xf32>, vector<128x128xf32>, vector<1000x128xf32> -> vector<1000x128xf32>
    %get3A_111 = arith.constant 1 : index
    %get3A_112 = arith.constant 0 : index
    %get3A_113 = arith.constant 0 : index
    %get3A_114 = arith.constant 0 : index
    %get3A_115 = vector.load %arg4[%get3A_111, %get3A_112, %get3A_113, %get3A_114] : memref<3x2x1000x128xf32, #tpu.memory_space<vmem>>, vector<1x1x1000x128xf32>
    %get3A_116 = vector.shape_cast %get3A_115 : vector<1x1x1000x128xf32> to vector<1000x128xf32>
    %get3A_117 = arith.constant 1 : index
    %get3A_118 = arith.constant 1 : index
    %get3A_119 = arith.constant 0 : index
    %get3A_120 = arith.constant 0 : index
    %get3A_121 = vector.load %arg4[%get3A_117, %get3A_118, %get3A_119, %get3A_120] : memref<3x2x1000x128xf32, #tpu.memory_space<vmem>>, vector<1x1x1000x128xf32>
    %get3A_122 = vector.shape_cast %get3A_121 : vector<1x1x1000x128xf32> to vector<1000x128xf32>
    %add3A_123 = arith.addf %get3A_116, %get3A_122 : vector<1000x128xf32>
    %get3A_124 = arith.constant 1 : index
    %get3A_125 = arith.constant 0 : index
    %get3A_126 = arith.constant 0 : index
    %get3A_127 = arith.constant 0 : index
    %get3A_128 = vector.load %arg5[%get3A_124, %get3A_125, %get3A_126, %get3A_127] : memref<3x2x1000x128xf32, #tpu.memory_space<vmem>>, vector<1x1x1000x128xf32>
    %get3A_129 = vector.shape_cast %get3A_128 : vector<1x1x1000x128xf32> to vector<1000x128xf32>
    %add3A_130 = arith.addf %add3A_123, %get3A_129 : vector<1000x128xf32>
    %get3A_131 = arith.constant 1 : index
    %get3A_132 = arith.constant 1 : index
    %get3A_133 = arith.constant 0 : index
    %get3A_134 = arith.constant 0 : index
    %get3A_135 = vector.load %arg5[%get3A_131, %get3A_132, %get3A_133, %get3A_134] : memref<3x2x1000x128xf32, #tpu.memory_space<vmem>>, vector<1x1x1000x128xf32>
    %get3A_136 = vector.shape_cast %get3A_135 : vector<1x1x1000x128xf32> to vector<1000x128xf32>
    %add3A_137 = arith.addf %add3A_130, %get3A_136 : vector<1000x128xf32>
    %get3A_138 = arith.constant 1 : index
    %get3A_139 = arith.constant 0 : index
    %get3A_140 = arith.constant 0 : index
    %get3A_141 = vector.load %arg7[%get3A_138, %get3A_139, %get3A_140] : memref<3x128x128xf32, #tpu.memory_space<vmem>>, vector<1x128x128xf32>
    %get3A_142 = vector.shape_cast %get3A_141 : vector<1x128x128xf32> to vector<128x128xf32>
    %dot_general3A_143 = arith.constant dense<0.000000e+00> : vector<1000x128xf32>
    %dot_general3A_144 = tpu.matmul %add3A_137, %get3A_142, %dot_general3A_143 {dimension_numbers = #tpu.dot_dimension_numbers<[1], [0], [0], [1], [0, 0, 1, 1], [], []>, transpose_lhs_hint = false} : vector<1000x128xf32>, vector<128x128xf32>, vector<1000x128xf32> -> vector<1000x128xf32>
    %get3A_145 = arith.constant 1 : index
    %get3A_146 = arith.constant 0 : index
    %get3A_147 = vector.load %arg8[%get3A_145, %get3A_146] : memref<3x128xf32, #tpu.memory_space<vmem>>, vector<1x128xf32>
    %get3A_148 = vector.shape_cast %get3A_147 : vector<1x128xf32> to vector<128xf32>
    %broadcast_in_dim3A_149 = vector.shape_cast %get3A_148 : vector<128xf32> to vector<1x128xf32>
    %mul3A_150 = vector.broadcast %slice3A : vector<1000x1xf32> to vector<1000x128xf32>
    %mul3A_151 = vector.broadcast %broadcast_in_dim3A_149 : vector<1x128xf32> to vector<1000x128xf32>
    %mul3A_152 = arith.mulf %mul3A_150, %mul3A_151 : vector<1000x128xf32>
    %add3A_153 = arith.addf %dot_general3A_144, %mul3A_152 : vector<1000x128xf32>
    %mul3A_154 = arith.mulf %dot_general3A_110, %add3A_153 : vector<1000x128xf32>
    %get3A_155 = arith.constant 1 : index
    %get3A_156 = arith.constant 0 : index
    %get3A_157 = arith.constant 0 : index
    %get3A_158 = vector.load %arg9[%get3A_155, %get3A_156, %get3A_157] : memref<3x128x128xf32, #tpu.memory_space<vmem>>, vector<1x128x128xf32>
    %get3A_159 = vector.shape_cast %get3A_158 : vector<1x128x128xf32> to vector<128x128xf32>
    %dot_general3A_160 = arith.constant dense<0.000000e+00> : vector<1000x128xf32>
    %dot_general3A_161 = tpu.matmul %mul3A_154, %get3A_159, %dot_general3A_160 {dimension_numbers = #tpu.dot_dimension_numbers<[1], [0], [0], [1], [0, 0, 1, 1], [], []>, transpose_lhs_hint = false} : vector<1000x128xf32>, vector<128x128xf32>, vector<1000x128xf32> -> vector<1000x128xf32>
    %get3A_162 = arith.constant 1 : index
    %get3A_163 = arith.constant 0 : index
    %get3A_164 = vector.load %arg10[%get3A_162, %get3A_163] : memref<3x128xf32, #tpu.memory_space<vmem>>, vector<1x128xf32>
    %get3A_165 = vector.shape_cast %get3A_164 : vector<1x128xf32> to vector<128xf32>
    %broadcast_in_dim3A_166 = vector.shape_cast %get3A_165 : vector<128xf32> to vector<1x128xf32>
    %add3A_167 = vector.broadcast %broadcast_in_dim3A_166 : vector<1x128xf32> to vector<1000x128xf32>
    %add3A_168 = arith.addf %dot_general3A_161, %add3A_167 : vector<1000x128xf32>
    %max3A_169 = arith.constant 0.000000e+00 : f32
    %max3A_170 = vector.broadcast %max3A_169 : f32 to vector<1000x128xf32>
    %max3A_171 = arith.maximumf %add3A_168, %max3A_170 : vector<1000x128xf32>
    %abs3A_172 = math.absf %add3A_168 : vector<1000x128xf32>
    %neg3A_173 = arith.constant 0.000000e+00 : f32
    %neg3A_174 = vector.broadcast %neg3A_173 : f32 to vector<1000x128xf32>
    %neg3A_175 = arith.subf %neg3A_174, %abs3A_172 : vector<1000x128xf32>
    %exp3A_176 = math.exp %neg3A_175 : vector<1000x128xf32>
    %log1p3A_177 = math.log1p %exp3A_176 : vector<1000x128xf32>
    %add3A_178 = arith.addf %max3A_171, %log1p3A_177 : vector<1000x128xf32>
    %sub3A_179 = arith.constant 0.693147182 : f32
    %sub3A_180 = vector.broadcast %sub3A_179 : f32 to vector<1000x128xf32>
    %sub3A_181 = arith.subf %add3A_178, %sub3A_180 : vector<1000x128xf32>
    %get3A_182 = arith.constant 1 : index
    %get3A_183 = arith.constant 0 : index
    %get3A_184 = arith.constant 0 : index
    %get3A_185 = vector.load %arg11[%get3A_182, %get3A_183, %get3A_184] : memref<3x128x128xf32, #tpu.memory_space<vmem>>, vector<1x128x128xf32>
    %get3A_186 = vector.shape_cast %get3A_185 : vector<1x128x128xf32> to vector<128x128xf32>
    %dot_general3A_187 = arith.constant dense<0.000000e+00> : vector<1000x128xf32>
    %dot_general3A_188 = tpu.matmul %sub3A_181, %get3A_186, %dot_general3A_187 {dimension_numbers = #tpu.dot_dimension_numbers<[1], [0], [0], [1], [0, 0, 1, 1], [], []>, transpose_lhs_hint = false} : vector<1000x128xf32>, vector<128x128xf32>, vector<1000x128xf32> -> vector<1000x128xf32>
    %add3A_189 = arith.addf %add3A_103, %dot_general3A_188 : vector<1000x128xf32>
    %get3A_190 = arith.constant 1 : index
    %get3A_191 = arith.constant 0 : index
    %get3A_192 = vector.load %arg12[%get3A_190, %get3A_191] : memref<3x128xf32, #tpu.memory_space<vmem>>, vector<1x128xf32>
    %get3A_193 = vector.shape_cast %get3A_192 : vector<1x128xf32> to vector<128xf32>
    %broadcast_in_dim3A_194 = vector.shape_cast %get3A_193 : vector<128xf32> to vector<1x128xf32>
    %add3A_195 = vector.broadcast %broadcast_in_dim3A_194 : vector<1x128xf32> to vector<1000x128xf32>
    %add3A_196 = arith.addf %add3A_189, %add3A_195 : vector<1000x128xf32>
    %get3A_197 = arith.constant 2 : index
    %get3A_198 = arith.constant 0 : index
    %get3A_199 = arith.constant 0 : index
    %get3A_200 = vector.load %arg3[%get3A_197, %get3A_198, %get3A_199] : memref<3x128x128xf32, #tpu.memory_space<vmem>>, vector<1x128x128xf32>
    %get3A_201 = vector.shape_cast %get3A_200 : vector<1x128x128xf32> to vector<128x128xf32>
    %dot_general3A_202 = arith.constant dense<0.000000e+00> : vector<1000x128xf32>
    %dot_general3A_203 = tpu.matmul %add3A_196, %get3A_201, %dot_general3A_202 {dimension_numbers = #tpu.dot_dimension_numbers<[1], [0], [0], [1], [0, 0, 1, 1], [], []>, transpose_lhs_hint = false} : vector<1000x128xf32>, vector<128x128xf32>, vector<1000x128xf32> -> vector<1000x128xf32>
    %get3A_204 = arith.constant 2 : index
    %get3A_205 = arith.constant 0 : index
    %get3A_206 = arith.constant 0 : index
    %get3A_207 = arith.constant 0 : index
    %get3A_208 = vector.load %arg4[%get3A_204, %get3A_205, %get3A_206, %get3A_207] : memref<3x2x1000x128xf32, #tpu.memory_space<vmem>>, vector<1x1x1000x128xf32>
    %get3A_209 = vector.shape_cast %get3A_208 : vector<1x1x1000x128xf32> to vector<1000x128xf32>
    %get3A_210 = arith.constant 2 : index
    %get3A_211 = arith.constant 1 : index
    %get3A_212 = arith.constant 0 : index
    %get3A_213 = arith.constant 0 : index
    %get3A_214 = vector.load %arg4[%get3A_210, %get3A_211, %get3A_212, %get3A_213] : memref<3x2x1000x128xf32, #tpu.memory_space<vmem>>, vector<1x1x1000x128xf32>
    %get3A_215 = vector.shape_cast %get3A_214 : vector<1x1x1000x128xf32> to vector<1000x128xf32>
    %add3A_216 = arith.addf %get3A_209, %get3A_215 : vector<1000x128xf32>
    %get3A_217 = arith.constant 2 : index
    %get3A_218 = arith.constant 0 : index
    %get3A_219 = arith.constant 0 : index
    %get3A_220 = arith.constant 0 : index
    %get3A_221 = vector.load %arg5[%get3A_217, %get3A_218, %get3A_219, %get3A_220] : memref<3x2x1000x128xf32, #tpu.memory_space<vmem>>, vector<1x1x1000x128xf32>
    %get3A_222 = vector.shape_cast %get3A_221 : vector<1x1x1000x128xf32> to vector<1000x128xf32>
    %add3A_223 = arith.addf %add3A_216, %get3A_222 : vector<1000x128xf32>
    %get3A_224 = arith.constant 2 : index
    %get3A_225 = arith.constant 1 : index
    %get3A_226 = arith.constant 0 : index
    %get3A_227 = arith.constant 0 : index
    %get3A_228 = vector.load %arg5[%get3A_224, %get3A_225, %get3A_226, %get3A_227] : memref<3x2x1000x128xf32, #tpu.memory_space<vmem>>, vector<1x1x1000x128xf32>
    %get3A_229 = vector.shape_cast %get3A_228 : vector<1x1x1000x128xf32> to vector<1000x128xf32>
    %add3A_230 = arith.addf %add3A_223, %get3A_229 : vector<1000x128xf32>
    %get3A_231 = arith.constant 2 : index
    %get3A_232 = arith.constant 0 : index
    %get3A_233 = arith.constant 0 : index
    %get3A_234 = vector.load %arg7[%get3A_231, %get3A_232, %get3A_233] : memref<3x128x128xf32, #tpu.memory_space<vmem>>, vector<1x128x128xf32>
    %get3A_235 = vector.shape_cast %get3A_234 : vector<1x128x128xf32> to vector<128x128xf32>
    %dot_general3A_236 = arith.constant dense<0.000000e+00> : vector<1000x128xf32>
    %dot_general3A_237 = tpu.matmul %add3A_230, %get3A_235, %dot_general3A_236 {dimension_numbers = #tpu.dot_dimension_numbers<[1], [0], [0], [1], [0, 0, 1, 1], [], []>, transpose_lhs_hint = false} : vector<1000x128xf32>, vector<128x128xf32>, vector<1000x128xf32> -> vector<1000x128xf32>
    %get3A_238 = arith.constant 2 : index
    %get3A_239 = arith.constant 0 : index
    %get3A_240 = vector.load %arg8[%get3A_238, %get3A_239] : memref<3x128xf32, #tpu.memory_space<vmem>>, vector<1x128xf32>
    %get3A_241 = vector.shape_cast %get3A_240 : vector<1x128xf32> to vector<128xf32>
    %broadcast_in_dim3A_242 = vector.shape_cast %get3A_241 : vector<128xf32> to vector<1x128xf32>
    %mul3A_243 = vector.broadcast %slice3A : vector<1000x1xf32> to vector<1000x128xf32>
    %mul3A_244 = vector.broadcast %broadcast_in_dim3A_242 : vector<1x128xf32> to vector<1000x128xf32>
    %mul3A_245 = arith.mulf %mul3A_243, %mul3A_244 : vector<1000x128xf32>
    %add3A_246 = arith.addf %dot_general3A_237, %mul3A_245 : vector<1000x128xf32>
    %mul3A_247 = arith.mulf %dot_general3A_203, %add3A_246 : vector<1000x128xf32>
    %get3A_248 = arith.constant 2 : index
    %get3A_249 = arith.constant 0 : index
    %get3A_250 = arith.constant 0 : index
    %get3A_251 = vector.load %arg9[%get3A_248, %get3A_249, %get3A_250] : memref<3x128x128xf32, #tpu.memory_space<vmem>>, vector<1x128x128xf32>
    %get3A_252 = vector.shape_cast %get3A_251 : vector<1x128x128xf32> to vector<128x128xf32>
    %dot_general3A_253 = arith.constant dense<0.000000e+00> : vector<1000x128xf32>
    %dot_general3A_254 = tpu.matmul %mul3A_247, %get3A_252, %dot_general3A_253 {dimension_numbers = #tpu.dot_dimension_numbers<[1], [0], [0], [1], [0, 0, 1, 1], [], []>, transpose_lhs_hint = false} : vector<1000x128xf32>, vector<128x128xf32>, vector<1000x128xf32> -> vector<1000x128xf32>
    %get3A_255 = arith.constant 2 : index
    %get3A_256 = arith.constant 0 : index
    %get3A_257 = vector.load %arg10[%get3A_255, %get3A_256] : memref<3x128xf32, #tpu.memory_space<vmem>>, vector<1x128xf32>
    %get3A_258 = vector.shape_cast %get3A_257 : vector<1x128xf32> to vector<128xf32>
    %broadcast_in_dim3A_259 = vector.shape_cast %get3A_258 : vector<128xf32> to vector<1x128xf32>
    %add3A_260 = vector.broadcast %broadcast_in_dim3A_259 : vector<1x128xf32> to vector<1000x128xf32>
    %add3A_261 = arith.addf %dot_general3A_254, %add3A_260 : vector<1000x128xf32>
    %max3A_262 = arith.constant 0.000000e+00 : f32
    %max3A_263 = vector.broadcast %max3A_262 : f32 to vector<1000x128xf32>
    %max3A_264 = arith.maximumf %add3A_261, %max3A_263 : vector<1000x128xf32>
    %abs3A_265 = math.absf %add3A_261 : vector<1000x128xf32>
    %neg3A_266 = arith.constant 0.000000e+00 : f32
    %neg3A_267 = vector.broadcast %neg3A_266 : f32 to vector<1000x128xf32>
    %neg3A_268 = arith.subf %neg3A_267, %abs3A_265 : vector<1000x128xf32>
    %exp3A_269 = math.exp %neg3A_268 : vector<1000x128xf32>
    %log1p3A_270 = math.log1p %exp3A_269 : vector<1000x128xf32>
    %add3A_271 = arith.addf %max3A_264, %log1p3A_270 : vector<1000x128xf32>
    %sub3A_272 = arith.constant 0.693147182 : f32
    %sub3A_273 = vector.broadcast %sub3A_272 : f32 to vector<1000x128xf32>
    %sub3A_274 = arith.subf %add3A_271, %sub3A_273 : vector<1000x128xf32>
    %get3A_275 = arith.constant 2 : index
    %get3A_276 = arith.constant 0 : index
    %get3A_277 = arith.constant 0 : index
    %get3A_278 = vector.load %arg11[%get3A_275, %get3A_276, %get3A_277] : memref<3x128x128xf32, #tpu.memory_space<vmem>>, vector<1x128x128xf32>
    %get3A_279 = vector.shape_cast %get3A_278 : vector<1x128x128xf32> to vector<128x128xf32>
    %dot_general3A_280 = arith.constant dense<0.000000e+00> : vector<1000x128xf32>
    %dot_general3A_281 = tpu.matmul %sub3A_274, %get3A_279, %dot_general3A_280 {dimension_numbers = #tpu.dot_dimension_numbers<[1], [0], [0], [1], [0, 0, 1, 1], [], []>, transpose_lhs_hint = false} : vector<1000x128xf32>, vector<128x128xf32>, vector<1000x128xf32> -> vector<1000x128xf32>
    %add3A_282 = arith.addf %add3A_196, %dot_general3A_281 : vector<1000x128xf32>
    %get3A_283 = arith.constant 2 : index
    %get3A_284 = arith.constant 0 : index
    %get3A_285 = vector.load %arg12[%get3A_283, %get3A_284] : memref<3x128xf32, #tpu.memory_space<vmem>>, vector<1x128xf32>
    %get3A_286 = vector.shape_cast %get3A_285 : vector<1x128xf32> to vector<128xf32>
    %broadcast_in_dim3A_287 = vector.shape_cast %get3A_286 : vector<128xf32> to vector<1x128xf32>
    %add3A_288 = vector.broadcast %broadcast_in_dim3A_287 : vector<1x128xf32> to vector<1000x128xf32>
    %add3A_289 = arith.addf %add3A_282, %add3A_288 : vector<1000x128xf32>
    %get3A_290 = arith.constant 0 : index
    %get3A_291 = arith.constant 0 : index
    %get3A_292 = vector.load %arg13[%get3A_290, %get3A_291] : memref<128x32xf32, #tpu.memory_space<vmem>>, vector<128x32xf32>
    %dot_general3A_293 = arith.constant dense<0.000000e+00> : vector<1000x32xf32>
    %dot_general3A_294 = tpu.matmul %add3A_289, %get3A_292, %dot_general3A_293 {dimension_numbers = #tpu.dot_dimension_numbers<[1], [0], [0], [1], [0, 0, 1, 1], [], []>, transpose_lhs_hint = false} : vector<1000x128xf32>, vector<128x32xf32>, vector<1000x32xf32> -> vector<1000x32xf32>
    %max3A_295 = arith.constant 0.000000e+00 : f32
    %max3A_296 = vector.broadcast %max3A_295 : f32 to vector<1000x32xf32>
    %max3A_297 = arith.maximumf %dot_general3A_294, %max3A_296 : vector<1000x32xf32>
    %abs3A_298 = math.absf %dot_general3A_294 : vector<1000x32xf32>
    %neg3A_299 = arith.constant 0.000000e+00 : f32
    %neg3A_300 = vector.broadcast %neg3A_299 : f32 to vector<1000x32xf32>
    %neg3A_301 = arith.subf %neg3A_300, %abs3A_298 : vector<1000x32xf32>
    %exp3A_302 = math.exp %neg3A_301 : vector<1000x32xf32>
    %log1p3A_303 = math.log1p %exp3A_302 : vector<1000x32xf32>
    %add3A_304 = arith.addf %max3A_297, %log1p3A_303 : vector<1000x32xf32>
    %sub3A_305 = arith.constant 0.693147182 : f32
    %sub3A_306 = vector.broadcast %sub3A_305 : f32 to vector<1000x32xf32>
    %sub3A_307 = arith.subf %add3A_304, %sub3A_306 : vector<1000x32xf32>
    %get3A_308 = arith.constant 0 : index
    %get3A_309 = arith.constant 0 : index
    %get3A_310 = vector.load %arg14[%get3A_308, %get3A_309] : memref<32x1xf32, #tpu.memory_space<vmem>>, vector<32x1xf32>
    %dot_general3A_311 = arith.constant dense<0.000000e+00> : vector<1000x1xf32>
    %dot_general3A_312 = tpu.matmul %sub3A_307, %get3A_310, %dot_general3A_311 {dimension_numbers = #tpu.dot_dimension_numbers<[1], [0], [0], [1], [0, 0, 1, 1], [], []>, transpose_lhs_hint = false} : vector<1000x32xf32>, vector<32x1xf32>, vector<1000x1xf32> -> vector<1000x1xf32>
    %get3A_313 = arith.constant 0 : index
    %get3A_314 = arith.constant 0 : index
    %get3A_315 = vector.load %arg15[%get3A_313, %get3A_314] : memref<1x1xf32, #tpu.memory_space<vmem>>, vector<1x1xf32>
    %get3A_316 = vector.extract %get3A_315[0, 0] : f32 from vector<1x1xf32>
    %add3A_317 = vector.broadcast %get3A_316 : f32 to vector<1000x1xf32>
    %add3A_318 = arith.addf %dot_general3A_312, %add3A_317 : vector<1000x1xf32>
    %swap3A = arith.constant 0 : index
    %swap3A_319 = arith.constant 0 : index
    %swap3A_320 = vector.load %arg16[%swap3A, %swap3A_319] : memref<1000x1xf32, #tpu.memory_space<vmem>>, vector<1000x1xf32>
    tpu.vector_store %arg16[%swap3A, %swap3A_319], %add3A_318 {strides = array<i32>} : memref<1000x1xf32, #tpu.memory_space<vmem>>, vector<1000x1xf32>,
    return
  }
  func.func @transform_0(%arg0: i32) -> (i32, i32) {
    %c0_i32 = arith.constant 0 : i32
    %c0_i32_0 = arith.constant 0 : i32
    return %arg0, %c0_i32 : i32, i32
  }
  func.func @transform_1(%arg0: i32) -> (i32, i32) {
    %c0_i32 = arith.constant 0 : i32
    %c0_i32_0 = arith.constant 0 : i32
    %c0_i32_1 = arith.constant 0 : i32
    return %c0_i32, %c0_i32_0 : i32, i32
  }
  func.func @transform_2(%arg0: i32) -> (i32, i32, i32) {
    %c0_i32 = arith.constant 0 : i32
    %c0_i32_0 = arith.constant 0 : i32
    %c0_i32_1 = arith.constant 0 : i32
    %c0_i32_2 = arith.constant 0 : i32
    return %c0_i32, %c0_i32_0, %c0_i32_1 : i32, i32, i32
  }
  func.func @transform_3(%arg0: i32) -> (i32, i32, i32, i32) {
    %c0_i32 = arith.constant 0 : i32
    %c0_i32_0 = arith.constant 0 : i32
    %c0_i32_1 = arith.constant 0 : i32
    %c0_i32_2 = arith.constant 0 : i32
    return %c0_i32, %c0_i32_0, %arg0, %c0_i32_1 : i32, i32, i32, i32
  }
  func.func @transform_4(%arg0: i32) -> (i32, i32, i32, i32) {
    %c0_i32 = arith.constant 0 : i32
    %c0_i32_0 = arith.constant 0 : i32
    %c0_i32_1 = arith.constant 0 : i32
    %c0_i32_2 = arith.constant 0 : i32
    return %c0_i32, %c0_i32_0, %arg0, %c0_i32_1 : i32, i32, i32, i32
  }
  func.func @transform_5(%arg0: i32) -> (i32, i32, i32) {
    %c0_i32 = arith.constant 0 : i32
    %c0_i32_0 = arith.constant 0 : i32
    %c0_i32_1 = arith.constant 0 : i32
    return %c0_i32, %arg0, %c0_i32_0 : i32, i32, i32
  }
  func.func @transform_6(%arg0: i32) -> (i32, i32, i32) {
    %c0_i32 = arith.constant 0 : i32
    %c0_i32_0 = arith.constant 0 : i32
    %c0_i32_1 = arith.constant 0 : i32
    %c0_i32_2 = arith.constant 0 : i32
    return %c0_i32, %c0_i32_0, %c0_i32_1 : i32, i32, i32
  }
  func.func @transform_7(%arg0: i32) -> (i32, i32) {
    %c0_i32 = arith.constant 0 : i32
    %c0_i32_0 = arith.constant 0 : i32
    %c0_i32_1 = arith.constant 0 : i32
    return %c0_i32, %c0_i32_0 : i32, i32
  }
  func.func @transform_8(%arg0: i32) -> (i32, i32, i32) {
    %c0_i32 = arith.constant 0 : i32
    %c0_i32_0 = arith.constant 0 : i32
    %c0_i32_1 = arith.constant 0 : i32
    %c0_i32_2 = arith.constant 0 : i32
    return %c0_i32, %c0_i32_0, %c0_i32_1 : i32, i32, i32
  }
  func.func @transform_9(%arg0: i32) -> (i32, i32) {
    %c0_i32 = arith.constant 0 : i32
    %c0_i32_0 = arith.constant 0 : i32
    %c0_i32_1 = arith.constant 0 : i32
    return %c0_i32, %c0_i32_0 : i32, i32
  }
  func.func @transform_10(%arg0: i32) -> (i32, i32, i32) {
    %c0_i32 = arith.constant 0 : i32
    %c0_i32_0 = arith.constant 0 : i32
    %c0_i32_1 = arith.constant 0 : i32
    %c0_i32_2 = arith.constant 0 : i32
    return %c0_i32, %c0_i32_0, %c0_i32_1 : i32, i32, i32
  }
  func.func @transform_11(%arg0: i32) -> (i32, i32) {
    %c0_i32 = arith.constant 0 : i32
    %c0_i32_0 = arith.constant 0 : i32
    %c0_i32_1 = arith.constant 0 : i32
    return %c0_i32, %c0_i32_0 : i32, i32
  }
  func.func @transform_12(%arg0: i32) -> (i32, i32) {
    %c0_i32 = arith.constant 0 : i32
    %c0_i32_0 = arith.constant 0 : i32
    %c0_i32_1 = arith.constant 0 : i32
    return %c0_i32, %c0_i32_0 : i32, i32
  }
  func.func @transform_13(%arg0: i32) -> (i32, i32) {
    %c0_i32 = arith.constant 0 : i32
    %c0_i32_0 = arith.constant 0 : i32
    %c0_i32_1 = arith.constant 0 : i32
    return %c0_i32, %c0_i32_0 : i32, i32
  }
  func.func @transform_14(%arg0: i32) -> (i32, i32) {
    %c0_i32 = arith.constant 0 : i32
    %c0_i32_0 = arith.constant 0 : i32
    %c0_i32_1 = arith.constant 0 : i32
    return %c0_i32, %c0_i32_0 : i32, i32
  }
  func.func @transform_15(%arg0: i32) -> (i32, i32) {
    %c0_i32 = arith.constant 0 : i32
    %c0_i32_0 = arith.constant 0 : i32
    return %arg0, %c0_i32 : i32, i32
  }
}

</mosaic_0001>

<sc_bundles>
// kernel: kernel.10.cloned.1.call-start
scs
__scs_entry_jumppad:
0x0: {  	(pc) =	sbr.rel $0x88, $3  }
0x1: {  	(tag) =	ssettag $0x0;
	lr =	simm.s32 $0x1  }
0x2: {  	[smem:$0x3F91] =	sst lr;
	_ =	strace $0xD0000000  }
0x3: {  	_ = 	snop  }
0x4: {  	_ = 	snop  }
0x5: {  	_ = 	snop  }
0x6: {  	_ = 	snop  }
0x7: {  	_ = 	snop  }
__scs_overlays_trampoline_lowered:
0x8: {  	[smem:$0x3FA0] =	sst s0  }
0x9: {  	[smem:$0x3FA1] =	sst s1  }
0xa: {  	[smem:$0x3FA2] =	sst s2  }
0xb: {  	[smem:$0x3FA3] =	sst s3  }
0xc: {  	[smem:$0x3FA4] =	sst s4  }
0xd: {  	[smem:$0x3FA5] =	sst s5  }
0xe: {  	[smem:$0x3FA6] =	sst s6  }
0xf: {  	[smem:$0x3FA7] =	sst s7  }
0x10: {  	[smem:$0x3FA8] =	sst s8  }
0x11: {  	[smem:$0x3FA9] =	sst s9;
	s0 =	simm.s32 @!p0 $0x0  }
0x12: {  	s1 =	sld [smem:$0x3F8F];
	s0 =	simm.s32 @p0 $0x1  }
0x13: {  	[smem:$0x3FAA] =	sst s0;
	s0 =	simm.s32 @!p1 $0x0  }
0x14: {  	s2 =	sld [smem:$0x3F8E];
	s0 =	simm.s32 @p1 $0x1  }
0x15: {  	[smem:$0x3FAB] =	sst s0;
	s0 =	simm.s32 @!p2 $0x0  }
0x16: {  	s3 =	sld [smem:$0x3FDB];
	s0 =	simm.s32 @p2 $0x1  }
0x17: {  	s4 =	simm.s32 $0x1BF5;
	[smem:$0x3FAD] =	sst s0  }
0x18: {  	s0 =	sld [smem:$0x3F90];
	_ =	swait.ge [sflag:s4], $0x0  }
0x19: {  	s7 =	sld [smem:$0x3F91]  }
0x1a: {  	s8 =	sadd.s32 $0xFFFFE003, lr  }
0x1b: {  	s9 =	sadd.s32 $0xFFFFFEF7, lr;
	s5 =	simm.s32 $0xFFFFFFFF;
	p2 =	slt.u32 s8, $0xFFFFF086  }
0x1c: {  	p1 =	slt.u32 s9, $0xF7A;
	s5 =	simm.s32 @!p2 $0x0  }
0x1d: {  	s5 =	simm.s32 @p1 $0x1;
	p0 =	seq.s32 s7, s2  }
0x1e: {  	s7 =	smul.u32 @!p0 $0xF7A, s2;
	p2 =	seq.s32 @!p0 s5, $0x0  }
0x1f: {  	s9 =	smul.u32 $0xF7A, s1;
	s8 =	simm.s32 @!p0 $0x1BF5;
	p2 =	por !p2, p0  }
0x20: {  	[sflag:s8] =	ssyncset.s32 @!p0 $0xFFFFF086;
	s6 =	sadd.s32 @!p0 s3, s7;
	s7 =	simm.s32 @!p0 $0x108  }
0x21: {  	s3 =	sadd.s32 s3, s9;
	s6 =	sadd.s32 @!p0 $0x88, s6;
	s7 =	simm.s32 @p2 $0x1082  }
0x22: {  	[simem:s7], [sflag:s8] =	dma.local @!p0 [hbm:s6], $0xF7A  }
0x23: {  	s9 =	sor.u32 $0xD0000000, s2;
	s6 =	simm.s32 $0x108;
	_ =	swait.ge @!p0 [sflag:s8], $0x0  }
0x24: {  	s3 =	sadd.s32 $0x88, s3;
	s6 =	simm.s32 @!p1 $0x1082;
	[sflag:s4] =	ssyncset.s32 $0xFFFFF086  }
0x25: {  	[simem:s6], [sflag:s4] =	dma.local [hbm:s3], $0xF7A  }
0x26: {  	[smem:$0x3F91] =	sst s1;
	(tag) =	ssettag s2;
	_ =	strace s9  }
0x27: {  	s1 =	sld [smem:$0x3FA1]  }
0x28: {  	s2 =	sld [smem:$0x3FA2]  }
0x29: {  	s4 =	sld [smem:$0x3FA4]  }
0x2a: {  	p0 =	seq.s32 s5, $0x0;
	s5 =	sld [smem:$0x3FA5]  }
0x2b: {  	s6 =	sld [smem:$0x3FA6]  }
0x2c: {  	s7 =	sld [smem:$0x3FA7]  }
0x2d: {  	s3 =	simm.s32 $0x108;
	s8 =	sld [smem:$0x3FA8]  }
0x2e: {  	s3 =	simm.s32 @!p0 $0x1082;
	s9 =	sld [smem:$0x3FA9]  }
0x2f: {  	lr =	sadd.s32 s0, s3;
	s0 =	sld [smem:$0x3FA0]  }
0x30: {  	s3 =	sld [smem:$0x3FA3]  }
0x31: {  	[smem:$0x3FAC] =	sst s10  }
0x32: {  	s10 =	sld [smem:$0x3FAA];
	_ =	sdelay $0x3  }
0x33: {  	p0 =	seq.s32 s10, $0x1;
	s10 =	sld [smem:$0x3FAC];
	_ =	sdelay $0x3  }
0x34: {  	[smem:$0x3FAC] =	sst s10  }
0x35: {  	s10 =	sld [smem:$0x3FAB];
	_ =	sdelay $0x3  }
0x36: {  	p1 =	seq.s32 s10, $0x1;
	s10 =	sld [smem:$0x3FAC];
	_ =	sdelay $0x3  }
0x37: {  	[smem:$0x3FAC] =	sst s10  }
0x38: {  	s10 =	sld [smem:$0x3FAD]  }
0x39: {  	_ = 	snop;
	(pc) =	sbr.ind lr, $3  }
0x3a: {  	_ = 	snop  }
0x3b: {  	_ = 	snop  }
0x3c: {  	p2 =	seq.s32 s10, $0x1;
	s10 =	sld [smem:$0x3FAC]  }
0x3d: {  	_ =	shalt  }
0x3e: {  	_ =	shalt  }
0x3f: {  	_ =	shalt  }
0x40: {  	_ =	shalt  }
0x41: {  	_ =	shalt  }
0x42: {  	_ =	shalt  }
0x43: {  	_ =	shalt  }
0x44: {  	_ =	shalt  }
0x45: {  	_ =	shalt  }
0x46: {  	_ =	shalt  }
0x47: {  	_ =	shalt  }
0x48: {  	_ =	shalt  }
0x49: {  	_ =	shalt  }
0x4a: {  	_ =	shalt  }
0x4b: {  	_ =	shalt  }
0x4c: {  	_ =	shalt  }
0x4d: {  	_ =	shalt  }
0x4e: {  	_ =	shalt  }
0x4f: {  	_ =	shalt  }
0x50: {  	_ =	shalt  }
0x51: {  	_ =	shalt  }
0x52: {  	_ =	shalt  }
0x53: {  	_ =	shalt  }
0x54: {  	_ =	shalt  }
0x55: {  	_ =	shalt  }
0x56: {  	_ =	shalt  }
0x57: {  	_ =	shalt  }
0x58: {  	_ =	shalt  }
0x59: {  	_ =	shalt  }
0x5a: {  	_ =	shalt  }
0x5b: {  	_ =	shalt  }
0x5c: {  	_ =	shalt  }
0x5d: {  	_ =	shalt  }
0x5e: {  	_ =	shalt  }
0x5f: {  	_ =	shalt  }
0x60: {  	_ =	shalt  }
0x61: {  	_ =	shalt  }
0x62: {  	_ =	shalt  }
0x63: {  	_ =	shalt  }
0x64: {  	_ =	shalt  }
0x65: {  	_ =	shalt  }
0x66: {  	_ =	shalt  }
0x67: {  	_ =	shalt  }
0x68: {  	_ =	shalt  }
0x69: {  	_ =	shalt  }
0x6a: {  	_ =	shalt  }
0x6b: {  	_ =	shalt  }
0x6c: {  	_ =	shalt  }
0x6d: {  	_ =	shalt  }
0x6e: {  	_ =	shalt  }
0x6f: {  	_ =	shalt  }
0x70: {  	_ =	shalt  }
0x71: {  	_ =	shalt  }
0x72: {  	_ =	shalt  }
0x73: {  	_ =	shalt  }
0x74: {  	_ =	shalt  }
0x75: {  	_ =	shalt  }
0x76: {  	_ =	shalt  }
0x77: {  	_ =	shalt  }
0x78: {  	_ =	shalt  }
0x79: {  	_ =	shalt  }
0x7a: {  	_ =	shalt  }
0x7b: {  	_ =	shalt  }
0x7c: {  	_ =	shalt  }
0x7d: {  	_ =	shalt  }
0x7e: {  	_ =	shalt  }
0x7f: {  	_ =	shalt  }
0x80: {  	_ =	shalt  }
0x81: {  	_ =	shalt  }
0x82: {  	_ =	shalt  }
0x83: {  	_ =	shalt  }
0x84: {  	_ =	shalt  }
0x85: {  	_ =	shalt  }
0x86: {  	_ =	shalt  }
0x87: {  	_ =	shalt  }
.Lfunc_end0:
.L_simem_size_0:
called_computation.1_lowered:
.L_overlay_start_0:
0x88: {  	s2 =	sld [smem:$0x3FD9]  }
0x89: {  	s3 =	sld [smem:$0x3FFE];
	_ =	sdelay $0x1  }
0x8a: {  	s1 =	srdreg.scid  }
0x8b: {  	s0 =	sand.u32 $0x1, s1  }
0x8c: {  	s17 =	sshll.u32 s0, $0xA;
	s2 =	sadd.s32 s3, s2  }
0x8d: {  	s2 =	sadd.s32 s2, s17  }
0x8e: {  	[smem:$0x3FB8] =	sst s2  }
0x8f: {  	_ = 	snop  }
0x90: {  	(tm) =	ssettm $0x1  }
0x91: {  	s18 =	sld [smem:$0x3FFB];
	_ =	sdelay $0x3  }
0x92: {  	_ =	strace s18  }
0x93: {  	s2 =	sld [smem:$0x3FFC];
	_ =	sdelay $0x3  }
0x94: {  	_ =	strace s2  }
0x95: {  	s2 =	sld [smem:$0x3FFD];
	_ =	sdelay $0x3  }
0x96: {  	_ =	strace s2  }
0x97: {  	_ =	strace $0x8FFFFFFF  }
0x98: {  	s19 =	sld [smem:$0x3FDB];
	_ =	sdelay $0x1  }
0x99: {  	s20 =	simm.s32 $_scs_section_size  }
0x9a: {  	s4 =	simm.s32 $_size__tile_overlayer_lowered;
	s5 =	simm.s32 $_tile_overlayer_lowered  }
0x9b: {  	s6 =	simm.s32 $0x1BFF;
	s21 =	sshll.u32 s5, $0x1;
	s3 =	sadd.s32 s20, s19  }
0x9c: {  	s22 =	simm.s32 $0x0;
	s4 =	sshll.u32 s4, $0x1;
	s5 =	sadd.s32 s21, s3  }
0x9d: {  	[timem:s22], [sflag:s6] =	dma.local [hbm:s5], s4  }
0x9e: {  	_ =	swait.ge [sflag:s6], s4  }
0x9f: {  	s4 =	ssub.s32 $0x0, s4;
	[sflag:s6] =	ssyncset.done $0x0  }
0xa0: {  	[sflag:s6] =	ssyncadd.s32 s4;
	_ =	sdelay $0x1  }
0xa1: {  	s23 =	simm.s32 $0x1B8B  }
0xa2: {  	_ =	swait.ge [sflag:s23], $0x1  }
0xa3: {  	[sflag:s23] =	ssyncset.done $0x0  }
0xa4: {  	[sflag:s23] =	ssyncadd.s32 $0xFFFFFFFF  }
0xa5: {  	s4 =	sld [smem:$0x0]  }
0xa6: {  	s5 =	sand.u32 $0xFFFFFFFE, s1  }
0xa7: {  	p0 =	sne.s32 s1, s5  }
0xa8: {  	s5 =	sshll.u32 @p0 s5, $0xE  }
0xa9: {  	s5 =	sadd.s32 @p0 $0x11B8D, s5;
	s6 =	sshll.u32 @p0 s4, $0x11  }
0xaa: {  	s5 =	sor.u32 @p0 s6, s5  }
0xab: {  	[sflag:s5] =	ssyncadd.remote.s32 @p0 $0x1;
	_ =	sdelay $0x1  }
0xac: {  	s5 =	simm.s32 @p0 $0x1B8D  }
0xad: {  	_ =	swait.eq @p0 [sflag:s5], $0x1  }
0xae: {  	[sflag:s5] =	ssyncadd.s32 @p0 $0xFFFFFFFF  }
0xaf: {  	s6 =	sshll.u32 @!p0 s1, $0xE  }
0xb0: {  	s6 =	sor.u32 @!p0 $0x4000, s6;
	s5 =	simm.s32 @!p0 $0x1B8D  }
0xb1: {  	s4 =	sshll.u32 @!p0 s4, $0x11;
	s6 =	sadd.s32 @!p0 $0x11B8D, s6;
	_ =	swait.eq @!p0 [sflag:s5], $0x1  }
0xb2: {  	s4 =	sor.u32 @!p0 s4, s6;
	[sflag:s5] =	ssyncadd.s32 @!p0 $0xFFFFFFFF  }
0xb3: {  	s25 =	simm.s32 $0x1B8E;
	s24 =	sld [smem:$0x3FFE];
	[sflag:s4] =	ssyncadd.remote.s32 @!p0 $0x1  }
0xb4: {  	s26 =	simm.s32 $execute0_lowered;
	[smem:$0x3FD2] =	sst s25  }
0xb5: {  	s5 =	sshll.u32 s26, $0x1;
	_ =	strace $0x80000049;
	[dreg:$0x1] =	wrdreg $0xFFFFFFFF  }
0xb6: {  	s28 =	simm.s32 $_size_execute0_lowered;
	s3 =	sadd.s32 s3, s5;
	[dreg:$0x0] =	wrdreg $0x0  }
0xb7: {  	s5 =	sshll.u32 s28, $0x1;
	[dreg:$0x2] =	wrdreg s3  }
0xb8: {  	[dreg:$0x3] =	wrdreg s5  }
0xb9: {  	[dreg:$0x4] =	wrdreg $0xC0  }
0xba: {  	_ =	task [dreg:s22], $0x5FFFF  }
0xbb: {  	[dreg:$0x1] =	wrdreg $0xFFFFFFFF  }
0xbc: {  	[dreg:$0x0] =	wrdreg $0x60  }
0xbd: {  	[dreg:$0x2] =	wrdreg s24  }
0xbe: {  	[dreg:$0x3] =	wrdreg $0x81000  }
0xbf: {  	[dreg:$0x4] =	wrdreg $0xA  }
0xc0: {  	_ =	task.clear_ibuf [dreg:s22], $0x5FFFF;
	_ =	strace $0x90000049  }
0xc1: {  	s29 =	simm.s32 $0xA;
	_ =	strace $0x8000004B  }
0xc2: {  	_ =	swait.ge [sflag:s29], $0x1  }
0xc3: {  	[sflag:s29] =	ssyncadd.s32 $0xFFFFFFFF  }
0xc4: {  	_ =	strace $0x9000004B  }
0xc5: {  	_ =	sfence  }
0xc6: {  	s30 =	sld [smem:$0x0];
	_ =	sdelay $0x2  }
0xc7: {  	s31 =	sshll.u32 s1, $0xD;
	s1 =	sshrl.u32 s1, $0x2  }
0xc8: {  	s4 =	sand.u32 $0x4000, s31;
	s1 =	sadd.s32 s1, s30  }
0xc9: {  	s0 =	sor.u32 s4, s0;
	s1 =	sshll.u32 s1, $0x11  }
0xca: {  	s0 =	sor.u32 s1, s0  }
0xcb: {  	s0 =	sadd.s32 $0x8F2B, s0  }
0xcc: {  	[sflag:s0] =	ssyncadd.remote.s32 $0x1  }
0xcd: {  	_ =	sfence.sel $0xFFFF  }
0xce: {  	[dreg:$0x0] =	wrdreg $0xFFFFFFFF;
	(pc) =	sbr.abs _section_cstart, $3  }
0xcf: {  	[dreg:$0x1] =	wrdreg $0xFFFFFFFF  }
0xd0: {  	_ =	task.clear_ibuf [dreg:s22], $0x2FFFF;
	_ =	strace $0x9FFFFFFF  }
0xd1: {  	(tm) =	ssettm $0x7FFFFFFF  }
tec
execute0_lowered:
.L_overlay_start_1:
0x0: {  	(tag) =	ssettag $0x1  }
0x1: {  	s0 =	rddreg [dreg:$0x0]  }
0x2: {  	s1 =	rddreg [dreg:$0x1];
	s2 =	simm.s32 $0x0;
	s3 =	srdreg.scid  }
0x3: {  	s17 =	stileid.u32;
	[smem:$0x7FF] =	sst s2  }
0x4: {  	s4 =	sand.u32 $0x1, s3;
	s7 =	sadd.s32 $0x89AC00, s0;
	s12 =	smul.u32 $0x270, s17  }
0x5: {  	s3 =	sadd.s32 $0x7C00, s0;
	s5 =	sadd.s32 $0x75FC00, s0;
	s13 =	smul.u32 $0x4F000, s17  }
0x6: {  	s20 =	sshll.u32 s17, $0x1;
	p0 =	seq.s32 s17, $0x0;
	s15 =	smul.u32 $0x278, s17  }
0x7: {  	s19 =	sshll.u32 s17, $0xC;
	s30 =	smul.u32 $0x2780, s17;
	_ =	strace $0x8000004A  }
0x8: {  	s9 =	smul.u32 $0x27100, s4;
	s6 =	ssub.s32 $0x2, s4;
	s14 =	sor.u32 s4, s20  }
0x9: {  	s16 =	sshll.u32 s4, $0x7;
	s20 =	sadd.s32 $0x103BE00, s0;
	s4 =	sshll.u32 s4, $0xB  }
0xa: {  	s8 =	sshrl.u32 s6, $0x1;
	s21 =	sshrl.u32 s13, $0x2;
	s22 =	sshll.u32 s14, $0x4  }
0xb: {  	s23 =	sshll.u32 s14, $0x7;
	s24 =	sshll.u32 s14, $0xB;
	s10 =	sadd.s32 s9, s0  }
0xc: {  	s11 =	ssub.s32 s6, s8;
	s6 =	simm.s32 $0x28;
	s8 =	sadd.s32 $0x10, s12  }
0xd: {  	s12 =	sadd.s32 s21, s1;
	[dreg:$0x5] =	wrdreg s24;
	s21 =	sadd.s32 $0x108A000, s0  }
0xe: {  	s6 =	simm.s32 @!p0 $0x27;
	p0 =	sgt.u32 s17, $0x1;
	[dreg:$0x3] =	wrdreg s12  }
0xf: {  	s12 =	sor.u32 $0x1000, s23;
	s31 =	sadd.s32 $0xFEDC00, s10;
	s23 =	sadd.s32 s9, s21  }
0x10: {  	s15 =	smov.u32 @p0 s8;
	s8 =	sshll.u32 s8, $0x7;
	s25 =	sshrl.u32 s12, $0x3  }
0x11: {  	s26 =	sshll.u32 s12, $0x4;
	[dreg:$0xa] =	wrdreg s31;
	s12 =	sshll.u32 s17, $0x8  }
0x12: {  	[dreg:$0xd] =	wrdreg s23;
	s29 =	sadd.s32 $0xFFFFFFFF, s6;
	s13 =	sadd.s32 s8, s1  }
0x13: {  	s8 =	sadd.s32 s3, s22;
	s28 =	sadd.s32 s3, s25;
	[dreg:$0x7] =	wrdreg s26  }
0x14: {  	s14 =	sor.u32 s16, s12;
	s22 =	sadd.s32 s9, s20;
	[dreg:$0x4] =	wrdreg s8  }
0x15: {  	s20 =	sadd.s32 $0xD7CC00, s0;
	s8 =	sadd.s32 s7, s24;
	[dreg:$0x8] =	wrdreg s28  }
0x16: {  	[dreg:$0xc] =	wrdreg s22;
	s24 =	sadd.s32 $0xB0BC00, s0;
	s25 =	sor.u32 $0x3000, s14  }
0x17: {  	s28 =	sshll.u32 s17, $0x6;
	[dreg:$0x6] =	wrdreg s8;
	s8 =	sadd.s32 s7, s26  }
0x18: {  	s7 =	sadd.s32 s19, s7;
	[dreg:$0xe] =	wrdreg s24;
	s26 =	smax.u32 s11, $0x1  }
0x19: {  	s0 =	sshrl.u32 s25, $0x3;
	s22 =	sor.u32 $0x1C03, s28;
	s25 =	sor.u32 $0x2000, s14  }
0x1a: {  	[dreg:$0x9] =	wrdreg s8;
	s8 =	sshll.u32 s15, $0x7;
	s7 =	sadd.s32 s4, s7  }
0x1b: {  	[dreg:$0xf] =	wrdreg s26;
	s9 =	sadd.s32 s0, s3;
	s0 =	sshrl.u32 @p0 s13, $0x3  }
0x1c: {  	s4 =	sor.u32 s4, s19;
	s18 =	sadd.s32 s8, s1;
	[dreg:$0x11] =	wrdreg s0  }
0x1d: {  	s19 =	sshll.u32 s15, $0x4;
	s31 =	sor.u32 $0x30000, s4;
	[dreg:$0xb] =	wrdreg s18  }
0x1e: {  	s23 =	sadd.s32 $0x30000, s7;
	s7 =	simm.s32 $0x0;
	[dreg:$0x10] =	wrdreg s31  }
.LBB2_1:
0x1f: {  	s0 =	rddreg [dreg:$0x11]  }
0x20: {  	[spmem:s0], [sflag:s22] =	dma.local @p0 [hbm:s5], $0x2700  }
0x21: {  	s0 =	simm.s32 @p0 $0x3  }
0x22: {  	_ =	swait.ge @p0 [sflag:s0], $0x2700  }
0x23: {  	[sflag:s0] =	ssyncset.done @p0 $0x0  }
0x24: {  	[sflag:s0] =	ssyncadd.s32 @p0 $0xFFFFD900;
	s0 =	rddreg [dreg:$0x3]  }
0x25: {  	s10 =	sshrl.u32 @!p0 s0, $0x3;
	s0 =	simm.s32 @!p0 $0x3  }
0x26: {  	[spmem:s10], [sflag:s22] =	dma.local @!p0 [hbm:s5], $0x2780  }
0x27: {  	_ =	swait.ge @!p0 [sflag:s0], $0x2780  }
0x28: {  	[sflag:s0] =	ssyncset.done @!p0 $0x0  }
0x29: {  	[sflag:s0] =	ssyncadd.s32 @!p0 $0xFFFFD880  }
0x2a: {  	[bflag:$0x0] =	sbarrier.arrive $0xFFFF  }
0x2b: {  	s16 =	rddreg [dreg:$0x4]  }
0x2c: {  	[tilespmem:s2], [sflag:$0x1] =	stream.linear.gather [hbm4b:s16+s2], $0x80, $0x38;
	[tilespmem:$0x1B980] =	vst v63  }
0x2d: {  	s4 =	simm.s32 $0x100;
	s17 =	rddreg [dreg:$0x6]  }
0x2e: {  	[tilespmem:s4], [sflag:$0x1] =	stream.linear.gather [hbm4b:s17+s2], $0x4000, $0x38;
	[tilespmem:$0x1B980] =	vst v63  }
0x2f: {  	s21 =	simm.s32 $0x80;
	p1 =	sle.u32 s6, $0x0;
	s18 =	rddreg [dreg:$0x8]  }
0x30: {  	[tilespmem:s21], [sflag:$0x2] =	stream.linear.gather [hbm4b:s18+s2], $0x80, $0x38;
	[tilespmem:$0x1B980] =	vst v63  }
0x31: {  	s26 =	simm.s32 $0x4100;
	s0 =	simm.s32 @!p1 $0x1;
	s24 =	rddreg [dreg:$0x9]  }
0x32: {  	[tilespmem:s26], [sflag:$0x2] =	stream.linear.gather [hbm4b:s24+s2], $0x4000, $0x38;
	[tilespmem:$0x1B980] =	vst v63  }
0x33: {  	_ =	swait.ge @!p1 [sflag:s0], $0x80  }
0x34: {  	[sflag:s0] =	ssyncset.done @!p1 $0x0  }
0x35: {  	[sflag:s0] =	ssyncadd.s32 @!p1 $0xFFFFFF80  }
0x36: {  	s11 =	simm.s32 @!p1 $0x3;
	_ =	swait.ge @!p1 [sflag:s0], $0x4000  }
0x37: {  	s13 =	simm.s32 @!p1 $0x80;
	p2 =	sle.u32 @!p1 s6, $0x2;
	[sflag:s0] =	ssyncset.done @!p1 $0x0  }
0x38: {  	s14 =	simm.s32 @!p1 $0x0;
	s4 =	simm.s32 @!p1 $0x100;
	[sflag:s0] =	ssyncadd.s32 @!p1 $0xFFFFC000  }
0x39: {  	[spmem:s1] =	stream.indirect.scatter.add.f32 @!p1 [tilespmem:s4], [sflag:$0x3], $0x80, s14, s13, $0xb8;
	[tilespmem:$0x1B980] =	vst v63  }
0x3a: {  	s28 =	sadd.s32 $0x2000, s25;
	p3 =	por p2, p1;
	_ =	swait.ge @!p1 [sflag:s11], $0x4000  }
0x3b: {  	p2 =	sle.u32 s29, $0x0;
	s0 =	sshrl.u32 @!p3 s25, $0x3;
	[sflag:s11] =	ssyncset.done @!p1 $0x0  }
0x3c: {  	s0 =	sadd.s32 @!p3 s3, s0;
	s4 =	simm.s32 @!p3 $0x0;
	[sflag:s11] =	ssyncadd.s32 @!p1 $0xFFFFC000  }
0x3d: {  	[tilespmem:s4], [sflag:$0x1] =	stream.linear.gather @!p3 [hbm4b:s0+s4], $0x80, $0x38;
	[tilespmem:$0x1B980] =	vst v63  }
0x3e: {  	s14 =	simm.s32 @!p2 $0x2;
	s11 =	simm.s32 @!p3 $0x100;
	s0 =	sadd.s32 @!p3 $0xFFFF0000, s23  }
0x3f: {  	[tilespmem:s11], [sflag:$0x1] =	stream.linear.gather @!p3 [hbm4b:s0+s4], $0x4000, $0x38;
	[tilespmem:$0x1B980] =	vst v63  }
0x40: {  	s15 =	sadd.s32 $0x20000, s23;
	s31 =	simm.s32 $0x2;
	_ =	swait.ge @!p2 [sflag:s14], $0x80  }
0x41: {  	s21 =	sadd.s32 $0x400, s9;
	s24 =	simm.s32 @!p2 $0x3;
	[sflag:s14] =	ssyncset.done @!p2 $0x0  }
0x42: {  	s13 =	simm.s32 $0x5;
	p1 =	sle.u32 @!p2 s6, $0x3;
	[sflag:s14] =	ssyncadd.s32 @!p2 $0xFFFFFF80  }
0x43: {  	p4 =	por p1, p2;
	p1 =	sle.u32 s6, $0x2;
	_ =	swait.ge @!p2 [sflag:s14], $0x4000  }
0x44: {  	s0 =	simm.s32 $0x7;
	s4 =	simm.s32 @!p2 $0x80;
	[sflag:s14] =	ssyncset.done @!p2 $0x0  }
0x45: {  	s11 =	simm.s32 @!p2 $0x4100;
	[sflag:s14] =	ssyncadd.s32 @!p2 $0xFFFFC000;
	s14 =	smov.u32 s9  }
0x46: {  	[spmem:s1] =	stream.indirect.scatter.add.f32 @!p2 [tilespmem:s11], [sflag:$0x3], $0x80, s4, s4, $0xb8;
	[tilespmem:$0x1B980] =	vst v63  }
0x47: {  	s11 =	simm.s32 @!p4 $0x0;
	s4 =	smov.u32 s23;
	_ =	swait.ge @!p2 [sflag:s24], $0x4000  }
.LBB2_2:
0x48: {  	[sflag:s24] =	ssyncset.done @!p2 $0x0;
	s16 =	simm.s32 @!p4 $0x80;
	s17 =	simm.s32 @!p4 $0x4100  }
0x49: {  	[sflag:s24] =	ssyncadd.s32 @!p2 $0xFFFFC000;
	s24 =	smov.u32 s0;
	s0 =	sadd.s32 $0x2, s0  }
0x4a: {  	[tilespmem:s16], [sflag:$0x2] =	stream.linear.gather @!p4 [hbm4b:s14+s11], $0x80, $0x38;
	[tilespmem:$0x1B980] =	vst v63  }
0x4b: {  	p3 =	sne.s32 s0, $0x2B;
	s16 =	simm.s32 @!p1 $0x1;
	s14 =	smov.u32 s21  }
0x4c: {  	[tilespmem:s17], [sflag:$0x2] =	stream.linear.gather @!p4 [hbm4b:s4+s11], $0x4000, $0x38;
	[tilespmem:$0x1B980] =	vst v63  }
0x4d: {  	s4 =	smov.u32 s15;
	_ =	swait.ge @!p1 [sflag:s16], $0x80  }
0x4e: {  	s11 =	sadd.s32 @!p1 $0xFFFFFFFF, s13;
	[sflag:s16] =	ssyncset.done @!p1 $0x0  }
0x4f: {  	s26 =	simm.s32 @!p1 $0x3;
	s17 =	simm.s32 @!p1 $0x100;
	[sflag:s16] =	ssyncadd.s32 @!p1 $0xFFFFFF80  }
0x50: {  	s8 =	simm.s32 @!p1 $0x80;
	s12 =	simm.s32 @!p1 $0x0;
	_ =	swait.ge @!p1 [sflag:s16], $0x4000  }
0x51: {  	p2 =	sge.u32 @!p1 s11, s6;
	[sflag:s16] =	ssyncset.done @!p1 $0x0  }
0x52: {  	p4 =	por p2, p1;
	[sflag:s16] =	ssyncadd.s32 @!p1 $0xFFFFC000  }
0x53: {  	s11 =	sshrl.u32 @!p4 s28, $0x3  }
0x54: {  	[spmem:s1] =	stream.indirect.scatter.add.f32 @!p1 [tilespmem:s17], [sflag:$0x3], $0x80, s12, s8, $0xb8;
	[tilespmem:$0x1B980] =	vst v63  }
0x55: {  	s8 =	sadd.s32 @!p4 s3, s11;
	_ =	swait.ge @!p1 [sflag:s26], $0x4000  }
0x56: {  	p2 =	sge.u32 s31, s29;
	s11 =	simm.s32 @!p4 $0x0;
	[sflag:s26] =	ssyncset.done @!p1 $0x0  }
0x57: {  	s16 =	simm.s32 @!p4 $0x100;
	s12 =	sadd.s32 @!p4 $0xFFFF0000, s15;
	[sflag:s26] =	ssyncadd.s32 @!p1 $0xFFFFC000  }
0x58: {  	[tilespmem:s11], [sflag:$0x1] =	stream.linear.gather @!p4 [hbm4b:s8+s11], $0x80, $0x38;
	[tilespmem:$0x1B980] =	vst v63  }
0x59: {  	p1 =	sge.u32 @!p2 s13, s6;
	s13 =	smov.u32 s24;
	s8 =	simm.s32 @!p2 $0x2  }
0x5a: {  	[tilespmem:s16], [sflag:$0x1] =	stream.linear.gather @!p4 [hbm4b:s12+s11], $0x4000, $0x38;
	[tilespmem:$0x1B980] =	vst v63  }
0x5b: {  	_ =	swait.ge @!p2 [sflag:s8], $0x80  }
0x5c: {  	s28 =	sadd.s32 $0x2000, s28;
	[sflag:s8] =	ssyncset.done @!p2 $0x0  }
0x5d: {  	s24 =	simm.s32 @!p2 $0x3;
	s11 =	simm.s32 @!p2 $0x80;
	[sflag:s8] =	ssyncadd.s32 @!p2 $0xFFFFFF80  }
.Ltmp0:
0x5e: {  	s12 =	simm.s32 @!p2 $0x4100;
	_ =	swait.ge @!p2 [sflag:s8], $0x4000;
	(pc) =	sbr.rel @p3 .LBB2_2-.Ltmp0, $4  }
0x5f: {  	s21 =	sadd.s32 $0x400, s21;
	s15 =	sadd.s32 $0x20000, s15;
	[sflag:s8] =	ssyncset.done @!p2 $0x0  }
0x60: {  	s31 =	sadd.s32 $0xFFFFFFFD, s13;
	p4 =	por p1, p2;
	[sflag:s8] =	ssyncadd.s32 @!p2 $0xFFFFC000  }
0x61: {  	[spmem:s1] =	stream.indirect.scatter.add.f32 @!p2 [tilespmem:s12], [sflag:$0x3], $0x80, s11, s11, $0xb8;
	[tilespmem:$0x1B980] =	vst v63  }
0x62: {  	p1 =	sge.u32 s31, s6;
	s11 =	simm.s32 @!p4 $0x0;
	_ =	swait.ge @!p2 [sflag:s24], $0x4000  }
0x63: {  	[sflag:s24] =	ssyncset.done @!p2 $0x0  }
0x64: {  	s0 =	simm.s32 @!p4 $0x80;
	[sflag:s24] =	ssyncadd.s32 @!p2 $0xFFFFC000  }
0x65: {  	[tilespmem:s0], [sflag:$0x2] =	stream.linear.gather @!p4 [hbm4b:s14+s11], $0x80, $0x38;
	[tilespmem:$0x1B980] =	vst v63  }
0x66: {  	s8 =	simm.s32 @!p1 $0x1;
	s0 =	simm.s32 @!p4 $0x4100  }
0x67: {  	[tilespmem:s0], [sflag:$0x2] =	stream.linear.gather @!p4 [hbm4b:s4+s11], $0x4000, $0x38;
	[tilespmem:$0x1B980] =	vst v63  }
0x68: {  	_ =	swait.ge @!p1 [sflag:s8], $0x80  }
0x69: {  	[sflag:s8] =	ssyncset.done @!p1 $0x0  }
0x6a: {  	[sflag:s8] =	ssyncadd.s32 @!p1 $0xFFFFFF80  }
0x6b: {  	s12 =	simm.s32 @!p1 $0x80;
	s0 =	sadd.s32 @!p1 $0xFFFFFFFF, s13;
	_ =	swait.ge @!p1 [sflag:s8], $0x4000  }
0x6c: {  	s4 =	simm.s32 @!p1 $0x100;
	s11 =	simm.s32 @!p1 $0x3;
	[sflag:s8] =	ssyncset.done @!p1 $0x0  }
0x6d: {  	p2 =	sge.u32 @!p1 s0, s6;
	s0 =	simm.s32 @!p1 $0x0;
	[sflag:s8] =	ssyncadd.s32 @!p1 $0xFFFFC000  }
0x6e: {  	[spmem:s1] =	stream.indirect.scatter.add.f32 @!p1 [tilespmem:s4], [sflag:$0x3], $0x80, s0, s12, $0xb8;
	[tilespmem:$0x1B980] =	vst v63  }
0x6f: {  	p3 =	por p2, p1;
	_ =	swait.ge @!p1 [sflag:s11], $0x4000  }
0x70: {  	p2 =	sge.u32 s31, s29;
	s0 =	sshrl.u32 @!p3 s28, $0x3;
	[sflag:s11] =	ssyncset.done @!p1 $0x0  }
0x71: {  	s4 =	simm.s32 @!p3 $0x0;
	s0 =	sadd.s32 @!p3 s3, s0;
	[sflag:s11] =	ssyncadd.s32 @!p1 $0xFFFFC000  }
0x72: {  	[tilespmem:s4], [sflag:$0x1] =	stream.linear.gather @!p3 [hbm4b:s0+s4], $0x80, $0x38;
	[tilespmem:$0x1B980] =	vst v63  }
0x73: {  	s8 =	simm.s32 @!p3 $0x100;
	s11 =	simm.s32 @!p2 $0x2;
	s0 =	sadd.s32 @!p3 $0xFFFF0000, s15  }
0x74: {  	[tilespmem:s8], [sflag:$0x1] =	stream.linear.gather @!p3 [hbm4b:s0+s4], $0x4000, $0x38;
	[tilespmem:$0x1B980] =	vst v63  }
0x75: {  	_ =	swait.ge @!p2 [sflag:s11], $0x80  }
0x76: {  	[sflag:s11] =	ssyncset.done @!p2 $0x0  }
0x77: {  	[sflag:s11] =	ssyncadd.s32 @!p2 $0xFFFFFF80  }
0x78: {  	_ =	swait.ge @!p2 [sflag:s11], $0x4000  }
0x79: {  	s0 =	simm.s32 @!p2 $0x3;
	[sflag:s11] =	ssyncset.done @!p2 $0x0  }
0x7a: {  	s4 =	simm.s32 @!p2 $0x80;
	s8 =	simm.s32 @!p2 $0x4100;
	[sflag:s11] =	ssyncadd.s32 @!p2 $0xFFFFC000  }
0x7b: {  	[spmem:s1] =	stream.indirect.scatter.add.f32 @!p2 [tilespmem:s8], [sflag:$0x3], $0x80, s4, s4, $0xb8;
	[tilespmem:$0x1B980] =	vst v63  }
0x7c: {  	p1 =	sge.u32 @!p2 s13, s6;
	_ =	swait.ge @!p2 [sflag:s0], $0x4000  }
0x7d: {  	p1 =	por p1, p2;
	[sflag:s0] =	ssyncset.done @!p2 $0x0  }
0x7e: {  	s4 =	simm.s32 @!p1 $0x0;
	s8 =	simm.s32 @!p1 $0x80;
	[sflag:s0] =	ssyncadd.s32 @!p2 $0xFFFFC000  }
0x7f: {  	[tilespmem:s8], [sflag:$0x2] =	stream.linear.gather @!p1 [hbm4b:s21+s4], $0x80, $0x38;
	[tilespmem:$0x1B980] =	vst v63  }
0x80: {  	s0 =	simm.s32 @!p1 $0x4100  }
0x81: {  	[tilespmem:s0], [sflag:$0x2] =	stream.linear.gather @!p1 [hbm4b:s15+s4], $0x4000, $0x38;
	[tilespmem:$0x1B980] =	vst v63  }
0x82: {  	[bflag:$0x0] =	sbarrier.arrive $0xFFFF  }
0x83: {  	s4 =	rddreg [dreg:$0xa]  }
0x84: {  	s8 =	rddreg [dreg:$0xb]  }
0x85: {  	s0 =	sadd.s32 @p0 s19, s4;
	s13 =	sshrl.u32 @p0 s8, $0x3  }
0x86: {  	[hbm:s0], [sflag:s22] =	dma.local @p0 [spmem:s13], $0x2700  }
0x87: {  	s0 =	simm.s32 @p0 $0x3  }
0x88: {  	_ =	swait.ge @p0 [sflag:s0], $0x2700  }
0x89: {  	[sflag:s0] =	ssyncset.done @p0 $0x0  }
0x8a: {  	[sflag:s0] =	ssyncadd.s32 @p0 $0xFFFFD900  }
0x8b: {  	[bflag:$0x0] =	sbarrier.arrive @p0 $0xFFFF  }
0x8c: {  	[spmem:s13], [sflag:s22] =	dma.local @p0 [hbm:s5], $0x2700  }
0x8d: {  	_ =	swait.ge @p0 [sflag:s0], $0x2700  }
0x8e: {  	[sflag:s0] =	ssyncset.done @p0 $0x0  }
0x8f: {  	[sflag:s0] =	ssyncadd.s32 @p0 $0xFFFFD900;
	s0 =	sadd.s32 @!p0 s30, s4  }
0x90: {  	[hbm:s0], [sflag:s22] =	dma.local @!p0 [spmem:s10], $0x2780  }
0x91: {  	s0 =	simm.s32 @!p0 $0x3  }
0x92: {  	_ =	swait.ge @!p0 [sflag:s0], $0x2780  }
0x93: {  	[sflag:s0] =	ssyncset.done @!p0 $0x0  }
0x94: {  	[sflag:s0] =	ssyncadd.s32 @!p0 $0xFFFFD880  }
0x95: {  	[bflag:$0x0] =	sbarrier.arrive @!p0 $0xFFFF  }
0x96: {  	[spmem:s10], [sflag:s22] =	dma.local @!p0 [hbm:s5], $0x2780  }
0x97: {  	_ =	swait.ge @!p0 [sflag:s0], $0x2780  }
0x98: {  	[sflag:s0] =	ssyncset.done @!p0 $0x0  }
0x99: {  	[sflag:s0] =	ssyncadd.s32 @!p0 $0xFFFFD880  }
0x9a: {  	[bflag:$0x0] =	sbarrier.arrive $0xFFFF  }
0x9b: {  	s12 =	rddreg [dreg:$0x4]  }
0x9c: {  	s14 =	rddreg [dreg:$0x5]  }
0x9d: {  	s15 =	rddreg [dreg:$0xe]  }
0x9e: {  	[tilespmem:s2], [sflag:$0x1] =	stream.linear.gather [hbm4b:s12+s2], $0x80, $0x38;
	[tilespmem:$0x1B980] =	vst v63  }
0x9f: {  	s16 =	simm.s32 $0x100;
	s17 =	rddreg [dreg:$0x8];
	s0 =	sadd.s32 s14, s15  }
0xa0: {  	[tilespmem:s16], [sflag:$0x1] =	stream.linear.gather [hbm4b:s0+s2], $0x4000, $0x38;
	[tilespmem:$0x1B980] =	vst v63  }
0xa1: {  	s18 =	simm.s32 $0x80;
	s21 =	rddreg [dreg:$0x7]  }
0xa2: {  	[tilespmem:s18], [sflag:$0x2] =	stream.linear.gather [hbm4b:s17+s2], $0x80, $0x38;
	[tilespmem:$0x1B980] =	vst v63  }
0xa3: {  	s24 =	simm.s32 $0x4100;
	p1 =	sle.u32 s6, $0x0;
	s0 =	sadd.s32 s21, s15  }
0xa4: {  	[tilespmem:s24], [sflag:$0x2] =	stream.linear.gather [hbm4b:s0+s2], $0x4000, $0x38;
	[tilespmem:$0x1B980] =	vst v63  }
0xa5: {  	s0 =	simm.s32 @!p1 $0x1  }
0xa6: {  	_ =	swait.ge @!p1 [sflag:s0], $0x80  }
0xa7: {  	[sflag:s0] =	ssyncset.done @!p1 $0x0  }
0xa8: {  	[sflag:s0] =	ssyncadd.s32 @!p1 $0xFFFFFF80  }
0xa9: {  	s11 =	simm.s32 @!p1 $0x80;
	p2 =	sle.u32 @!p1 s6, $0x2;
	_ =	swait.ge @!p1 [sflag:s0], $0x4000  }
0xaa: {  	p3 =	por p2, p1;
	s8 =	simm.s32 @!p1 $0x3;
	[sflag:s0] =	ssyncset.done @!p1 $0x0  }
0xab: {  	s4 =	simm.s32 @!p1 $0x100;
	s12 =	simm.s32 @!p1 $0x0;
	[sflag:s0] =	ssyncadd.s32 @!p1 $0xFFFFC000  }
0xac: {  	[spmem:s1] =	stream.indirect.scatter.add.f32 @!p1 [tilespmem:s4], [sflag:$0x3], $0x80, s12, s11, $0xb8;
	[tilespmem:$0x1B980] =	vst v63  }
0xad: {  	p2 =	sle.u32 s29, $0x0;
	s0 =	sshrl.u32 @!p3 s25, $0x3;
	_ =	swait.ge @!p1 [sflag:s8], $0x4000  }
0xae: {  	s0 =	sadd.s32 @!p3 s3, s0;
	s26 =	rddreg [dreg:$0x10];
	[sflag:s8] =	ssyncset.done @!p1 $0x0  }
0xaf: {  	s4 =	simm.s32 @!p3 $0x0;
	s31 =	sadd.s32 s15, s26;
	[sflag:s8] =	ssyncadd.s32 @!p1 $0xFFFFC000  }
0xb0: {  	[tilespmem:s4], [sflag:$0x1] =	stream.linear.gather @!p3 [hbm4b:s0+s4], $0x80, $0x38;
	[tilespmem:$0x1B980] =	vst v63  }
0xb1: {  	s12 =	simm.s32 @!p2 $0x2;
	s8 =	simm.s32 @!p3 $0x100;
	s0 =	sadd.s32 @!p3 $0xFFFF0000, s31  }
0xb2: {  	[tilespmem:s8], [sflag:$0x1] =	stream.linear.gather @!p3 [hbm4b:s0+s4], $0x4000, $0x38;
	[tilespmem:$0x1B980] =	vst v63  }
0xb3: {  	s28 =	sadd.s32 $0x400, s9;
	s14 =	simm.s32 @!p2 $0x4100;
	_ =	swait.ge @!p2 [sflag:s12], $0x80  }
0xb4: {  	s24 =	smov.u32 s9;
	s11 =	simm.s32 @!p2 $0x3;
	[sflag:s12] =	ssyncset.done @!p2 $0x0  }
0xb5: {  	s15 =	simm.s32 $0x5;
	p1 =	sle.u32 @!p2 s6, $0x3;
	[sflag:s12] =	ssyncadd.s32 @!p2 $0xFFFFFF80  }
0xb6: {  	s21 =	sadd.s32 $0x20000, s31;
	p4 =	por p1, p2;
	_ =	swait.ge @!p2 [sflag:s12], $0x4000  }
0xb7: {  	p1 =	sle.u32 s6, $0x2;
	s16 =	simm.s32 @!p4 $0x0;
	[sflag:s12] =	ssyncset.done @!p2 $0x0  }
0xb8: {  	s4 =	simm.s32 $0x7;
	s8 =	simm.s32 @!p2 $0x80;
	[sflag:s12] =	ssyncadd.s32 @!p2 $0xFFFFC000  }
0xb9: {  	[spmem:s1] =	stream.indirect.scatter.add.f32 @!p2 [tilespmem:s14], [sflag:$0x3], $0x80, s8, s8, $0xb8;
	[tilespmem:$0x1B980] =	vst v63  }
0xba: {  	s0 =	sadd.s32 $0x2000, s25;
	s14 =	simm.s32 $0x2;
	_ =	swait.ge @!p2 [sflag:s11], $0x4000  }
.LBB2_4:
0xbb: {  	[sflag:s11] =	ssyncset.done @!p2 $0x0;
	s8 =	simm.s32 @!p4 $0x80;
	s12 =	simm.s32 @!p4 $0x4100  }
0xbc: {  	[sflag:s11] =	ssyncadd.s32 @!p2 $0xFFFFC000;
	s11 =	smov.u32 s4;
	s4 =	sadd.s32 $0x2, s4  }
0xbd: {  	[tilespmem:s8], [sflag:$0x2] =	stream.linear.gather @!p4 [hbm4b:s24+s16], $0x80, $0x38;
	[tilespmem:$0x1B980] =	vst v63  }
0xbe: {  	p3 =	sne.s32 s4, $0x2B;
	s8 =	simm.s32 @!p1 $0x1;
	s24 =	smov.u32 s28  }
0xbf: {  	[tilespmem:s12], [sflag:$0x2] =	stream.linear.gather @!p4 [hbm4b:s31+s16], $0x4000, $0x38;
	[tilespmem:$0x1B980] =	vst v63  }
0xc0: {  	s31 =	smov.u32 s21;
	_ =	swait.ge @!p1 [sflag:s8], $0x80  }
0xc1: {  	s12 =	sadd.s32 @!p1 $0xFFFFFFFF, s15;
	[sflag:s8] =	ssyncset.done @!p1 $0x0  }
0xc2: {  	s17 =	simm.s32 @!p1 $0x3;
	s16 =	simm.s32 @!p1 $0x100;
	[sflag:s8] =	ssyncadd.s32 @!p1 $0xFFFFFF80  }
0xc3: {  	s26 =	simm.s32 @!p1 $0x80;
	s18 =	simm.s32 @!p1 $0x0;
	_ =	swait.ge @!p1 [sflag:s8], $0x4000  }
0xc4: {  	p2 =	sge.u32 @!p1 s12, s6;
	[sflag:s8] =	ssyncset.done @!p1 $0x0  }
0xc5: {  	p4 =	por p2, p1;
	[sflag:s8] =	ssyncadd.s32 @!p1 $0xFFFFC000  }
0xc6: {  	s8 =	sshrl.u32 @!p4 s0, $0x3  }
0xc7: {  	[spmem:s1] =	stream.indirect.scatter.add.f32 @!p1 [tilespmem:s16], [sflag:$0x3], $0x80, s18, s26, $0xb8;
	[tilespmem:$0x1B980] =	vst v63  }
0xc8: {  	s8 =	sadd.s32 @!p4 s3, s8;
	_ =	swait.ge @!p1 [sflag:s17], $0x4000  }
0xc9: {  	p2 =	sge.u32 s14, s29;
	s12 =	simm.s32 @!p4 $0x0;
	[sflag:s17] =	ssyncset.done @!p1 $0x0  }
0xca: {  	s14 =	sadd.s32 @!p4 $0xFFFF0000, s21;
	s16 =	simm.s32 @!p4 $0x100;
	[sflag:s17] =	ssyncadd.s32 @!p1 $0xFFFFC000  }
0xcb: {  	[tilespmem:s12], [sflag:$0x1] =	stream.linear.gather @!p4 [hbm4b:s8+s12], $0x80, $0x38;
	[tilespmem:$0x1B980] =	vst v63  }
0xcc: {  	p1 =	sge.u32 @!p2 s15, s6;
	s15 =	smov.u32 s11;
	s8 =	simm.s32 @!p2 $0x2  }
0xcd: {  	[tilespmem:s16], [sflag:$0x1] =	stream.linear.gather @!p4 [hbm4b:s14+s12], $0x4000, $0x38;
	[tilespmem:$0x1B980] =	vst v63  }
0xce: {  	_ =	swait.ge @!p2 [sflag:s8], $0x80  }
0xcf: {  	s0 =	sadd.s32 $0x2000, s0;
	[sflag:s8] =	ssyncset.done @!p2 $0x0  }
0xd0: {  	s11 =	simm.s32 @!p2 $0x3;
	s12 =	simm.s32 @!p2 $0x80;
	[sflag:s8] =	ssyncadd.s32 @!p2 $0xFFFFFF80  }
.Ltmp1:
0xd1: {  	s16 =	simm.s32 @!p2 $0x4100;
	_ =	swait.ge @!p2 [sflag:s8], $0x4000;
	(pc) =	sbr.rel @p3 .LBB2_4-.Ltmp1, $4  }
0xd2: {  	s28 =	sadd.s32 $0x400, s28;
	s21 =	sadd.s32 $0x20000, s21;
	[sflag:s8] =	ssyncset.done @!p2 $0x0  }
0xd3: {  	s14 =	sadd.s32 $0xFFFFFFFD, s15;
	p4 =	por p1, p2;
	[sflag:s8] =	ssyncadd.s32 @!p2 $0xFFFFC000  }
0xd4: {  	[spmem:s1] =	stream.indirect.scatter.add.f32 @!p2 [tilespmem:s16], [sflag:$0x3], $0x80, s12, s12, $0xb8;
	[tilespmem:$0x1B980] =	vst v63  }
0xd5: {  	p1 =	sge.u32 s14, s6;
	s16 =	simm.s32 @!p4 $0x0;
	_ =	swait.ge @!p2 [sflag:s11], $0x4000  }
0xd6: {  	[sflag:s11] =	ssyncset.done @!p2 $0x0  }
0xd7: {  	s4 =	simm.s32 @!p4 $0x80;
	[sflag:s11] =	ssyncadd.s32 @!p2 $0xFFFFC000  }
0xd8: {  	[tilespmem:s4], [sflag:$0x2] =	stream.linear.gather @!p4 [hbm4b:s24+s16], $0x80, $0x38;
	[tilespmem:$0x1B980] =	vst v63  }
0xd9: {  	s8 =	simm.s32 @!p1 $0x1;
	s4 =	simm.s32 @!p4 $0x4100  }
0xda: {  	[tilespmem:s4], [sflag:$0x2] =	stream.linear.gather @!p4 [hbm4b:s31+s16], $0x4000, $0x38;
	[tilespmem:$0x1B980] =	vst v63  }
0xdb: {  	_ =	swait.ge @!p1 [sflag:s8], $0x80  }
0xdc: {  	[sflag:s8] =	ssyncset.done @!p1 $0x0  }
0xdd: {  	[sflag:s8] =	ssyncadd.s32 @!p1 $0xFFFFFF80  }
0xde: {  	s12 =	simm.s32 @!p1 $0x3;
	s11 =	simm.s32 @!p1 $0x100;
	_ =	swait.ge @!p1 [sflag:s8], $0x4000  }
0xdf: {  	s4 =	sadd.s32 @!p1 $0xFFFFFFFF, s15;
	s16 =	simm.s32 @!p1 $0x80;
	[sflag:s8] =	ssyncset.done @!p1 $0x0  }
0xe0: {  	p2 =	sge.u32 @!p1 s4, s6;
	s4 =	simm.s32 @!p1 $0x0;
	[sflag:s8] =	ssyncadd.s32 @!p1 $0xFFFFC000  }
0xe1: {  	[spmem:s1] =	stream.indirect.scatter.add.f32 @!p1 [tilespmem:s11], [sflag:$0x3], $0x80, s4, s16, $0xb8;
	[tilespmem:$0x1B980] =	vst v63  }
0xe2: {  	p3 =	por p2, p1;
	_ =	swait.ge @!p1 [sflag:s12], $0x4000  }
0xe3: {  	p2 =	sge.u32 s14, s29;
	s0 =	sshrl.u32 @!p3 s0, $0x3;
	[sflag:s12] =	ssyncset.done @!p1 $0x0  }
0xe4: {  	s0 =	sadd.s32 @!p3 s3, s0;
	s4 =	simm.s32 @!p3 $0x0;
	[sflag:s12] =	ssyncadd.s32 @!p1 $0xFFFFC000  }
0xe5: {  	[tilespmem:s4], [sflag:$0x1] =	stream.linear.gather @!p3 [hbm4b:s0+s4], $0x80, $0x38;
	[tilespmem:$0x1B980] =	vst v63  }
0xe6: {  	s8 =	simm.s32 @!p3 $0x100;
	s11 =	simm.s32 @!p2 $0x2;
	s0 =	sadd.s32 @!p3 $0xFFFF0000, s21  }
0xe7: {  	[tilespmem:s8], [sflag:$0x1] =	stream.linear.gather @!p3 [hbm4b:s0+s4], $0x4000, $0x38;
	[tilespmem:$0x1B980] =	vst v63  }
0xe8: {  	_ =	swait.ge @!p2 [sflag:s11], $0x80  }
0xe9: {  	[sflag:s11] =	ssyncset.done @!p2 $0x0  }
0xea: {  	[sflag:s11] =	ssyncadd.s32 @!p2 $0xFFFFFF80  }
0xeb: {  	_ =	swait.ge @!p2 [sflag:s11], $0x4000  }
0xec: {  	s0 =	simm.s32 @!p2 $0x3;
	[sflag:s11] =	ssyncset.done @!p2 $0x0  }
0xed: {  	s4 =	simm.s32 @!p2 $0x80;
	s8 =	simm.s32 @!p2 $0x4100;
	[sflag:s11] =	ssyncadd.s32 @!p2 $0xFFFFC000  }
0xee: {  	[spmem:s1] =	stream.indirect.scatter.add.f32 @!p2 [tilespmem:s8], [sflag:$0x3], $0x80, s4, s4, $0xb8;
	[tilespmem:$0x1B980] =	vst v63  }
0xef: {  	p1 =	sge.u32 @!p2 s15, s6;
	_ =	swait.ge @!p2 [sflag:s0], $0x4000  }
0xf0: {  	p1 =	por p1, p2;
	[sflag:s0] =	ssyncset.done @!p2 $0x0  }
0xf1: {  	s4 =	simm.s32 @!p1 $0x0;
	s8 =	simm.s32 @!p1 $0x80;
	[sflag:s0] =	ssyncadd.s32 @!p2 $0xFFFFC000  }
0xf2: {  	[tilespmem:s8], [sflag:$0x2] =	stream.linear.gather @!p1 [hbm4b:s28+s4], $0x80, $0x38;
	[tilespmem:$0x1B980] =	vst v63  }
0xf3: {  	s0 =	simm.s32 @!p1 $0x4100  }
0xf4: {  	[tilespmem:s0], [sflag:$0x2] =	stream.linear.gather @!p1 [hbm4b:s21+s4], $0x4000, $0x38;
	[tilespmem:$0x1B980] =	vst v63  }
0xf5: {  	[bflag:$0x0] =	sbarrier.arrive $0xFFFF  }
0xf6: {  	s4 =	rddreg [dreg:$0xc]  }
0xf7: {  	s0 =	sadd.s32 @p0 s19, s4  }
0xf8: {  	[hbm:s0], [sflag:s22] =	dma.local @p0 [spmem:s13], $0x2700  }
0xf9: {  	s0 =	simm.s32 @p0 $0x3  }
0xfa: {  	_ =	swait.ge @p0 [sflag:s0], $0x2700  }
0xfb: {  	[sflag:s0] =	ssyncset.done @p0 $0x0  }
0xfc: {  	[sflag:s0] =	ssyncadd.s32 @p0 $0xFFFFD900  }
0xfd: {  	[bflag:$0x0] =	sbarrier.arrive @p0 $0xFFFF  }
0xfe: {  	[spmem:s13], [sflag:s22] =	dma.local @p0 [hbm:s5], $0x2700  }
0xff: {  	_ =	swait.ge @p0 [sflag:s0], $0x2700  }
0x100: {  	[sflag:s0] =	ssyncset.done @p0 $0x0  }
0x101: {  	[sflag:s0] =	ssyncadd.s32 @p0 $0xFFFFD900;
	s0 =	sadd.s32 @!p0 s30, s4  }
0x102: {  	[hbm:s0], [sflag:s22] =	dma.local @!p0 [spmem:s10], $0x2780  }
0x103: {  	s0 =	simm.s32 @!p0 $0x3  }
0x104: {  	_ =	swait.ge @!p0 [sflag:s0], $0x2780  }
0x105: {  	[sflag:s0] =	ssyncset.done @!p0 $0x0  }
0x106: {  	[sflag:s0] =	ssyncadd.s32 @!p0 $0xFFFFD880  }
0x107: {  	[bflag:$0x0] =	sbarrier.arrive @!p0 $0xFFFF  }
0x108: {  	[spmem:s10], [sflag:s22] =	dma.local @!p0 [hbm:s5], $0x2780  }
0x109: {  	_ =	swait.ge @!p0 [sflag:s0], $0x2780  }
0x10a: {  	[sflag:s0] =	ssyncset.done @!p0 $0x0  }
0x10b: {  	[sflag:s0] =	ssyncadd.s32 @!p0 $0xFFFFD880  }
0x10c: {  	[bflag:$0x0] =	sbarrier.arrive $0xFFFF  }
0x10d: {  	s14 =	rddreg [dreg:$0x4]  }
0x10e: {  	s15 =	rddreg [dreg:$0x5]  }
0x10f: {  	[tilespmem:s2], [sflag:$0x1] =	stream.linear.gather [hbm4b:s14+s2], $0x80, $0x38;
	[tilespmem:$0x1B980] =	vst v63  }
0x110: {  	s16 =	simm.s32 $0x100;
	s17 =	rddreg [dreg:$0x8];
	s0 =	sadd.s32 s15, s20  }
0x111: {  	[tilespmem:s16], [sflag:$0x1] =	stream.linear.gather [hbm4b:s0+s2], $0x4000, $0x38;
	[tilespmem:$0x1B980] =	vst v63  }
0x112: {  	s18 =	simm.s32 $0x80;
	s21 =	rddreg [dreg:$0x7]  }
0x113: {  	[tilespmem:s18], [sflag:$0x2] =	stream.linear.gather [hbm4b:s17+s2], $0x80, $0x38;
	[tilespmem:$0x1B980] =	vst v63  }
0x114: {  	s24 =	simm.s32 $0x4100;
	p1 =	sle.u32 s6, $0x0;
	s0 =	sadd.s32 s21, s20  }
0x115: {  	[tilespmem:s24], [sflag:$0x2] =	stream.linear.gather [hbm4b:s0+s2], $0x4000, $0x38;
	[tilespmem:$0x1B980] =	vst v63  }
0x116: {  	s0 =	simm.s32 @!p1 $0x1  }
0x117: {  	_ =	swait.ge @!p1 [sflag:s0], $0x80  }
0x118: {  	[sflag:s0] =	ssyncset.done @!p1 $0x0  }
0x119: {  	[sflag:s0] =	ssyncadd.s32 @!p1 $0xFFFFFF80  }
0x11a: {  	s8 =	simm.s32 @!p1 $0x3;
	s11 =	simm.s32 @!p1 $0x80;
	_ =	swait.ge @!p1 [sflag:s0], $0x4000  }
0x11b: {  	p2 =	sle.u32 @!p1 s6, $0x2;
	s12 =	simm.s32 @!p1 $0x0;
	[sflag:s0] =	ssyncset.done @!p1 $0x0  }
0x11c: {  	p3 =	por p2, p1;
	s4 =	simm.s32 @!p1 $0x100;
	[sflag:s0] =	ssyncadd.s32 @!p1 $0xFFFFC000  }
0x11d: {  	[spmem:s1] =	stream.indirect.scatter.add.f32 @!p1 [tilespmem:s4], [sflag:$0x3], $0x80, s12, s11, $0xb8;
	[tilespmem:$0x1B980] =	vst v63  }
0x11e: {  	p2 =	sle.u32 s29, $0x0;
	s0 =	sshrl.u32 @!p3 s25, $0x3;
	_ =	swait.ge @!p1 [sflag:s8], $0x4000  }
0x11f: {  	s0 =	sadd.s32 @!p3 s3, s0;
	s26 =	rddreg [dreg:$0x10];
	[sflag:s8] =	ssyncset.done @!p1 $0x0  }
0x120: {  	s4 =	simm.s32 @!p3 $0x0;
	s31 =	sadd.s32 s20, s26;
	[sflag:s8] =	ssyncadd.s32 @!p1 $0xFFFFC000  }
0x121: {  	[tilespmem:s4], [sflag:$0x1] =	stream.linear.gather @!p3 [hbm4b:s0+s4], $0x80, $0x38;
	[tilespmem:$0x1B980] =	vst v63  }
0x122: {  	s12 =	simm.s32 @!p2 $0x2;
	s8 =	simm.s32 @!p3 $0x100;
	s0 =	sadd.s32 @!p3 $0xFFFF0000, s31  }
0x123: {  	[tilespmem:s8], [sflag:$0x1] =	stream.linear.gather @!p3 [hbm4b:s0+s4], $0x4000, $0x38;
	[tilespmem:$0x1B980] =	vst v63  }
0x124: {  	s28 =	sadd.s32 $0x400, s9;
	s15 =	simm.s32 $0x5;
	_ =	swait.ge @!p2 [sflag:s12], $0x80  }
0x125: {  	s14 =	simm.s32 @!p2 $0x4100;
	s24 =	smov.u32 s9;
	[sflag:s12] =	ssyncset.done @!p2 $0x0  }
0x126: {  	s11 =	simm.s32 @!p2 $0x3;
	p1 =	sle.u32 @!p2 s6, $0x3;
	[sflag:s12] =	ssyncadd.s32 @!p2 $0xFFFFFF80  }
0x127: {  	s21 =	sadd.s32 $0x20000, s31;
	p4 =	por p1, p2;
	_ =	swait.ge @!p2 [sflag:s12], $0x4000  }
0x128: {  	p1 =	sle.u32 s6, $0x2;
	s16 =	simm.s32 @!p4 $0x0;
	[sflag:s12] =	ssyncset.done @!p2 $0x0  }
0x129: {  	s4 =	simm.s32 $0x7;
	s8 =	simm.s32 @!p2 $0x80;
	[sflag:s12] =	ssyncadd.s32 @!p2 $0xFFFFC000  }
0x12a: {  	[spmem:s1] =	stream.indirect.scatter.add.f32 @!p2 [tilespmem:s14], [sflag:$0x3], $0x80, s8, s8, $0xb8;
	[tilespmem:$0x1B980] =	vst v63  }
0x12b: {  	s0 =	sadd.s32 $0x2000, s25;
	s14 =	simm.s32 $0x2;
	_ =	swait.ge @!p2 [sflag:s11], $0x4000  }
.LBB2_6:
0x12c: {  	[sflag:s11] =	ssyncset.done @!p2 $0x0;
	s8 =	simm.s32 @!p4 $0x80;
	s12 =	simm.s32 @!p4 $0x4100  }
0x12d: {  	[sflag:s11] =	ssyncadd.s32 @!p2 $0xFFFFC000;
	s11 =	smov.u32 s4;
	s4 =	sadd.s32 $0x2, s4  }
0x12e: {  	[tilespmem:s8], [sflag:$0x2] =	stream.linear.gather @!p4 [hbm4b:s24+s16], $0x80, $0x38;
	[tilespmem:$0x1B980] =	vst v63  }
0x12f: {  	p3 =	sne.s32 s4, $0x2B;
	s8 =	simm.s32 @!p1 $0x1;
	s24 =	smov.u32 s28  }
0x130: {  	[tilespmem:s12], [sflag:$0x2] =	stream.linear.gather @!p4 [hbm4b:s31+s16], $0x4000, $0x38;
	[tilespmem:$0x1B980] =	vst v63  }
0x131: {  	s31 =	smov.u32 s21;
	_ =	swait.ge @!p1 [sflag:s8], $0x80  }
0x132: {  	s12 =	sadd.s32 @!p1 $0xFFFFFFFF, s15;
	[sflag:s8] =	ssyncset.done @!p1 $0x0  }
0x133: {  	s17 =	simm.s32 @!p1 $0x3;
	s16 =	simm.s32 @!p1 $0x100;
	[sflag:s8] =	ssyncadd.s32 @!p1 $0xFFFFFF80  }
0x134: {  	s18 =	simm.s32 @!p1 $0x80;
	s26 =	simm.s32 @!p1 $0x0;
	_ =	swait.ge @!p1 [sflag:s8], $0x4000  }
0x135: {  	p2 =	sge.u32 @!p1 s12, s6;
	[sflag:s8] =	ssyncset.done @!p1 $0x0  }
0x136: {  	p4 =	por p2, p1;
	[sflag:s8] =	ssyncadd.s32 @!p1 $0xFFFFC000  }
0x137: {  	s8 =	sshrl.u32 @!p4 s0, $0x3  }
0x138: {  	[spmem:s1] =	stream.indirect.scatter.add.f32 @!p1 [tilespmem:s16], [sflag:$0x3], $0x80, s26, s18, $0xb8;
	[tilespmem:$0x1B980] =	vst v63  }
0x139: {  	s8 =	sadd.s32 @!p4 s3, s8;
	_ =	swait.ge @!p1 [sflag:s17], $0x4000  }
0x13a: {  	p2 =	sge.u32 s14, s29;
	s12 =	simm.s32 @!p4 $0x0;
	[sflag:s17] =	ssyncset.done @!p1 $0x0  }
0x13b: {  	s14 =	sadd.s32 @!p4 $0xFFFF0000, s21;
	s16 =	simm.s32 @!p4 $0x100;
	[sflag:s17] =	ssyncadd.s32 @!p1 $0xFFFFC000  }
0x13c: {  	[tilespmem:s12], [sflag:$0x1] =	stream.linear.gather @!p4 [hbm4b:s8+s12], $0x80, $0x38;
	[tilespmem:$0x1B980] =	vst v63  }
0x13d: {  	p1 =	sge.u32 @!p2 s15, s6;
	s15 =	smov.u32 s11;
	s8 =	simm.s32 @!p2 $0x2  }
0x13e: {  	[tilespmem:s16], [sflag:$0x1] =	stream.linear.gather @!p4 [hbm4b:s14+s12], $0x4000, $0x38;
	[tilespmem:$0x1B980] =	vst v63  }
0x13f: {  	_ =	swait.ge @!p2 [sflag:s8], $0x80  }
0x140: {  	s0 =	sadd.s32 $0x2000, s0;
	[sflag:s8] =	ssyncset.done @!p2 $0x0  }
0x141: {  	s11 =	simm.s32 @!p2 $0x3;
	s12 =	simm.s32 @!p2 $0x80;
	[sflag:s8] =	ssyncadd.s32 @!p2 $0xFFFFFF80  }
.Ltmp2:
0x142: {  	s16 =	simm.s32 @!p2 $0x4100;
	_ =	swait.ge @!p2 [sflag:s8], $0x4000;
	(pc) =	sbr.rel @p3 .LBB2_6-.Ltmp2, $4  }
0x143: {  	s28 =	sadd.s32 $0x400, s28;
	s21 =	sadd.s32 $0x20000, s21;
	[sflag:s8] =	ssyncset.done @!p2 $0x0  }
0x144: {  	s14 =	sadd.s32 $0xFFFFFFFD, s15;
	p4 =	por p1, p2;
	[sflag:s8] =	ssyncadd.s32 @!p2 $0xFFFFC000  }
0x145: {  	[spmem:s1] =	stream.indirect.scatter.add.f32 @!p2 [tilespmem:s16], [sflag:$0x3], $0x80, s12, s12, $0xb8;
	[tilespmem:$0x1B980] =	vst v63  }
0x146: {  	p1 =	sge.u32 s14, s6;
	s16 =	simm.s32 @!p4 $0x0;
	_ =	swait.ge @!p2 [sflag:s11], $0x4000  }
0x147: {  	[sflag:s11] =	ssyncset.done @!p2 $0x0  }
0x148: {  	s4 =	simm.s32 @!p4 $0x80;
	[sflag:s11] =	ssyncadd.s32 @!p2 $0xFFFFC000  }
0x149: {  	[tilespmem:s4], [sflag:$0x2] =	stream.linear.gather @!p4 [hbm4b:s24+s16], $0x80, $0x38;
	[tilespmem:$0x1B980] =	vst v63  }
0x14a: {  	s8 =	simm.s32 @!p1 $0x1;
	s4 =	simm.s32 @!p4 $0x4100  }
0x14b: {  	[tilespmem:s4], [sflag:$0x2] =	stream.linear.gather @!p4 [hbm4b:s31+s16], $0x4000, $0x38;
	[tilespmem:$0x1B980] =	vst v63  }
0x14c: {  	_ =	swait.ge @!p1 [sflag:s8], $0x80  }
0x14d: {  	[sflag:s8] =	ssyncset.done @!p1 $0x0  }
0x14e: {  	[sflag:s8] =	ssyncadd.s32 @!p1 $0xFFFFFF80  }
0x14f: {  	s12 =	simm.s32 @!p1 $0x3;
	s11 =	simm.s32 @!p1 $0x100;
	_ =	swait.ge @!p1 [sflag:s8], $0x4000  }
0x150: {  	s4 =	sadd.s32 @!p1 $0xFFFFFFFF, s15;
	s16 =	simm.s32 @!p1 $0x80;
	[sflag:s8] =	ssyncset.done @!p1 $0x0  }
0x151: {  	p2 =	sge.u32 @!p1 s4, s6;
	s4 =	simm.s32 @!p1 $0x0;
	[sflag:s8] =	ssyncadd.s32 @!p1 $0xFFFFC000  }
0x152: {  	[spmem:s1] =	stream.indirect.scatter.add.f32 @!p1 [tilespmem:s11], [sflag:$0x3], $0x80, s4, s16, $0xb8;
	[tilespmem:$0x1B980] =	vst v63  }
0x153: {  	p3 =	por p2, p1;
	_ =	swait.ge @!p1 [sflag:s12], $0x4000  }
0x154: {  	p2 =	sge.u32 s14, s29;
	s0 =	sshrl.u32 @!p3 s0, $0x3;
	[sflag:s12] =	ssyncset.done @!p1 $0x0  }
0x155: {  	s0 =	sadd.s32 @!p3 s3, s0;
	s4 =	simm.s32 @!p3 $0x0;
	[sflag:s12] =	ssyncadd.s32 @!p1 $0xFFFFC000  }
0x156: {  	[tilespmem:s4], [sflag:$0x1] =	stream.linear.gather @!p3 [hbm4b:s0+s4], $0x80, $0x38;
	[tilespmem:$0x1B980] =	vst v63  }
0x157: {  	s8 =	simm.s32 @!p3 $0x100;
	s11 =	simm.s32 @!p2 $0x2;
	s0 =	sadd.s32 @!p3 $0xFFFF0000, s21  }
0x158: {  	[tilespmem:s8], [sflag:$0x1] =	stream.linear.gather @!p3 [hbm4b:s0+s4], $0x4000, $0x38;
	[tilespmem:$0x1B980] =	vst v63  }
0x159: {  	_ =	swait.ge @!p2 [sflag:s11], $0x80  }
0x15a: {  	[sflag:s11] =	ssyncset.done @!p2 $0x0  }
0x15b: {  	[sflag:s11] =	ssyncadd.s32 @!p2 $0xFFFFFF80  }
0x15c: {  	_ =	swait.ge @!p2 [sflag:s11], $0x4000  }
0x15d: {  	s0 =	simm.s32 @!p2 $0x3;
	[sflag:s11] =	ssyncset.done @!p2 $0x0  }
0x15e: {  	s4 =	simm.s32 @!p2 $0x80;
	s8 =	simm.s32 @!p2 $0x4100;
	[sflag:s11] =	ssyncadd.s32 @!p2 $0xFFFFC000  }
0x15f: {  	[spmem:s1] =	stream.indirect.scatter.add.f32 @!p2 [tilespmem:s8], [sflag:$0x3], $0x80, s4, s4, $0xb8;
	[tilespmem:$0x1B980] =	vst v63  }
0x160: {  	p1 =	sge.u32 @!p2 s15, s6;
	_ =	swait.ge @!p2 [sflag:s0], $0x4000  }
0x161: {  	p1 =	por p1, p2;
	[sflag:s0] =	ssyncset.done @!p2 $0x0  }
0x162: {  	s4 =	simm.s32 @!p1 $0x0;
	s8 =	simm.s32 @!p1 $0x80;
	[sflag:s0] =	ssyncadd.s32 @!p2 $0xFFFFC000  }
0x163: {  	[tilespmem:s8], [sflag:$0x2] =	stream.linear.gather @!p1 [hbm4b:s28+s4], $0x80, $0x38;
	[tilespmem:$0x1B980] =	vst v63  }
0x164: {  	s0 =	simm.s32 @!p1 $0x4100  }
0x165: {  	[tilespmem:s0], [sflag:$0x2] =	stream.linear.gather @!p1 [hbm4b:s21+s4], $0x4000, $0x38;
	[tilespmem:$0x1B980] =	vst v63  }
0x166: {  	[bflag:$0x0] =	sbarrier.arrive $0xFFFF  }
0x167: {  	s4 =	rddreg [dreg:$0xd]  }
0x168: {  	s0 =	sadd.s32 @p0 s19, s4  }
0x169: {  	[hbm:s0], [sflag:s22] =	dma.local @p0 [spmem:s13], $0x2700  }
0x16a: {  	s0 =	simm.s32 @p0 $0x3  }
0x16b: {  	_ =	swait.ge @p0 [sflag:s0], $0x2700  }
0x16c: {  	[sflag:s0] =	ssyncset.done @p0 $0x0  }
0x16d: {  	[sflag:s0] =	ssyncadd.s32 @p0 $0xFFFFD900;
	s0 =	sadd.s32 @!p0 s30, s4  }
0x16e: {  	[hbm:s0], [sflag:s22] =	dma.local @!p0 [spmem:s10], $0x2780  }
0x16f: {  	s0 =	simm.s32 @!p0 $0x3  }
0x170: {  	_ =	swait.ge @!p0 [sflag:s0], $0x2780  }
0x171: {  	s7 =	sadd.s32 $0x1, s7;
	s31 =	rddreg [dreg:$0xf]  }
0x172: {  	p1 =	sne.s32 s7, s31  }
.Ltmp3:
0x173: {  	_ = 	snop;
	(pc) =	sbr.rel @p1 .LBB2_1-.Ltmp3, $3  }
0x174: {  	[sflag:s0] =	ssyncset.done @!p0 $0x0  }
0x175: {  	[sflag:s0] =	ssyncadd.s32 @!p0 $0xFFFFD880  }
0x176: {  	[bflag:$0x0] =	sbarrier.arrive $0xFFFF;
	_ =	sdelay $0x1  }
0x177: {  	_ =	sfence.sel $0x180000  }
0x178: {  	[bflag:$0x0] =	sbarrier.arrive $0xFFFF  }
0x179: {  	_ =	strace $0x9000004A  }
0x17a: {  	s0 =	stileid.u32;
	[bflag:$0x2] =	sbarrier.arrive $0xFFFF  }
0x17b: {  	p0 =	sne.s32 s0, $0x0;
	s0 =	rddreg [dreg:$0x2]  }
0x17c: {  	s0 =	sadd.s32 @!p0 $0x100000, s0  }
0x17d: {  	[sflag:s0] =	ssyncadd.tile.s32 @!p0 $0x1;
	_ =	shalt  }
.Lfunc_end2:
_tile_overlayer_lowered:
.L_overlay_start_2:
0x17e: {  	(tag) =	ssettag $0x2  }
0x17f: {  	s0 =	rddreg [dreg:$0x0];
	s2 =	stileid.u32  }
0x180: {  	s1 =	rddreg [dreg:$0x1];
	p0 =	sne.s32 s2, $0x0  }
0x181: {  	s3 =	rddreg [dreg:$0x2];
	[bflag:$0x3] =	sbarrier.arrive $0xFFFF;
	s2 =	simm.s32 @!p0 $0x1C03  }
0x182: {  	[timem:s3], [sflag:s2] =	dma.local @!p0 [hbm:s0], s1  }
0x183: {  	s0 =	simm.s32 @!p0 $0x3  }
0x184: {  	_ =	swait.ge @!p0 [sflag:s0], s1  }
0x185: {  	s1 =	ssub.s32 @!p0 $0x0, s1;
	[sflag:s0] =	ssyncset.done @!p0 $0x0  }
0x186: {  	[sflag:s0] =	ssyncadd.s32 @!p0 s1  }
0x187: {  	[bflag:$0x3] =	sbarrier.arrive $0xFFFF  }
0x188: {  	_ =	shalt  }

// kernel: kernel.7.cloned.1.call-start
scs
__scs_entry_jumppad:
0x0: {  	(pc) =	sbr.rel $0x88, $3  }
0x1: {  	(tag) =	ssettag $0x0;
	lr =	simm.s32 $0x1  }
0x2: {  	[smem:$0x3F91] =	sst lr;
	_ =	strace $0xD0000000  }
0x3: {  	_ = 	snop  }
0x4: {  	_ = 	snop  }
0x5: {  	_ = 	snop  }
0x6: {  	_ = 	snop  }
0x7: {  	_ = 	snop  }
__scs_overlays_trampoline_lowered:
0x8: {  	[smem:$0x3FA0] =	sst s0  }
0x9: {  	[smem:$0x3FA1] =	sst s1  }
0xa: {  	[smem:$0x3FA2] =	sst s2  }
0xb: {  	[smem:$0x3FA3] =	sst s3  }
0xc: {  	[smem:$0x3FA4] =	sst s4  }
0xd: {  	[smem:$0x3FA5] =	sst s5  }
0xe: {  	[smem:$0x3FA6] =	sst s6  }
0xf: {  	[smem:$0x3FA7] =	sst s7  }
0x10: {  	[smem:$0x3FA8] =	sst s8  }
0x11: {  	[smem:$0x3FA9] =	sst s9;
	s0 =	simm.s32 @!p0 $0x0  }
0x12: {  	s1 =	sld [smem:$0x3F8F];
	s0 =	simm.s32 @p0 $0x1  }
0x13: {  	[smem:$0x3FAA] =	sst s0;
	s0 =	simm.s32 @!p1 $0x0  }
0x14: {  	s2 =	sld [smem:$0x3F8E];
	s0 =	simm.s32 @p1 $0x1  }
0x15: {  	[smem:$0x3FAB] =	sst s0;
	s0 =	simm.s32 @!p2 $0x0  }
0x16: {  	s3 =	sld [smem:$0x3FDB];
	s0 =	simm.s32 @p2 $0x1  }
0x17: {  	s4 =	simm.s32 $0x1BF5;
	[smem:$0x3FAD] =	sst s0  }
0x18: {  	s0 =	sld [smem:$0x3F90];
	_ =	swait.ge [sflag:s4], $0x0  }
0x19: {  	s7 =	sld [smem:$0x3F91]  }
0x1a: {  	s8 =	sadd.s32 $0xFFFFE003, lr  }
0x1b: {  	s9 =	sadd.s32 $0xFFFFFEF7, lr;
	s5 =	simm.s32 $0xFFFFFFFF;
	p2 =	slt.u32 s8, $0xFFFFF086  }
0x1c: {  	p1 =	slt.u32 s9, $0xF7A;
	s5 =	simm.s32 @!p2 $0x0  }
0x1d: {  	s5 =	simm.s32 @p1 $0x1;
	p0 =	seq.s32 s7, s2  }
0x1e: {  	s7 =	smul.u32 @!p0 $0xF7A, s2;
	p2 =	seq.s32 @!p0 s5, $0x0  }
0x1f: {  	s9 =	smul.u32 $0xF7A, s1;
	s8 =	simm.s32 @!p0 $0x1BF5;
	p2 =	por !p2, p0  }
0x20: {  	[sflag:s8] =	ssyncset.s32 @!p0 $0xFFFFF086;
	s6 =	sadd.s32 @!p0 s3, s7;
	s7 =	simm.s32 @!p0 $0x108  }
0x21: {  	s3 =	sadd.s32 s3, s9;
	s6 =	sadd.s32 @!p0 $0x88, s6;
	s7 =	simm.s32 @p2 $0x1082  }
0x22: {  	[simem:s7], [sflag:s8] =	dma.local @!p0 [hbm:s6], $0xF7A  }
0x23: {  	s9 =	sor.u32 $0xD0000000, s2;
	s6 =	simm.s32 $0x108;
	_ =	swait.ge @!p0 [sflag:s8], $0x0  }
0x24: {  	s3 =	sadd.s32 $0x88, s3;
	s6 =	simm.s32 @!p1 $0x1082;
	[sflag:s4] =	ssyncset.s32 $0xFFFFF086  }
0x25: {  	[simem:s6], [sflag:s4] =	dma.local [hbm:s3], $0xF7A  }
0x26: {  	[smem:$0x3F91] =	sst s1;
	(tag) =	ssettag s2;
	_ =	strace s9  }
0x27: {  	s1 =	sld [smem:$0x3FA1]  }
0x28: {  	s2 =	sld [smem:$0x3FA2]  }
0x29: {  	s4 =	sld [smem:$0x3FA4]  }
0x2a: {  	p0 =	seq.s32 s5, $0x0;
	s5 =	sld [smem:$0x3FA5]  }
0x2b: {  	s6 =	sld [smem:$0x3FA6]  }
0x2c: {  	s7 =	sld [smem:$0x3FA7]  }
0x2d: {  	s3 =	simm.s32 $0x108;
	s8 =	sld [smem:$0x3FA8]  }
0x2e: {  	s3 =	simm.s32 @!p0 $0x1082;
	s9 =	sld [smem:$0x3FA9]  }
0x2f: {  	lr =	sadd.s32 s0, s3;
	s0 =	sld [smem:$0x3FA0]  }
0x30: {  	s3 =	sld [smem:$0x3FA3]  }
0x31: {  	[smem:$0x3FAC] =	sst s10  }
0x32: {  	s10 =	sld [smem:$0x3FAA];
	_ =	sdelay $0x3  }
0x33: {  	p0 =	seq.s32 s10, $0x1;
	s10 =	sld [smem:$0x3FAC];
	_ =	sdelay $0x3  }
0x34: {  	[smem:$0x3FAC] =	sst s10  }
0x35: {  	s10 =	sld [smem:$0x3FAB];
	_ =	sdelay $0x3  }
0x36: {  	p1 =	seq.s32 s10, $0x1;
	s10 =	sld [smem:$0x3FAC];
	_ =	sdelay $0x3  }
0x37: {  	[smem:$0x3FAC] =	sst s10  }
0x38: {  	s10 =	sld [smem:$0x3FAD]  }
0x39: {  	_ = 	snop;
	(pc) =	sbr.ind lr, $3  }
0x3a: {  	_ = 	snop  }
0x3b: {  	_ = 	snop  }
0x3c: {  	p2 =	seq.s32 s10, $0x1;
	s10 =	sld [smem:$0x3FAC]  }
0x3d: {  	_ =	shalt  }
0x3e: {  	_ =	shalt  }
0x3f: {  	_ =	shalt  }
0x40: {  	_ =	shalt  }
0x41: {  	_ =	shalt  }
0x42: {  	_ =	shalt  }
0x43: {  	_ =	shalt  }
0x44: {  	_ =	shalt  }
0x45: {  	_ =	shalt  }
0x46: {  	_ =	shalt  }
0x47: {  	_ =	shalt  }
0x48: {  	_ =	shalt  }
0x49: {  	_ =	shalt  }
0x4a: {  	_ =	shalt  }
0x4b: {  	_ =	shalt  }
0x4c: {  	_ =	shalt  }
0x4d: {  	_ =	shalt  }
0x4e: {  	_ =	shalt  }
0x4f: {  	_ =	shalt  }
0x50: {  	_ =	shalt  }
0x51: {  	_ =	shalt  }
0x52: {  	_ =	shalt  }
0x53: {  	_ =	shalt  }
0x54: {  	_ =	shalt  }
0x55: {  	_ =	shalt  }
0x56: {  	_ =	shalt  }
0x57: {  	_ =	shalt  }
0x58: {  	_ =	shalt  }
0x59: {  	_ =	shalt  }
0x5a: {  	_ =	shalt  }
0x5b: {  	_ =	shalt  }
0x5c: {  	_ =	shalt  }
0x5d: {  	_ =	shalt  }
0x5e: {  	_ =	shalt  }
0x5f: {  	_ =	shalt  }
0x60: {  	_ =	shalt  }
0x61: {  	_ =	shalt  }
0x62: {  	_ =	shalt  }
0x63: {  	_ =	shalt  }
0x64: {  	_ =	shalt  }
0x65: {  	_ =	shalt  }
0x66: {  	_ =	shalt  }
0x67: {  	_ =	shalt  }
0x68: {  	_ =	shalt  }
0x69: {  	_ =	shalt  }
0x6a: {  	_ =	shalt  }
0x6b: {  	_ =	shalt  }
0x6c: {  	_ =	shalt  }
0x6d: {  	_ =	shalt  }
0x6e: {  	_ =	shalt  }
0x6f: {  	_ =	shalt  }
0x70: {  	_ =	shalt  }
0x71: {  	_ =	shalt  }
0x72: {  	_ =	shalt  }
0x73: {  	_ =	shalt  }
0x74: {  	_ =	shalt  }
0x75: {  	_ =	shalt  }
0x76: {  	_ =	shalt  }
0x77: {  	_ =	shalt  }
0x78: {  	_ =	shalt  }
0x79: {  	_ =	shalt  }
0x7a: {  	_ =	shalt  }
0x7b: {  	_ =	shalt  }
0x7c: {  	_ =	shalt  }
0x7d: {  	_ =	shalt  }
0x7e: {  	_ =	shalt  }
0x7f: {  	_ =	shalt  }
0x80: {  	_ =	shalt  }
0x81: {  	_ =	shalt  }
0x82: {  	_ =	shalt  }
0x83: {  	_ =	shalt  }
0x84: {  	_ =	shalt  }
0x85: {  	_ =	shalt  }
0x86: {  	_ =	shalt  }
0x87: {  	_ =	shalt  }
.Lfunc_end0:
.L_simem_size_0:
called_computation_lowered:
.L_overlay_start_0:
0x88: {  	s2 =	sld [smem:$0x3FD9]  }
0x89: {  	s3 =	sld [smem:$0x3FFE];
	_ =	sdelay $0x1  }
0x8a: {  	s1 =	srdreg.scid  }
0x8b: {  	s0 =	sand.u32 $0x1, s1  }
0x8c: {  	s17 =	sshll.u32 s0, $0xA;
	s2 =	sadd.s32 s3, s2  }
0x8d: {  	s2 =	sadd.s32 s2, s17  }
0x8e: {  	[smem:$0x3FB8] =	sst s2  }
0x8f: {  	_ = 	snop  }
0x90: {  	s2 =	sld [smem:$0x3FC7];
	(tm) =	ssettm $0x1  }
0x91: {  	s18 =	sld [smem:$0x3FFB];
	_ =	sdelay $0x3  }
0x92: {  	_ =	strace s18  }
0x93: {  	s3 =	sld [smem:$0x3FFC];
	_ =	sdelay $0x3  }
0x94: {  	_ =	strace s3  }
0x95: {  	s3 =	sld [smem:$0x3FFD];
	_ =	sdelay $0x3  }
0x96: {  	_ =	strace s3  }
0x97: {  	_ =	strace $0x8FFFFFFF  }
0x98: {  	s19 =	sld [smem:$0x3FDB];
	_ =	sdelay $0x1  }
0x99: {  	s4 =	simm.s32 $_scs_section_size  }
0x9a: {  	s5 =	simm.s32 $_size__tile_overlayer_lowered;
	s6 =	simm.s32 $_tile_overlayer_lowered  }
0x9b: {  	s22 =	simm.s32 $0x1BFF;
	s21 =	sshll.u32 s6, $0x1;
	s3 =	sadd.s32 s4, s19  }
0x9c: {  	s7 =	simm.s32 $0x0;
	s20 =	sshll.u32 s5, $0x1;
	s5 =	sadd.s32 s21, s3  }
0x9d: {  	[timem:s7], [sflag:s22] =	dma.local [hbm:s5], s20  }
0x9e: {  	_ =	swait.ge [sflag:s22], s20  }
0x9f: {  	s4 =	ssub.s32 $0x0, s20;
	[sflag:s22] =	ssyncset.done $0x0  }
0xa0: {  	[sflag:s22] =	ssyncadd.s32 s4;
	_ =	sdelay $0x1  }
0xa1: {  	s23 =	simm.s32 $0x1B8B  }
0xa2: {  	_ =	swait.ge [sflag:s23], $0x1  }
0xa3: {  	[sflag:s23] =	ssyncset.done $0x0  }
0xa4: {  	s25 =	simm.s32 $0x1B8E;
	s24 =	sld [smem:$0x3FFE];
	[sflag:s23] =	ssyncadd.s32 $0xFFFFFFFF  }
0xa5: {  	s26 =	simm.s32 $execute0_lowered;
	[smem:$0x3FD2] =	sst s25  }
0xa6: {  	s5 =	sshll.u32 s26, $0x1;
	_ =	strace $0x80000046;
	[dreg:$0x1] =	wrdreg $0xFFFFFFFF  }
0xa7: {  	s28 =	simm.s32 $_size_execute0_lowered;
	s3 =	sadd.s32 s3, s5;
	[dreg:$0x0] =	wrdreg $0x0  }
0xa8: {  	s5 =	sshll.u32 s28, $0x1;
	[dreg:$0x2] =	wrdreg s3  }
0xa9: {  	[dreg:$0x3] =	wrdreg s5  }
0xaa: {  	[dreg:$0x4] =	wrdreg $0xC0  }
0xab: {  	_ =	task [dreg:s7], $0x5FFFF  }
0xac: {  	[dreg:$0x1] =	wrdreg $0xFFFFFFFF  }
0xad: {  	[dreg:$0x0] =	wrdreg $0x60  }
0xae: {  	[dreg:$0x2] =	wrdreg s24  }
0xaf: {  	[dreg:$0x3] =	wrdreg s2  }
0xb0: {  	[dreg:$0x4] =	wrdreg $0x81000  }
0xb1: {  	[dreg:$0x5] =	wrdreg $0x9  }
0xb2: {  	_ =	task.clear_ibuf [dreg:s7], $0x6FFFF;
	_ =	strace $0x90000046  }
0xb3: {  	s29 =	simm.s32 $0x9;
	_ =	strace $0x80000048  }
0xb4: {  	_ =	swait.ge [sflag:s29], $0x1  }
0xb5: {  	[sflag:s29] =	ssyncadd.s32 $0xFFFFFFFF  }
0xb6: {  	_ =	strace $0x90000048  }
0xb7: {  	_ =	sfence  }
0xb8: {  	s30 =	sld [smem:$0x0];
	_ =	sdelay $0x2  }
0xb9: {  	s31 =	sshll.u32 s1, $0xD;
	s1 =	sshrl.u32 s1, $0x2  }
0xba: {  	s3 =	sand.u32 $0x4000, s31;
	s1 =	sadd.s32 s1, s30  }
0xbb: {  	s0 =	sor.u32 s3, s0;
	s1 =	sshll.u32 s1, $0x11  }
0xbc: {  	s0 =	sor.u32 s1, s0  }
0xbd: {  	s0 =	sadd.s32 $0x8F2B, s0  }
0xbe: {  	[sflag:s0] =	ssyncadd.remote.s32 $0x1  }
0xbf: {  	_ =	sfence.sel $0xFFFF  }
0xc0: {  	[dreg:$0x0] =	wrdreg $0xFFFFFFFF;
	(pc) =	sbr.abs _section_cstart, $3  }
0xc1: {  	[dreg:$0x1] =	wrdreg $0xFFFFFFFF  }
0xc2: {  	_ =	task.clear_ibuf [dreg:s7], $0x2FFFF;
	_ =	strace $0x9FFFFFFF  }
0xc3: {  	(tm) =	ssettm $0x7FFFFFFF  }
tec
execute0_lowered:
.L_overlay_start_1:
0x0: {  	(tag) =	ssettag $0x1  }
0x1: {  	s0 =	rddreg [dreg:$0x0]  }
0x2: {  	s3 =	rddreg [dreg:$0x1]  }
0x3: {  	s1 =	rddreg [dreg:$0x2];
	s2 =	simm.s32 $0x0;
	s4 =	srdreg.scid  }
0x4: {  	s21 =	stileid.u32;
	[smem:$0x7FF] =	sst s2;
	s6 =	sand.u32 $0x1, s4  }
0x5: {  	s7 =	sadd.s32 $0xCC00, s0;
	s4 =	sadd.s32 $0x2C00, s0;
	s30 =	smul.u32 $0x270, s21  }
0x6: {  	s11 =	sshll.u32 s21, $0x1;
	p0 =	seq.s32 s21, $0x0;
	s13 =	smul.u32 $0x4F000, s21  }
0x7: {  	s14 =	smul.u32 $0x278, s21;
	s22 =	sshll.u32 s21, $0xC;
	s24 =	sshll.u32 s21, $0x8  }
0x8: {  	s25 =	sshll.u32 s21, $0x5;
	s26 =	sadd.s32 $0x7FE800, s0;
	s28 =	sadd.s32 $0x84CA00, s0  }
0x9: {  	_ =	strace $0x80000047;
	s8 =	smul.u32 $0x27100, s6;
	s5 =	ssub.s32 $0x2, s6  }
0xa: {  	s29 =	sor.u32 s6, s11;
	s23 =	sadd.s32 s22, s7;
	s17 =	sshll.u32 s6, $0xB  }
0xb: {  	s18 =	sshll.u32 s6, $0x7;
	s6 =	sshll.u32 s6, $0x4;
	s10 =	sshrl.u32 s5, $0x1  }
0xc: {  	s11 =	sadd.s32 $0x10, s30;
	s13 =	sshrl.u32 s13, $0x2;
	s31 =	sshll.u32 s29, $0x4  }
0xd: {  	s20 =	sshll.u32 s29, $0xB;
	s9 =	sadd.s32 s8, s0;
	s12 =	ssub.s32 s5, s10  }
0xe: {  	s5 =	simm.s32 $0x28;
	s15 =	sshll.u32 s11, $0x7;
	s13 =	sadd.s32 s13, s1  }
0xf: {  	s19 =	sadd.s32 s4, s31;
	[dreg:$0x6] =	wrdreg s20;
	s10 =	sshll.u32 s29, $0x7  }
0x10: {  	s5 =	simm.s32 @!p0 $0x27;
	p0 =	slt.u32 s21, $0x2;
	[dreg:$0x4] =	wrdreg s13  }
0x11: {  	[dreg:$0x5] =	wrdreg s19;
	s16 =	sor.u32 $0x1000, s10;
	s19 =	sadd.s32 s17, s23  }
0x12: {  	s10 =	sadd.s32 s25, s3;
	s13 =	sadd.s32 $0x762400, s9;
	s11 =	smov.u32 @p0 s14  }
0x13: {  	s14 =	sadd.s32 s15, s1;
	s15 =	sadd.s32 s7, s20;
	[dreg:$0x14] =	wrdreg s13  }
0x14: {  	s10 =	sadd.s32 s6, s10;
	s6 =	sadd.s32 s8, s28;
	[dreg:$0x7] =	wrdreg s15  }
0x15: {  	s20 =	sor.u32 s18, s24;
	s24 =	sadd.s32 $0x30000, s19;
	[dreg:$0x9] =	wrdreg s6  }
0x16: {  	s29 =	sshrl.u32 s16, $0x3;
	s15 =	sadd.s32 s8, s26;
	[dreg:$0x16] =	wrdreg s24  }
0x17: {  	s8 =	sadd.s32 s3, s31;
	s3 =	sadd.s32 s3, s29;
	[dreg:$0x8] =	wrdreg s15  }
0x18: {  	s30 =	sadd.s32 s4, s29;
	[dreg:$0xb] =	wrdreg s3  }
0x19: {  	s31 =	sshll.u32 s16, $0x4;
	[dreg:$0xc] =	wrdreg s30  }
0x1a: {  	s16 =	smax.u32 s12, $0x1;
	[dreg:$0xd] =	wrdreg s31  }
0x1b: {  	s17 =	sor.u32 s17, s22;
	s28 =	sor.u32 $0x2000, s20;
	[dreg:$0x15] =	wrdreg s16  }
0x1c: {  	s29 =	sor.u32 $0x30000, s17;
	[dreg:$0x18] =	wrdreg s28  }
0x1d: {  	s22 =	sshll.u32 s21, $0x6;
	s18 =	sadd.s32 $0x75FC00, s0;
	[dreg:$0x19] =	wrdreg s29  }
0x1e: {  	p0 =	sgt.u32 s21, $0x1;
	s3 =	sadd.s32 s7, s31;
	[dreg:$0xa] =	wrdreg s8  }
0x1f: {  	s13 =	simm.s32 $0x0;
	s7 =	sadd.s32 $0x27DC00, s0;
	[dreg:$0xe] =	wrdreg s3  }
0x20: {  	s6 =	sshll.u32 s11, $0x7;
	s0 =	sadd.s32 $0x4EEC00, s0;
	[dreg:$0x10] =	wrdreg s7  }
0x21: {  	s15 =	sshll.u32 s11, $0x4;
	s11 =	sadd.s32 $0x7B0600, s9;
	[dreg:$0x11] =	wrdreg s0  }
0x22: {  	s23 =	sor.u32 $0x3000, s20;
	s31 =	sadd.s32 $0x9C00, s8;
	[dreg:$0x13] =	wrdreg s11  }
0x23: {  	s26 =	sor.u32 $0x1C03, s22;
	s17 =	simm.s32 $0x80;
	[dreg:$0x1c] =	wrdreg s31  }
0x24: {  	s25 =	sshrl.u32 s23, $0x3;
	s3 =	sadd.s32 s6, s1;
	[dreg:$0x12] =	wrdreg s15  }
0x25: {  	s30 =	smul.u32 $0x2780, s21;
	s0 =	sadd.s32 s25, s4;
	[dreg:$0xf] =	wrdreg s3  }
0x26: {  	s9 =	simm.s32 $0x2;
	s25 =	simm.s32 $0x1;
	[dreg:$0x17] =	wrdreg s0  }
0x27: {  	s0 =	sshrl.u32 @p0 s14, $0x3;
	s3 =	sadd.s32 $0xFFFFFFFF, s5;
	[dreg:$0x1b] =	wrdreg s30  }
0x28: {  	v0 =	vimm.f32 $1.000000000e+00;
	s14 =	simm.s32 $0x100;
	[dreg:$0x1a] =	wrdreg s0;
	s0 =	simm.s32 $0x3  }
.LBB2_1:
0x29: {  	s6 =	rddreg [dreg:$0x1a];
	s7 =	simm.s32 @p0 $0x3  }
0x2a: {  	[spmem:s6], [sflag:s26] =	dma.local @p0 [hbm:s18], $0x2700  }
0x2b: {  	_ =	swait.ge @p0 [sflag:s7], $0x2700  }
0x2c: {  	[sflag:s7] =	ssyncset.done @p0 $0x0;
	s6 =	rddreg [dreg:$0x4]  }
0x2d: {  	[sflag:s7] =	ssyncadd.s32 @p0 $0xFFFFD900;
	s19 =	sshrl.u32 @!p0 s6, $0x3;
	s7 =	simm.s32 @!p0 $0x3  }
0x2e: {  	[spmem:s19], [sflag:s26] =	dma.local @!p0 [hbm:s18], $0x2780  }
0x2f: {  	_ =	swait.ge @!p0 [sflag:s7], $0x2780  }
0x30: {  	[sflag:s7] =	ssyncset.done @!p0 $0x0  }
0x31: {  	[sflag:s7] =	ssyncadd.s32 @!p0 $0xFFFFD880  }
0x32: {  	[bflag:$0x0] =	sbarrier.arrive $0xFFFF  }
0x33: {  	s22 =	rddreg [dreg:$0x5]  }
0x34: {  	[tilespmem:s2], [sflag:$0x1] =	stream.linear.gather [hbm4b:s22+s2], $0x80, $0x38;
	[tilespmem:$0x1B980] =	vst v63  }
0x35: {  	s23 =	rddreg [dreg:$0x7]  }
0x36: {  	[tilespmem:s14], [sflag:$0x1] =	stream.linear.gather [hbm4b:s23+s2], $0x4000, $0x38;
	[tilespmem:$0x1B980] =	vst v63  }
0x37: {  	p1 =	sle.u32 s5, $0x0;
	s24 =	rddreg [dreg:$0xc]  }
0x38: {  	[tilespmem:s17], [sflag:$0x2] =	stream.linear.gather [hbm4b:s24+s2], $0x80, $0x38;
	[tilespmem:$0x1B980] =	vst v63  }
0x39: {  	s30 =	simm.s32 $0x4100;
	s7 =	simm.s32 @!p1 $0x1;
	s28 =	rddreg [dreg:$0xe]  }
0x3a: {  	[tilespmem:s30], [sflag:$0x2] =	stream.linear.gather [hbm4b:s28+s2], $0x4000, $0x38;
	[tilespmem:$0x1B980] =	vst v63  }
0x3b: {  	_ =	swait.ge @!p1 [sflag:s7], $0x80  }
0x3c: {  	[sflag:s7] =	ssyncset.done @!p1 $0x0  }
0x3d: {  	s8 =	simm.s32 @!p1 $0x100;
	[sflag:s7] =	ssyncadd.s32 @!p1 $0xFFFFFF80  }
0x3e: {  	s11 =	simm.s32 @!p1 $0x3;
	s12 =	simm.s32 @!p1 $0x80;
	_ =	swait.ge @!p1 [sflag:s7], $0x4000  }
0x3f: {  	p2 =	sle.u32 @!p1 s5, $0x2;
	s16 =	simm.s32 @!p1 $0x0;
	[sflag:s7] =	ssyncset.done @!p1 $0x0  }
0x40: {  	p3 =	por p2, p1;
	s6 =	rddreg [dreg:$0x18];
	[sflag:s7] =	ssyncadd.s32 @!p1 $0xFFFFC000  }
0x41: {  	[spmem:s1] =	stream.indirect.scatter.add.f32 @!p1 [tilespmem:s8], [sflag:$0x3], $0x80, s16, s12, $0xb8;
	[tilespmem:$0x1B980] =	vst v63  }
0x42: {  	s7 =	sshrl.u32 @!p3 s6, $0x3;
	_ =	swait.ge @!p1 [sflag:s11], $0x4000  }
0x43: {  	p2 =	sle.u32 s3, $0x0;
	s7 =	sadd.s32 @!p3 s4, s7;
	[sflag:s11] =	ssyncset.done @!p1 $0x0  }
0x44: {  	s8 =	simm.s32 @!p3 $0x0;
	s24 =	rddreg [dreg:$0x16];
	[sflag:s11] =	ssyncadd.s32 @!p1 $0xFFFFC000  }
0x45: {  	[tilespmem:s8], [sflag:$0x1] =	stream.linear.gather @!p3 [hbm4b:s7+s8], $0x80, $0x38;
	[tilespmem:$0x1B980] =	vst v63  }
0x46: {  	s12 =	simm.s32 @!p2 $0x2;
	s11 =	simm.s32 @!p3 $0x100;
	s7 =	sadd.s32 @!p3 $0xFFFF0000, s24  }
0x47: {  	[tilespmem:s11], [sflag:$0x1] =	stream.linear.gather @!p3 [hbm4b:s7+s8], $0x4000, $0x38;
	[tilespmem:$0x1B980] =	vst v63  }
0x48: {  	_ =	swait.ge @!p2 [sflag:s12], $0x80  }
0x49: {  	s31 =	simm.s32 $0x2;
	[sflag:s12] =	ssyncset.done @!p2 $0x0  }
0x4a: {  	s29 =	simm.s32 @!p2 $0x3;
	s20 =	simm.s32 @!p2 $0x4100;
	[sflag:s12] =	ssyncadd.s32 @!p2 $0xFFFFFF80  }
0x4b: {  	s23 =	sadd.s32 $0x2000, s6;
	p1 =	sle.u32 @!p2 s5, $0x3;
	_ =	swait.ge @!p2 [sflag:s12], $0x4000  }
0x4c: {  	s16 =	simm.s32 $0x7;
	p4 =	por p1, p2;
	[sflag:s12] =	ssyncset.done @!p2 $0x0  }
0x4d: {  	p1 =	sle.u32 s5, $0x2;
	s7 =	simm.s32 @!p2 $0x80;
	[sflag:s12] =	ssyncadd.s32 @!p2 $0xFFFFC000  }
0x4e: {  	[spmem:s1] =	stream.indirect.scatter.add.f32 @!p2 [tilespmem:s20], [sflag:$0x3], $0x80, s7, s7, $0xb8;
	[tilespmem:$0x1B980] =	vst v63  }
0x4f: {  	s8 =	simm.s32 $0x5;
	s11 =	sadd.s32 $0x20000, s24;
	s7 =	rddreg [dreg:$0x17]  }
0x50: {  	s20 =	simm.s32 @!p4 $0x0;
	s12 =	sadd.s32 $0x400, s7;
	_ =	swait.ge @!p2 [sflag:s29], $0x4000  }
.LBB2_2:
0x51: {  	[sflag:s29] =	ssyncset.done @!p2 $0x0;
	s21 =	simm.s32 @!p4 $0x80;
	s28 =	simm.s32 @!p4 $0x4100  }
0x52: {  	[sflag:s29] =	ssyncadd.s32 @!p2 $0xFFFFC000;
	s29 =	smov.u32 s16;
	s16 =	sadd.s32 $0x2, s16  }
0x53: {  	[tilespmem:s21], [sflag:$0x2] =	stream.linear.gather @!p4 [hbm4b:s7+s20], $0x80, $0x38;
	[tilespmem:$0x1B980] =	vst v63  }
0x54: {  	p3 =	sne.s32 s16, $0x2B;
	s21 =	simm.s32 @!p1 $0x1;
	s7 =	smov.u32 s12  }
0x55: {  	[tilespmem:s28], [sflag:$0x2] =	stream.linear.gather @!p4 [hbm4b:s24+s20], $0x4000, $0x38;
	[tilespmem:$0x1B980] =	vst v63  }
0x56: {  	s24 =	smov.u32 s11;
	_ =	swait.ge @!p1 [sflag:s21], $0x80  }
0x57: {  	s20 =	sadd.s32 @!p1 $0xFFFFFFFF, s8;
	[sflag:s21] =	ssyncset.done @!p1 $0x0  }
0x58: {  	s22 =	simm.s32 @!p1 $0x3;
	s28 =	simm.s32 @!p1 $0x100;
	[sflag:s21] =	ssyncadd.s32 @!p1 $0xFFFFFF80  }
0x59: {  	s6 =	simm.s32 @!p1 $0x80;
	s30 =	simm.s32 @!p1 $0x0;
	_ =	swait.ge @!p1 [sflag:s21], $0x4000  }
0x5a: {  	p2 =	sge.u32 @!p1 s20, s5;
	[sflag:s21] =	ssyncset.done @!p1 $0x0  }
0x5b: {  	p4 =	por p2, p1;
	[sflag:s21] =	ssyncadd.s32 @!p1 $0xFFFFC000  }
0x5c: {  	s20 =	sshrl.u32 @!p4 s23, $0x3  }
0x5d: {  	[spmem:s1] =	stream.indirect.scatter.add.f32 @!p1 [tilespmem:s28], [sflag:$0x3], $0x80, s30, s6, $0xb8;
	[tilespmem:$0x1B980] =	vst v63  }
0x5e: {  	s6 =	sadd.s32 @!p4 s4, s20;
	_ =	swait.ge @!p1 [sflag:s22], $0x4000  }
0x5f: {  	p2 =	sge.u32 s31, s3;
	s20 =	simm.s32 @!p4 $0x0;
	[sflag:s22] =	ssyncset.done @!p1 $0x0  }
0x60: {  	s21 =	sadd.s32 @!p4 $0xFFFF0000, s11;
	[sflag:s22] =	ssyncadd.s32 @!p1 $0xFFFFC000;
	s22 =	simm.s32 @!p4 $0x100  }
0x61: {  	[tilespmem:s20], [sflag:$0x1] =	stream.linear.gather @!p4 [hbm4b:s6+s20], $0x80, $0x38;
	[tilespmem:$0x1B980] =	vst v63  }
0x62: {  	p1 =	sge.u32 @!p2 s8, s5;
	s8 =	smov.u32 s29;
	s6 =	simm.s32 @!p2 $0x2  }
0x63: {  	[tilespmem:s22], [sflag:$0x1] =	stream.linear.gather @!p4 [hbm4b:s21+s20], $0x4000, $0x38;
	[tilespmem:$0x1B980] =	vst v63  }
0x64: {  	_ =	swait.ge @!p2 [sflag:s6], $0x80  }
0x65: {  	s23 =	sadd.s32 $0x2000, s23;
	[sflag:s6] =	ssyncset.done @!p2 $0x0  }
0x66: {  	s29 =	simm.s32 @!p2 $0x3;
	s20 =	simm.s32 @!p2 $0x80;
	[sflag:s6] =	ssyncadd.s32 @!p2 $0xFFFFFF80  }
.Ltmp0:
0x67: {  	s21 =	simm.s32 @!p2 $0x4100;
	_ =	swait.ge @!p2 [sflag:s6], $0x4000;
	(pc) =	sbr.rel @p3 .LBB2_2-.Ltmp0, $4  }
0x68: {  	s12 =	sadd.s32 $0x400, s12;
	s11 =	sadd.s32 $0x20000, s11;
	[sflag:s6] =	ssyncset.done @!p2 $0x0  }
0x69: {  	s31 =	sadd.s32 $0xFFFFFFFD, s8;
	p4 =	por p1, p2;
	[sflag:s6] =	ssyncadd.s32 @!p2 $0xFFFFC000  }
0x6a: {  	[spmem:s1] =	stream.indirect.scatter.add.f32 @!p2 [tilespmem:s21], [sflag:$0x3], $0x80, s20, s20, $0xb8;
	[tilespmem:$0x1B980] =	vst v63  }
0x6b: {  	p1 =	sge.u32 s31, s5;
	s20 =	simm.s32 @!p4 $0x0;
	_ =	swait.ge @!p2 [sflag:s29], $0x4000  }
0x6c: {  	[sflag:s29] =	ssyncset.done @!p2 $0x0  }
0x6d: {  	s6 =	simm.s32 @!p4 $0x80;
	[sflag:s29] =	ssyncadd.s32 @!p2 $0xFFFFC000  }
0x6e: {  	[tilespmem:s6], [sflag:$0x2] =	stream.linear.gather @!p4 [hbm4b:s7+s20], $0x80, $0x38;
	[tilespmem:$0x1B980] =	vst v63  }
0x6f: {  	s6 =	simm.s32 @!p4 $0x4100;
	s7 =	simm.s32 @!p1 $0x1  }
0x70: {  	[tilespmem:s6], [sflag:$0x2] =	stream.linear.gather @!p4 [hbm4b:s24+s20], $0x4000, $0x38;
	[tilespmem:$0x1B980] =	vst v63  }
0x71: {  	_ =	swait.ge @!p1 [sflag:s7], $0x80  }
0x72: {  	[sflag:s7] =	ssyncset.done @!p1 $0x0  }
0x73: {  	[sflag:s7] =	ssyncadd.s32 @!p1 $0xFFFFFF80  }
0x74: {  	s16 =	simm.s32 @!p1 $0x100;
	s21 =	simm.s32 @!p1 $0x80;
	_ =	swait.ge @!p1 [sflag:s7], $0x4000  }
0x75: {  	s6 =	sadd.s32 @!p1 $0xFFFFFFFF, s8;
	s20 =	simm.s32 @!p1 $0x3;
	[sflag:s7] =	ssyncset.done @!p1 $0x0  }
0x76: {  	p2 =	sge.u32 @!p1 s6, s5;
	s6 =	simm.s32 @!p1 $0x0;
	[sflag:s7] =	ssyncadd.s32 @!p1 $0xFFFFC000  }
0x77: {  	[spmem:s1] =	stream.indirect.scatter.add.f32 @!p1 [tilespmem:s16], [sflag:$0x3], $0x80, s6, s21, $0xb8;
	[tilespmem:$0x1B980] =	vst v63  }
0x78: {  	p3 =	por p2, p1;
	_ =	swait.ge @!p1 [sflag:s20], $0x4000  }
0x79: {  	p2 =	sge.u32 s31, s3;
	s6 =	sshrl.u32 @!p3 s23, $0x3;
	[sflag:s20] =	ssyncset.done @!p1 $0x0  }
0x7a: {  	s7 =	simm.s32 @!p3 $0x0;
	s6 =	sadd.s32 @!p3 s4, s6;
	[sflag:s20] =	ssyncadd.s32 @!p1 $0xFFFFC000  }
0x7b: {  	[tilespmem:s7], [sflag:$0x1] =	stream.linear.gather @!p3 [hbm4b:s6+s7], $0x80, $0x38;
	[tilespmem:$0x1B980] =	vst v63  }
0x7c: {  	s16 =	simm.s32 @!p3 $0x100;
	s20 =	simm.s32 @!p2 $0x2;
	s6 =	sadd.s32 @!p3 $0xFFFF0000, s11  }
0x7d: {  	[tilespmem:s16], [sflag:$0x1] =	stream.linear.gather @!p3 [hbm4b:s6+s7], $0x4000, $0x38;
	[tilespmem:$0x1B980] =	vst v63  }
0x7e: {  	_ =	swait.ge @!p2 [sflag:s20], $0x80  }
0x7f: {  	[sflag:s20] =	ssyncset.done @!p2 $0x0  }
0x80: {  	[sflag:s20] =	ssyncadd.s32 @!p2 $0xFFFFFF80  }
0x81: {  	_ =	swait.ge @!p2 [sflag:s20], $0x4000  }
0x82: {  	s6 =	simm.s32 @!p2 $0x3;
	[sflag:s20] =	ssyncset.done @!p2 $0x0  }
0x83: {  	s7 =	simm.s32 @!p2 $0x80;
	s16 =	simm.s32 @!p2 $0x4100;
	[sflag:s20] =	ssyncadd.s32 @!p2 $0xFFFFC000  }
0x84: {  	[spmem:s1] =	stream.indirect.scatter.add.f32 @!p2 [tilespmem:s16], [sflag:$0x3], $0x80, s7, s7, $0xb8;
	[tilespmem:$0x1B980] =	vst v63  }
0x85: {  	p1 =	sge.u32 @!p2 s8, s5;
	_ =	swait.ge @!p2 [sflag:s6], $0x4000  }
0x86: {  	p1 =	por p1, p2;
	[sflag:s6] =	ssyncset.done @!p2 $0x0  }
0x87: {  	s8 =	simm.s32 @!p1 $0x80;
	s7 =	simm.s32 @!p1 $0x0;
	[sflag:s6] =	ssyncadd.s32 @!p2 $0xFFFFC000  }
0x88: {  	[tilespmem:s8], [sflag:$0x2] =	stream.linear.gather @!p1 [hbm4b:s12+s7], $0x80, $0x38;
	[tilespmem:$0x1B980] =	vst v63  }
0x89: {  	s6 =	simm.s32 @!p1 $0x4100  }
0x8a: {  	[tilespmem:s6], [sflag:$0x2] =	stream.linear.gather @!p1 [hbm4b:s11+s7], $0x4000, $0x38;
	[tilespmem:$0x1B980] =	vst v63  }
0x8b: {  	[bflag:$0x0] =	sbarrier.arrive $0xFFFF  }
0x8c: {  	s11 =	rddreg [dreg:$0x13]  }
0x8d: {  	s7 =	rddreg [dreg:$0xf]  }
0x8e: {  	s6 =	sadd.s32 @p0 s15, s11;
	s8 =	sshrl.u32 @p0 s7, $0x3  }
0x8f: {  	[hbm:s6], [sflag:s26] =	dma.local @p0 [spmem:s8], $0x2700  }
0x90: {  	s6 =	simm.s32 @p0 $0x3  }
0x91: {  	_ =	swait.ge @p0 [sflag:s6], $0x2700  }
0x92: {  	[sflag:s6] =	ssyncset.done @p0 $0x0  }
0x93: {  	[sflag:s6] =	ssyncadd.s32 @p0 $0xFFFFD900  }
0x94: {  	[bflag:$0x0] =	sbarrier.arrive @p0 $0xFFFF  }
0x95: {  	[spmem:s8], [sflag:s26] =	dma.local @p0 [hbm:s18], $0x2700  }
0x96: {  	_ =	swait.ge @p0 [sflag:s6], $0x2700  }
0x97: {  	[sflag:s6] =	ssyncset.done @p0 $0x0  }
0x98: {  	[sflag:s6] =	ssyncadd.s32 @p0 $0xFFFFD900;
	s6 =	rddreg [dreg:$0x1b]  }
0x99: {  	s6 =	sadd.s32 @!p0 s6, s11  }
0x9a: {  	[hbm:s6], [sflag:s26] =	dma.local @!p0 [spmem:s19], $0x2780  }
0x9b: {  	s6 =	simm.s32 @!p0 $0x3  }
0x9c: {  	_ =	swait.ge @!p0 [sflag:s6], $0x2780  }
0x9d: {  	[sflag:s6] =	ssyncset.done @!p0 $0x0  }
0x9e: {  	[sflag:s6] =	ssyncadd.s32 @!p0 $0xFFFFD880  }
0x9f: {  	[bflag:$0x0] =	sbarrier.arrive @!p0 $0xFFFF  }
0xa0: {  	[spmem:s19], [sflag:s26] =	dma.local @!p0 [hbm:s18], $0x2780  }
0xa1: {  	_ =	swait.ge @!p0 [sflag:s6], $0x2780  }
0xa2: {  	[sflag:s6] =	ssyncset.done @!p0 $0x0  }
0xa3: {  	[sflag:s6] =	ssyncadd.s32 @!p0 $0xFFFFD880  }
0xa4: {  	[bflag:$0x0] =	sbarrier.arrive $0xFFFF  }
0xa5: {  	s20 =	rddreg [dreg:$0x5]  }
0xa6: {  	s21 =	rddreg [dreg:$0x6]  }
0xa7: {  	s22 =	rddreg [dreg:$0x10]  }
0xa8: {  	[tilespmem:s2], [sflag:$0x1] =	stream.linear.gather [hbm4b:s20+s2], $0x80, $0x38;
	[tilespmem:$0x1B980] =	vst v63  }
0xa9: {  	s23 =	rddreg [dreg:$0xc];
	s6 =	sadd.s32 s21, s22  }
0xaa: {  	[tilespmem:s14], [sflag:$0x1] =	stream.linear.gather [hbm4b:s6+s2], $0x4000, $0x38;
	[tilespmem:$0x1B980] =	vst v63  }
0xab: {  	s24 =	rddreg [dreg:$0xd]  }
0xac: {  	[tilespmem:s17], [sflag:$0x2] =	stream.linear.gather [hbm4b:s23+s2], $0x80, $0x38;
	[tilespmem:$0x1B980] =	vst v63  }
0xad: {  	s28 =	simm.s32 $0x4100;
	p1 =	sle.u32 s5, $0x0;
	s6 =	sadd.s32 s24, s22  }
0xae: {  	[tilespmem:s28], [sflag:$0x2] =	stream.linear.gather [hbm4b:s6+s2], $0x4000, $0x38;
	[tilespmem:$0x1B980] =	vst v63  }
0xaf: {  	s6 =	simm.s32 @!p1 $0x1  }
0xb0: {  	_ =	swait.ge @!p1 [sflag:s6], $0x80  }
0xb1: {  	[sflag:s6] =	ssyncset.done @!p1 $0x0  }
0xb2: {  	s12 =	simm.s32 @!p1 $0x80;
	[sflag:s6] =	ssyncadd.s32 @!p1 $0xFFFFFF80  }
0xb3: {  	p2 =	sle.u32 @!p1 s5, $0x2;
	s16 =	simm.s32 @!p1 $0x0;
	_ =	swait.ge @!p1 [sflag:s6], $0x4000  }
0xb4: {  	p3 =	por p2, p1;
	p2 =	sle.u32 s3, $0x0;
	[sflag:s6] =	ssyncset.done @!p1 $0x0  }
0xb5: {  	s7 =	simm.s32 @!p1 $0x100;
	s11 =	simm.s32 @!p1 $0x3;
	[sflag:s6] =	ssyncadd.s32 @!p1 $0xFFFFC000  }
0xb6: {  	[spmem:s1] =	stream.indirect.scatter.add.f32 @!p1 [tilespmem:s7], [sflag:$0x3], $0x80, s16, s12, $0xb8;
	[tilespmem:$0x1B980] =	vst v63  }
0xb7: {  	s12 =	rddreg [dreg:$0x18];
	s7 =	simm.s32 @!p3 $0x0;
	_ =	swait.ge @!p1 [sflag:s11], $0x4000  }
0xb8: {  	s6 =	sshrl.u32 @!p3 s12, $0x3;
	s30 =	rddreg [dreg:$0x19];
	[sflag:s11] =	ssyncset.done @!p1 $0x0  }
0xb9: {  	s6 =	sadd.s32 @!p3 s4, s6;
	s24 =	sadd.s32 s22, s30;
	[sflag:s11] =	ssyncadd.s32 @!p1 $0xFFFFC000  }
0xba: {  	[tilespmem:s7], [sflag:$0x1] =	stream.linear.gather @!p3 [hbm4b:s6+s7], $0x80, $0x38;
	[tilespmem:$0x1B980] =	vst v63  }
0xbb: {  	s21 =	simm.s32 @!p2 $0x2;
	s11 =	simm.s32 @!p3 $0x100;
	s6 =	sadd.s32 @!p3 $0xFFFF0000, s24  }
0xbc: {  	[tilespmem:s11], [sflag:$0x1] =	stream.linear.gather @!p3 [hbm4b:s6+s7], $0x4000, $0x38;
	[tilespmem:$0x1B980] =	vst v63  }
0xbd: {  	s31 =	simm.s32 $0x7;
	s20 =	simm.s32 @!p2 $0x3;
	_ =	swait.ge @!p2 [sflag:s21], $0x80  }
0xbe: {  	s16 =	sadd.s32 $0x2000, s12;
	p1 =	sle.u32 @!p2 s5, $0x3;
	[sflag:s21] =	ssyncset.done @!p2 $0x0  }
0xbf: {  	s12 =	sadd.s32 $0x20000, s24;
	p4 =	por p1, p2;
	[sflag:s21] =	ssyncadd.s32 @!p2 $0xFFFFFF80  }
0xc0: {  	p1 =	sle.u32 s5, $0x2;
	s11 =	simm.s32 $0x5;
	_ =	swait.ge @!p2 [sflag:s21], $0x4000  }
0xc1: {  	s6 =	simm.s32 @!p2 $0x80;
	[sflag:s21] =	ssyncset.done @!p2 $0x0;
	s29 =	rddreg [dreg:$0x17]  }
0xc2: {  	s7 =	simm.s32 @!p2 $0x4100;
	[sflag:s21] =	ssyncadd.s32 @!p2 $0xFFFFC000;
	s23 =	sadd.s32 $0x400, s29  }
0xc3: {  	[spmem:s1] =	stream.indirect.scatter.add.f32 @!p2 [tilespmem:s7], [sflag:$0x3], $0x80, s6, s6, $0xb8;
	[tilespmem:$0x1B980] =	vst v63  }
0xc4: {  	s21 =	simm.s32 @!p4 $0x0;
	s7 =	simm.s32 $0x2;
	_ =	swait.ge @!p2 [sflag:s20], $0x4000  }
.LBB2_4:
0xc5: {  	[sflag:s20] =	ssyncset.done @!p2 $0x0;
	s6 =	simm.s32 @!p4 $0x80;
	s22 =	simm.s32 @!p4 $0x4100  }
0xc6: {  	[sflag:s20] =	ssyncadd.s32 @!p2 $0xFFFFC000;
	s20 =	smov.u32 s31;
	s31 =	sadd.s32 $0x2, s31  }
0xc7: {  	[tilespmem:s6], [sflag:$0x2] =	stream.linear.gather @!p4 [hbm4b:s29+s21], $0x80, $0x38;
	[tilespmem:$0x1B980] =	vst v63  }
0xc8: {  	p3 =	sne.s32 s31, $0x2B;
	s6 =	simm.s32 @!p1 $0x1;
	s29 =	smov.u32 s23  }
0xc9: {  	[tilespmem:s22], [sflag:$0x2] =	stream.linear.gather @!p4 [hbm4b:s24+s21], $0x4000, $0x38;
	[tilespmem:$0x1B980] =	vst v63  }
0xca: {  	s24 =	smov.u32 s12;
	_ =	swait.ge @!p1 [sflag:s6], $0x80  }
0xcb: {  	s21 =	sadd.s32 @!p1 $0xFFFFFFFF, s11;
	[sflag:s6] =	ssyncset.done @!p1 $0x0  }
0xcc: {  	s28 =	simm.s32 @!p1 $0x3;
	s22 =	simm.s32 @!p1 $0x100;
	[sflag:s6] =	ssyncadd.s32 @!p1 $0xFFFFFF80  }
0xcd: {  	s30 =	simm.s32 @!p1 $0x80;
	s15 =	simm.s32 @!p1 $0x0;
	_ =	swait.ge @!p1 [sflag:s6], $0x4000  }
0xce: {  	p2 =	sge.u32 @!p1 s21, s5;
	[sflag:s6] =	ssyncset.done @!p1 $0x0  }
0xcf: {  	p4 =	por p2, p1;
	[sflag:s6] =	ssyncadd.s32 @!p1 $0xFFFFC000  }
0xd0: {  	s6 =	sshrl.u32 @!p4 s16, $0x3  }
0xd1: {  	[spmem:s1] =	stream.indirect.scatter.add.f32 @!p1 [tilespmem:s22], [sflag:$0x3], $0x80, s15, s30, $0xb8;
	[tilespmem:$0x1B980] =	vst v63  }
0xd2: {  	s6 =	sadd.s32 @!p4 s4, s6;
	_ =	swait.ge @!p1 [sflag:s28], $0x4000  }
0xd3: {  	p2 =	sge.u32 s7, s3;
	s15 =	simm.s32 @!p4 $0x0;
	[sflag:s28] =	ssyncset.done @!p1 $0x0  }
0xd4: {  	s7 =	sadd.s32 @!p4 $0xFFFF0000, s12;
	s21 =	simm.s32 @!p4 $0x100;
	[sflag:s28] =	ssyncadd.s32 @!p1 $0xFFFFC000  }
0xd5: {  	[tilespmem:s15], [sflag:$0x1] =	stream.linear.gather @!p4 [hbm4b:s6+s15], $0x80, $0x38;
	[tilespmem:$0x1B980] =	vst v63  }
0xd6: {  	p1 =	sge.u32 @!p2 s11, s5;
	s11 =	smov.u32 s20;
	s6 =	simm.s32 @!p2 $0x2  }
0xd7: {  	[tilespmem:s21], [sflag:$0x1] =	stream.linear.gather @!p4 [hbm4b:s7+s15], $0x4000, $0x38;
	[tilespmem:$0x1B980] =	vst v63  }
0xd8: {  	_ =	swait.ge @!p2 [sflag:s6], $0x80  }
0xd9: {  	s16 =	sadd.s32 $0x2000, s16;
	[sflag:s6] =	ssyncset.done @!p2 $0x0  }
0xda: {  	s20 =	simm.s32 @!p2 $0x3;
	s15 =	simm.s32 @!p2 $0x80;
	[sflag:s6] =	ssyncadd.s32 @!p2 $0xFFFFFF80  }
.Ltmp1:
0xdb: {  	s21 =	simm.s32 @!p2 $0x4100;
	_ =	swait.ge @!p2 [sflag:s6], $0x4000;
	(pc) =	sbr.rel @p3 .LBB2_4-.Ltmp1, $4  }
0xdc: {  	s23 =	sadd.s32 $0x400, s23;
	s12 =	sadd.s32 $0x20000, s12;
	[sflag:s6] =	ssyncset.done @!p2 $0x0  }
0xdd: {  	s7 =	sadd.s32 $0xFFFFFFFD, s11;
	p4 =	por p1, p2;
	[sflag:s6] =	ssyncadd.s32 @!p2 $0xFFFFC000  }
0xde: {  	[spmem:s1] =	stream.indirect.scatter.add.f32 @!p2 [tilespmem:s21], [sflag:$0x3], $0x80, s15, s15, $0xb8;
	[tilespmem:$0x1B980] =	vst v63  }
0xdf: {  	p1 =	sge.u32 s7, s5;
	s21 =	simm.s32 @!p4 $0x0;
	_ =	swait.ge @!p2 [sflag:s20], $0x4000  }
0xe0: {  	[sflag:s20] =	ssyncset.done @!p2 $0x0  }
0xe1: {  	s6 =	simm.s32 @!p4 $0x80;
	[sflag:s20] =	ssyncadd.s32 @!p2 $0xFFFFC000  }
0xe2: {  	[tilespmem:s6], [sflag:$0x2] =	stream.linear.gather @!p4 [hbm4b:s29+s21], $0x80, $0x38;
	[tilespmem:$0x1B980] =	vst v63  }
0xe3: {  	s15 =	simm.s32 @!p1 $0x1;
	s6 =	simm.s32 @!p4 $0x4100  }
0xe4: {  	[tilespmem:s6], [sflag:$0x2] =	stream.linear.gather @!p4 [hbm4b:s24+s21], $0x4000, $0x38;
	[tilespmem:$0x1B980] =	vst v63  }
0xe5: {  	_ =	swait.ge @!p1 [sflag:s15], $0x80  }
0xe6: {  	[sflag:s15] =	ssyncset.done @!p1 $0x0  }
0xe7: {  	[sflag:s15] =	ssyncadd.s32 @!p1 $0xFFFFFF80  }
0xe8: {  	s22 =	simm.s32 @!p1 $0x80;
	s20 =	simm.s32 @!p1 $0x100;
	_ =	swait.ge @!p1 [sflag:s15], $0x4000  }
0xe9: {  	s6 =	sadd.s32 @!p1 $0xFFFFFFFF, s11;
	s21 =	simm.s32 @!p1 $0x3;
	[sflag:s15] =	ssyncset.done @!p1 $0x0  }
0xea: {  	p2 =	sge.u32 @!p1 s6, s5;
	s6 =	simm.s32 @!p1 $0x0;
	[sflag:s15] =	ssyncadd.s32 @!p1 $0xFFFFC000  }
0xeb: {  	[spmem:s1] =	stream.indirect.scatter.add.f32 @!p1 [tilespmem:s20], [sflag:$0x3], $0x80, s6, s22, $0xb8;
	[tilespmem:$0x1B980] =	vst v63  }
0xec: {  	p3 =	por p2, p1;
	_ =	swait.ge @!p1 [sflag:s21], $0x4000  }
0xed: {  	p2 =	sge.u32 s7, s3;
	s6 =	sshrl.u32 @!p3 s16, $0x3;
	[sflag:s21] =	ssyncset.done @!p1 $0x0  }
0xee: {  	s15 =	simm.s32 @!p3 $0x0;
	s6 =	sadd.s32 @!p3 s4, s6;
	[sflag:s21] =	ssyncadd.s32 @!p1 $0xFFFFC000  }
0xef: {  	[tilespmem:s15], [sflag:$0x1] =	stream.linear.gather @!p3 [hbm4b:s6+s15], $0x80, $0x38;
	[tilespmem:$0x1B980] =	vst v63  }
0xf0: {  	s7 =	simm.s32 @!p3 $0x100;
	s16 =	simm.s32 @!p2 $0x2;
	s6 =	sadd.s32 @!p3 $0xFFFF0000, s12  }
0xf1: {  	[tilespmem:s7], [sflag:$0x1] =	stream.linear.gather @!p3 [hbm4b:s6+s15], $0x4000, $0x38;
	[tilespmem:$0x1B980] =	vst v63  }
0xf2: {  	_ =	swait.ge @!p2 [sflag:s16], $0x80  }
0xf3: {  	[sflag:s16] =	ssyncset.done @!p2 $0x0  }
0xf4: {  	[sflag:s16] =	ssyncadd.s32 @!p2 $0xFFFFFF80  }
0xf5: {  	_ =	swait.ge @!p2 [sflag:s16], $0x4000  }
0xf6: {  	s6 =	simm.s32 @!p2 $0x3;
	[sflag:s16] =	ssyncset.done @!p2 $0x0  }
0xf7: {  	s7 =	simm.s32 @!p2 $0x80;
	s15 =	simm.s32 @!p2 $0x4100;
	[sflag:s16] =	ssyncadd.s32 @!p2 $0xFFFFC000  }
0xf8: {  	[spmem:s1] =	stream.indirect.scatter.add.f32 @!p2 [tilespmem:s15], [sflag:$0x3], $0x80, s7, s7, $0xb8;
	[tilespmem:$0x1B980] =	vst v63  }
0xf9: {  	p1 =	sge.u32 @!p2 s11, s5;
	_ =	swait.ge @!p2 [sflag:s6], $0x4000  }
0xfa: {  	p1 =	por p1, p2;
	[sflag:s6] =	ssyncset.done @!p2 $0x0  }
0xfb: {  	s11 =	simm.s32 @!p1 $0x80;
	s7 =	simm.s32 @!p1 $0x0;
	[sflag:s6] =	ssyncadd.s32 @!p2 $0xFFFFC000  }
0xfc: {  	[tilespmem:s11], [sflag:$0x2] =	stream.linear.gather @!p1 [hbm4b:s23+s7], $0x80, $0x38;
	[tilespmem:$0x1B980] =	vst v63  }
0xfd: {  	s6 =	simm.s32 @!p1 $0x4100  }
0xfe: {  	[tilespmem:s6], [sflag:$0x2] =	stream.linear.gather @!p1 [hbm4b:s12+s7], $0x4000, $0x38;
	[tilespmem:$0x1B980] =	vst v63  }
0xff: {  	[bflag:$0x0] =	sbarrier.arrive $0xFFFF  }
0x100: {  	s7 =	rddreg [dreg:$0x8]  }
0x101: {  	s6 =	rddreg [dreg:$0x12]  }
0x102: {  	s6 =	sadd.s32 @p0 s6, s7  }
0x103: {  	[hbm:s6], [sflag:s26] =	dma.local @p0 [spmem:s8], $0x2700  }
0x104: {  	s6 =	simm.s32 @p0 $0x3  }
0x105: {  	_ =	swait.ge @p0 [sflag:s6], $0x2700  }
0x106: {  	[sflag:s6] =	ssyncset.done @p0 $0x0  }
0x107: {  	[sflag:s6] =	ssyncadd.s32 @p0 $0xFFFFD900  }
0x108: {  	[bflag:$0x0] =	sbarrier.arrive @p0 $0xFFFF  }
0x109: {  	[spmem:s8], [sflag:s26] =	dma.local @p0 [hbm:s18], $0x2700  }
0x10a: {  	_ =	swait.ge @p0 [sflag:s6], $0x2700  }
0x10b: {  	[sflag:s6] =	ssyncset.done @p0 $0x0  }
0x10c: {  	[sflag:s6] =	ssyncadd.s32 @p0 $0xFFFFD900;
	s6 =	rddreg [dreg:$0x1b]  }
0x10d: {  	s6 =	sadd.s32 @!p0 s6, s7  }
0x10e: {  	[hbm:s6], [sflag:s26] =	dma.local @!p0 [spmem:s19], $0x2780  }
0x10f: {  	s6 =	simm.s32 @!p0 $0x3  }
0x110: {  	_ =	swait.ge @!p0 [sflag:s6], $0x2780  }
0x111: {  	[sflag:s6] =	ssyncset.done @!p0 $0x0  }
0x112: {  	[sflag:s6] =	ssyncadd.s32 @!p0 $0xFFFFD880  }
0x113: {  	[bflag:$0x0] =	sbarrier.arrive @!p0 $0xFFFF  }
0x114: {  	[spmem:s19], [sflag:s26] =	dma.local @!p0 [hbm:s18], $0x2780  }
0x115: {  	_ =	swait.ge @!p0 [sflag:s6], $0x2780  }
0x116: {  	[sflag:s6] =	ssyncset.done @!p0 $0x0  }
0x117: {  	[sflag:s6] =	ssyncadd.s32 @!p0 $0xFFFFD880  }
0x118: {  	[bflag:$0x0] =	sbarrier.arrive $0xFFFF  }
0x119: {  	s20 =	rddreg [dreg:$0x5]  }
0x11a: {  	s21 =	rddreg [dreg:$0x6]  }
0x11b: {  	s22 =	rddreg [dreg:$0x11]  }
0x11c: {  	[tilespmem:s2], [sflag:$0x1] =	stream.linear.gather [hbm4b:s20+s2], $0x80, $0x38;
	[tilespmem:$0x1B980] =	vst v63  }
0x11d: {  	s23 =	rddreg [dreg:$0xc];
	s6 =	sadd.s32 s21, s22  }
0x11e: {  	[tilespmem:s14], [sflag:$0x1] =	stream.linear.gather [hbm4b:s6+s2], $0x4000, $0x38;
	[tilespmem:$0x1B980] =	vst v63  }
0x11f: {  	s24 =	rddreg [dreg:$0xd]  }
0x120: {  	[tilespmem:s17], [sflag:$0x2] =	stream.linear.gather [hbm4b:s23+s2], $0x80, $0x38;
	[tilespmem:$0x1B980] =	vst v63  }
0x121: {  	s28 =	simm.s32 $0x4100;
	p1 =	sle.u32 s5, $0x0;
	s6 =	sadd.s32 s24, s22  }
0x122: {  	[tilespmem:s28], [sflag:$0x2] =	stream.linear.gather [hbm4b:s6+s2], $0x4000, $0x38;
	[tilespmem:$0x1B980] =	vst v63  }
0x123: {  	s6 =	simm.s32 @!p1 $0x1  }
0x124: {  	_ =	swait.ge @!p1 [sflag:s6], $0x80  }
0x125: {  	[sflag:s6] =	ssyncset.done @!p1 $0x0  }
0x126: {  	s11 =	simm.s32 @!p1 $0x3;
	[sflag:s6] =	ssyncadd.s32 @!p1 $0xFFFFFF80  }
0x127: {  	s12 =	simm.s32 @!p1 $0x80;
	p2 =	sle.u32 @!p1 s5, $0x2;
	_ =	swait.ge @!p1 [sflag:s6], $0x4000  }
0x128: {  	s15 =	simm.s32 @!p1 $0x0;
	p3 =	por p2, p1;
	[sflag:s6] =	ssyncset.done @!p1 $0x0  }
0x129: {  	p2 =	sle.u32 s3, $0x0;
	s7 =	simm.s32 @!p1 $0x100;
	[sflag:s6] =	ssyncadd.s32 @!p1 $0xFFFFC000  }
0x12a: {  	[spmem:s1] =	stream.indirect.scatter.add.f32 @!p1 [tilespmem:s7], [sflag:$0x3], $0x80, s15, s12, $0xb8;
	[tilespmem:$0x1B980] =	vst v63  }
0x12b: {  	s12 =	rddreg [dreg:$0x18];
	s7 =	simm.s32 @!p3 $0x0;
	_ =	swait.ge @!p1 [sflag:s11], $0x4000  }
0x12c: {  	s6 =	sshrl.u32 @!p3 s12, $0x3;
	s30 =	rddreg [dreg:$0x19];
	[sflag:s11] =	ssyncset.done @!p1 $0x0  }
0x12d: {  	s6 =	sadd.s32 @!p3 s4, s6;
	s24 =	sadd.s32 s22, s30;
	[sflag:s11] =	ssyncadd.s32 @!p1 $0xFFFFC000  }
0x12e: {  	[tilespmem:s7], [sflag:$0x1] =	stream.linear.gather @!p3 [hbm4b:s6+s7], $0x80, $0x38;
	[tilespmem:$0x1B980] =	vst v63  }
0x12f: {  	s15 =	simm.s32 @!p2 $0x2;
	s11 =	simm.s32 @!p3 $0x100;
	s6 =	sadd.s32 @!p3 $0xFFFF0000, s24  }
0x130: {  	[tilespmem:s11], [sflag:$0x1] =	stream.linear.gather @!p3 [hbm4b:s6+s7], $0x4000, $0x38;
	[tilespmem:$0x1B980] =	vst v63  }
0x131: {  	s31 =	simm.s32 $0x7;
	s20 =	simm.s32 @!p2 $0x3;
	_ =	swait.ge @!p2 [sflag:s15], $0x80  }
0x132: {  	s16 =	sadd.s32 $0x2000, s12;
	p1 =	sle.u32 @!p2 s5, $0x3;
	[sflag:s15] =	ssyncset.done @!p2 $0x0  }
0x133: {  	s12 =	sadd.s32 $0x20000, s24;
	p4 =	por p1, p2;
	[sflag:s15] =	ssyncadd.s32 @!p2 $0xFFFFFF80  }
0x134: {  	p1 =	sle.u32 s5, $0x2;
	s21 =	simm.s32 @!p4 $0x0;
	_ =	swait.ge @!p2 [sflag:s15], $0x4000  }
0x135: {  	s11 =	simm.s32 $0x5;
	s6 =	simm.s32 @!p2 $0x80;
	[sflag:s15] =	ssyncset.done @!p2 $0x0  }
0x136: {  	s7 =	simm.s32 @!p2 $0x4100;
	s29 =	rddreg [dreg:$0x17];
	[sflag:s15] =	ssyncadd.s32 @!p2 $0xFFFFC000  }
0x137: {  	[spmem:s1] =	stream.indirect.scatter.add.f32 @!p2 [tilespmem:s7], [sflag:$0x3], $0x80, s6, s6, $0xb8;
	[tilespmem:$0x1B980] =	vst v63  }
0x138: {  	s23 =	sadd.s32 $0x400, s29;
	s7 =	simm.s32 $0x2;
	_ =	swait.ge @!p2 [sflag:s20], $0x4000  }
.LBB2_6:
0x139: {  	[sflag:s20] =	ssyncset.done @!p2 $0x0;
	s6 =	simm.s32 @!p4 $0x80;
	s15 =	simm.s32 @!p4 $0x4100  }
0x13a: {  	[sflag:s20] =	ssyncadd.s32 @!p2 $0xFFFFC000;
	s20 =	smov.u32 s31;
	s31 =	sadd.s32 $0x2, s31  }
0x13b: {  	[tilespmem:s6], [sflag:$0x2] =	stream.linear.gather @!p4 [hbm4b:s29+s21], $0x80, $0x38;
	[tilespmem:$0x1B980] =	vst v63  }
0x13c: {  	p3 =	sne.s32 s31, $0x2B;
	s6 =	simm.s32 @!p1 $0x1;
	s29 =	smov.u32 s23  }
0x13d: {  	[tilespmem:s15], [sflag:$0x2] =	stream.linear.gather @!p4 [hbm4b:s24+s21], $0x4000, $0x38;
	[tilespmem:$0x1B980] =	vst v63  }
0x13e: {  	s24 =	smov.u32 s12;
	_ =	swait.ge @!p1 [sflag:s6], $0x80  }
0x13f: {  	s15 =	sadd.s32 @!p1 $0xFFFFFFFF, s11;
	[sflag:s6] =	ssyncset.done @!p1 $0x0  }
0x140: {  	s22 =	simm.s32 @!p1 $0x3;
	s21 =	simm.s32 @!p1 $0x100;
	[sflag:s6] =	ssyncadd.s32 @!p1 $0xFFFFFF80  }
0x141: {  	s28 =	simm.s32 @!p1 $0x80;
	s30 =	simm.s32 @!p1 $0x0;
	_ =	swait.ge @!p1 [sflag:s6], $0x4000  }
0x142: {  	p2 =	sge.u32 @!p1 s15, s5;
	[sflag:s6] =	ssyncset.done @!p1 $0x0  }
0x143: {  	p4 =	por p2, p1;
	[sflag:s6] =	ssyncadd.s32 @!p1 $0xFFFFC000  }
0x144: {  	s6 =	sshrl.u32 @!p4 s16, $0x3  }
0x145: {  	[spmem:s1] =	stream.indirect.scatter.add.f32 @!p1 [tilespmem:s21], [sflag:$0x3], $0x80, s30, s28, $0xb8;
	[tilespmem:$0x1B980] =	vst v63  }
0x146: {  	s6 =	sadd.s32 @!p4 s4, s6;
	_ =	swait.ge @!p1 [sflag:s22], $0x4000  }
0x147: {  	p2 =	sge.u32 s7, s3;
	s15 =	simm.s32 @!p4 $0x0;
	[sflag:s22] =	ssyncset.done @!p1 $0x0  }
0x148: {  	s7 =	sadd.s32 @!p4 $0xFFFF0000, s12;
	s21 =	simm.s32 @!p4 $0x100;
	[sflag:s22] =	ssyncadd.s32 @!p1 $0xFFFFC000  }
0x149: {  	[tilespmem:s15], [sflag:$0x1] =	stream.linear.gather @!p4 [hbm4b:s6+s15], $0x80, $0x38;
	[tilespmem:$0x1B980] =	vst v63  }
0x14a: {  	p1 =	sge.u32 @!p2 s11, s5;
	s11 =	smov.u32 s20;
	s6 =	simm.s32 @!p2 $0x2  }
0x14b: {  	[tilespmem:s21], [sflag:$0x1] =	stream.linear.gather @!p4 [hbm4b:s7+s15], $0x4000, $0x38;
	[tilespmem:$0x1B980] =	vst v63  }
0x14c: {  	_ =	swait.ge @!p2 [sflag:s6], $0x80  }
0x14d: {  	s16 =	sadd.s32 $0x2000, s16;
	[sflag:s6] =	ssyncset.done @!p2 $0x0  }
0x14e: {  	s20 =	simm.s32 @!p2 $0x3;
	s15 =	simm.s32 @!p2 $0x80;
	[sflag:s6] =	ssyncadd.s32 @!p2 $0xFFFFFF80  }
.Ltmp2:
0x14f: {  	s21 =	simm.s32 @!p2 $0x4100;
	_ =	swait.ge @!p2 [sflag:s6], $0x4000;
	(pc) =	sbr.rel @p3 .LBB2_6-.Ltmp2, $4  }
0x150: {  	s23 =	sadd.s32 $0x400, s23;
	s12 =	sadd.s32 $0x20000, s12;
	[sflag:s6] =	ssyncset.done @!p2 $0x0  }
0x151: {  	s7 =	sadd.s32 $0xFFFFFFFD, s11;
	p4 =	por p1, p2;
	[sflag:s6] =	ssyncadd.s32 @!p2 $0xFFFFC000  }
0x152: {  	[spmem:s1] =	stream.indirect.scatter.add.f32 @!p2 [tilespmem:s21], [sflag:$0x3], $0x80, s15, s15, $0xb8;
	[tilespmem:$0x1B980] =	vst v63  }
0x153: {  	p1 =	sge.u32 s7, s5;
	s21 =	simm.s32 @!p4 $0x0;
	_ =	swait.ge @!p2 [sflag:s20], $0x4000  }
0x154: {  	[sflag:s20] =	ssyncset.done @!p2 $0x0  }
0x155: {  	s6 =	simm.s32 @!p4 $0x80;
	[sflag:s20] =	ssyncadd.s32 @!p2 $0xFFFFC000  }
0x156: {  	[tilespmem:s6], [sflag:$0x2] =	stream.linear.gather @!p4 [hbm4b:s29+s21], $0x80, $0x38;
	[tilespmem:$0x1B980] =	vst v63  }
0x157: {  	s15 =	simm.s32 @!p1 $0x1;
	s6 =	simm.s32 @!p4 $0x4100  }
0x158: {  	[tilespmem:s6], [sflag:$0x2] =	stream.linear.gather @!p4 [hbm4b:s24+s21], $0x4000, $0x38;
	[tilespmem:$0x1B980] =	vst v63  }
0x159: {  	_ =	swait.ge @!p1 [sflag:s15], $0x80  }
0x15a: {  	[sflag:s15] =	ssyncset.done @!p1 $0x0  }
0x15b: {  	[sflag:s15] =	ssyncadd.s32 @!p1 $0xFFFFFF80  }
0x15c: {  	s22 =	simm.s32 @!p1 $0x80;
	s20 =	simm.s32 @!p1 $0x100;
	_ =	swait.ge @!p1 [sflag:s15], $0x4000  }
0x15d: {  	s6 =	sadd.s32 @!p1 $0xFFFFFFFF, s11;
	s21 =	simm.s32 @!p1 $0x3;
	[sflag:s15] =	ssyncset.done @!p1 $0x0  }
0x15e: {  	p2 =	sge.u32 @!p1 s6, s5;
	s6 =	simm.s32 @!p1 $0x0;
	[sflag:s15] =	ssyncadd.s32 @!p1 $0xFFFFC000  }
0x15f: {  	[spmem:s1] =	stream.indirect.scatter.add.f32 @!p1 [tilespmem:s20], [sflag:$0x3], $0x80, s6, s22, $0xb8;
	[tilespmem:$0x1B980] =	vst v63  }
0x160: {  	p3 =	por p2, p1;
	_ =	swait.ge @!p1 [sflag:s21], $0x4000  }
0x161: {  	p2 =	sge.u32 s7, s3;
	s6 =	sshrl.u32 @!p3 s16, $0x3;
	[sflag:s21] =	ssyncset.done @!p1 $0x0  }
0x162: {  	s15 =	simm.s32 @!p3 $0x0;
	s6 =	sadd.s32 @!p3 s4, s6;
	[sflag:s21] =	ssyncadd.s32 @!p1 $0xFFFFC000  }
0x163: {  	[tilespmem:s15], [sflag:$0x1] =	stream.linear.gather @!p3 [hbm4b:s6+s15], $0x80, $0x38;
	[tilespmem:$0x1B980] =	vst v63  }
0x164: {  	s7 =	simm.s32 @!p3 $0x100;
	s16 =	simm.s32 @!p2 $0x2;
	s6 =	sadd.s32 @!p3 $0xFFFF0000, s12  }
0x165: {  	[tilespmem:s7], [sflag:$0x1] =	stream.linear.gather @!p3 [hbm4b:s6+s15], $0x4000, $0x38;
	[tilespmem:$0x1B980] =	vst v63  }
0x166: {  	_ =	swait.ge @!p2 [sflag:s16], $0x80  }
0x167: {  	[sflag:s16] =	ssyncset.done @!p2 $0x0  }
0x168: {  	[sflag:s16] =	ssyncadd.s32 @!p2 $0xFFFFFF80  }
0x169: {  	_ =	swait.ge @!p2 [sflag:s16], $0x4000  }
0x16a: {  	s6 =	simm.s32 @!p2 $0x3;
	[sflag:s16] =	ssyncset.done @!p2 $0x0  }
0x16b: {  	s7 =	simm.s32 @!p2 $0x80;
	s15 =	simm.s32 @!p2 $0x4100;
	[sflag:s16] =	ssyncadd.s32 @!p2 $0xFFFFC000  }
0x16c: {  	[spmem:s1] =	stream.indirect.scatter.add.f32 @!p2 [tilespmem:s15], [sflag:$0x3], $0x80, s7, s7, $0xb8;
	[tilespmem:$0x1B980] =	vst v63  }
0x16d: {  	p1 =	sge.u32 @!p2 s11, s5;
	_ =	swait.ge @!p2 [sflag:s6], $0x4000  }
0x16e: {  	p1 =	por p1, p2;
	[sflag:s6] =	ssyncset.done @!p2 $0x0  }
0x16f: {  	s11 =	simm.s32 @!p1 $0x80;
	s7 =	simm.s32 @!p1 $0x0;
	[sflag:s6] =	ssyncadd.s32 @!p2 $0xFFFFC000  }
0x170: {  	[tilespmem:s11], [sflag:$0x2] =	stream.linear.gather @!p1 [hbm4b:s23+s7], $0x80, $0x38;
	[tilespmem:$0x1B980] =	vst v63  }
0x171: {  	s6 =	simm.s32 @!p1 $0x4100  }
0x172: {  	[tilespmem:s6], [sflag:$0x2] =	stream.linear.gather @!p1 [hbm4b:s12+s7], $0x4000, $0x38;
	[tilespmem:$0x1B980] =	vst v63  }
0x173: {  	[bflag:$0x0] =	sbarrier.arrive $0xFFFF  }
0x174: {  	s7 =	rddreg [dreg:$0x9]  }
0x175: {  	s15 =	rddreg [dreg:$0x12]  }
0x176: {  	s6 =	sadd.s32 @p0 s15, s7  }
0x177: {  	[hbm:s6], [sflag:s26] =	dma.local @p0 [spmem:s8], $0x2700  }
0x178: {  	s6 =	simm.s32 @p0 $0x3  }
0x179: {  	_ =	swait.ge @p0 [sflag:s6], $0x2700  }
0x17a: {  	[sflag:s6] =	ssyncset.done @p0 $0x0  }
0x17b: {  	[sflag:s6] =	ssyncadd.s32 @p0 $0xFFFFD900;
	s6 =	rddreg [dreg:$0x1b]  }
0x17c: {  	s6 =	sadd.s32 @!p0 s6, s7  }
0x17d: {  	[hbm:s6], [sflag:s26] =	dma.local @!p0 [spmem:s19], $0x2780  }
0x17e: {  	s6 =	simm.s32 @!p0 $0x3  }
0x17f: {  	_ =	swait.ge @!p0 [sflag:s6], $0x2780  }
0x180: {  	[sflag:s6] =	ssyncset.done @!p0 $0x0  }
0x181: {  	[sflag:s6] =	ssyncadd.s32 @!p0 $0xFFFFD880  }
0x182: {  	s11 =	simm.s32 $0x200;
	s7 =	simm.s32 $0x0;
	[bflag:$0x0] =	sbarrier.arrive $0xFFFF  }
.LBB2_8:
0x183: {  	p1 =	sne.s32 s11, $0xFE00;
	[tilespmem:s7+$0x170] =	vst v0  }
0x184: {  	[tilespmem:s7+$0x100] =	vst v0  }
0x185: {  	[tilespmem:s7+$0x110] =	vst v0  }
.Ltmp3:
0x186: {  	[tilespmem:s7+$0x120] =	vst v0;
	(pc) =	sbr.rel @p1 .LBB2_8-.Ltmp3, $4  }
0x187: {  	[tilespmem:s7+$0x130] =	vst v0  }
0x188: {  	[tilespmem:s7+$0x140] =	vst v0  }
0x189: {  	[tilespmem:s7+$0x150] =	vst v0  }
0x18a: {  	[tilespmem:s7+$0x160] =	vst v0;
	s7 =	sshra.s32 s11, $0x2;
	s11 =	sadd.s32 $0x200, s11  }
0x18b: {  	[tilespmem:s7+$0x170] =	vst v0  }
0x18c: {  	[tilespmem:s7+$0x100] =	vst v0  }
0x18d: {  	[tilespmem:s7+$0x110] =	vst v0  }
0x18e: {  	[tilespmem:s7+$0x120] =	vst v0  }
0x18f: {  	[tilespmem:s7+$0x130] =	vst v0  }
0x190: {  	[tilespmem:s7+$0x140] =	vst v0  }
0x191: {  	[tilespmem:s7+$0x150] =	vst v0  }
0x192: {  	[tilespmem:s7+$0x160] =	vst v0;
	s6 =	simm.s32 @p0 $0x3  }
0x193: {  	[spmem:s8], [sflag:s26] =	dma.local @p0 [hbm:s18], $0x2700  }
0x194: {  	_ =	swait.ge @p0 [sflag:s6], $0x2700  }
0x195: {  	[sflag:s6] =	ssyncset.done @p0 $0x0  }
0x196: {  	[sflag:s6] =	ssyncadd.s32 @p0 $0xFFFFD900;
	s6 =	simm.s32 @!p0 $0x3  }
0x197: {  	[spmem:s19], [sflag:s26] =	dma.local @!p0 [hbm:s18], $0x2780  }
0x198: {  	_ =	swait.ge @!p0 [sflag:s6], $0x2780  }
0x199: {  	[sflag:s6] =	ssyncset.done @!p0 $0x0  }
0x19a: {  	[sflag:s6] =	ssyncadd.s32 @!p0 $0xFFFFD880  }
0x19b: {  	[bflag:$0x0] =	sbarrier.arrive $0xFFFF  }
0x19c: {  	s28 =	rddreg [dreg:$0xa]  }
0x19d: {  	[tilespmem:s2], [sflag:$0x1] =	stream.linear.gather [hbm4b:s28+s2], $0x80, $0x38;
	[tilespmem:$0x1B980] =	vst v63  }
0x19e: {  	s29 =	rddreg [dreg:$0xb]  }
0x19f: {  	[tilespmem:s17], [sflag:$0x2] =	stream.linear.gather [hbm4b:s29+s2], $0x80, $0x38;
	[tilespmem:$0x1B980] =	vst v63  }
0x1a0: {  	_ =	swait.ge [sflag:s25], $0x80  }
0x1a1: {  	[sflag:s25] =	ssyncset.done $0x0  }
0x1a2: {  	[sflag:s25] =	ssyncadd.s32 $0xFFFFFF80  }
0x1a3: {  	[spmem:s1] =	stream.indirect.scatter.add.f32 [tilespmem:s14], [sflag:$0x3], $0x80, s2, s17, $0xb8;
	[tilespmem:$0x1B980] =	vst v63  }
0x1a4: {  	_ =	swait.ge [sflag:s0], $0x4000  }
0x1a5: {  	s30 =	sadd.s32 $0xFFFF6800, s10;
	[sflag:s0] =	ssyncset.done $0x0  }
0x1a6: {  	s31 =	sadd.s32 $0x9C00, s30;
	[sflag:s0] =	ssyncadd.s32 $0xFFFFC000  }
0x1a7: {  	[tilespmem:s2], [sflag:$0x1] =	stream.linear.gather [hbm4b:s31+s2], $0x80, $0x38;
	[tilespmem:$0x1B980] =	vst v63  }
0x1a8: {  	_ =	swait.ge [sflag:s9], $0x80  }
0x1a9: {  	[sflag:s9] =	ssyncset.done $0x0  }
0x1aa: {  	[sflag:s9] =	ssyncadd.s32 $0xFFFFFF80  }
0x1ab: {  	[spmem:s1] =	stream.indirect.scatter.add.f32 [tilespmem:s14], [sflag:$0x3], $0x80, s17, s17, $0xb8;
	[tilespmem:$0x1B980] =	vst v63  }
0x1ac: {  	_ =	swait.ge [sflag:s0], $0x4000  }
0x1ad: {  	[sflag:s0] =	ssyncset.done $0x0  }
0x1ae: {  	s7 =	simm.s32 $0xFFFF6C00;
	s11 =	sadd.s32 $0x9E00, s30;
	[sflag:s0] =	ssyncadd.s32 $0xFFFFC000  }
.LBB2_10:
0x1af: {  	[tilespmem:s17], [sflag:$0x2] =	stream.linear.gather [hbm4b:s11+s2], $0x80, $0x38;
	[tilespmem:$0x1B980] =	vst v63  }
0x1b0: {  	s6 =	smov.u32 s7  }
0x1b1: {  	p1 =	sne.s32 s7, $0xFFFFFC00;
	s7 =	sadd.s32 $0x400, s7;
	_ =	swait.ge [sflag:s25], $0x80  }
0x1b2: {  	[sflag:s25] =	ssyncset.done $0x0  }
0x1b3: {  	[sflag:s25] =	ssyncadd.s32 $0xFFFFFF80  }
0x1b4: {  	[spmem:s1] =	stream.indirect.scatter.add.f32 [tilespmem:s14], [sflag:$0x3], $0x80, s2, s17, $0xb8;
	[tilespmem:$0x1B980] =	vst v63  }
0x1b5: {  	_ =	swait.ge [sflag:s0], $0x4000  }
0x1b6: {  	s6 =	sadd.s32 s6, s10;
	[sflag:s0] =	ssyncset.done $0x0  }
0x1b7: {  	s11 =	sadd.s32 $0x9C00, s6;
	[sflag:s0] =	ssyncadd.s32 $0xFFFFC000  }
0x1b8: {  	[tilespmem:s2], [sflag:$0x1] =	stream.linear.gather [hbm4b:s11+s2], $0x80, $0x38;
	[tilespmem:$0x1B980] =	vst v63  }
0x1b9: {  	_ =	swait.ge [sflag:s9], $0x80  }
0x1ba: {  	[sflag:s9] =	ssyncset.done $0x0  }
.Ltmp4:
0x1bb: {  	[sflag:s9] =	ssyncadd.s32 $0xFFFFFF80;
	(pc) =	sbr.rel @p1 .LBB2_10-.Ltmp4, $4  }
0x1bc: {  	[spmem:s1] =	stream.indirect.scatter.add.f32 [tilespmem:s14], [sflag:$0x3], $0x80, s17, s17, $0xb8;
	[tilespmem:$0x1B980] =	vst v63  }
0x1bd: {  	_ =	swait.ge [sflag:s0], $0x4000  }
0x1be: {  	[sflag:s0] =	ssyncset.done $0x0  }
0x1bf: {  	s11 =	sadd.s32 $0x9E00, s6;
	[sflag:s0] =	ssyncadd.s32 $0xFFFFC000  }
0x1c0: {  	[tilespmem:s17], [sflag:$0x2] =	stream.linear.gather [hbm4b:s11+s2], $0x80, $0x38;
	[tilespmem:$0x1B980] =	vst v63  }
0x1c1: {  	_ =	swait.ge [sflag:s25], $0x80  }
0x1c2: {  	[sflag:s25] =	ssyncset.done $0x0  }
0x1c3: {  	[sflag:s25] =	ssyncadd.s32 $0xFFFFFF80  }
0x1c4: {  	[spmem:s1] =	stream.indirect.scatter.add.f32 [tilespmem:s14], [sflag:$0x3], $0x80, s2, s17, $0xb8;
	[tilespmem:$0x1B980] =	vst v63  }
0x1c5: {  	_ =	swait.ge [sflag:s0], $0x4000  }
0x1c6: {  	[sflag:s0] =	ssyncset.done $0x0  }
0x1c7: {  	s6 =	simm.s32 @p0 $0x2;
	[sflag:s0] =	ssyncadd.s32 $0xFFFFC000  }
0x1c8: {  	_ =	swait.ge @p0 [sflag:s6], $0x80  }
0x1c9: {  	[sflag:s6] =	ssyncset.done @p0 $0x0  }
0x1ca: {  	s7 =	simm.s32 @p0 $0x100;
	[sflag:s6] =	ssyncadd.s32 @p0 $0xFFFFFF80;
	s6 =	simm.s32 @p0 $0x80  }
0x1cb: {  	[spmem:s1] =	stream.indirect.scatter.add.f32 @p0 [tilespmem:s7], [sflag:$0x3], $0x80, s6, s6, $0xb8;
	[tilespmem:$0x1B980] =	vst v63  }
0x1cc: {  	s6 =	simm.s32 @p0 $0x3  }
0x1cd: {  	_ =	swait.ge @p0 [sflag:s6], $0x4000  }
0x1ce: {  	[sflag:s6] =	ssyncset.done @p0 $0x0  }
0x1cf: {  	[sflag:s6] =	ssyncadd.s32 @p0 $0xFFFFC000  }
0x1d0: {  	[bflag:$0x0] =	sbarrier.arrive @p0 $0xFFFF  }
0x1d1: {  	s16 =	rddreg [dreg:$0x14]  }
0x1d2: {  	s7 =	sadd.s32 @p0 s15, s16  }
0x1d3: {  	[hbm:s7], [sflag:s26] =	dma.local @p0 [spmem:s8], $0x2700  }
0x1d4: {  	_ =	swait.ge @p0 [sflag:s6], $0x2700  }
0x1d5: {  	[sflag:s6] =	ssyncset.done @p0 $0x0  }
0x1d6: {  	s7 =	rddreg [dreg:$0x1c];
	[sflag:s6] =	ssyncadd.s32 @p0 $0xFFFFD900;
	s6 =	simm.s32 @!p0 $0x0  }
0x1d7: {  	[tilespmem:s6], [sflag:$0x1] =	stream.linear.gather @!p0 [hbm4b:s7+s6], $0x80, $0x38;
	[tilespmem:$0x1B980] =	vst v63  }
0x1d8: {  	s7 =	simm.s32 @!p0 $0x2  }
0x1d9: {  	_ =	swait.ge @!p0 [sflag:s7], $0x80  }
0x1da: {  	s11 =	simm.s32 @!p0 $0x3;
	[sflag:s7] =	ssyncset.done @!p0 $0x0  }
0x1db: {  	s8 =	simm.s32 @!p0 $0x100;
	[sflag:s7] =	ssyncadd.s32 @!p0 $0xFFFFFF80;
	s7 =	simm.s32 @!p0 $0x80  }
0x1dc: {  	[spmem:s1] =	stream.indirect.scatter.add.f32 @!p0 [tilespmem:s8], [sflag:$0x3], $0x80, s7, s7, $0xb8;
	[tilespmem:$0x1B980] =	vst v63  }
0x1dd: {  	_ =	swait.ge @!p0 [sflag:s11], $0x4000  }
0x1de: {  	[sflag:s11] =	ssyncset.done @!p0 $0x0  }
0x1df: {  	s12 =	simm.s32 @!p0 $0x1;
	[sflag:s11] =	ssyncadd.s32 @!p0 $0xFFFFC000  }
0x1e0: {  	_ =	swait.ge @!p0 [sflag:s12], $0x80  }
0x1e1: {  	[sflag:s12] =	ssyncset.done @!p0 $0x0  }
0x1e2: {  	[sflag:s12] =	ssyncadd.s32 @!p0 $0xFFFFFF80  }
0x1e3: {  	[spmem:s1] =	stream.indirect.scatter.add.f32 @!p0 [tilespmem:s8], [sflag:$0x3], $0x80, s6, s7, $0xb8;
	[tilespmem:$0x1B980] =	vst v63  }
0x1e4: {  	_ =	swait.ge @!p0 [sflag:s11], $0x4000  }
0x1e5: {  	[sflag:s11] =	ssyncset.done @!p0 $0x0  }
0x1e6: {  	[sflag:s11] =	ssyncadd.s32 @!p0 $0xFFFFC000  }
0x1e7: {  	[bflag:$0x0] =	sbarrier.arrive @!p0 $0xFFFF  }
0x1e8: {  	s6 =	rddreg [dreg:$0x1b]  }
0x1e9: {  	s6 =	sadd.s32 @!p0 s6, s16  }
0x1ea: {  	[hbm:s6], [sflag:s26] =	dma.local @!p0 [spmem:s19], $0x2780  }
0x1eb: {  	_ =	swait.ge @!p0 [sflag:s11], $0x2780  }
0x1ec: {  	s13 =	sadd.s32 $0x1, s13;
	s31 =	rddreg [dreg:$0x15]  }
0x1ed: {  	p1 =	sne.s32 s13, s31  }
.Ltmp5:
0x1ee: {  	_ = 	snop;
	(pc) =	sbr.rel @p1 .LBB2_1-.Ltmp5, $3  }
0x1ef: {  	[sflag:s11] =	ssyncset.done @!p0 $0x0  }
0x1f0: {  	[sflag:s11] =	ssyncadd.s32 @!p0 $0xFFFFD880  }
0x1f1: {  	[bflag:$0x0] =	sbarrier.arrive $0xFFFF;
	_ =	sdelay $0x1  }
0x1f2: {  	_ =	sfence.sel $0x180000  }
0x1f3: {  	[bflag:$0x0] =	sbarrier.arrive $0xFFFF  }
0x1f4: {  	_ =	strace $0x90000047  }
0x1f5: {  	s0 =	stileid.u32;
	[bflag:$0x2] =	sbarrier.arrive $0xFFFF  }
0x1f6: {  	p0 =	sne.s32 s0, $0x0;
	s0 =	rddreg [dreg:$0x3]  }
0x1f7: {  	s0 =	sadd.s32 @!p0 $0x100000, s0  }
0x1f8: {  	[sflag:s0] =	ssyncadd.tile.s32 @!p0 $0x1;
	_ =	shalt  }
.Lfunc_end2:
_tile_overlayer_lowered:
.L_overlay_start_2:
0x1f9: {  	(tag) =	ssettag $0x2  }
0x1fa: {  	s0 =	rddreg [dreg:$0x0];
	s2 =	stileid.u32  }
0x1fb: {  	s1 =	rddreg [dreg:$0x1];
	p0 =	sne.s32 s2, $0x0  }
0x1fc: {  	s3 =	rddreg [dreg:$0x2];
	[bflag:$0x3] =	sbarrier.arrive $0xFFFF;
	s2 =	simm.s32 @!p0 $0x1C03  }
0x1fd: {  	[timem:s3], [sflag:s2] =	dma.local @!p0 [hbm:s0], s1  }
0x1fe: {  	s0 =	simm.s32 @!p0 $0x3  }
0x1ff: {  	_ =	swait.ge @!p0 [sflag:s0], s1  }
0x200: {  	s1 =	ssub.s32 @!p0 $0x0, s1;
	[sflag:s0] =	ssyncset.done @!p0 $0x0  }
0x201: {  	[sflag:s0] =	ssyncadd.s32 @!p0 s1  }
0x202: {  	[bflag:$0x3] =	sbarrier.arrive $0xFFFF  }
0x203: {  	_ =	shalt  }

</sc_bundles>
